<compile_context>
chip_gen: v7x
topology: tpu7x:2x2x1
jax: 0.10.2.dev20260603
libtpu: 0.0.44.dev20260713+nightly
codegen_flags: <defaults>
</compile_context>

<pallas_src>
import functools

import jax
import jax.numpy as jnp
from jax import lax
from jax.experimental import pallas as pl
from jax.experimental.pallas import tpu as pltpu
from jax.experimental.pallas import tpu_sc as plsc

_NBUF = 10


def _gather_call(B, D, V):
    info = plsc.get_sparse_core_info()
    NC, NS = info.num_cores, info.num_subcores
    NW = NC * NS
    b_per_w = B // NW
    n_batches = b_per_w // _NBUF
    n_rem = b_per_w % _NBUF

    mesh = plsc.VectorSubcoreMesh(core_axis_name="c", subcore_axis_name="s")

    @functools.partial(
        pl.kernel,
        mesh=mesh,
        out_type=jax.ShapeDtypeStruct((B, 1, D), jnp.float32),
        compiler_params=pltpu.CompilerParams(
            needs_layout_passes=False, disable_bounds_checks=True
        ),
        scratch_types=[
            pltpu.VMEM((b_per_w + 16,), jnp.int32),
            pltpu.VMEM((_NBUF, D, 128), jnp.float32),
            pltpu.VMEM((_NBUF, 1, D), jnp.float32),
            [pltpu.SemaphoreType.DMA] * _NBUF,
            [pltpu.SemaphoreType.DMA] * _NBUF,
        ],
    )
    def gather_k(tt_hbm, idx_hbm, out_hbm, idx_v, gbuf, mini, isems, osems):
        wid = lax.axis_index("s") * NC + lax.axis_index("c")
        base = wid * b_per_w
        pltpu.sync_copy(idx_hbm.at[pl.ds(base, b_per_w)],
                        idx_v.at[pl.ds(0, b_per_w)])
        iota = lax.iota(jnp.int32, 16)

        def fire(u, b):
            grp = pl.multiple_of(
                lax.shift_left(lax.shift_right_logical(u, 7), 7), 128
            )
            pltpu.async_copy(
                tt_hbm.at[:, pl.ds(grp, 128)], gbuf.at[b], isems[b]
            )

        def wait_in(b):
            pltpu.make_async_copy(
                tt_hbm.at[:, pl.ds(0, 128)], gbuf.at[b], isems[b]
            ).wait()

        def wait_out(b):
            pltpu.make_async_copy(
                mini.at[b], out_hbm.at[base], osems[b]
            ).wait()

        def extract_store(vec, j, b, row):
            u = vec[j]
            lane = jnp.full((16,), lax.bitwise_and(u, 127), jnp.int32)
            slot = jnp.full((16,), b, jnp.int32)
            for k in range(D // 16):
                vals = plsc.load_gather(gbuf, [slot, iota + k * 16, lane])
                mini[b, 0, pl.ds(k * 16, 16)] = vals
            pltpu.async_copy(mini.at[b], out_hbm.at[base + row], osems[b])

        vec0 = idx_v[pl.ds(0, 16)]
        for b in range(_NBUF):
            fire(vec0[b], b)

        def body(g, carry):
            vec = idx_v[pl.ds(g * _NBUF, 16)]
            nvec = idx_v[pl.ds((g + 1) * _NBUF, 16)]
            for b in range(_NBUF):
                wait_in(b)

                @pl.when(g > 0)
                def _():
                    wait_out(b)

                extract_store(vec, b, b, g * _NBUF + b)
                fire(nvec[b], b)
            return carry

        lax.fori_loop(0, n_batches - 1, body, 0)

        vec = idx_v[pl.ds((n_batches - 1) * _NBUF, 16)]
        for b in range(_NBUF):
            wait_in(b)
            if n_batches > 1:
                wait_out(b)
            extract_store(vec, b, b, (n_batches - 1) * _NBUF + b)

        if n_rem:
            tvec = idx_v[pl.ds(b_per_w - 16, 16)]
            for t in range(n_rem):
                fire(tvec[16 - n_rem + t], t)
            for t in range(n_rem):
                wait_in(t)
                wait_out(t)
                extract_store(tvec, 16 - n_rem + t, t, b_per_w - n_rem + t)

        for b in range(_NBUF):
            wait_out(b)

    return gather_k


def kernel(userid, table):
    B = userid.shape[0]
    V, D = table.shape
    return _gather_call(B, D, V)(table.T, userid.astype(jnp.int32))

# --- scband reference (transcript-rebuilt; emitter-appended) ---
"""Pipeline reference for scband-user-embed-24300924961517 (READ-ONLY COPY).

The authoritative reference and input builder live on the scoring server;
editing this copy changes nothing except your own understanding.
"""

import jax, jax.numpy as jnp
import numpy as np

USER_NUM = 1000000
EMBED_DIM = 64
BATCH = 16384

def setup_inputs(seed: int = 0) -> dict:
    key = jax.random.key(seed)
    k_idx, k_tab = jax.random.split(key)
    userid = jax.random.randint(k_idx, (BATCH,), 0, USER_NUM, dtype=jnp.int64 if jax.config.jax_enable_x64 else jnp.int32)
    table = jax.random.normal(k_tab, (USER_NUM, EMBED_DIM), dtype=jnp.float32) * 0.02
    return {"userid": userid, "table": table}

def reference(userid, table):
    # embed_num == 1, embed_dim == hidden_size -> no linear, norm_embed=False -> no layernorm
    user_embed = jnp.take(table, userid, axis=0)   # [B, embed_dim]
    user_embed = user_embed[:, None, :]            # unsqueeze(1) -> [B, 1, embed_dim]
    return user_embed

if __name__ == "__main__":
    import jax
    _d = setup_inputs()
    print(jax.jit(kernel)(*tuple(_d.values())))

</pallas_src>

<mosaic_0001>
#map = affine_map<(d0, d1) -> (0, 0)>
#map1 = affine_map<(d0, d1) -> (0)>
#map2 = affine_map<(d0, d1) -> (0, 0, 0)>
module attributes {stable_mosaic.version = 14 : i64} {
  func.func @gather_k(%arg0: i32, %arg1: i32, %arg2: memref<64x1000000xf32, #tpu.memory_space<hbm>>, %arg3: memref<16384xi32, #tpu.memory_space<hbm>>, %arg4: memref<16384x1x64xf32, #tpu.memory_space<hbm>>, %arg5: memref<528xi32, #tpu.memory_space<vmem>>, %arg6: memref<10x64x128xf32, #tpu.memory_space<vmem>>, %arg7: memref<10x1x64xf32, #tpu.memory_space<vmem>>, %arg8: memref<!tpu.dma_semaphore, #tpu.memory_space<semaphore_mem>>, %arg9: memref<!tpu.dma_semaphore, #tpu.memory_space<semaphore_mem>>, %arg10: memref<!tpu.dma_semaphore, #tpu.memory_space<semaphore_mem>>, %arg11: memref<!tpu.dma_semaphore, #tpu.memory_space<semaphore_mem>>, %arg12: memref<!tpu.dma_semaphore, #tpu.memory_space<semaphore_mem>>, %arg13: memref<!tpu.dma_semaphore, #tpu.memory_space<semaphore_mem>>, %arg14: memref<!tpu.dma_semaphore, #tpu.memory_space<semaphore_mem>>, %arg15: memref<!tpu.dma_semaphore, #tpu.memory_space<semaphore_mem>>, %arg16: memref<!tpu.dma_semaphore, #tpu.memory_space<semaphore_mem>>, %arg17: memref<!tpu.dma_semaphore, #tpu.memory_space<semaphore_mem>>, %arg18: memref<!tpu.dma_semaphore, #tpu.memory_space<semaphore_mem>>, %arg19: memref<!tpu.dma_semaphore, #tpu.memory_space<semaphore_mem>>, %arg20: memref<!tpu.dma_semaphore, #tpu.memory_space<semaphore_mem>>, %arg21: memref<!tpu.dma_semaphore, #tpu.memory_space<semaphore_mem>>, %arg22: memref<!tpu.dma_semaphore, #tpu.memory_space<semaphore_mem>>, %arg23: memref<!tpu.dma_semaphore, #tpu.memory_space<semaphore_mem>>, %arg24: memref<!tpu.dma_semaphore, #tpu.memory_space<semaphore_mem>>, %arg25: memref<!tpu.dma_semaphore, #tpu.memory_space<semaphore_mem>>, %arg26: memref<!tpu.dma_semaphore, #tpu.memory_space<semaphore_mem>>, %arg27: memref<!tpu.dma_semaphore, #tpu.memory_space<semaphore_mem>>) attributes {dimension_semantics = [#tpu.dimension_semantics<core_parallel>, #tpu.dimension_semantics<subcore_parallel>], iteration_bounds = array<i64: 2, 16>, scalar_prefetch = 0 : i64, scratch_operands = 23 : i64, tpu.core_type = #tpu.core_type<sc_vector_subcore>, window_params = [{transform_indices = #map}, {transform_indices = #map1}, {transform_indices = #map2}]} {
    %mul3A = arith.constant 2 : i32
    %mul3A_0 = arith.muli %arg1, %mul3A : i32
    %add3A = arith.addi %mul3A_0, %arg0 : i32
    %mul3A_1 = arith.constant 512 : i32
    %mul3A_2 = arith.muli %add3A, %mul3A_1 : i32
    "tpu.region"() ({
      %run_scoped3A = tpu.sem_alloc : memref<!tpu.dma_semaphore, #tpu.memory_space<semaphore_mem>>
      %dma_start3A_1588 = arith.constant 0 : i32
      %dma_start3A_1589 = tpu.memref_slice %arg5[%dma_start3A_1588] : memref<528xi32, #tpu.memory_space<vmem>> -> memref<512xi32, #tpu.memory_space<vmem>>
      %dma_start3A_1590 = tpu.memref_slice %arg3[%mul3A_2] : memref<16384xi32, #tpu.memory_space<hbm>> -> memref<512xi32, #tpu.memory_space<hbm>>
      %dma_start3A_1591 = arith.constant 0 : i32
      %dma_start3A_1592 = tpu.memref_slice %arg5[%dma_start3A_1591] : memref<528xi32, #tpu.memory_space<vmem>> -> memref<512xi32, #tpu.memory_space<vmem>>
      %dma_start3A_1593 = tpu.memref_slice %arg3[%mul3A_2] : memref<16384xi32, #tpu.memory_space<hbm>> -> memref<512xi32, #tpu.memory_space<hbm>>
      tpu.enqueue_dma source(%dma_start3A_1593 : memref<512xi32, #tpu.memory_space<hbm>>) target(%dma_start3A_1592 : memref<512xi32, #tpu.memory_space<vmem>>) target_semaphore(%run_scoped3A : memref<!tpu.dma_semaphore, #tpu.memory_space<semaphore_mem>>)
      %dma_wait3A_1594 = arith.constant 0 : i32
      %dma_wait3A_1595 = tpu.memref_slice %arg5[%dma_wait3A_1594] : memref<528xi32, #tpu.memory_space<vmem>> -> memref<512xi32, #tpu.memory_space<vmem>>
      %dma_wait3A_1596 = tpu.memref_slice %arg3[%mul3A_2] : memref<16384xi32, #tpu.memory_space<hbm>> -> memref<512xi32, #tpu.memory_space<hbm>>
      %dma_wait3A_1597 = arith.constant 0 : i32
      %dma_wait3A_1598 = tpu.memref_slice %arg5[%dma_wait3A_1597] : memref<528xi32, #tpu.memory_space<vmem>> -> memref<512xi32, #tpu.memory_space<vmem>>
      %dma_wait3A_1599 = tpu.memref_slice %arg3[%mul3A_2] : memref<16384xi32, #tpu.memory_space<hbm>> -> memref<512xi32, #tpu.memory_space<hbm>>
      tpu.wait_dma2 semaphore(%run_scoped3A : memref<!tpu.dma_semaphore, #tpu.memory_space<semaphore_mem>>) src(%dma_wait3A_1599 : memref<512xi32, #tpu.memory_space<hbm>>) dst(%dma_wait3A_1598 : memref<512xi32, #tpu.memory_space<vmem>>)
      tpu.yield
    }) : () -> ()
    %iota3A = tpu.iota {dimensions = array<i32: 0>} : vector<16xi32>
    %get3A = arith.constant 0 : index
    %get3A_3 = tpu.vector_load %arg5[%get3A] {strides = array<i32>} : memref<528xi32, #tpu.memory_space<vmem>>, vector<16xi32>,
    %slice3A = vector.extract_strided_slice %get3A_3 {offsets = [0], sizes = [1], strides = [1]} : vector<16xi32> to vector<1xi32>
    %squeeze3A = vector.extract %slice3A[0] : i32 from vector<1xi32>
    %shift_right_logical3A = arith.constant 7 : i32
    %shift_right_logical3A_4 = arith.shrui %squeeze3A, %shift_right_logical3A : i32
    %shift_left3A = arith.constant 7 : i32
    %shift_left3A_5 = arith.shli %shift_right_logical3A_4, %shift_left3A : i32
    %multiple_of3A = tpu.assume_multiple %shift_left3A_5, 128 : i32
    %dma_start3A = arith.constant 0 : i32
    %dma_start3A_6 = arith.constant 0 : i32
    %dma_start3A_7 = arith.constant 0 : i32
    %dma_start3A_8 = tpu.memref_slice %arg6[%dma_start3A, %dma_start3A_6, %dma_start3A_7] : memref<10x64x128xf32, #tpu.memory_space<vmem>> -> memref<1x64x128xf32, #tpu.memory_space<vmem>>
    %dma_start3A_9 = tpu.memref_squeeze %dma_start3A_8 : memref<1x64x128xf32, #tpu.memory_space<vmem>> -> memref<64x128xf32, #tpu.memory_space<vmem>>
    %dma_start3A_10 = arith.constant 0 : i32
    %dma_start3A_11 = tpu.memref_slice %arg2[%dma_start3A_10, %multiple_of3A] : memref<64x1000000xf32, #tpu.memory_space<hbm>> -> memref<64x128xf32, #tpu.memory_space<hbm>>
    %dma_start3A_12 = arith.constant 0 : i32
    %dma_start3A_13 = arith.constant 0 : i32
    %dma_start3A_14 = tpu.memref_slice %arg6[%dma_start3A, %dma_start3A_12, %dma_start3A_13] : memref<10x64x128xf32, #tpu.memory_space<vmem>> -> memref<1x64x128xf32, #tpu.memory_space<vmem>>
    %dma_start3A_15 = tpu.memref_squeeze %dma_start3A_14 : memref<1x64x128xf32, #tpu.memory_space<vmem>> -> memref<64x128xf32, #tpu.memory_space<vmem>>
    %dma_start3A_16 = arith.constant 0 : i32
    %dma_start3A_17 = tpu.memref_slice %arg2[%dma_start3A_16, %multiple_of3A] : memref<64x1000000xf32, #tpu.memory_space<hbm>> -> memref<64x128xf32, #tpu.memory_space<hbm>>
    tpu.enqueue_dma source(%dma_start3A_17 : memref<64x128xf32, #tpu.memory_space<hbm>>) target(%dma_start3A_15 : memref<64x128xf32, #tpu.memory_space<vmem>>) target_semaphore(%arg8 : memref<!tpu.dma_semaphore, #tpu.memory_space<semaphore_mem>>)
    %slice3A_18 = vector.extract_strided_slice %get3A_3 {offsets = [1], sizes = [1], strides = [1]} : vector<16xi32> to vector<1xi32>
    %squeeze3A_19 = vector.extract %slice3A_18[0] : i32 from vector<1xi32>
    %shift_right_logical3A_20 = arith.constant 7 : i32
    %shift_right_logical3A_21 = arith.shrui %squeeze3A_19, %shift_right_logical3A_20 : i32
    %shift_left3A_22 = arith.constant 7 : i32
    %shift_left3A_23 = arith.shli %shift_right_logical3A_21, %shift_left3A_22 : i32
    %multiple_of3A_24 = tpu.assume_multiple %shift_left3A_23, 128 : i32
    %dma_start3A_25 = arith.constant 1 : i32
    %dma_start3A_26 = arith.constant 0 : i32
    %dma_start3A_27 = arith.constant 0 : i32
    %dma_start3A_28 = tpu.memref_slice %arg6[%dma_start3A_25, %dma_start3A_26, %dma_start3A_27] : memref<10x64x128xf32, #tpu.memory_space<vmem>> -> memref<1x64x128xf32, #tpu.memory_space<vmem>>
    %dma_start3A_29 = tpu.memref_squeeze %dma_start3A_28 : memref<1x64x128xf32, #tpu.memory_space<vmem>> -> memref<64x128xf32, #tpu.memory_space<vmem>>
    %dma_start3A_30 = arith.constant 0 : i32
    %dma_start3A_31 = tpu.memref_slice %arg2[%dma_start3A_30, %multiple_of3A_24] : memref<64x1000000xf32, #tpu.memory_space<hbm>> -> memref<64x128xf32, #tpu.memory_space<hbm>>
    %dma_start3A_32 = arith.constant 0 : i32
    %dma_start3A_33 = arith.constant 0 : i32
    %dma_start3A_34 = tpu.memref_slice %arg6[%dma_start3A_25, %dma_start3A_32, %dma_start3A_33] : memref<10x64x128xf32, #tpu.memory_space<vmem>> -> memref<1x64x128xf32, #tpu.memory_space<vmem>>
    %dma_start3A_35 = tpu.memref_squeeze %dma_start3A_34 : memref<1x64x128xf32, #tpu.memory_space<vmem>> -> memref<64x128xf32, #tpu.memory_space<vmem>>
    %dma_start3A_36 = arith.constant 0 : i32
    %dma_start3A_37 = tpu.memref_slice %arg2[%dma_start3A_36, %multiple_of3A_24] : memref<64x1000000xf32, #tpu.memory_space<hbm>> -> memref<64x128xf32, #tpu.memory_space<hbm>>
    tpu.enqueue_dma source(%dma_start3A_37 : memref<64x128xf32, #tpu.memory_space<hbm>>) target(%dma_start3A_35 : memref<64x128xf32, #tpu.memory_space<vmem>>) target_semaphore(%arg9 : memref<!tpu.dma_semaphore, #tpu.memory_space<semaphore_mem>>)
    %slice3A_38 = vector.extract_strided_slice %get3A_3 {offsets = [2], sizes = [1], strides = [1]} : vector<16xi32> to vector<1xi32>
    %squeeze3A_39 = vector.extract %slice3A_38[0] : i32 from vector<1xi32>
    %shift_right_logical3A_40 = arith.constant 7 : i32
    %shift_right_logical3A_41 = arith.shrui %squeeze3A_39, %shift_right_logical3A_40 : i32
    %shift_left3A_42 = arith.constant 7 : i32
    %shift_left3A_43 = arith.shli %shift_right_logical3A_41, %shift_left3A_42 : i32
    %multiple_of3A_44 = tpu.assume_multiple %shift_left3A_43, 128 : i32
    %dma_start3A_45 = arith.constant 2 : i32
    %dma_start3A_46 = arith.constant 0 : i32
    %dma_start3A_47 = arith.constant 0 : i32
    %dma_start3A_48 = tpu.memref_slice %arg6[%dma_start3A_45, %dma_start3A_46, %dma_start3A_47] : memref<10x64x128xf32, #tpu.memory_space<vmem>> -> memref<1x64x128xf32, #tpu.memory_space<vmem>>
    %dma_start3A_49 = tpu.memref_squeeze %dma_start3A_48 : memref<1x64x128xf32, #tpu.memory_space<vmem>> -> memref<64x128xf32, #tpu.memory_space<vmem>>
    %dma_start3A_50 = arith.constant 0 : i32
    %dma_start3A_51 = tpu.memref_slice %arg2[%dma_start3A_50, %multiple_of3A_44] : memref<64x1000000xf32, #tpu.memory_space<hbm>> -> memref<64x128xf32, #tpu.memory_space<hbm>>
    %dma_start3A_52 = arith.constant 0 : i32
    %dma_start3A_53 = arith.constant 0 : i32
    %dma_start3A_54 = tpu.memref_slice %arg6[%dma_start3A_45, %dma_start3A_52, %dma_start3A_53] : memref<10x64x128xf32, #tpu.memory_space<vmem>> -> memref<1x64x128xf32, #tpu.memory_space<vmem>>
    %dma_start3A_55 = tpu.memref_squeeze %dma_start3A_54 : memref<1x64x128xf32, #tpu.memory_space<vmem>> -> memref<64x128xf32, #tpu.memory_space<vmem>>
    %dma_start3A_56 = arith.constant 0 : i32
    %dma_start3A_57 = tpu.memref_slice %arg2[%dma_start3A_56, %multiple_of3A_44] : memref<64x1000000xf32, #tpu.memory_space<hbm>> -> memref<64x128xf32, #tpu.memory_space<hbm>>
    tpu.enqueue_dma source(%dma_start3A_57 : memref<64x128xf32, #tpu.memory_space<hbm>>) target(%dma_start3A_55 : memref<64x128xf32, #tpu.memory_space<vmem>>) target_semaphore(%arg10 : memref<!tpu.dma_semaphore, #tpu.memory_space<semaphore_mem>>)
    %slice3A_58 = vector.extract_strided_slice %get3A_3 {offsets = [3], sizes = [1], strides = [1]} : vector<16xi32> to vector<1xi32>
    %squeeze3A_59 = vector.extract %slice3A_58[0] : i32 from vector<1xi32>
    %shift_right_logical3A_60 = arith.constant 7 : i32
    %shift_right_logical3A_61 = arith.shrui %squeeze3A_59, %shift_right_logical3A_60 : i32
    %shift_left3A_62 = arith.constant 7 : i32
    %shift_left3A_63 = arith.shli %shift_right_logical3A_61, %shift_left3A_62 : i32
    %multiple_of3A_64 = tpu.assume_multiple %shift_left3A_63, 128 : i32
    %dma_start3A_65 = arith.constant 3 : i32
    %dma_start3A_66 = arith.constant 0 : i32
    %dma_start3A_67 = arith.constant 0 : i32
    %dma_start3A_68 = tpu.memref_slice %arg6[%dma_start3A_65, %dma_start3A_66, %dma_start3A_67] : memref<10x64x128xf32, #tpu.memory_space<vmem>> -> memref<1x64x128xf32, #tpu.memory_space<vmem>>
    %dma_start3A_69 = tpu.memref_squeeze %dma_start3A_68 : memref<1x64x128xf32, #tpu.memory_space<vmem>> -> memref<64x128xf32, #tpu.memory_space<vmem>>
    %dma_start3A_70 = arith.constant 0 : i32
    %dma_start3A_71 = tpu.memref_slice %arg2[%dma_start3A_70, %multiple_of3A_64] : memref<64x1000000xf32, #tpu.memory_space<hbm>> -> memref<64x128xf32, #tpu.memory_space<hbm>>
    %dma_start3A_72 = arith.constant 0 : i32
    %dma_start3A_73 = arith.constant 0 : i32
    %dma_start3A_74 = tpu.memref_slice %arg6[%dma_start3A_65, %dma_start3A_72, %dma_start3A_73] : memref<10x64x128xf32, #tpu.memory_space<vmem>> -> memref<1x64x128xf32, #tpu.memory_space<vmem>>
    %dma_start3A_75 = tpu.memref_squeeze %dma_start3A_74 : memref<1x64x128xf32, #tpu.memory_space<vmem>> -> memref<64x128xf32, #tpu.memory_space<vmem>>
    %dma_start3A_76 = arith.constant 0 : i32
    %dma_start3A_77 = tpu.memref_slice %arg2[%dma_start3A_76, %multiple_of3A_64] : memref<64x1000000xf32, #tpu.memory_space<hbm>> -> memref<64x128xf32, #tpu.memory_space<hbm>>
    tpu.enqueue_dma source(%dma_start3A_77 : memref<64x128xf32, #tpu.memory_space<hbm>>) target(%dma_start3A_75 : memref<64x128xf32, #tpu.memory_space<vmem>>) target_semaphore(%arg11 : memref<!tpu.dma_semaphore, #tpu.memory_space<semaphore_mem>>)
    %slice3A_78 = vector.extract_strided_slice %get3A_3 {offsets = [4], sizes = [1], strides = [1]} : vector<16xi32> to vector<1xi32>
    %squeeze3A_79 = vector.extract %slice3A_78[0] : i32 from vector<1xi32>
    %shift_right_logical3A_80 = arith.constant 7 : i32
    %shift_right_logical3A_81 = arith.shrui %squeeze3A_79, %shift_right_logical3A_80 : i32
    %shift_left3A_82 = arith.constant 7 : i32
    %shift_left3A_83 = arith.shli %shift_right_logical3A_81, %shift_left3A_82 : i32
    %multiple_of3A_84 = tpu.assume_multiple %shift_left3A_83, 128 : i32
    %dma_start3A_85 = arith.constant 4 : i32
    %dma_start3A_86 = arith.constant 0 : i32
    %dma_start3A_87 = arith.constant 0 : i32
    %dma_start3A_88 = tpu.memref_slice %arg6[%dma_start3A_85, %dma_start3A_86, %dma_start3A_87] : memref<10x64x128xf32, #tpu.memory_space<vmem>> -> memref<1x64x128xf32, #tpu.memory_space<vmem>>
    %dma_start3A_89 = tpu.memref_squeeze %dma_start3A_88 : memref<1x64x128xf32, #tpu.memory_space<vmem>> -> memref<64x128xf32, #tpu.memory_space<vmem>>
    %dma_start3A_90 = arith.constant 0 : i32
    %dma_start3A_91 = tpu.memref_slice %arg2[%dma_start3A_90, %multiple_of3A_84] : memref<64x1000000xf32, #tpu.memory_space<hbm>> -> memref<64x128xf32, #tpu.memory_space<hbm>>
    %dma_start3A_92 = arith.constant 0 : i32
    %dma_start3A_93 = arith.constant 0 : i32
    %dma_start3A_94 = tpu.memref_slice %arg6[%dma_start3A_85, %dma_start3A_92, %dma_start3A_93] : memref<10x64x128xf32, #tpu.memory_space<vmem>> -> memref<1x64x128xf32, #tpu.memory_space<vmem>>
    %dma_start3A_95 = tpu.memref_squeeze %dma_start3A_94 : memref<1x64x128xf32, #tpu.memory_space<vmem>> -> memref<64x128xf32, #tpu.memory_space<vmem>>
    %dma_start3A_96 = arith.constant 0 : i32
    %dma_start3A_97 = tpu.memref_slice %arg2[%dma_start3A_96, %multiple_of3A_84] : memref<64x1000000xf32, #tpu.memory_space<hbm>> -> memref<64x128xf32, #tpu.memory_space<hbm>>
    tpu.enqueue_dma source(%dma_start3A_97 : memref<64x128xf32, #tpu.memory_space<hbm>>) target(%dma_start3A_95 : memref<64x128xf32, #tpu.memory_space<vmem>>) target_semaphore(%arg12 : memref<!tpu.dma_semaphore, #tpu.memory_space<semaphore_mem>>)
    %slice3A_98 = vector.extract_strided_slice %get3A_3 {offsets = [5], sizes = [1], strides = [1]} : vector<16xi32> to vector<1xi32>
    %squeeze3A_99 = vector.extract %slice3A_98[0] : i32 from vector<1xi32>
    %shift_right_logical3A_100 = arith.constant 7 : i32
    %shift_right_logical3A_101 = arith.shrui %squeeze3A_99, %shift_right_logical3A_100 : i32
    %shift_left3A_102 = arith.constant 7 : i32
    %shift_left3A_103 = arith.shli %shift_right_logical3A_101, %shift_left3A_102 : i32
    %multiple_of3A_104 = tpu.assume_multiple %shift_left3A_103, 128 : i32
    %dma_start3A_105 = arith.constant 5 : i32
    %dma_start3A_106 = arith.constant 0 : i32
    %dma_start3A_107 = arith.constant 0 : i32
    %dma_start3A_108 = tpu.memref_slice %arg6[%dma_start3A_105, %dma_start3A_106, %dma_start3A_107] : memref<10x64x128xf32, #tpu.memory_space<vmem>> -> memref<1x64x128xf32, #tpu.memory_space<vmem>>
    %dma_start3A_109 = tpu.memref_squeeze %dma_start3A_108 : memref<1x64x128xf32, #tpu.memory_space<vmem>> -> memref<64x128xf32, #tpu.memory_space<vmem>>
    %dma_start3A_110 = arith.constant 0 : i32
    %dma_start3A_111 = tpu.memref_slice %arg2[%dma_start3A_110, %multiple_of3A_104] : memref<64x1000000xf32, #tpu.memory_space<hbm>> -> memref<64x128xf32, #tpu.memory_space<hbm>>
    %dma_start3A_112 = arith.constant 0 : i32
    %dma_start3A_113 = arith.constant 0 : i32
    %dma_start3A_114 = tpu.memref_slice %arg6[%dma_start3A_105, %dma_start3A_112, %dma_start3A_113] : memref<10x64x128xf32, #tpu.memory_space<vmem>> -> memref<1x64x128xf32, #tpu.memory_space<vmem>>
    %dma_start3A_115 = tpu.memref_squeeze %dma_start3A_114 : memref<1x64x128xf32, #tpu.memory_space<vmem>> -> memref<64x128xf32, #tpu.memory_space<vmem>>
    %dma_start3A_116 = arith.constant 0 : i32
    %dma_start3A_117 = tpu.memref_slice %arg2[%dma_start3A_116, %multiple_of3A_104] : memref<64x1000000xf32, #tpu.memory_space<hbm>> -> memref<64x128xf32, #tpu.memory_space<hbm>>
    tpu.enqueue_dma source(%dma_start3A_117 : memref<64x128xf32, #tpu.memory_space<hbm>>) target(%dma_start3A_115 : memref<64x128xf32, #tpu.memory_space<vmem>>) target_semaphore(%arg13 : memref<!tpu.dma_semaphore, #tpu.memory_space<semaphore_mem>>)
    %slice3A_118 = vector.extract_strided_slice %get3A_3 {offsets = [6], sizes = [1], strides = [1]} : vector<16xi32> to vector<1xi32>
    %squeeze3A_119 = vector.extract %slice3A_118[0] : i32 from vector<1xi32>
    %shift_right_logical3A_120 = arith.constant 7 : i32
    %shift_right_logical3A_121 = arith.shrui %squeeze3A_119, %shift_right_logical3A_120 : i32
    %shift_left3A_122 = arith.constant 7 : i32
    %shift_left3A_123 = arith.shli %shift_right_logical3A_121, %shift_left3A_122 : i32
    %multiple_of3A_124 = tpu.assume_multiple %shift_left3A_123, 128 : i32
    %dma_start3A_125 = arith.constant 6 : i32
    %dma_start3A_126 = arith.constant 0 : i32
    %dma_start3A_127 = arith.constant 0 : i32
    %dma_start3A_128 = tpu.memref_slice %arg6[%dma_start3A_125, %dma_start3A_126, %dma_start3A_127] : memref<10x64x128xf32, #tpu.memory_space<vmem>> -> memref<1x64x128xf32, #tpu.memory_space<vmem>>
    %dma_start3A_129 = tpu.memref_squeeze %dma_start3A_128 : memref<1x64x128xf32, #tpu.memory_space<vmem>> -> memref<64x128xf32, #tpu.memory_space<vmem>>
    %dma_start3A_130 = arith.constant 0 : i32
    %dma_start3A_131 = tpu.memref_slice %arg2[%dma_start3A_130, %multiple_of3A_124] : memref<64x1000000xf32, #tpu.memory_space<hbm>> -> memref<64x128xf32, #tpu.memory_space<hbm>>
    %dma_start3A_132 = arith.constant 0 : i32
    %dma_start3A_133 = arith.constant 0 : i32
    %dma_start3A_134 = tpu.memref_slice %arg6[%dma_start3A_125, %dma_start3A_132, %dma_start3A_133] : memref<10x64x128xf32, #tpu.memory_space<vmem>> -> memref<1x64x128xf32, #tpu.memory_space<vmem>>
    %dma_start3A_135 = tpu.memref_squeeze %dma_start3A_134 : memref<1x64x128xf32, #tpu.memory_space<vmem>> -> memref<64x128xf32, #tpu.memory_space<vmem>>
    %dma_start3A_136 = arith.constant 0 : i32
    %dma_start3A_137 = tpu.memref_slice %arg2[%dma_start3A_136, %multiple_of3A_124] : memref<64x1000000xf32, #tpu.memory_space<hbm>> -> memref<64x128xf32, #tpu.memory_space<hbm>>
    tpu.enqueue_dma source(%dma_start3A_137 : memref<64x128xf32, #tpu.memory_space<hbm>>) target(%dma_start3A_135 : memref<64x128xf32, #tpu.memory_space<vmem>>) target_semaphore(%arg14 : memref<!tpu.dma_semaphore, #tpu.memory_space<semaphore_mem>>)
    %slice3A_138 = vector.extract_strided_slice %get3A_3 {offsets = [7], sizes = [1], strides = [1]} : vector<16xi32> to vector<1xi32>
    %squeeze3A_139 = vector.extract %slice3A_138[0] : i32 from vector<1xi32>
    %shift_right_logical3A_140 = arith.constant 7 : i32
    %shift_right_logical3A_141 = arith.shrui %squeeze3A_139, %shift_right_logical3A_140 : i32
    %shift_left3A_142 = arith.constant 7 : i32
    %shift_left3A_143 = arith.shli %shift_right_logical3A_141, %shift_left3A_142 : i32
    %multiple_of3A_144 = tpu.assume_multiple %shift_left3A_143, 128 : i32
    %dma_start3A_145 = arith.constant 7 : i32
    %dma_start3A_146 = arith.constant 0 : i32
    %dma_start3A_147 = arith.constant 0 : i32
    %dma_start3A_148 = tpu.memref_slice %arg6[%dma_start3A_145, %dma_start3A_146, %dma_start3A_147] : memref<10x64x128xf32, #tpu.memory_space<vmem>> -> memref<1x64x128xf32, #tpu.memory_space<vmem>>
    %dma_start3A_149 = tpu.memref_squeeze %dma_start3A_148 : memref<1x64x128xf32, #tpu.memory_space<vmem>> -> memref<64x128xf32, #tpu.memory_space<vmem>>
    %dma_start3A_150 = arith.constant 0 : i32
    %dma_start3A_151 = tpu.memref_slice %arg2[%dma_start3A_150, %multiple_of3A_144] : memref<64x1000000xf32, #tpu.memory_space<hbm>> -> memref<64x128xf32, #tpu.memory_space<hbm>>
    %dma_start3A_152 = arith.constant 0 : i32
    %dma_start3A_153 = arith.constant 0 : i32
    %dma_start3A_154 = tpu.memref_slice %arg6[%dma_start3A_145, %dma_start3A_152, %dma_start3A_153] : memref<10x64x128xf32, #tpu.memory_space<vmem>> -> memref<1x64x128xf32, #tpu.memory_space<vmem>>
    %dma_start3A_155 = tpu.memref_squeeze %dma_start3A_154 : memref<1x64x128xf32, #tpu.memory_space<vmem>> -> memref<64x128xf32, #tpu.memory_space<vmem>>
    %dma_start3A_156 = arith.constant 0 : i32
    %dma_start3A_157 = tpu.memref_slice %arg2[%dma_start3A_156, %multiple_of3A_144] : memref<64x1000000xf32, #tpu.memory_space<hbm>> -> memref<64x128xf32, #tpu.memory_space<hbm>>
    tpu.enqueue_dma source(%dma_start3A_157 : memref<64x128xf32, #tpu.memory_space<hbm>>) target(%dma_start3A_155 : memref<64x128xf32, #tpu.memory_space<vmem>>) target_semaphore(%arg15 : memref<!tpu.dma_semaphore, #tpu.memory_space<semaphore_mem>>)
    %slice3A_158 = vector.extract_strided_slice %get3A_3 {offsets = [8], sizes = [1], strides = [1]} : vector<16xi32> to vector<1xi32>
    %squeeze3A_159 = vector.extract %slice3A_158[0] : i32 from vector<1xi32>
    %shift_right_logical3A_160 = arith.constant 7 : i32
    %shift_right_logical3A_161 = arith.shrui %squeeze3A_159, %shift_right_logical3A_160 : i32
    %shift_left3A_162 = arith.constant 7 : i32
    %shift_left3A_163 = arith.shli %shift_right_logical3A_161, %shift_left3A_162 : i32
    %multiple_of3A_164 = tpu.assume_multiple %shift_left3A_163, 128 : i32
    %dma_start3A_165 = arith.constant 8 : i32
    %dma_start3A_166 = arith.constant 0 : i32
    %dma_start3A_167 = arith.constant 0 : i32
    %dma_start3A_168 = tpu.memref_slice %arg6[%dma_start3A_165, %dma_start3A_166, %dma_start3A_167] : memref<10x64x128xf32, #tpu.memory_space<vmem>> -> memref<1x64x128xf32, #tpu.memory_space<vmem>>
    %dma_start3A_169 = tpu.memref_squeeze %dma_start3A_168 : memref<1x64x128xf32, #tpu.memory_space<vmem>> -> memref<64x128xf32, #tpu.memory_space<vmem>>
    %dma_start3A_170 = arith.constant 0 : i32
    %dma_start3A_171 = tpu.memref_slice %arg2[%dma_start3A_170, %multiple_of3A_164] : memref<64x1000000xf32, #tpu.memory_space<hbm>> -> memref<64x128xf32, #tpu.memory_space<hbm>>
    %dma_start3A_172 = arith.constant 0 : i32
    %dma_start3A_173 = arith.constant 0 : i32
    %dma_start3A_174 = tpu.memref_slice %arg6[%dma_start3A_165, %dma_start3A_172, %dma_start3A_173] : memref<10x64x128xf32, #tpu.memory_space<vmem>> -> memref<1x64x128xf32, #tpu.memory_space<vmem>>
    %dma_start3A_175 = tpu.memref_squeeze %dma_start3A_174 : memref<1x64x128xf32, #tpu.memory_space<vmem>> -> memref<64x128xf32, #tpu.memory_space<vmem>>
    %dma_start3A_176 = arith.constant 0 : i32
    %dma_start3A_177 = tpu.memref_slice %arg2[%dma_start3A_176, %multiple_of3A_164] : memref<64x1000000xf32, #tpu.memory_space<hbm>> -> memref<64x128xf32, #tpu.memory_space<hbm>>
    tpu.enqueue_dma source(%dma_start3A_177 : memref<64x128xf32, #tpu.memory_space<hbm>>) target(%dma_start3A_175 : memref<64x128xf32, #tpu.memory_space<vmem>>) target_semaphore(%arg16 : memref<!tpu.dma_semaphore, #tpu.memory_space<semaphore_mem>>)
    %slice3A_178 = vector.extract_strided_slice %get3A_3 {offsets = [9], sizes = [1], strides = [1]} : vector<16xi32> to vector<1xi32>
    %squeeze3A_179 = vector.extract %slice3A_178[0] : i32 from vector<1xi32>
    %shift_right_logical3A_180 = arith.constant 7 : i32
    %shift_right_logical3A_181 = arith.shrui %squeeze3A_179, %shift_right_logical3A_180 : i32
    %shift_left3A_182 = arith.constant 7 : i32
    %shift_left3A_183 = arith.shli %shift_right_logical3A_181, %shift_left3A_182 : i32
    %multiple_of3A_184 = tpu.assume_multiple %shift_left3A_183, 128 : i32
    %dma_start3A_185 = arith.constant 9 : i32
    %dma_start3A_186 = arith.constant 0 : i32
    %dma_start3A_187 = arith.constant 0 : i32
    %dma_start3A_188 = tpu.memref_slice %arg6[%dma_start3A_185, %dma_start3A_186, %dma_start3A_187] : memref<10x64x128xf32, #tpu.memory_space<vmem>> -> memref<1x64x128xf32, #tpu.memory_space<vmem>>
    %dma_start3A_189 = tpu.memref_squeeze %dma_start3A_188 : memref<1x64x128xf32, #tpu.memory_space<vmem>> -> memref<64x128xf32, #tpu.memory_space<vmem>>
    %dma_start3A_190 = arith.constant 0 : i32
    %dma_start3A_191 = tpu.memref_slice %arg2[%dma_start3A_190, %multiple_of3A_184] : memref<64x1000000xf32, #tpu.memory_space<hbm>> -> memref<64x128xf32, #tpu.memory_space<hbm>>
    %dma_start3A_192 = arith.constant 0 : i32
    %dma_start3A_193 = arith.constant 0 : i32
    %dma_start3A_194 = tpu.memref_slice %arg6[%dma_start3A_185, %dma_start3A_192, %dma_start3A_193] : memref<10x64x128xf32, #tpu.memory_space<vmem>> -> memref<1x64x128xf32, #tpu.memory_space<vmem>>
    %dma_start3A_195 = tpu.memref_squeeze %dma_start3A_194 : memref<1x64x128xf32, #tpu.memory_space<vmem>> -> memref<64x128xf32, #tpu.memory_space<vmem>>
    %dma_start3A_196 = arith.constant 0 : i32
    %dma_start3A_197 = tpu.memref_slice %arg2[%dma_start3A_196, %multiple_of3A_184] : memref<64x1000000xf32, #tpu.memory_space<hbm>> -> memref<64x128xf32, #tpu.memory_space<hbm>>
    tpu.enqueue_dma source(%dma_start3A_197 : memref<64x128xf32, #tpu.memory_space<hbm>>) target(%dma_start3A_195 : memref<64x128xf32, #tpu.memory_space<vmem>>) target_semaphore(%arg17 : memref<!tpu.dma_semaphore, #tpu.memory_space<semaphore_mem>>)
    %scan3A = arith.constant 0 : i32
    %scan3A_198 = arith.constant 0 : i32
    %scan3A_199 = arith.constant 50 : i32
    %scan3A_200 = arith.addi %scan3A_198, %scan3A_199 : i32
    %scan3A_201 = arith.constant 1 : i32
    scf.for %scan3A_1588 = %scan3A_198 to %scan3A_200 step %scan3A_201  : i32 {
      %mul3A_1589 = arith.constant 10 : i32
      %mul3A_1590 = arith.muli %scan3A_1588, %mul3A_1589 : i32
      %get3A_1591 = arith.index_cast %mul3A_1590 : i32 to index
      %get3A_1592 = tpu.vector_load %arg5[%get3A_1591] {strides = array<i32>} : memref<528xi32, #tpu.memory_space<vmem>>, vector<16xi32>,
      %add3A_1593 = arith.constant 1 : i32
      %add3A_1594 = arith.addi %scan3A_1588, %add3A_1593 : i32
      %mul3A_1595 = arith.constant 10 : i32
      %mul3A_1596 = arith.muli %add3A_1594, %mul3A_1595 : i32
      %get3A_1597 = arith.index_cast %mul3A_1596 : i32 to index
      %get3A_1598 = tpu.vector_load %arg5[%get3A_1597] {strides = array<i32>} : memref<528xi32, #tpu.memory_space<vmem>>, vector<16xi32>,
      %dma_wait3A_1599 = arith.constant 0 : i32
      %dma_wait3A_1600 = arith.constant 0 : i32
      %dma_wait3A_1601 = arith.constant 0 : i32
      %dma_wait3A_1602 = tpu.memref_slice %arg6[%dma_wait3A_1599, %dma_wait3A_1600, %dma_wait3A_1601] : memref<10x64x128xf32, #tpu.memory_space<vmem>> -> memref<1x64x128xf32, #tpu.memory_space<vmem>>
      %dma_wait3A_1603 = tpu.memref_squeeze %dma_wait3A_1602 : memref<1x64x128xf32, #tpu.memory_space<vmem>> -> memref<64x128xf32, #tpu.memory_space<vmem>>
      %dma_wait3A_1604 = arith.constant 0 : i32
      %dma_wait3A_1605 = arith.constant 0 : i32
      %dma_wait3A_1606 = tpu.memref_slice %arg2[%dma_wait3A_1604, %dma_wait3A_1605] : memref<64x1000000xf32, #tpu.memory_space<hbm>> -> memref<64x128xf32, #tpu.memory_space<hbm>>
      %dma_wait3A_1607 = arith.constant 0 : i32
      %dma_wait3A_1608 = arith.constant 0 : i32
      %dma_wait3A_1609 = tpu.memref_slice %arg6[%dma_wait3A_1599, %dma_wait3A_1607, %dma_wait3A_1608] : memref<10x64x128xf32, #tpu.memory_space<vmem>> -> memref<1x64x128xf32, #tpu.memory_space<vmem>>
      %dma_wait3A_1610 = tpu.memref_squeeze %dma_wait3A_1609 : memref<1x64x128xf32, #tpu.memory_space<vmem>> -> memref<64x128xf32, #tpu.memory_space<vmem>>
      %dma_wait3A_1611 = arith.constant 0 : i32
      %dma_wait3A_1612 = arith.constant 0 : i32
      %dma_wait3A_1613 = tpu.memref_slice %arg2[%dma_wait3A_1611, %dma_wait3A_1612] : memref<64x1000000xf32, #tpu.memory_space<hbm>> -> memref<64x128xf32, #tpu.memory_space<hbm>>
      tpu.wait_dma2 semaphore(%arg8 : memref<!tpu.dma_semaphore, #tpu.memory_space<semaphore_mem>>) src(%dma_wait3A_1613 : memref<64x128xf32, #tpu.memory_space<hbm>>) dst(%dma_wait3A_1610 : memref<64x128xf32, #tpu.memory_space<vmem>>)
      %gt3A = arith.constant 0 : i32
      %gt3A_1614 = arith.cmpi sgt, %scan3A_1588, %gt3A : i32
      %convert_element_type3A = arith.extui %gt3A_1614 : i1 to i32
      %cond3A = arith.constant 0 : i32
      %cond3A_1615 = arith.cmpi ne, %convert_element_type3A, %cond3A : i32
      scf.if %cond3A_1615 {
        %dma_wait3A_2686 = arith.constant 0 : i32
        %dma_wait3A_2687 = arith.constant 0 : i32
        %dma_wait3A_2688 = arith.constant 0 : i32
        %dma_wait3A_2689 = tpu.memref_slice %arg7[%dma_wait3A_2686, %dma_wait3A_2687, %dma_wait3A_2688] : memref<10x1x64xf32, #tpu.memory_space<vmem>> -> memref<1x1x64xf32, #tpu.memory_space<vmem>>
        %dma_wait3A_2690 = tpu.memref_squeeze %dma_wait3A_2689 : memref<1x1x64xf32, #tpu.memory_space<vmem>> -> memref<1x64xf32, #tpu.memory_space<vmem>>
        %dma_wait3A_2691 = arith.constant 0 : i32
        %dma_wait3A_2692 = arith.constant 0 : i32
        %dma_wait3A_2693 = tpu.memref_slice %arg4[%mul3A_2, %dma_wait3A_2691, %dma_wait3A_2692] : memref<16384x1x64xf32, #tpu.memory_space<hbm>> -> memref<1x1x64xf32, #tpu.memory_space<hbm>>
        %dma_wait3A_2694 = tpu.memref_squeeze %dma_wait3A_2693 : memref<1x1x64xf32, #tpu.memory_space<hbm>> -> memref<1x64xf32, #tpu.memory_space<hbm>>
        %dma_wait3A_2695 = arith.constant 0 : i32
        %dma_wait3A_2696 = arith.constant 0 : i32
        %dma_wait3A_2697 = tpu.memref_slice %arg4[%mul3A_2, %dma_wait3A_2695, %dma_wait3A_2696] : memref<16384x1x64xf32, #tpu.memory_space<hbm>> -> memref<1x1x64xf32, #tpu.memory_space<hbm>>
        %dma_wait3A_2698 = tpu.memref_squeeze %dma_wait3A_2697 : memref<1x1x64xf32, #tpu.memory_space<hbm>> -> memref<1x64xf32, #tpu.memory_space<hbm>>
        %dma_wait3A_2699 = arith.constant 0 : i32
        %dma_wait3A_2700 = arith.constant 0 : i32
        %dma_wait3A_2701 = tpu.memref_slice %arg7[%dma_wait3A_2686, %dma_wait3A_2699, %dma_wait3A_2700] : memref<10x1x64xf32, #tpu.memory_space<vmem>> -> memref<1x1x64xf32, #tpu.memory_space<vmem>>
        %dma_wait3A_2702 = tpu.memref_squeeze %dma_wait3A_2701 : memref<1x1x64xf32, #tpu.memory_space<vmem>> -> memref<1x64xf32, #tpu.memory_space<vmem>>
        tpu.wait_dma2 semaphore(%arg18 : memref<!tpu.dma_semaphore, #tpu.memory_space<semaphore_mem>>) src(%dma_wait3A_2702 : memref<1x64xf32, #tpu.memory_space<vmem>>) dst(%dma_wait3A_2698 : memref<1x64xf32, #tpu.memory_space<hbm>>)
      } else {
      }
      %mul3A_1616 = arith.constant 10 : i32
      %mul3A_1617 = arith.muli %scan3A_1588, %mul3A_1616 : i32
      %add3A_1618 = arith.constant 0 : i32
      %add3A_1619 = arith.addi %mul3A_1617, %add3A_1618 : i32
      %slice3A_1620 = vector.extract_strided_slice %get3A_1592 {offsets = [0], sizes = [1], strides = [1]} : vector<16xi32> to vector<1xi32>
      %squeeze3A_1621 = vector.extract %slice3A_1620[0] : i32 from vector<1xi32>
      %and3A_1622 = arith.constant 127 : i32
      %and3A_1623 = arith.andi %squeeze3A_1621, %and3A_1622 : i32
      %broadcast_in_dim3A_1624 = vector.broadcast %and3A_1623 : i32 to vector<16xi32>
      %broadcast_in_dim3A_1625 = arith.constant 0 : i32
      %broadcast_in_dim3A_1626 = vector.broadcast %broadcast_in_dim3A_1625 : i32 to vector<16xi32>
      %add3A_1627 = arith.constant 0 : i32
      %add3A_1628 = vector.broadcast %add3A_1627 : i32 to vector<16xi32>
      %add3A_1629 = arith.addi %iota3A, %add3A_1628 : vector<16xi32>
      %gather3A_1630 = tpu.vector_load_idx %arg6[%broadcast_in_dim3A_1626, %add3A_1629, %broadcast_in_dim3A_1624] : memref<10x64x128xf32, #tpu.memory_space<vmem>>[vector<16xi32>, vector<16xi32>, vector<16xi32>], vector<16xf32>,
      %swap3A_1631 = arith.constant 0 : i32
      %swap3A_1632 = arith.constant 0 : i32
      %swap3A_1633 = arith.index_cast %swap3A_1631 : i32 to index
      %swap3A_1634 = arith.index_cast %swap3A_1632 : i32 to index
      %swap3A_1635 = arith.constant 0 : index
      %swap3A_1636 = tpu.vector_load %arg7[%swap3A_1633, %swap3A_1634, %swap3A_1635] {strides = array<i32>} : memref<10x1x64xf32, #tpu.memory_space<vmem>>, vector<16xf32>,
      tpu.vector_store %arg7[%swap3A_1633, %swap3A_1634, %swap3A_1635], %gather3A_1630 {strides = array<i32>} : memref<10x1x64xf32, #tpu.memory_space<vmem>>, vector<16xf32>,
      %add3A_1637 = arith.constant 16 : i32
      %add3A_1638 = vector.broadcast %add3A_1637 : i32 to vector<16xi32>
      %add3A_1639 = arith.addi %iota3A, %add3A_1638 : vector<16xi32>
      %gather3A_1640 = tpu.vector_load_idx %arg6[%broadcast_in_dim3A_1626, %add3A_1639, %broadcast_in_dim3A_1624] : memref<10x64x128xf32, #tpu.memory_space<vmem>>[vector<16xi32>, vector<16xi32>, vector<16xi32>], vector<16xf32>,
      %swap3A_1641 = arith.constant 0 : i32
      %swap3A_1642 = arith.constant 0 : i32
      %swap3A_1643 = arith.index_cast %swap3A_1641 : i32 to index
      %swap3A_1644 = arith.index_cast %swap3A_1642 : i32 to index
      %swap3A_1645 = arith.constant 16 : index
      %swap3A_1646 = tpu.vector_load %arg7[%swap3A_1643, %swap3A_1644, %swap3A_1645] {strides = array<i32>} : memref<10x1x64xf32, #tpu.memory_space<vmem>>, vector<16xf32>,
      tpu.vector_store %arg7[%swap3A_1643, %swap3A_1644, %swap3A_1645], %gather3A_1640 {strides = array<i32>} : memref<10x1x64xf32, #tpu.memory_space<vmem>>, vector<16xf32>,
      %add3A_1647 = arith.constant 32 : i32
      %add3A_1648 = vector.broadcast %add3A_1647 : i32 to vector<16xi32>
      %add3A_1649 = arith.addi %iota3A, %add3A_1648 : vector<16xi32>
      %gather3A_1650 = tpu.vector_load_idx %arg6[%broadcast_in_dim3A_1626, %add3A_1649, %broadcast_in_dim3A_1624] : memref<10x64x128xf32, #tpu.memory_space<vmem>>[vector<16xi32>, vector<16xi32>, vector<16xi32>], vector<16xf32>,
      %swap3A_1651 = arith.constant 0 : i32
      %swap3A_1652 = arith.constant 0 : i32
      %swap3A_1653 = arith.index_cast %swap3A_1651 : i32 to index
      %swap3A_1654 = arith.index_cast %swap3A_1652 : i32 to index
      %swap3A_1655 = arith.constant 32 : index
      %swap3A_1656 = tpu.vector_load %arg7[%swap3A_1653, %swap3A_1654, %swap3A_1655] {strides = array<i32>} : memref<10x1x64xf32, #tpu.memory_space<vmem>>, vector<16xf32>,
      tpu.vector_store %arg7[%swap3A_1653, %swap3A_1654, %swap3A_1655], %gather3A_1650 {strides = array<i32>} : memref<10x1x64xf32, #tpu.memory_space<vmem>>, vector<16xf32>,
      %add3A_1657 = arith.constant 48 : i32
      %add3A_1658 = vector.broadcast %add3A_1657 : i32 to vector<16xi32>
      %add3A_1659 = arith.addi %iota3A, %add3A_1658 : vector<16xi32>
      %gather3A_1660 = tpu.vector_load_idx %arg6[%broadcast_in_dim3A_1626, %add3A_1659, %broadcast_in_dim3A_1624] : memref<10x64x128xf32, #tpu.memory_space<vmem>>[vector<16xi32>, vector<16xi32>, vector<16xi32>], vector<16xf32>,
      %swap3A_1661 = arith.constant 0 : i32
      %swap3A_1662 = arith.constant 0 : i32
      %swap3A_1663 = arith.index_cast %swap3A_1661 : i32 to index
      %swap3A_1664 = arith.index_cast %swap3A_1662 : i32 to index
      %swap3A_1665 = arith.constant 48 : index
      %swap3A_1666 = tpu.vector_load %arg7[%swap3A_1663, %swap3A_1664, %swap3A_1665] {strides = array<i32>} : memref<10x1x64xf32, #tpu.memory_space<vmem>>, vector<16xf32>,
      tpu.vector_store %arg7[%swap3A_1663, %swap3A_1664, %swap3A_1665], %gather3A_1660 {strides = array<i32>} : memref<10x1x64xf32, #tpu.memory_space<vmem>>, vector<16xf32>,
      %add3A_1667 = arith.addi %mul3A_2, %add3A_1619 : i32
      %dma_start3A_1668 = arith.constant 0 : i32
      %dma_start3A_1669 = arith.constant 0 : i32
      %dma_start3A_1670 = arith.constant 0 : i32
      %dma_start3A_1671 = tpu.memref_slice %arg7[%dma_start3A_1668, %dma_start3A_1669, %dma_start3A_1670] : memref<10x1x64xf32, #tpu.memory_space<vmem>> -> memref<1x1x64xf32, #tpu.memory_space<vmem>>
      %dma_start3A_1672 = tpu.memref_squeeze %dma_start3A_1671 : memref<1x1x64xf32, #tpu.memory_space<vmem>> -> memref<1x64xf32, #tpu.memory_space<vmem>>
      %dma_start3A_1673 = arith.constant 0 : i32
      %dma_start3A_1674 = arith.constant 0 : i32
      %dma_start3A_1675 = tpu.memref_slice %arg4[%add3A_1667, %dma_start3A_1673, %dma_start3A_1674] : memref<16384x1x64xf32, #tpu.memory_space<hbm>> -> memref<1x1x64xf32, #tpu.memory_space<hbm>>
      %dma_start3A_1676 = tpu.memref_squeeze %dma_start3A_1675 : memref<1x1x64xf32, #tpu.memory_space<hbm>> -> memref<1x64xf32, #tpu.memory_space<hbm>>
      %dma_start3A_1677 = arith.constant 0 : i32
      %dma_start3A_1678 = arith.constant 0 : i32
      %dma_start3A_1679 = tpu.memref_slice %arg4[%add3A_1667, %dma_start3A_1677, %dma_start3A_1678] : memref<16384x1x64xf32, #tpu.memory_space<hbm>> -> memref<1x1x64xf32, #tpu.memory_space<hbm>>
      %dma_start3A_1680 = tpu.memref_squeeze %dma_start3A_1679 : memref<1x1x64xf32, #tpu.memory_space<hbm>> -> memref<1x64xf32, #tpu.memory_space<hbm>>
      %dma_start3A_1681 = arith.constant 0 : i32
      %dma_start3A_1682 = arith.constant 0 : i32
      %dma_start3A_1683 = tpu.memref_slice %arg7[%dma_start3A_1668, %dma_start3A_1681, %dma_start3A_1682] : memref<10x1x64xf32, #tpu.memory_space<vmem>> -> memref<1x1x64xf32, #tpu.memory_space<vmem>>
      %dma_start3A_1684 = tpu.memref_squeeze %dma_start3A_1683 : memref<1x1x64xf32, #tpu.memory_space<vmem>> -> memref<1x64xf32, #tpu.memory_space<vmem>>
      tpu.enqueue_dma source(%dma_start3A_1684 : memref<1x64xf32, #tpu.memory_space<vmem>>) target(%dma_start3A_1680 : memref<1x64xf32, #tpu.memory_space<hbm>>) target_semaphore(%arg18 : memref<!tpu.dma_semaphore, #tpu.memory_space<semaphore_mem>>)
      %slice3A_1685 = vector.extract_strided_slice %get3A_1598 {offsets = [0], sizes = [1], strides = [1]} : vector<16xi32> to vector<1xi32>
      %squeeze3A_1686 = vector.extract %slice3A_1685[0] : i32 from vector<1xi32>
      %shift_right_logical3A_1687 = arith.constant 7 : i32
      %shift_right_logical3A_1688 = arith.shrui %squeeze3A_1686, %shift_right_logical3A_1687 : i32
      %shift_left3A_1689 = arith.constant 7 : i32
      %shift_left3A_1690 = arith.shli %shift_right_logical3A_1688, %shift_left3A_1689 : i32
      %multiple_of3A_1691 = tpu.assume_multiple %shift_left3A_1690, 128 : i32
      %dma_start3A_1692 = arith.constant 0 : i32
      %dma_start3A_1693 = arith.constant 0 : i32
      %dma_start3A_1694 = arith.constant 0 : i32
      %dma_start3A_1695 = tpu.memref_slice %arg6[%dma_start3A_1692, %dma_start3A_1693, %dma_start3A_1694] : memref<10x64x128xf32, #tpu.memory_space<vmem>> -> memref<1x64x128xf32, #tpu.memory_space<vmem>>
      %dma_start3A_1696 = tpu.memref_squeeze %dma_start3A_1695 : memref<1x64x128xf32, #tpu.memory_space<vmem>> -> memref<64x128xf32, #tpu.memory_space<vmem>>
      %dma_start3A_1697 = arith.constant 0 : i32
      %dma_start3A_1698 = tpu.memref_slice %arg2[%dma_start3A_1697, %multiple_of3A_1691] : memref<64x1000000xf32, #tpu.memory_space<hbm>> -> memref<64x128xf32, #tpu.memory_space<hbm>>
      %dma_start3A_1699 = arith.constant 0 : i32
      %dma_start3A_1700 = arith.constant 0 : i32
      %dma_start3A_1701 = tpu.memref_slice %arg6[%dma_start3A_1692, %dma_start3A_1699, %dma_start3A_1700] : memref<10x64x128xf32, #tpu.memory_space<vmem>> -> memref<1x64x128xf32, #tpu.memory_space<vmem>>
      %dma_start3A_1702 = tpu.memref_squeeze %dma_start3A_1701 : memref<1x64x128xf32, #tpu.memory_space<vmem>> -> memref<64x128xf32, #tpu.memory_space<vmem>>
      %dma_start3A_1703 = arith.constant 0 : i32
      %dma_start3A_1704 = tpu.memref_slice %arg2[%dma_start3A_1703, %multiple_of3A_1691] : memref<64x1000000xf32, #tpu.memory_space<hbm>> -> memref<64x128xf32, #tpu.memory_space<hbm>>
      tpu.enqueue_dma source(%dma_start3A_1704 : memref<64x128xf32, #tpu.memory_space<hbm>>) target(%dma_start3A_1702 : memref<64x128xf32, #tpu.memory_space<vmem>>) target_semaphore(%arg8 : memref<!tpu.dma_semaphore, #tpu.memory_space<semaphore_mem>>)
      %dma_wait3A_1705 = arith.constant 1 : i32
      %dma_wait3A_1706 = arith.constant 0 : i32
      %dma_wait3A_1707 = arith.constant 0 : i32
      %dma_wait3A_1708 = tpu.memref_slice %arg6[%dma_wait3A_1705, %dma_wait3A_1706, %dma_wait3A_1707] : memref<10x64x128xf32, #tpu.memory_space<vmem>> -> memref<1x64x128xf32, #tpu.memory_space<vmem>>
      %dma_wait3A_1709 = tpu.memref_squeeze %dma_wait3A_1708 : memref<1x64x128xf32, #tpu.memory_space<vmem>> -> memref<64x128xf32, #tpu.memory_space<vmem>>
      %dma_wait3A_1710 = arith.constant 0 : i32
      %dma_wait3A_1711 = arith.constant 0 : i32
      %dma_wait3A_1712 = tpu.memref_slice %arg2[%dma_wait3A_1710, %dma_wait3A_1711] : memref<64x1000000xf32, #tpu.memory_space<hbm>> -> memref<64x128xf32, #tpu.memory_space<hbm>>
      %dma_wait3A_1713 = arith.constant 0 : i32
      %dma_wait3A_1714 = arith.constant 0 : i32
      %dma_wait3A_1715 = tpu.memref_slice %arg6[%dma_wait3A_1705, %dma_wait3A_1713, %dma_wait3A_1714] : memref<10x64x128xf32, #tpu.memory_space<vmem>> -> memref<1x64x128xf32, #tpu.memory_space<vmem>>
      %dma_wait3A_1716 = tpu.memref_squeeze %dma_wait3A_1715 : memref<1x64x128xf32, #tpu.memory_space<vmem>> -> memref<64x128xf32, #tpu.memory_space<vmem>>
      %dma_wait3A_1717 = arith.constant 0 : i32
      %dma_wait3A_1718 = arith.constant 0 : i32
      %dma_wait3A_1719 = tpu.memref_slice %arg2[%dma_wait3A_1717, %dma_wait3A_1718] : memref<64x1000000xf32, #tpu.memory_space<hbm>> -> memref<64x128xf32, #tpu.memory_space<hbm>>
      tpu.wait_dma2 semaphore(%arg9 : memref<!tpu.dma_semaphore, #tpu.memory_space<semaphore_mem>>) src(%dma_wait3A_1719 : memref<64x128xf32, #tpu.memory_space<hbm>>) dst(%dma_wait3A_1716 : memref<64x128xf32, #tpu.memory_space<vmem>>)
      %gt3A_1720 = arith.constant 0 : i32
      %gt3A_1721 = arith.cmpi sgt, %scan3A_1588, %gt3A_1720 : i32
      %convert_element_type3A_1722 = arith.extui %gt3A_1721 : i1 to i32
      %cond3A_1723 = arith.constant 0 : i32
      %cond3A_1724 = arith.cmpi ne, %convert_element_type3A_1722, %cond3A_1723 : i32
      scf.if %cond3A_1724 {
        %dma_wait3A_2686 = arith.constant 1 : i32
        %dma_wait3A_2687 = arith.constant 0 : i32
        %dma_wait3A_2688 = arith.constant 0 : i32
        %dma_wait3A_2689 = tpu.memref_slice %arg7[%dma_wait3A_2686, %dma_wait3A_2687, %dma_wait3A_2688] : memref<10x1x64xf32, #tpu.memory_space<vmem>> -> memref<1x1x64xf32, #tpu.memory_space<vmem>>
        %dma_wait3A_2690 = tpu.memref_squeeze %dma_wait3A_2689 : memref<1x1x64xf32, #tpu.memory_space<vmem>> -> memref<1x64xf32, #tpu.memory_space<vmem>>
        %dma_wait3A_2691 = arith.constant 0 : i32
        %dma_wait3A_2692 = arith.constant 0 : i32
        %dma_wait3A_2693 = tpu.memref_slice %arg4[%mul3A_2, %dma_wait3A_2691, %dma_wait3A_2692] : memref<16384x1x64xf32, #tpu.memory_space<hbm>> -> memref<1x1x64xf32, #tpu.memory_space<hbm>>
        %dma_wait3A_2694 = tpu.memref_squeeze %dma_wait3A_2693 : memref<1x1x64xf32, #tpu.memory_space<hbm>> -> memref<1x64xf32, #tpu.memory_space<hbm>>
        %dma_wait3A_2695 = arith.constant 0 : i32
        %dma_wait3A_2696 = arith.constant 0 : i32
        %dma_wait3A_2697 = tpu.memref_slice %arg4[%mul3A_2, %dma_wait3A_2695, %dma_wait3A_2696] : memref<16384x1x64xf32, #tpu.memory_space<hbm>> -> memref<1x1x64xf32, #tpu.memory_space<hbm>>
        %dma_wait3A_2698 = tpu.memref_squeeze %dma_wait3A_2697 : memref<1x1x64xf32, #tpu.memory_space<hbm>> -> memref<1x64xf32, #tpu.memory_space<hbm>>
        %dma_wait3A_2699 = arith.constant 0 : i32
        %dma_wait3A_2700 = arith.constant 0 : i32
        %dma_wait3A_2701 = tpu.memref_slice %arg7[%dma_wait3A_2686, %dma_wait3A_2699, %dma_wait3A_2700] : memref<10x1x64xf32, #tpu.memory_space<vmem>> -> memref<1x1x64xf32, #tpu.memory_space<vmem>>
        %dma_wait3A_2702 = tpu.memref_squeeze %dma_wait3A_2701 : memref<1x1x64xf32, #tpu.memory_space<vmem>> -> memref<1x64xf32, #tpu.memory_space<vmem>>
        tpu.wait_dma2 semaphore(%arg19 : memref<!tpu.dma_semaphore, #tpu.memory_space<semaphore_mem>>) src(%dma_wait3A_2702 : memref<1x64xf32, #tpu.memory_space<vmem>>) dst(%dma_wait3A_2698 : memref<1x64xf32, #tpu.memory_space<hbm>>)
      } else {
      }
      %mul3A_1725 = arith.constant 10 : i32
      %mul3A_1726 = arith.muli %scan3A_1588, %mul3A_1725 : i32
      %add3A_1727 = arith.constant 1 : i32
      %add3A_1728 = arith.addi %mul3A_1726, %add3A_1727 : i32
      %slice3A_1729 = vector.extract_strided_slice %get3A_1592 {offsets = [1], sizes = [1], strides = [1]} : vector<16xi32> to vector<1xi32>
      %squeeze3A_1730 = vector.extract %slice3A_1729[0] : i32 from vector<1xi32>
      %and3A_1731 = arith.constant 127 : i32
      %and3A_1732 = arith.andi %squeeze3A_1730, %and3A_1731 : i32
      %broadcast_in_dim3A_1733 = vector.broadcast %and3A_1732 : i32 to vector<16xi32>
      %broadcast_in_dim3A_1734 = arith.constant 1 : i32
      %broadcast_in_dim3A_1735 = vector.broadcast %broadcast_in_dim3A_1734 : i32 to vector<16xi32>
      %add3A_1736 = arith.constant 0 : i32
      %add3A_1737 = vector.broadcast %add3A_1736 : i32 to vector<16xi32>
      %add3A_1738 = arith.addi %iota3A, %add3A_1737 : vector<16xi32>
      %gather3A_1739 = tpu.vector_load_idx %arg6[%broadcast_in_dim3A_1735, %add3A_1738, %broadcast_in_dim3A_1733] : memref<10x64x128xf32, #tpu.memory_space<vmem>>[vector<16xi32>, vector<16xi32>, vector<16xi32>], vector<16xf32>,
      %swap3A_1740 = arith.constant 1 : i32
      %swap3A_1741 = arith.constant 0 : i32
      %swap3A_1742 = arith.index_cast %swap3A_1740 : i32 to index
      %swap3A_1743 = arith.index_cast %swap3A_1741 : i32 to index
      %swap3A_1744 = arith.constant 0 : index
      %swap3A_1745 = tpu.vector_load %arg7[%swap3A_1742, %swap3A_1743, %swap3A_1744] {strides = array<i32>} : memref<10x1x64xf32, #tpu.memory_space<vmem>>, vector<16xf32>,
      tpu.vector_store %arg7[%swap3A_1742, %swap3A_1743, %swap3A_1744], %gather3A_1739 {strides = array<i32>} : memref<10x1x64xf32, #tpu.memory_space<vmem>>, vector<16xf32>,
      %add3A_1746 = arith.constant 16 : i32
      %add3A_1747 = vector.broadcast %add3A_1746 : i32 to vector<16xi32>
      %add3A_1748 = arith.addi %iota3A, %add3A_1747 : vector<16xi32>
      %gather3A_1749 = tpu.vector_load_idx %arg6[%broadcast_in_dim3A_1735, %add3A_1748, %broadcast_in_dim3A_1733] : memref<10x64x128xf32, #tpu.memory_space<vmem>>[vector<16xi32>, vector<16xi32>, vector<16xi32>], vector<16xf32>,
      %swap3A_1750 = arith.constant 1 : i32
      %swap3A_1751 = arith.constant 0 : i32
      %swap3A_1752 = arith.index_cast %swap3A_1750 : i32 to index
      %swap3A_1753 = arith.index_cast %swap3A_1751 : i32 to index
      %swap3A_1754 = arith.constant 16 : index
      %swap3A_1755 = tpu.vector_load %arg7[%swap3A_1752, %swap3A_1753, %swap3A_1754] {strides = array<i32>} : memref<10x1x64xf32, #tpu.memory_space<vmem>>, vector<16xf32>,
      tpu.vector_store %arg7[%swap3A_1752, %swap3A_1753, %swap3A_1754], %gather3A_1749 {strides = array<i32>} : memref<10x1x64xf32, #tpu.memory_space<vmem>>, vector<16xf32>,
      %add3A_1756 = arith.constant 32 : i32
      %add3A_1757 = vector.broadcast %add3A_1756 : i32 to vector<16xi32>
      %add3A_1758 = arith.addi %iota3A, %add3A_1757 : vector<16xi32>
      %gather3A_1759 = tpu.vector_load_idx %arg6[%broadcast_in_dim3A_1735, %add3A_1758, %broadcast_in_dim3A_1733] : memref<10x64x128xf32, #tpu.memory_space<vmem>>[vector<16xi32>, vector<16xi32>, vector<16xi32>], vector<16xf32>,
      %swap3A_1760 = arith.constant 1 : i32
      %swap3A_1761 = arith.constant 0 : i32
      %swap3A_1762 = arith.index_cast %swap3A_1760 : i32 to index
      %swap3A_1763 = arith.index_cast %swap3A_1761 : i32 to index
      %swap3A_1764 = arith.constant 32 : index
      %swap3A_1765 = tpu.vector_load %arg7[%swap3A_1762, %swap3A_1763, %swap3A_1764] {strides = array<i32>} : memref<10x1x64xf32, #tpu.memory_space<vmem>>, vector<16xf32>,
      tpu.vector_store %arg7[%swap3A_1762, %swap3A_1763, %swap3A_1764], %gather3A_1759 {strides = array<i32>} : memref<10x1x64xf32, #tpu.memory_space<vmem>>, vector<16xf32>,
      %add3A_1766 = arith.constant 48 : i32
      %add3A_1767 = vector.broadcast %add3A_1766 : i32 to vector<16xi32>
      %add3A_1768 = arith.addi %iota3A, %add3A_1767 : vector<16xi32>
      %gather3A_1769 = tpu.vector_load_idx %arg6[%broadcast_in_dim3A_1735, %add3A_1768, %broadcast_in_dim3A_1733] : memref<10x64x128xf32, #tpu.memory_space<vmem>>[vector<16xi32>, vector<16xi32>, vector<16xi32>], vector<16xf32>,
      %swap3A_1770 = arith.constant 1 : i32
      %swap3A_1771 = arith.constant 0 : i32
      %swap3A_1772 = arith.index_cast %swap3A_1770 : i32 to index
      %swap3A_1773 = arith.index_cast %swap3A_1771 : i32 to index
      %swap3A_1774 = arith.constant 48 : index
      %swap3A_1775 = tpu.vector_load %arg7[%swap3A_1772, %swap3A_1773, %swap3A_1774] {strides = array<i32>} : memref<10x1x64xf32, #tpu.memory_space<vmem>>, vector<16xf32>,
      tpu.vector_store %arg7[%swap3A_1772, %swap3A_1773, %swap3A_1774], %gather3A_1769 {strides = array<i32>} : memref<10x1x64xf32, #tpu.memory_space<vmem>>, vector<16xf32>,
      %add3A_1776 = arith.addi %mul3A_2, %add3A_1728 : i32
      %dma_start3A_1777 = arith.constant 1 : i32
      %dma_start3A_1778 = arith.constant 0 : i32
      %dma_start3A_1779 = arith.constant 0 : i32
      %dma_start3A_1780 = tpu.memref_slice %arg7[%dma_start3A_1777, %dma_start3A_1778, %dma_start3A_1779] : memref<10x1x64xf32, #tpu.memory_space<vmem>> -> memref<1x1x64xf32, #tpu.memory_space<vmem>>
      %dma_start3A_1781 = tpu.memref_squeeze %dma_start3A_1780 : memref<1x1x64xf32, #tpu.memory_space<vmem>> -> memref<1x64xf32, #tpu.memory_space<vmem>>
      %dma_start3A_1782 = arith.constant 0 : i32
      %dma_start3A_1783 = arith.constant 0 : i32
      %dma_start3A_1784 = tpu.memref_slice %arg4[%add3A_1776, %dma_start3A_1782, %dma_start3A_1783] : memref<16384x1x64xf32, #tpu.memory_space<hbm>> -> memref<1x1x64xf32, #tpu.memory_space<hbm>>
      %dma_start3A_1785 = tpu.memref_squeeze %dma_start3A_1784 : memref<1x1x64xf32, #tpu.memory_space<hbm>> -> memref<1x64xf32, #tpu.memory_space<hbm>>
      %dma_start3A_1786 = arith.constant 0 : i32
      %dma_start3A_1787 = arith.constant 0 : i32
      %dma_start3A_1788 = tpu.memref_slice %arg4[%add3A_1776, %dma_start3A_1786, %dma_start3A_1787] : memref<16384x1x64xf32, #tpu.memory_space<hbm>> -> memref<1x1x64xf32, #tpu.memory_space<hbm>>
      %dma_start3A_1789 = tpu.memref_squeeze %dma_start3A_1788 : memref<1x1x64xf32, #tpu.memory_space<hbm>> -> memref<1x64xf32, #tpu.memory_space<hbm>>
      %dma_start3A_1790 = arith.constant 0 : i32
      %dma_start3A_1791 = arith.constant 0 : i32
      %dma_start3A_1792 = tpu.memref_slice %arg7[%dma_start3A_1777, %dma_start3A_1790, %dma_start3A_1791] : memref<10x1x64xf32, #tpu.memory_space<vmem>> -> memref<1x1x64xf32, #tpu.memory_space<vmem>>
      %dma_start3A_1793 = tpu.memref_squeeze %dma_start3A_1792 : memref<1x1x64xf32, #tpu.memory_space<vmem>> -> memref<1x64xf32, #tpu.memory_space<vmem>>
      tpu.enqueue_dma source(%dma_start3A_1793 : memref<1x64xf32, #tpu.memory_space<vmem>>) target(%dma_start3A_1789 : memref<1x64xf32, #tpu.memory_space<hbm>>) target_semaphore(%arg19 : memref<!tpu.dma_semaphore, #tpu.memory_space<semaphore_mem>>)
      %slice3A_1794 = vector.extract_strided_slice %get3A_1598 {offsets = [1], sizes = [1], strides = [1]} : vector<16xi32> to vector<1xi32>
      %squeeze3A_1795 = vector.extract %slice3A_1794[0] : i32 from vector<1xi32>
      %shift_right_logical3A_1796 = arith.constant 7 : i32
      %shift_right_logical3A_1797 = arith.shrui %squeeze3A_1795, %shift_right_logical3A_1796 : i32
      %shift_left3A_1798 = arith.constant 7 : i32
      %shift_left3A_1799 = arith.shli %shift_right_logical3A_1797, %shift_left3A_1798 : i32
      %multiple_of3A_1800 = tpu.assume_multiple %shift_left3A_1799, 128 : i32
      %dma_start3A_1801 = arith.constant 1 : i32
      %dma_start3A_1802 = arith.constant 0 : i32
      %dma_start3A_1803 = arith.constant 0 : i32
      %dma_start3A_1804 = tpu.memref_slice %arg6[%dma_start3A_1801, %dma_start3A_1802, %dma_start3A_1803] : memref<10x64x128xf32, #tpu.memory_space<vmem>> -> memref<1x64x128xf32, #tpu.memory_space<vmem>>
      %dma_start3A_1805 = tpu.memref_squeeze %dma_start3A_1804 : memref<1x64x128xf32, #tpu.memory_space<vmem>> -> memref<64x128xf32, #tpu.memory_space<vmem>>
      %dma_start3A_1806 = arith.constant 0 : i32
      %dma_start3A_1807 = tpu.memref_slice %arg2[%dma_start3A_1806, %multiple_of3A_1800] : memref<64x1000000xf32, #tpu.memory_space<hbm>> -> memref<64x128xf32, #tpu.memory_space<hbm>>
      %dma_start3A_1808 = arith.constant 0 : i32
      %dma_start3A_1809 = arith.constant 0 : i32
      %dma_start3A_1810 = tpu.memref_slice %arg6[%dma_start3A_1801, %dma_start3A_1808, %dma_start3A_1809] : memref<10x64x128xf32, #tpu.memory_space<vmem>> -> memref<1x64x128xf32, #tpu.memory_space<vmem>>
      %dma_start3A_1811 = tpu.memref_squeeze %dma_start3A_1810 : memref<1x64x128xf32, #tpu.memory_space<vmem>> -> memref<64x128xf32, #tpu.memory_space<vmem>>
      %dma_start3A_1812 = arith.constant 0 : i32
      %dma_start3A_1813 = tpu.memref_slice %arg2[%dma_start3A_1812, %multiple_of3A_1800] : memref<64x1000000xf32, #tpu.memory_space<hbm>> -> memref<64x128xf32, #tpu.memory_space<hbm>>
      tpu.enqueue_dma source(%dma_start3A_1813 : memref<64x128xf32, #tpu.memory_space<hbm>>) target(%dma_start3A_1811 : memref<64x128xf32, #tpu.memory_space<vmem>>) target_semaphore(%arg9 : memref<!tpu.dma_semaphore, #tpu.memory_space<semaphore_mem>>)
      %dma_wait3A_1814 = arith.constant 2 : i32
      %dma_wait3A_1815 = arith.constant 0 : i32
      %dma_wait3A_1816 = arith.constant 0 : i32
      %dma_wait3A_1817 = tpu.memref_slice %arg6[%dma_wait3A_1814, %dma_wait3A_1815, %dma_wait3A_1816] : memref<10x64x128xf32, #tpu.memory_space<vmem>> -> memref<1x64x128xf32, #tpu.memory_space<vmem>>
      %dma_wait3A_1818 = tpu.memref_squeeze %dma_wait3A_1817 : memref<1x64x128xf32, #tpu.memory_space<vmem>> -> memref<64x128xf32, #tpu.memory_space<vmem>>
      %dma_wait3A_1819 = arith.constant 0 : i32
      %dma_wait3A_1820 = arith.constant 0 : i32
      %dma_wait3A_1821 = tpu.memref_slice %arg2[%dma_wait3A_1819, %dma_wait3A_1820] : memref<64x1000000xf32, #tpu.memory_space<hbm>> -> memref<64x128xf32, #tpu.memory_space<hbm>>
      %dma_wait3A_1822 = arith.constant 0 : i32
      %dma_wait3A_1823 = arith.constant 0 : i32
      %dma_wait3A_1824 = tpu.memref_slice %arg6[%dma_wait3A_1814, %dma_wait3A_1822, %dma_wait3A_1823] : memref<10x64x128xf32, #tpu.memory_space<vmem>> -> memref<1x64x128xf32, #tpu.memory_space<vmem>>
      %dma_wait3A_1825 = tpu.memref_squeeze %dma_wait3A_1824 : memref<1x64x128xf32, #tpu.memory_space<vmem>> -> memref<64x128xf32, #tpu.memory_space<vmem>>
      %dma_wait3A_1826 = arith.constant 0 : i32
      %dma_wait3A_1827 = arith.constant 0 : i32
      %dma_wait3A_1828 = tpu.memref_slice %arg2[%dma_wait3A_1826, %dma_wait3A_1827] : memref<64x1000000xf32, #tpu.memory_space<hbm>> -> memref<64x128xf32, #tpu.memory_space<hbm>>
      tpu.wait_dma2 semaphore(%arg10 : memref<!tpu.dma_semaphore, #tpu.memory_space<semaphore_mem>>) src(%dma_wait3A_1828 : memref<64x128xf32, #tpu.memory_space<hbm>>) dst(%dma_wait3A_1825 : memref<64x128xf32, #tpu.memory_space<vmem>>)
      %gt3A_1829 = arith.constant 0 : i32
      %gt3A_1830 = arith.cmpi sgt, %scan3A_1588, %gt3A_1829 : i32
      %convert_element_type3A_1831 = arith.extui %gt3A_1830 : i1 to i32
      %cond3A_1832 = arith.constant 0 : i32
      %cond3A_1833 = arith.cmpi ne, %convert_element_type3A_1831, %cond3A_1832 : i32
      scf.if %cond3A_1833 {
        %dma_wait3A_2686 = arith.constant 2 : i32
        %dma_wait3A_2687 = arith.constant 0 : i32
        %dma_wait3A_2688 = arith.constant 0 : i32
        %dma_wait3A_2689 = tpu.memref_slice %arg7[%dma_wait3A_2686, %dma_wait3A_2687, %dma_wait3A_2688] : memref<10x1x64xf32, #tpu.memory_space<vmem>> -> memref<1x1x64xf32, #tpu.memory_space<vmem>>
        %dma_wait3A_2690 = tpu.memref_squeeze %dma_wait3A_2689 : memref<1x1x64xf32, #tpu.memory_space<vmem>> -> memref<1x64xf32, #tpu.memory_space<vmem>>
        %dma_wait3A_2691 = arith.constant 0 : i32
        %dma_wait3A_2692 = arith.constant 0 : i32
        %dma_wait3A_2693 = tpu.memref_slice %arg4[%mul3A_2, %dma_wait3A_2691, %dma_wait3A_2692] : memref<16384x1x64xf32, #tpu.memory_space<hbm>> -> memref<1x1x64xf32, #tpu.memory_space<hbm>>
        %dma_wait3A_2694 = tpu.memref_squeeze %dma_wait3A_2693 : memref<1x1x64xf32, #tpu.memory_space<hbm>> -> memref<1x64xf32, #tpu.memory_space<hbm>>
        %dma_wait3A_2695 = arith.constant 0 : i32
        %dma_wait3A_2696 = arith.constant 0 : i32
        %dma_wait3A_2697 = tpu.memref_slice %arg4[%mul3A_2, %dma_wait3A_2695, %dma_wait3A_2696] : memref<16384x1x64xf32, #tpu.memory_space<hbm>> -> memref<1x1x64xf32, #tpu.memory_space<hbm>>
        %dma_wait3A_2698 = tpu.memref_squeeze %dma_wait3A_2697 : memref<1x1x64xf32, #tpu.memory_space<hbm>> -> memref<1x64xf32, #tpu.memory_space<hbm>>
        %dma_wait3A_2699 = arith.constant 0 : i32
        %dma_wait3A_2700 = arith.constant 0 : i32
        %dma_wait3A_2701 = tpu.memref_slice %arg7[%dma_wait3A_2686, %dma_wait3A_2699, %dma_wait3A_2700] : memref<10x1x64xf32, #tpu.memory_space<vmem>> -> memref<1x1x64xf32, #tpu.memory_space<vmem>>
        %dma_wait3A_2702 = tpu.memref_squeeze %dma_wait3A_2701 : memref<1x1x64xf32, #tpu.memory_space<vmem>> -> memref<1x64xf32, #tpu.memory_space<vmem>>
        tpu.wait_dma2 semaphore(%arg20 : memref<!tpu.dma_semaphore, #tpu.memory_space<semaphore_mem>>) src(%dma_wait3A_2702 : memref<1x64xf32, #tpu.memory_space<vmem>>) dst(%dma_wait3A_2698 : memref<1x64xf32, #tpu.memory_space<hbm>>)
      } else {
      }
      %mul3A_1834 = arith.constant 10 : i32
      %mul3A_1835 = arith.muli %scan3A_1588, %mul3A_1834 : i32
      %add3A_1836 = arith.constant 2 : i32
      %add3A_1837 = arith.addi %mul3A_1835, %add3A_1836 : i32
      %slice3A_1838 = vector.extract_strided_slice %get3A_1592 {offsets = [2], sizes = [1], strides = [1]} : vector<16xi32> to vector<1xi32>
      %squeeze3A_1839 = vector.extract %slice3A_1838[0] : i32 from vector<1xi32>
      %and3A_1840 = arith.constant 127 : i32
      %and3A_1841 = arith.andi %squeeze3A_1839, %and3A_1840 : i32
      %broadcast_in_dim3A_1842 = vector.broadcast %and3A_1841 : i32 to vector<16xi32>
      %broadcast_in_dim3A_1843 = arith.constant 2 : i32
      %broadcast_in_dim3A_1844 = vector.broadcast %broadcast_in_dim3A_1843 : i32 to vector<16xi32>
      %add3A_1845 = arith.constant 0 : i32
      %add3A_1846 = vector.broadcast %add3A_1845 : i32 to vector<16xi32>
      %add3A_1847 = arith.addi %iota3A, %add3A_1846 : vector<16xi32>
      %gather3A_1848 = tpu.vector_load_idx %arg6[%broadcast_in_dim3A_1844, %add3A_1847, %broadcast_in_dim3A_1842] : memref<10x64x128xf32, #tpu.memory_space<vmem>>[vector<16xi32>, vector<16xi32>, vector<16xi32>], vector<16xf32>,
      %swap3A_1849 = arith.constant 2 : i32
      %swap3A_1850 = arith.constant 0 : i32
      %swap3A_1851 = arith.index_cast %swap3A_1849 : i32 to index
      %swap3A_1852 = arith.index_cast %swap3A_1850 : i32 to index
      %swap3A_1853 = arith.constant 0 : index
      %swap3A_1854 = tpu.vector_load %arg7[%swap3A_1851, %swap3A_1852, %swap3A_1853] {strides = array<i32>} : memref<10x1x64xf32, #tpu.memory_space<vmem>>, vector<16xf32>,
      tpu.vector_store %arg7[%swap3A_1851, %swap3A_1852, %swap3A_1853], %gather3A_1848 {strides = array<i32>} : memref<10x1x64xf32, #tpu.memory_space<vmem>>, vector<16xf32>,
      %add3A_1855 = arith.constant 16 : i32
      %add3A_1856 = vector.broadcast %add3A_1855 : i32 to vector<16xi32>
      %add3A_1857 = arith.addi %iota3A, %add3A_1856 : vector<16xi32>
      %gather3A_1858 = tpu.vector_load_idx %arg6[%broadcast_in_dim3A_1844, %add3A_1857, %broadcast_in_dim3A_1842] : memref<10x64x128xf32, #tpu.memory_space<vmem>>[vector<16xi32>, vector<16xi32>, vector<16xi32>], vector<16xf32>,
      %swap3A_1859 = arith.constant 2 : i32
      %swap3A_1860 = arith.constant 0 : i32
      %swap3A_1861 = arith.index_cast %swap3A_1859 : i32 to index
      %swap3A_1862 = arith.index_cast %swap3A_1860 : i32 to index
      %swap3A_1863 = arith.constant 16 : index
      %swap3A_1864 = tpu.vector_load %arg7[%swap3A_1861, %swap3A_1862, %swap3A_1863] {strides = array<i32>} : memref<10x1x64xf32, #tpu.memory_space<vmem>>, vector<16xf32>,
      tpu.vector_store %arg7[%swap3A_1861, %swap3A_1862, %swap3A_1863], %gather3A_1858 {strides = array<i32>} : memref<10x1x64xf32, #tpu.memory_space<vmem>>, vector<16xf32>,
      %add3A_1865 = arith.constant 32 : i32
      %add3A_1866 = vector.broadcast %add3A_1865 : i32 to vector<16xi32>
      %add3A_1867 = arith.addi %iota3A, %add3A_1866 : vector<16xi32>
      %gather3A_1868 = tpu.vector_load_idx %arg6[%broadcast_in_dim3A_1844, %add3A_1867, %broadcast_in_dim3A_1842] : memref<10x64x128xf32, #tpu.memory_space<vmem>>[vector<16xi32>, vector<16xi32>, vector<16xi32>], vector<16xf32>,
      %swap3A_1869 = arith.constant 2 : i32
      %swap3A_1870 = arith.constant 0 : i32
      %swap3A_1871 = arith.index_cast %swap3A_1869 : i32 to index
      %swap3A_1872 = arith.index_cast %swap3A_1870 : i32 to index
      %swap3A_1873 = arith.constant 32 : index
      %swap3A_1874 = tpu.vector_load %arg7[%swap3A_1871, %swap3A_1872, %swap3A_1873] {strides = array<i32>} : memref<10x1x64xf32, #tpu.memory_space<vmem>>, vector<16xf32>,
      tpu.vector_store %arg7[%swap3A_1871, %swap3A_1872, %swap3A_1873], %gather3A_1868 {strides = array<i32>} : memref<10x1x64xf32, #tpu.memory_space<vmem>>, vector<16xf32>,
      %add3A_1875 = arith.constant 48 : i32
      %add3A_1876 = vector.broadcast %add3A_1875 : i32 to vector<16xi32>
      %add3A_1877 = arith.addi %iota3A, %add3A_1876 : vector<16xi32>
      %gather3A_1878 = tpu.vector_load_idx %arg6[%broadcast_in_dim3A_1844, %add3A_1877, %broadcast_in_dim3A_1842] : memref<10x64x128xf32, #tpu.memory_space<vmem>>[vector<16xi32>, vector<16xi32>, vector<16xi32>], vector<16xf32>,
      %swap3A_1879 = arith.constant 2 : i32
      %swap3A_1880 = arith.constant 0 : i32
      %swap3A_1881 = arith.index_cast %swap3A_1879 : i32 to index
      %swap3A_1882 = arith.index_cast %swap3A_1880 : i32 to index
      %swap3A_1883 = arith.constant 48 : index
      %swap3A_1884 = tpu.vector_load %arg7[%swap3A_1881, %swap3A_1882, %swap3A_1883] {strides = array<i32>} : memref<10x1x64xf32, #tpu.memory_space<vmem>>, vector<16xf32>,
      tpu.vector_store %arg7[%swap3A_1881, %swap3A_1882, %swap3A_1883], %gather3A_1878 {strides = array<i32>} : memref<10x1x64xf32, #tpu.memory_space<vmem>>, vector<16xf32>,
      %add3A_1885 = arith.addi %mul3A_2, %add3A_1837 : i32
      %dma_start3A_1886 = arith.constant 2 : i32
      %dma_start3A_1887 = arith.constant 0 : i32
      %dma_start3A_1888 = arith.constant 0 : i32
      %dma_start3A_1889 = tpu.memref_slice %arg7[%dma_start3A_1886, %dma_start3A_1887, %dma_start3A_1888] : memref<10x1x64xf32, #tpu.memory_space<vmem>> -> memref<1x1x64xf32, #tpu.memory_space<vmem>>
      %dma_start3A_1890 = tpu.memref_squeeze %dma_start3A_1889 : memref<1x1x64xf32, #tpu.memory_space<vmem>> -> memref<1x64xf32, #tpu.memory_space<vmem>>
      %dma_start3A_1891 = arith.constant 0 : i32
      %dma_start3A_1892 = arith.constant 0 : i32
      %dma_start3A_1893 = tpu.memref_slice %arg4[%add3A_1885, %dma_start3A_1891, %dma_start3A_1892] : memref<16384x1x64xf32, #tpu.memory_space<hbm>> -> memref<1x1x64xf32, #tpu.memory_space<hbm>>
      %dma_start3A_1894 = tpu.memref_squeeze %dma_start3A_1893 : memref<1x1x64xf32, #tpu.memory_space<hbm>> -> memref<1x64xf32, #tpu.memory_space<hbm>>
      %dma_start3A_1895 = arith.constant 0 : i32
      %dma_start3A_1896 = arith.constant 0 : i32
      %dma_start3A_1897 = tpu.memref_slice %arg4[%add3A_1885, %dma_start3A_1895, %dma_start3A_1896] : memref<16384x1x64xf32, #tpu.memory_space<hbm>> -> memref<1x1x64xf32, #tpu.memory_space<hbm>>
      %dma_start3A_1898 = tpu.memref_squeeze %dma_start3A_1897 : memref<1x1x64xf32, #tpu.memory_space<hbm>> -> memref<1x64xf32, #tpu.memory_space<hbm>>
      %dma_start3A_1899 = arith.constant 0 : i32
      %dma_start3A_1900 = arith.constant 0 : i32
      %dma_start3A_1901 = tpu.memref_slice %arg7[%dma_start3A_1886, %dma_start3A_1899, %dma_start3A_1900] : memref<10x1x64xf32, #tpu.memory_space<vmem>> -> memref<1x1x64xf32, #tpu.memory_space<vmem>>
      %dma_start3A_1902 = tpu.memref_squeeze %dma_start3A_1901 : memref<1x1x64xf32, #tpu.memory_space<vmem>> -> memref<1x64xf32, #tpu.memory_space<vmem>>
      tpu.enqueue_dma source(%dma_start3A_1902 : memref<1x64xf32, #tpu.memory_space<vmem>>) target(%dma_start3A_1898 : memref<1x64xf32, #tpu.memory_space<hbm>>) target_semaphore(%arg20 : memref<!tpu.dma_semaphore, #tpu.memory_space<semaphore_mem>>)
      %slice3A_1903 = vector.extract_strided_slice %get3A_1598 {offsets = [2], sizes = [1], strides = [1]} : vector<16xi32> to vector<1xi32>
      %squeeze3A_1904 = vector.extract %slice3A_1903[0] : i32 from vector<1xi32>
      %shift_right_logical3A_1905 = arith.constant 7 : i32
      %shift_right_logical3A_1906 = arith.shrui %squeeze3A_1904, %shift_right_logical3A_1905 : i32
      %shift_left3A_1907 = arith.constant 7 : i32
      %shift_left3A_1908 = arith.shli %shift_right_logical3A_1906, %shift_left3A_1907 : i32
      %multiple_of3A_1909 = tpu.assume_multiple %shift_left3A_1908, 128 : i32
      %dma_start3A_1910 = arith.constant 2 : i32
      %dma_start3A_1911 = arith.constant 0 : i32
      %dma_start3A_1912 = arith.constant 0 : i32
      %dma_start3A_1913 = tpu.memref_slice %arg6[%dma_start3A_1910, %dma_start3A_1911, %dma_start3A_1912] : memref<10x64x128xf32, #tpu.memory_space<vmem>> -> memref<1x64x128xf32, #tpu.memory_space<vmem>>
      %dma_start3A_1914 = tpu.memref_squeeze %dma_start3A_1913 : memref<1x64x128xf32, #tpu.memory_space<vmem>> -> memref<64x128xf32, #tpu.memory_space<vmem>>
      %dma_start3A_1915 = arith.constant 0 : i32
      %dma_start3A_1916 = tpu.memref_slice %arg2[%dma_start3A_1915, %multiple_of3A_1909] : memref<64x1000000xf32, #tpu.memory_space<hbm>> -> memref<64x128xf32, #tpu.memory_space<hbm>>
      %dma_start3A_1917 = arith.constant 0 : i32
      %dma_start3A_1918 = arith.constant 0 : i32
      %dma_start3A_1919 = tpu.memref_slice %arg6[%dma_start3A_1910, %dma_start3A_1917, %dma_start3A_1918] : memref<10x64x128xf32, #tpu.memory_space<vmem>> -> memref<1x64x128xf32, #tpu.memory_space<vmem>>
      %dma_start3A_1920 = tpu.memref_squeeze %dma_start3A_1919 : memref<1x64x128xf32, #tpu.memory_space<vmem>> -> memref<64x128xf32, #tpu.memory_space<vmem>>
      %dma_start3A_1921 = arith.constant 0 : i32
      %dma_start3A_1922 = tpu.memref_slice %arg2[%dma_start3A_1921, %multiple_of3A_1909] : memref<64x1000000xf32, #tpu.memory_space<hbm>> -> memref<64x128xf32, #tpu.memory_space<hbm>>
      tpu.enqueue_dma source(%dma_start3A_1922 : memref<64x128xf32, #tpu.memory_space<hbm>>) target(%dma_start3A_1920 : memref<64x128xf32, #tpu.memory_space<vmem>>) target_semaphore(%arg10 : memref<!tpu.dma_semaphore, #tpu.memory_space<semaphore_mem>>)
      %dma_wait3A_1923 = arith.constant 3 : i32
      %dma_wait3A_1924 = arith.constant 0 : i32
      %dma_wait3A_1925 = arith.constant 0 : i32
      %dma_wait3A_1926 = tpu.memref_slice %arg6[%dma_wait3A_1923, %dma_wait3A_1924, %dma_wait3A_1925] : memref<10x64x128xf32, #tpu.memory_space<vmem>> -> memref<1x64x128xf32, #tpu.memory_space<vmem>>
      %dma_wait3A_1927 = tpu.memref_squeeze %dma_wait3A_1926 : memref<1x64x128xf32, #tpu.memory_space<vmem>> -> memref<64x128xf32, #tpu.memory_space<vmem>>
      %dma_wait3A_1928 = arith.constant 0 : i32
      %dma_wait3A_1929 = arith.constant 0 : i32
      %dma_wait3A_1930 = tpu.memref_slice %arg2[%dma_wait3A_1928, %dma_wait3A_1929] : memref<64x1000000xf32, #tpu.memory_space<hbm>> -> memref<64x128xf32, #tpu.memory_space<hbm>>
      %dma_wait3A_1931 = arith.constant 0 : i32
      %dma_wait3A_1932 = arith.constant 0 : i32
      %dma_wait3A_1933 = tpu.memref_slice %arg6[%dma_wait3A_1923, %dma_wait3A_1931, %dma_wait3A_1932] : memref<10x64x128xf32, #tpu.memory_space<vmem>> -> memref<1x64x128xf32, #tpu.memory_space<vmem>>
      %dma_wait3A_1934 = tpu.memref_squeeze %dma_wait3A_1933 : memref<1x64x128xf32, #tpu.memory_space<vmem>> -> memref<64x128xf32, #tpu.memory_space<vmem>>
      %dma_wait3A_1935 = arith.constant 0 : i32
      %dma_wait3A_1936 = arith.constant 0 : i32
      %dma_wait3A_1937 = tpu.memref_slice %arg2[%dma_wait3A_1935, %dma_wait3A_1936] : memref<64x1000000xf32, #tpu.memory_space<hbm>> -> memref<64x128xf32, #tpu.memory_space<hbm>>
      tpu.wait_dma2 semaphore(%arg11 : memref<!tpu.dma_semaphore, #tpu.memory_space<semaphore_mem>>) src(%dma_wait3A_1937 : memref<64x128xf32, #tpu.memory_space<hbm>>) dst(%dma_wait3A_1934 : memref<64x128xf32, #tpu.memory_space<vmem>>)
      %gt3A_1938 = arith.constant 0 : i32
      %gt3A_1939 = arith.cmpi sgt, %scan3A_1588, %gt3A_1938 : i32
      %convert_element_type3A_1940 = arith.extui %gt3A_1939 : i1 to i32
      %cond3A_1941 = arith.constant 0 : i32
      %cond3A_1942 = arith.cmpi ne, %convert_element_type3A_1940, %cond3A_1941 : i32
      scf.if %cond3A_1942 {
        %dma_wait3A_2686 = arith.constant 3 : i32
        %dma_wait3A_2687 = arith.constant 0 : i32
        %dma_wait3A_2688 = arith.constant 0 : i32
        %dma_wait3A_2689 = tpu.memref_slice %arg7[%dma_wait3A_2686, %dma_wait3A_2687, %dma_wait3A_2688] : memref<10x1x64xf32, #tpu.memory_space<vmem>> -> memref<1x1x64xf32, #tpu.memory_space<vmem>>
        %dma_wait3A_2690 = tpu.memref_squeeze %dma_wait3A_2689 : memref<1x1x64xf32, #tpu.memory_space<vmem>> -> memref<1x64xf32, #tpu.memory_space<vmem>>
        %dma_wait3A_2691 = arith.constant 0 : i32
        %dma_wait3A_2692 = arith.constant 0 : i32
        %dma_wait3A_2693 = tpu.memref_slice %arg4[%mul3A_2, %dma_wait3A_2691, %dma_wait3A_2692] : memref<16384x1x64xf32, #tpu.memory_space<hbm>> -> memref<1x1x64xf32, #tpu.memory_space<hbm>>
        %dma_wait3A_2694 = tpu.memref_squeeze %dma_wait3A_2693 : memref<1x1x64xf32, #tpu.memory_space<hbm>> -> memref<1x64xf32, #tpu.memory_space<hbm>>
        %dma_wait3A_2695 = arith.constant 0 : i32
        %dma_wait3A_2696 = arith.constant 0 : i32
        %dma_wait3A_2697 = tpu.memref_slice %arg4[%mul3A_2, %dma_wait3A_2695, %dma_wait3A_2696] : memref<16384x1x64xf32, #tpu.memory_space<hbm>> -> memref<1x1x64xf32, #tpu.memory_space<hbm>>
        %dma_wait3A_2698 = tpu.memref_squeeze %dma_wait3A_2697 : memref<1x1x64xf32, #tpu.memory_space<hbm>> -> memref<1x64xf32, #tpu.memory_space<hbm>>
        %dma_wait3A_2699 = arith.constant 0 : i32
        %dma_wait3A_2700 = arith.constant 0 : i32
        %dma_wait3A_2701 = tpu.memref_slice %arg7[%dma_wait3A_2686, %dma_wait3A_2699, %dma_wait3A_2700] : memref<10x1x64xf32, #tpu.memory_space<vmem>> -> memref<1x1x64xf32, #tpu.memory_space<vmem>>
        %dma_wait3A_2702 = tpu.memref_squeeze %dma_wait3A_2701 : memref<1x1x64xf32, #tpu.memory_space<vmem>> -> memref<1x64xf32, #tpu.memory_space<vmem>>
        tpu.wait_dma2 semaphore(%arg21 : memref<!tpu.dma_semaphore, #tpu.memory_space<semaphore_mem>>) src(%dma_wait3A_2702 : memref<1x64xf32, #tpu.memory_space<vmem>>) dst(%dma_wait3A_2698 : memref<1x64xf32, #tpu.memory_space<hbm>>)
      } else {
      }
      %mul3A_1943 = arith.constant 10 : i32
      %mul3A_1944 = arith.muli %scan3A_1588, %mul3A_1943 : i32
      %add3A_1945 = arith.constant 3 : i32
      %add3A_1946 = arith.addi %mul3A_1944, %add3A_1945 : i32
      %slice3A_1947 = vector.extract_strided_slice %get3A_1592 {offsets = [3], sizes = [1], strides = [1]} : vector<16xi32> to vector<1xi32>
      %squeeze3A_1948 = vector.extract %slice3A_1947[0] : i32 from vector<1xi32>
      %and3A_1949 = arith.constant 127 : i32
      %and3A_1950 = arith.andi %squeeze3A_1948, %and3A_1949 : i32
      %broadcast_in_dim3A_1951 = vector.broadcast %and3A_1950 : i32 to vector<16xi32>
      %broadcast_in_dim3A_1952 = arith.constant 3 : i32
      %broadcast_in_dim3A_1953 = vector.broadcast %broadcast_in_dim3A_1952 : i32 to vector<16xi32>
      %add3A_1954 = arith.constant 0 : i32
      %add3A_1955 = vector.broadcast %add3A_1954 : i32 to vector<16xi32>
      %add3A_1956 = arith.addi %iota3A, %add3A_1955 : vector<16xi32>
      %gather3A_1957 = tpu.vector_load_idx %arg6[%broadcast_in_dim3A_1953, %add3A_1956, %broadcast_in_dim3A_1951] : memref<10x64x128xf32, #tpu.memory_space<vmem>>[vector<16xi32>, vector<16xi32>, vector<16xi32>], vector<16xf32>,
      %swap3A_1958 = arith.constant 3 : i32
      %swap3A_1959 = arith.constant 0 : i32
      %swap3A_1960 = arith.index_cast %swap3A_1958 : i32 to index
      %swap3A_1961 = arith.index_cast %swap3A_1959 : i32 to index
      %swap3A_1962 = arith.constant 0 : index
      %swap3A_1963 = tpu.vector_load %arg7[%swap3A_1960, %swap3A_1961, %swap3A_1962] {strides = array<i32>} : memref<10x1x64xf32, #tpu.memory_space<vmem>>, vector<16xf32>,
      tpu.vector_store %arg7[%swap3A_1960, %swap3A_1961, %swap3A_1962], %gather3A_1957 {strides = array<i32>} : memref<10x1x64xf32, #tpu.memory_space<vmem>>, vector<16xf32>,
      %add3A_1964 = arith.constant 16 : i32
      %add3A_1965 = vector.broadcast %add3A_1964 : i32 to vector<16xi32>
      %add3A_1966 = arith.addi %iota3A, %add3A_1965 : vector<16xi32>
      %gather3A_1967 = tpu.vector_load_idx %arg6[%broadcast_in_dim3A_1953, %add3A_1966, %broadcast_in_dim3A_1951] : memref<10x64x128xf32, #tpu.memory_space<vmem>>[vector<16xi32>, vector<16xi32>, vector<16xi32>], vector<16xf32>,
      %swap3A_1968 = arith.constant 3 : i32
      %swap3A_1969 = arith.constant 0 : i32
      %swap3A_1970 = arith.index_cast %swap3A_1968 : i32 to index
      %swap3A_1971 = arith.index_cast %swap3A_1969 : i32 to index
      %swap3A_1972 = arith.constant 16 : index
      %swap3A_1973 = tpu.vector_load %arg7[%swap3A_1970, %swap3A_1971, %swap3A_1972] {strides = array<i32>} : memref<10x1x64xf32, #tpu.memory_space<vmem>>, vector<16xf32>,
      tpu.vector_store %arg7[%swap3A_1970, %swap3A_1971, %swap3A_1972], %gather3A_1967 {strides = array<i32>} : memref<10x1x64xf32, #tpu.memory_space<vmem>>, vector<16xf32>,
      %add3A_1974 = arith.constant 32 : i32
      %add3A_1975 = vector.broadcast %add3A_1974 : i32 to vector<16xi32>
      %add3A_1976 = arith.addi %iota3A, %add3A_1975 : vector<16xi32>
      %gather3A_1977 = tpu.vector_load_idx %arg6[%broadcast_in_dim3A_1953, %add3A_1976, %broadcast_in_dim3A_1951] : memref<10x64x128xf32, #tpu.memory_space<vmem>>[vector<16xi32>, vector<16xi32>, vector<16xi32>], vector<16xf32>,
      %swap3A_1978 = arith.constant 3 : i32
      %swap3A_1979 = arith.constant 0 : i32
      %swap3A_1980 = arith.index_cast %swap3A_1978 : i32 to index
      %swap3A_1981 = arith.index_cast %swap3A_1979 : i32 to index
      %swap3A_1982 = arith.constant 32 : index
      %swap3A_1983 = tpu.vector_load %arg7[%swap3A_1980, %swap3A_1981, %swap3A_1982] {strides = array<i32>} : memref<10x1x64xf32, #tpu.memory_space<vmem>>, vector<16xf32>,
      tpu.vector_store %arg7[%swap3A_1980, %swap3A_1981, %swap3A_1982], %gather3A_1977 {strides = array<i32>} : memref<10x1x64xf32, #tpu.memory_space<vmem>>, vector<16xf32>,
      %add3A_1984 = arith.constant 48 : i32
      %add3A_1985 = vector.broadcast %add3A_1984 : i32 to vector<16xi32>
      %add3A_1986 = arith.addi %iota3A, %add3A_1985 : vector<16xi32>
      %gather3A_1987 = tpu.vector_load_idx %arg6[%broadcast_in_dim3A_1953, %add3A_1986, %broadcast_in_dim3A_1951] : memref<10x64x128xf32, #tpu.memory_space<vmem>>[vector<16xi32>, vector<16xi32>, vector<16xi32>], vector<16xf32>,
      %swap3A_1988 = arith.constant 3 : i32
      %swap3A_1989 = arith.constant 0 : i32
      %swap3A_1990 = arith.index_cast %swap3A_1988 : i32 to index
      %swap3A_1991 = arith.index_cast %swap3A_1989 : i32 to index
      %swap3A_1992 = arith.constant 48 : index
      %swap3A_1993 = tpu.vector_load %arg7[%swap3A_1990, %swap3A_1991, %swap3A_1992] {strides = array<i32>} : memref<10x1x64xf32, #tpu.memory_space<vmem>>, vector<16xf32>,
      tpu.vector_store %arg7[%swap3A_1990, %swap3A_1991, %swap3A_1992], %gather3A_1987 {strides = array<i32>} : memref<10x1x64xf32, #tpu.memory_space<vmem>>, vector<16xf32>,
      %add3A_1994 = arith.addi %mul3A_2, %add3A_1946 : i32
      %dma_start3A_1995 = arith.constant 3 : i32
      %dma_start3A_1996 = arith.constant 0 : i32
      %dma_start3A_1997 = arith.constant 0 : i32
      %dma_start3A_1998 = tpu.memref_slice %arg7[%dma_start3A_1995, %dma_start3A_1996, %dma_start3A_1997] : memref<10x1x64xf32, #tpu.memory_space<vmem>> -> memref<1x1x64xf32, #tpu.memory_space<vmem>>
      %dma_start3A_1999 = tpu.memref_squeeze %dma_start3A_1998 : memref<1x1x64xf32, #tpu.memory_space<vmem>> -> memref<1x64xf32, #tpu.memory_space<vmem>>
      %dma_start3A_2000 = arith.constant 0 : i32
      %dma_start3A_2001 = arith.constant 0 : i32
      %dma_start3A_2002 = tpu.memref_slice %arg4[%add3A_1994, %dma_start3A_2000, %dma_start3A_2001] : memref<16384x1x64xf32, #tpu.memory_space<hbm>> -> memref<1x1x64xf32, #tpu.memory_space<hbm>>
      %dma_start3A_2003 = tpu.memref_squeeze %dma_start3A_2002 : memref<1x1x64xf32, #tpu.memory_space<hbm>> -> memref<1x64xf32, #tpu.memory_space<hbm>>
      %dma_start3A_2004 = arith.constant 0 : i32
      %dma_start3A_2005 = arith.constant 0 : i32
      %dma_start3A_2006 = tpu.memref_slice %arg4[%add3A_1994, %dma_start3A_2004, %dma_start3A_2005] : memref<16384x1x64xf32, #tpu.memory_space<hbm>> -> memref<1x1x64xf32, #tpu.memory_space<hbm>>
      %dma_start3A_2007 = tpu.memref_squeeze %dma_start3A_2006 : memref<1x1x64xf32, #tpu.memory_space<hbm>> -> memref<1x64xf32, #tpu.memory_space<hbm>>
      %dma_start3A_2008 = arith.constant 0 : i32
      %dma_start3A_2009 = arith.constant 0 : i32
      %dma_start3A_2010 = tpu.memref_slice %arg7[%dma_start3A_1995, %dma_start3A_2008, %dma_start3A_2009] : memref<10x1x64xf32, #tpu.memory_space<vmem>> -> memref<1x1x64xf32, #tpu.memory_space<vmem>>
      %dma_start3A_2011 = tpu.memref_squeeze %dma_start3A_2010 : memref<1x1x64xf32, #tpu.memory_space<vmem>> -> memref<1x64xf32, #tpu.memory_space<vmem>>
      tpu.enqueue_dma source(%dma_start3A_2011 : memref<1x64xf32, #tpu.memory_space<vmem>>) target(%dma_start3A_2007 : memref<1x64xf32, #tpu.memory_space<hbm>>) target_semaphore(%arg21 : memref<!tpu.dma_semaphore, #tpu.memory_space<semaphore_mem>>)
      %slice3A_2012 = vector.extract_strided_slice %get3A_1598 {offsets = [3], sizes = [1], strides = [1]} : vector<16xi32> to vector<1xi32>
      %squeeze3A_2013 = vector.extract %slice3A_2012[0] : i32 from vector<1xi32>
      %shift_right_logical3A_2014 = arith.constant 7 : i32
      %shift_right_logical3A_2015 = arith.shrui %squeeze3A_2013, %shift_right_logical3A_2014 : i32
      %shift_left3A_2016 = arith.constant 7 : i32
      %shift_left3A_2017 = arith.shli %shift_right_logical3A_2015, %shift_left3A_2016 : i32
      %multiple_of3A_2018 = tpu.assume_multiple %shift_left3A_2017, 128 : i32
      %dma_start3A_2019 = arith.constant 3 : i32
      %dma_start3A_2020 = arith.constant 0 : i32
      %dma_start3A_2021 = arith.constant 0 : i32
      %dma_start3A_2022 = tpu.memref_slice %arg6[%dma_start3A_2019, %dma_start3A_2020, %dma_start3A_2021] : memref<10x64x128xf32, #tpu.memory_space<vmem>> -> memref<1x64x128xf32, #tpu.memory_space<vmem>>
      %dma_start3A_2023 = tpu.memref_squeeze %dma_start3A_2022 : memref<1x64x128xf32, #tpu.memory_space<vmem>> -> memref<64x128xf32, #tpu.memory_space<vmem>>
      %dma_start3A_2024 = arith.constant 0 : i32
      %dma_start3A_2025 = tpu.memref_slice %arg2[%dma_start3A_2024, %multiple_of3A_2018] : memref<64x1000000xf32, #tpu.memory_space<hbm>> -> memref<64x128xf32, #tpu.memory_space<hbm>>
      %dma_start3A_2026 = arith.constant 0 : i32
      %dma_start3A_2027 = arith.constant 0 : i32
      %dma_start3A_2028 = tpu.memref_slice %arg6[%dma_start3A_2019, %dma_start3A_2026, %dma_start3A_2027] : memref<10x64x128xf32, #tpu.memory_space<vmem>> -> memref<1x64x128xf32, #tpu.memory_space<vmem>>
      %dma_start3A_2029 = tpu.memref_squeeze %dma_start3A_2028 : memref<1x64x128xf32, #tpu.memory_space<vmem>> -> memref<64x128xf32, #tpu.memory_space<vmem>>
      %dma_start3A_2030 = arith.constant 0 : i32
      %dma_start3A_2031 = tpu.memref_slice %arg2[%dma_start3A_2030, %multiple_of3A_2018] : memref<64x1000000xf32, #tpu.memory_space<hbm>> -> memref<64x128xf32, #tpu.memory_space<hbm>>
      tpu.enqueue_dma source(%dma_start3A_2031 : memref<64x128xf32, #tpu.memory_space<hbm>>) target(%dma_start3A_2029 : memref<64x128xf32, #tpu.memory_space<vmem>>) target_semaphore(%arg11 : memref<!tpu.dma_semaphore, #tpu.memory_space<semaphore_mem>>)
      %dma_wait3A_2032 = arith.constant 4 : i32
      %dma_wait3A_2033 = arith.constant 0 : i32
      %dma_wait3A_2034 = arith.constant 0 : i32
      %dma_wait3A_2035 = tpu.memref_slice %arg6[%dma_wait3A_2032, %dma_wait3A_2033, %dma_wait3A_2034] : memref<10x64x128xf32, #tpu.memory_space<vmem>> -> memref<1x64x128xf32, #tpu.memory_space<vmem>>
      %dma_wait3A_2036 = tpu.memref_squeeze %dma_wait3A_2035 : memref<1x64x128xf32, #tpu.memory_space<vmem>> -> memref<64x128xf32, #tpu.memory_space<vmem>>
      %dma_wait3A_2037 = arith.constant 0 : i32
      %dma_wait3A_2038 = arith.constant 0 : i32
      %dma_wait3A_2039 = tpu.memref_slice %arg2[%dma_wait3A_2037, %dma_wait3A_2038] : memref<64x1000000xf32, #tpu.memory_space<hbm>> -> memref<64x128xf32, #tpu.memory_space<hbm>>
      %dma_wait3A_2040 = arith.constant 0 : i32
      %dma_wait3A_2041 = arith.constant 0 : i32
      %dma_wait3A_2042 = tpu.memref_slice %arg6[%dma_wait3A_2032, %dma_wait3A_2040, %dma_wait3A_2041] : memref<10x64x128xf32, #tpu.memory_space<vmem>> -> memref<1x64x128xf32, #tpu.memory_space<vmem>>
      %dma_wait3A_2043 = tpu.memref_squeeze %dma_wait3A_2042 : memref<1x64x128xf32, #tpu.memory_space<vmem>> -> memref<64x128xf32, #tpu.memory_space<vmem>>
      %dma_wait3A_2044 = arith.constant 0 : i32
      %dma_wait3A_2045 = arith.constant 0 : i32
      %dma_wait3A_2046 = tpu.memref_slice %arg2[%dma_wait3A_2044, %dma_wait3A_2045] : memref<64x1000000xf32, #tpu.memory_space<hbm>> -> memref<64x128xf32, #tpu.memory_space<hbm>>
      tpu.wait_dma2 semaphore(%arg12 : memref<!tpu.dma_semaphore, #tpu.memory_space<semaphore_mem>>) src(%dma_wait3A_2046 : memref<64x128xf32, #tpu.memory_space<hbm>>) dst(%dma_wait3A_2043 : memref<64x128xf32, #tpu.memory_space<vmem>>)
      %gt3A_2047 = arith.constant 0 : i32
      %gt3A_2048 = arith.cmpi sgt, %scan3A_1588, %gt3A_2047 : i32
      %convert_element_type3A_2049 = arith.extui %gt3A_2048 : i1 to i32
      %cond3A_2050 = arith.constant 0 : i32
      %cond3A_2051 = arith.cmpi ne, %convert_element_type3A_2049, %cond3A_2050 : i32
      scf.if %cond3A_2051 {
        %dma_wait3A_2686 = arith.constant 4 : i32
        %dma_wait3A_2687 = arith.constant 0 : i32
        %dma_wait3A_2688 = arith.constant 0 : i32
        %dma_wait3A_2689 = tpu.memref_slice %arg7[%dma_wait3A_2686, %dma_wait3A_2687, %dma_wait3A_2688] : memref<10x1x64xf32, #tpu.memory_space<vmem>> -> memref<1x1x64xf32, #tpu.memory_space<vmem>>
        %dma_wait3A_2690 = tpu.memref_squeeze %dma_wait3A_2689 : memref<1x1x64xf32, #tpu.memory_space<vmem>> -> memref<1x64xf32, #tpu.memory_space<vmem>>
        %dma_wait3A_2691 = arith.constant 0 : i32
        %dma_wait3A_2692 = arith.constant 0 : i32
        %dma_wait3A_2693 = tpu.memref_slice %arg4[%mul3A_2, %dma_wait3A_2691, %dma_wait3A_2692] : memref<16384x1x64xf32, #tpu.memory_space<hbm>> -> memref<1x1x64xf32, #tpu.memory_space<hbm>>
        %dma_wait3A_2694 = tpu.memref_squeeze %dma_wait3A_2693 : memref<1x1x64xf32, #tpu.memory_space<hbm>> -> memref<1x64xf32, #tpu.memory_space<hbm>>
        %dma_wait3A_2695 = arith.constant 0 : i32
        %dma_wait3A_2696 = arith.constant 0 : i32
        %dma_wait3A_2697 = tpu.memref_slice %arg4[%mul3A_2, %dma_wait3A_2695, %dma_wait3A_2696] : memref<16384x1x64xf32, #tpu.memory_space<hbm>> -> memref<1x1x64xf32, #tpu.memory_space<hbm>>
        %dma_wait3A_2698 = tpu.memref_squeeze %dma_wait3A_2697 : memref<1x1x64xf32, #tpu.memory_space<hbm>> -> memref<1x64xf32, #tpu.memory_space<hbm>>
        %dma_wait3A_2699 = arith.constant 0 : i32
        %dma_wait3A_2700 = arith.constant 0 : i32
        %dma_wait3A_2701 = tpu.memref_slice %arg7[%dma_wait3A_2686, %dma_wait3A_2699, %dma_wait3A_2700] : memref<10x1x64xf32, #tpu.memory_space<vmem>> -> memref<1x1x64xf32, #tpu.memory_space<vmem>>
        %dma_wait3A_2702 = tpu.memref_squeeze %dma_wait3A_2701 : memref<1x1x64xf32, #tpu.memory_space<vmem>> -> memref<1x64xf32, #tpu.memory_space<vmem>>
        tpu.wait_dma2 semaphore(%arg22 : memref<!tpu.dma_semaphore, #tpu.memory_space<semaphore_mem>>) src(%dma_wait3A_2702 : memref<1x64xf32, #tpu.memory_space<vmem>>) dst(%dma_wait3A_2698 : memref<1x64xf32, #tpu.memory_space<hbm>>)
      } else {
      }
      %mul3A_2052 = arith.constant 10 : i32
      %mul3A_2053 = arith.muli %scan3A_1588, %mul3A_2052 : i32
      %add3A_2054 = arith.constant 4 : i32
      %add3A_2055 = arith.addi %mul3A_2053, %add3A_2054 : i32
      %slice3A_2056 = vector.extract_strided_slice %get3A_1592 {offsets = [4], sizes = [1], strides = [1]} : vector<16xi32> to vector<1xi32>
      %squeeze3A_2057 = vector.extract %slice3A_2056[0] : i32 from vector<1xi32>
      %and3A_2058 = arith.constant 127 : i32
      %and3A_2059 = arith.andi %squeeze3A_2057, %and3A_2058 : i32
      %broadcast_in_dim3A_2060 = vector.broadcast %and3A_2059 : i32 to vector<16xi32>
      %broadcast_in_dim3A_2061 = arith.constant 4 : i32
      %broadcast_in_dim3A_2062 = vector.broadcast %broadcast_in_dim3A_2061 : i32 to vector<16xi32>
      %add3A_2063 = arith.constant 0 : i32
      %add3A_2064 = vector.broadcast %add3A_2063 : i32 to vector<16xi32>
      %add3A_2065 = arith.addi %iota3A, %add3A_2064 : vector<16xi32>
      %gather3A_2066 = tpu.vector_load_idx %arg6[%broadcast_in_dim3A_2062, %add3A_2065, %broadcast_in_dim3A_2060] : memref<10x64x128xf32, #tpu.memory_space<vmem>>[vector<16xi32>, vector<16xi32>, vector<16xi32>], vector<16xf32>,
      %swap3A_2067 = arith.constant 4 : i32
      %swap3A_2068 = arith.constant 0 : i32
      %swap3A_2069 = arith.index_cast %swap3A_2067 : i32 to index
      %swap3A_2070 = arith.index_cast %swap3A_2068 : i32 to index
      %swap3A_2071 = arith.constant 0 : index
      %swap3A_2072 = tpu.vector_load %arg7[%swap3A_2069, %swap3A_2070, %swap3A_2071] {strides = array<i32>} : memref<10x1x64xf32, #tpu.memory_space<vmem>>, vector<16xf32>,
      tpu.vector_store %arg7[%swap3A_2069, %swap3A_2070, %swap3A_2071], %gather3A_2066 {strides = array<i32>} : memref<10x1x64xf32, #tpu.memory_space<vmem>>, vector<16xf32>,
      %add3A_2073 = arith.constant 16 : i32
      %add3A_2074 = vector.broadcast %add3A_2073 : i32 to vector<16xi32>
      %add3A_2075 = arith.addi %iota3A, %add3A_2074 : vector<16xi32>
      %gather3A_2076 = tpu.vector_load_idx %arg6[%broadcast_in_dim3A_2062, %add3A_2075, %broadcast_in_dim3A_2060] : memref<10x64x128xf32, #tpu.memory_space<vmem>>[vector<16xi32>, vector<16xi32>, vector<16xi32>], vector<16xf32>,
      %swap3A_2077 = arith.constant 4 : i32
      %swap3A_2078 = arith.constant 0 : i32
      %swap3A_2079 = arith.index_cast %swap3A_2077 : i32 to index
      %swap3A_2080 = arith.index_cast %swap3A_2078 : i32 to index
      %swap3A_2081 = arith.constant 16 : index
      %swap3A_2082 = tpu.vector_load %arg7[%swap3A_2079, %swap3A_2080, %swap3A_2081] {strides = array<i32>} : memref<10x1x64xf32, #tpu.memory_space<vmem>>, vector<16xf32>,
      tpu.vector_store %arg7[%swap3A_2079, %swap3A_2080, %swap3A_2081], %gather3A_2076 {strides = array<i32>} : memref<10x1x64xf32, #tpu.memory_space<vmem>>, vector<16xf32>,
      %add3A_2083 = arith.constant 32 : i32
      %add3A_2084 = vector.broadcast %add3A_2083 : i32 to vector<16xi32>
      %add3A_2085 = arith.addi %iota3A, %add3A_2084 : vector<16xi32>
      %gather3A_2086 = tpu.vector_load_idx %arg6[%broadcast_in_dim3A_2062, %add3A_2085, %broadcast_in_dim3A_2060] : memref<10x64x128xf32, #tpu.memory_space<vmem>>[vector<16xi32>, vector<16xi32>, vector<16xi32>], vector<16xf32>,
      %swap3A_2087 = arith.constant 4 : i32
      %swap3A_2088 = arith.constant 0 : i32
      %swap3A_2089 = arith.index_cast %swap3A_2087 : i32 to index
      %swap3A_2090 = arith.index_cast %swap3A_2088 : i32 to index
      %swap3A_2091 = arith.constant 32 : index
      %swap3A_2092 = tpu.vector_load %arg7[%swap3A_2089, %swap3A_2090, %swap3A_2091] {strides = array<i32>} : memref<10x1x64xf32, #tpu.memory_space<vmem>>, vector<16xf32>,
      tpu.vector_store %arg7[%swap3A_2089, %swap3A_2090, %swap3A_2091], %gather3A_2086 {strides = array<i32>} : memref<10x1x64xf32, #tpu.memory_space<vmem>>, vector<16xf32>,
      %add3A_2093 = arith.constant 48 : i32
      %add3A_2094 = vector.broadcast %add3A_2093 : i32 to vector<16xi32>
      %add3A_2095 = arith.addi %iota3A, %add3A_2094 : vector<16xi32>
      %gather3A_2096 = tpu.vector_load_idx %arg6[%broadcast_in_dim3A_2062, %add3A_2095, %broadcast_in_dim3A_2060] : memref<10x64x128xf32, #tpu.memory_space<vmem>>[vector<16xi32>, vector<16xi32>, vector<16xi32>], vector<16xf32>,
      %swap3A_2097 = arith.constant 4 : i32
      %swap3A_2098 = arith.constant 0 : i32
      %swap3A_2099 = arith.index_cast %swap3A_2097 : i32 to index
      %swap3A_2100 = arith.index_cast %swap3A_2098 : i32 to index
      %swap3A_2101 = arith.constant 48 : index
      %swap3A_2102 = tpu.vector_load %arg7[%swap3A_2099, %swap3A_2100, %swap3A_2101] {strides = array<i32>} : memref<10x1x64xf32, #tpu.memory_space<vmem>>, vector<16xf32>,
      tpu.vector_store %arg7[%swap3A_2099, %swap3A_2100, %swap3A_2101], %gather3A_2096 {strides = array<i32>} : memref<10x1x64xf32, #tpu.memory_space<vmem>>, vector<16xf32>,
      %add3A_2103 = arith.addi %mul3A_2, %add3A_2055 : i32
      %dma_start3A_2104 = arith.constant 4 : i32
      %dma_start3A_2105 = arith.constant 0 : i32
      %dma_start3A_2106 = arith.constant 0 : i32
      %dma_start3A_2107 = tpu.memref_slice %arg7[%dma_start3A_2104, %dma_start3A_2105, %dma_start3A_2106] : memref<10x1x64xf32, #tpu.memory_space<vmem>> -> memref<1x1x64xf32, #tpu.memory_space<vmem>>
      %dma_start3A_2108 = tpu.memref_squeeze %dma_start3A_2107 : memref<1x1x64xf32, #tpu.memory_space<vmem>> -> memref<1x64xf32, #tpu.memory_space<vmem>>
      %dma_start3A_2109 = arith.constant 0 : i32
      %dma_start3A_2110 = arith.constant 0 : i32
      %dma_start3A_2111 = tpu.memref_slice %arg4[%add3A_2103, %dma_start3A_2109, %dma_start3A_2110] : memref<16384x1x64xf32, #tpu.memory_space<hbm>> -> memref<1x1x64xf32, #tpu.memory_space<hbm>>
      %dma_start3A_2112 = tpu.memref_squeeze %dma_start3A_2111 : memref<1x1x64xf32, #tpu.memory_space<hbm>> -> memref<1x64xf32, #tpu.memory_space<hbm>>
      %dma_start3A_2113 = arith.constant 0 : i32
      %dma_start3A_2114 = arith.constant 0 : i32
      %dma_start3A_2115 = tpu.memref_slice %arg4[%add3A_2103, %dma_start3A_2113, %dma_start3A_2114] : memref<16384x1x64xf32, #tpu.memory_space<hbm>> -> memref<1x1x64xf32, #tpu.memory_space<hbm>>
      %dma_start3A_2116 = tpu.memref_squeeze %dma_start3A_2115 : memref<1x1x64xf32, #tpu.memory_space<hbm>> -> memref<1x64xf32, #tpu.memory_space<hbm>>
      %dma_start3A_2117 = arith.constant 0 : i32
      %dma_start3A_2118 = arith.constant 0 : i32
      %dma_start3A_2119 = tpu.memref_slice %arg7[%dma_start3A_2104, %dma_start3A_2117, %dma_start3A_2118] : memref<10x1x64xf32, #tpu.memory_space<vmem>> -> memref<1x1x64xf32, #tpu.memory_space<vmem>>
      %dma_start3A_2120 = tpu.memref_squeeze %dma_start3A_2119 : memref<1x1x64xf32, #tpu.memory_space<vmem>> -> memref<1x64xf32, #tpu.memory_space<vmem>>
      tpu.enqueue_dma source(%dma_start3A_2120 : memref<1x64xf32, #tpu.memory_space<vmem>>) target(%dma_start3A_2116 : memref<1x64xf32, #tpu.memory_space<hbm>>) target_semaphore(%arg22 : memref<!tpu.dma_semaphore, #tpu.memory_space<semaphore_mem>>)
      %slice3A_2121 = vector.extract_strided_slice %get3A_1598 {offsets = [4], sizes = [1], strides = [1]} : vector<16xi32> to vector<1xi32>
      %squeeze3A_2122 = vector.extract %slice3A_2121[0] : i32 from vector<1xi32>
      %shift_right_logical3A_2123 = arith.constant 7 : i32
      %shift_right_logical3A_2124 = arith.shrui %squeeze3A_2122, %shift_right_logical3A_2123 : i32
      %shift_left3A_2125 = arith.constant 7 : i32
      %shift_left3A_2126 = arith.shli %shift_right_logical3A_2124, %shift_left3A_2125 : i32
      %multiple_of3A_2127 = tpu.assume_multiple %shift_left3A_2126, 128 : i32
      %dma_start3A_2128 = arith.constant 4 : i32
      %dma_start3A_2129 = arith.constant 0 : i32
      %dma_start3A_2130 = arith.constant 0 : i32
      %dma_start3A_2131 = tpu.memref_slice %arg6[%dma_start3A_2128, %dma_start3A_2129, %dma_start3A_2130] : memref<10x64x128xf32, #tpu.memory_space<vmem>> -> memref<1x64x128xf32, #tpu.memory_space<vmem>>
      %dma_start3A_2132 = tpu.memref_squeeze %dma_start3A_2131 : memref<1x64x128xf32, #tpu.memory_space<vmem>> -> memref<64x128xf32, #tpu.memory_space<vmem>>
      %dma_start3A_2133 = arith.constant 0 : i32
      %dma_start3A_2134 = tpu.memref_slice %arg2[%dma_start3A_2133, %multiple_of3A_2127] : memref<64x1000000xf32, #tpu.memory_space<hbm>> -> memref<64x128xf32, #tpu.memory_space<hbm>>
      %dma_start3A_2135 = arith.constant 0 : i32
      %dma_start3A_2136 = arith.constant 0 : i32
      %dma_start3A_2137 = tpu.memref_slice %arg6[%dma_start3A_2128, %dma_start3A_2135, %dma_start3A_2136] : memref<10x64x128xf32, #tpu.memory_space<vmem>> -> memref<1x64x128xf32, #tpu.memory_space<vmem>>
      %dma_start3A_2138 = tpu.memref_squeeze %dma_start3A_2137 : memref<1x64x128xf32, #tpu.memory_space<vmem>> -> memref<64x128xf32, #tpu.memory_space<vmem>>
      %dma_start3A_2139 = arith.constant 0 : i32
      %dma_start3A_2140 = tpu.memref_slice %arg2[%dma_start3A_2139, %multiple_of3A_2127] : memref<64x1000000xf32, #tpu.memory_space<hbm>> -> memref<64x128xf32, #tpu.memory_space<hbm>>
      tpu.enqueue_dma source(%dma_start3A_2140 : memref<64x128xf32, #tpu.memory_space<hbm>>) target(%dma_start3A_2138 : memref<64x128xf32, #tpu.memory_space<vmem>>) target_semaphore(%arg12 : memref<!tpu.dma_semaphore, #tpu.memory_space<semaphore_mem>>)
      %dma_wait3A_2141 = arith.constant 5 : i32
      %dma_wait3A_2142 = arith.constant 0 : i32
      %dma_wait3A_2143 = arith.constant 0 : i32
      %dma_wait3A_2144 = tpu.memref_slice %arg6[%dma_wait3A_2141, %dma_wait3A_2142, %dma_wait3A_2143] : memref<10x64x128xf32, #tpu.memory_space<vmem>> -> memref<1x64x128xf32, #tpu.memory_space<vmem>>
      %dma_wait3A_2145 = tpu.memref_squeeze %dma_wait3A_2144 : memref<1x64x128xf32, #tpu.memory_space<vmem>> -> memref<64x128xf32, #tpu.memory_space<vmem>>
      %dma_wait3A_2146 = arith.constant 0 : i32
      %dma_wait3A_2147 = arith.constant 0 : i32
      %dma_wait3A_2148 = tpu.memref_slice %arg2[%dma_wait3A_2146, %dma_wait3A_2147] : memref<64x1000000xf32, #tpu.memory_space<hbm>> -> memref<64x128xf32, #tpu.memory_space<hbm>>
      %dma_wait3A_2149 = arith.constant 0 : i32
      %dma_wait3A_2150 = arith.constant 0 : i32
      %dma_wait3A_2151 = tpu.memref_slice %arg6[%dma_wait3A_2141, %dma_wait3A_2149, %dma_wait3A_2150] : memref<10x64x128xf32, #tpu.memory_space<vmem>> -> memref<1x64x128xf32, #tpu.memory_space<vmem>>
      %dma_wait3A_2152 = tpu.memref_squeeze %dma_wait3A_2151 : memref<1x64x128xf32, #tpu.memory_space<vmem>> -> memref<64x128xf32, #tpu.memory_space<vmem>>
      %dma_wait3A_2153 = arith.constant 0 : i32
      %dma_wait3A_2154 = arith.constant 0 : i32
      %dma_wait3A_2155 = tpu.memref_slice %arg2[%dma_wait3A_2153, %dma_wait3A_2154] : memref<64x1000000xf32, #tpu.memory_space<hbm>> -> memref<64x128xf32, #tpu.memory_space<hbm>>
      tpu.wait_dma2 semaphore(%arg13 : memref<!tpu.dma_semaphore, #tpu.memory_space<semaphore_mem>>) src(%dma_wait3A_2155 : memref<64x128xf32, #tpu.memory_space<hbm>>) dst(%dma_wait3A_2152 : memref<64x128xf32, #tpu.memory_space<vmem>>)
      %gt3A_2156 = arith.constant 0 : i32
      %gt3A_2157 = arith.cmpi sgt, %scan3A_1588, %gt3A_2156 : i32
      %convert_element_type3A_2158 = arith.extui %gt3A_2157 : i1 to i32
      %cond3A_2159 = arith.constant 0 : i32
      %cond3A_2160 = arith.cmpi ne, %convert_element_type3A_2158, %cond3A_2159 : i32
      scf.if %cond3A_2160 {
        %dma_wait3A_2686 = arith.constant 5 : i32
        %dma_wait3A_2687 = arith.constant 0 : i32
        %dma_wait3A_2688 = arith.constant 0 : i32
        %dma_wait3A_2689 = tpu.memref_slice %arg7[%dma_wait3A_2686, %dma_wait3A_2687, %dma_wait3A_2688] : memref<10x1x64xf32, #tpu.memory_space<vmem>> -> memref<1x1x64xf32, #tpu.memory_space<vmem>>
        %dma_wait3A_2690 = tpu.memref_squeeze %dma_wait3A_2689 : memref<1x1x64xf32, #tpu.memory_space<vmem>> -> memref<1x64xf32, #tpu.memory_space<vmem>>
        %dma_wait3A_2691 = arith.constant 0 : i32
        %dma_wait3A_2692 = arith.constant 0 : i32
        %dma_wait3A_2693 = tpu.memref_slice %arg4[%mul3A_2, %dma_wait3A_2691, %dma_wait3A_2692] : memref<16384x1x64xf32, #tpu.memory_space<hbm>> -> memref<1x1x64xf32, #tpu.memory_space<hbm>>
        %dma_wait3A_2694 = tpu.memref_squeeze %dma_wait3A_2693 : memref<1x1x64xf32, #tpu.memory_space<hbm>> -> memref<1x64xf32, #tpu.memory_space<hbm>>
        %dma_wait3A_2695 = arith.constant 0 : i32
        %dma_wait3A_2696 = arith.constant 0 : i32
        %dma_wait3A_2697 = tpu.memref_slice %arg4[%mul3A_2, %dma_wait3A_2695, %dma_wait3A_2696] : memref<16384x1x64xf32, #tpu.memory_space<hbm>> -> memref<1x1x64xf32, #tpu.memory_space<hbm>>
        %dma_wait3A_2698 = tpu.memref_squeeze %dma_wait3A_2697 : memref<1x1x64xf32, #tpu.memory_space<hbm>> -> memref<1x64xf32, #tpu.memory_space<hbm>>
        %dma_wait3A_2699 = arith.constant 0 : i32
        %dma_wait3A_2700 = arith.constant 0 : i32
        %dma_wait3A_2701 = tpu.memref_slice %arg7[%dma_wait3A_2686, %dma_wait3A_2699, %dma_wait3A_2700] : memref<10x1x64xf32, #tpu.memory_space<vmem>> -> memref<1x1x64xf32, #tpu.memory_space<vmem>>
        %dma_wait3A_2702 = tpu.memref_squeeze %dma_wait3A_2701 : memref<1x1x64xf32, #tpu.memory_space<vmem>> -> memref<1x64xf32, #tpu.memory_space<vmem>>
        tpu.wait_dma2 semaphore(%arg23 : memref<!tpu.dma_semaphore, #tpu.memory_space<semaphore_mem>>) src(%dma_wait3A_2702 : memref<1x64xf32, #tpu.memory_space<vmem>>) dst(%dma_wait3A_2698 : memref<1x64xf32, #tpu.memory_space<hbm>>)
      } else {
      }
      %mul3A_2161 = arith.constant 10 : i32
      %mul3A_2162 = arith.muli %scan3A_1588, %mul3A_2161 : i32
      %add3A_2163 = arith.constant 5 : i32
      %add3A_2164 = arith.addi %mul3A_2162, %add3A_2163 : i32
      %slice3A_2165 = vector.extract_strided_slice %get3A_1592 {offsets = [5], sizes = [1], strides = [1]} : vector<16xi32> to vector<1xi32>
      %squeeze3A_2166 = vector.extract %slice3A_2165[0] : i32 from vector<1xi32>
      %and3A_2167 = arith.constant 127 : i32
      %and3A_2168 = arith.andi %squeeze3A_2166, %and3A_2167 : i32
      %broadcast_in_dim3A_2169 = vector.broadcast %and3A_2168 : i32 to vector<16xi32>
      %broadcast_in_dim3A_2170 = arith.constant 5 : i32
      %broadcast_in_dim3A_2171 = vector.broadcast %broadcast_in_dim3A_2170 : i32 to vector<16xi32>
      %add3A_2172 = arith.constant 0 : i32
      %add3A_2173 = vector.broadcast %add3A_2172 : i32 to vector<16xi32>
      %add3A_2174 = arith.addi %iota3A, %add3A_2173 : vector<16xi32>
      %gather3A_2175 = tpu.vector_load_idx %arg6[%broadcast_in_dim3A_2171, %add3A_2174, %broadcast_in_dim3A_2169] : memref<10x64x128xf32, #tpu.memory_space<vmem>>[vector<16xi32>, vector<16xi32>, vector<16xi32>], vector<16xf32>,
      %swap3A_2176 = arith.constant 5 : i32
      %swap3A_2177 = arith.constant 0 : i32
      %swap3A_2178 = arith.index_cast %swap3A_2176 : i32 to index
      %swap3A_2179 = arith.index_cast %swap3A_2177 : i32 to index
      %swap3A_2180 = arith.constant 0 : index
      %swap3A_2181 = tpu.vector_load %arg7[%swap3A_2178, %swap3A_2179, %swap3A_2180] {strides = array<i32>} : memref<10x1x64xf32, #tpu.memory_space<vmem>>, vector<16xf32>,
      tpu.vector_store %arg7[%swap3A_2178, %swap3A_2179, %swap3A_2180], %gather3A_2175 {strides = array<i32>} : memref<10x1x64xf32, #tpu.memory_space<vmem>>, vector<16xf32>,
      %add3A_2182 = arith.constant 16 : i32
      %add3A_2183 = vector.broadcast %add3A_2182 : i32 to vector<16xi32>
      %add3A_2184 = arith.addi %iota3A, %add3A_2183 : vector<16xi32>
      %gather3A_2185 = tpu.vector_load_idx %arg6[%broadcast_in_dim3A_2171, %add3A_2184, %broadcast_in_dim3A_2169] : memref<10x64x128xf32, #tpu.memory_space<vmem>>[vector<16xi32>, vector<16xi32>, vector<16xi32>], vector<16xf32>,
      %swap3A_2186 = arith.constant 5 : i32
      %swap3A_2187 = arith.constant 0 : i32
      %swap3A_2188 = arith.index_cast %swap3A_2186 : i32 to index
      %swap3A_2189 = arith.index_cast %swap3A_2187 : i32 to index
      %swap3A_2190 = arith.constant 16 : index
      %swap3A_2191 = tpu.vector_load %arg7[%swap3A_2188, %swap3A_2189, %swap3A_2190] {strides = array<i32>} : memref<10x1x64xf32, #tpu.memory_space<vmem>>, vector<16xf32>,
      tpu.vector_store %arg7[%swap3A_2188, %swap3A_2189, %swap3A_2190], %gather3A_2185 {strides = array<i32>} : memref<10x1x64xf32, #tpu.memory_space<vmem>>, vector<16xf32>,
      %add3A_2192 = arith.constant 32 : i32
      %add3A_2193 = vector.broadcast %add3A_2192 : i32 to vector<16xi32>
      %add3A_2194 = arith.addi %iota3A, %add3A_2193 : vector<16xi32>
      %gather3A_2195 = tpu.vector_load_idx %arg6[%broadcast_in_dim3A_2171, %add3A_2194, %broadcast_in_dim3A_2169] : memref<10x64x128xf32, #tpu.memory_space<vmem>>[vector<16xi32>, vector<16xi32>, vector<16xi32>], vector<16xf32>,
      %swap3A_2196 = arith.constant 5 : i32
      %swap3A_2197 = arith.constant 0 : i32
      %swap3A_2198 = arith.index_cast %swap3A_2196 : i32 to index
      %swap3A_2199 = arith.index_cast %swap3A_2197 : i32 to index
      %swap3A_2200 = arith.constant 32 : index
      %swap3A_2201 = tpu.vector_load %arg7[%swap3A_2198, %swap3A_2199, %swap3A_2200] {strides = array<i32>} : memref<10x1x64xf32, #tpu.memory_space<vmem>>, vector<16xf32>,
      tpu.vector_store %arg7[%swap3A_2198, %swap3A_2199, %swap3A_2200], %gather3A_2195 {strides = array<i32>} : memref<10x1x64xf32, #tpu.memory_space<vmem>>, vector<16xf32>,
      %add3A_2202 = arith.constant 48 : i32
      %add3A_2203 = vector.broadcast %add3A_2202 : i32 to vector<16xi32>
      %add3A_2204 = arith.addi %iota3A, %add3A_2203 : vector<16xi32>
      %gather3A_2205 = tpu.vector_load_idx %arg6[%broadcast_in_dim3A_2171, %add3A_2204, %broadcast_in_dim3A_2169] : memref<10x64x128xf32, #tpu.memory_space<vmem>>[vector<16xi32>, vector<16xi32>, vector<16xi32>], vector<16xf32>,
      %swap3A_2206 = arith.constant 5 : i32
      %swap3A_2207 = arith.constant 0 : i32
      %swap3A_2208 = arith.index_cast %swap3A_2206 : i32 to index
      %swap3A_2209 = arith.index_cast %swap3A_2207 : i32 to index
      %swap3A_2210 = arith.constant 48 : index
      %swap3A_2211 = tpu.vector_load %arg7[%swap3A_2208, %swap3A_2209, %swap3A_2210] {strides = array<i32>} : memref<10x1x64xf32, #tpu.memory_space<vmem>>, vector<16xf32>,
      tpu.vector_store %arg7[%swap3A_2208, %swap3A_2209, %swap3A_2210], %gather3A_2205 {strides = array<i32>} : memref<10x1x64xf32, #tpu.memory_space<vmem>>, vector<16xf32>,
      %add3A_2212 = arith.addi %mul3A_2, %add3A_2164 : i32
      %dma_start3A_2213 = arith.constant 5 : i32
      %dma_start3A_2214 = arith.constant 0 : i32
      %dma_start3A_2215 = arith.constant 0 : i32
      %dma_start3A_2216 = tpu.memref_slice %arg7[%dma_start3A_2213, %dma_start3A_2214, %dma_start3A_2215] : memref<10x1x64xf32, #tpu.memory_space<vmem>> -> memref<1x1x64xf32, #tpu.memory_space<vmem>>
      %dma_start3A_2217 = tpu.memref_squeeze %dma_start3A_2216 : memref<1x1x64xf32, #tpu.memory_space<vmem>> -> memref<1x64xf32, #tpu.memory_space<vmem>>
      %dma_start3A_2218 = arith.constant 0 : i32
      %dma_start3A_2219 = arith.constant 0 : i32
      %dma_start3A_2220 = tpu.memref_slice %arg4[%add3A_2212, %dma_start3A_2218, %dma_start3A_2219] : memref<16384x1x64xf32, #tpu.memory_space<hbm>> -> memref<1x1x64xf32, #tpu.memory_space<hbm>>
      %dma_start3A_2221 = tpu.memref_squeeze %dma_start3A_2220 : memref<1x1x64xf32, #tpu.memory_space<hbm>> -> memref<1x64xf32, #tpu.memory_space<hbm>>
      %dma_start3A_2222 = arith.constant 0 : i32
      %dma_start3A_2223 = arith.constant 0 : i32
      %dma_start3A_2224 = tpu.memref_slice %arg4[%add3A_2212, %dma_start3A_2222, %dma_start3A_2223] : memref<16384x1x64xf32, #tpu.memory_space<hbm>> -> memref<1x1x64xf32, #tpu.memory_space<hbm>>
      %dma_start3A_2225 = tpu.memref_squeeze %dma_start3A_2224 : memref<1x1x64xf32, #tpu.memory_space<hbm>> -> memref<1x64xf32, #tpu.memory_space<hbm>>
      %dma_start3A_2226 = arith.constant 0 : i32
      %dma_start3A_2227 = arith.constant 0 : i32
      %dma_start3A_2228 = tpu.memref_slice %arg7[%dma_start3A_2213, %dma_start3A_2226, %dma_start3A_2227] : memref<10x1x64xf32, #tpu.memory_space<vmem>> -> memref<1x1x64xf32, #tpu.memory_space<vmem>>
      %dma_start3A_2229 = tpu.memref_squeeze %dma_start3A_2228 : memref<1x1x64xf32, #tpu.memory_space<vmem>> -> memref<1x64xf32, #tpu.memory_space<vmem>>
      tpu.enqueue_dma source(%dma_start3A_2229 : memref<1x64xf32, #tpu.memory_space<vmem>>) target(%dma_start3A_2225 : memref<1x64xf32, #tpu.memory_space<hbm>>) target_semaphore(%arg23 : memref<!tpu.dma_semaphore, #tpu.memory_space<semaphore_mem>>)
      %slice3A_2230 = vector.extract_strided_slice %get3A_1598 {offsets = [5], sizes = [1], strides = [1]} : vector<16xi32> to vector<1xi32>
      %squeeze3A_2231 = vector.extract %slice3A_2230[0] : i32 from vector<1xi32>
      %shift_right_logical3A_2232 = arith.constant 7 : i32
      %shift_right_logical3A_2233 = arith.shrui %squeeze3A_2231, %shift_right_logical3A_2232 : i32
      %shift_left3A_2234 = arith.constant 7 : i32
      %shift_left3A_2235 = arith.shli %shift_right_logical3A_2233, %shift_left3A_2234 : i32
      %multiple_of3A_2236 = tpu.assume_multiple %shift_left3A_2235, 128 : i32
      %dma_start3A_2237 = arith.constant 5 : i32
      %dma_start3A_2238 = arith.constant 0 : i32
      %dma_start3A_2239 = arith.constant 0 : i32
      %dma_start3A_2240 = tpu.memref_slice %arg6[%dma_start3A_2237, %dma_start3A_2238, %dma_start3A_2239] : memref<10x64x128xf32, #tpu.memory_space<vmem>> -> memref<1x64x128xf32, #tpu.memory_space<vmem>>
      %dma_start3A_2241 = tpu.memref_squeeze %dma_start3A_2240 : memref<1x64x128xf32, #tpu.memory_space<vmem>> -> memref<64x128xf32, #tpu.memory_space<vmem>>
      %dma_start3A_2242 = arith.constant 0 : i32
      %dma_start3A_2243 = tpu.memref_slice %arg2[%dma_start3A_2242, %multiple_of3A_2236] : memref<64x1000000xf32, #tpu.memory_space<hbm>> -> memref<64x128xf32, #tpu.memory_space<hbm>>
      %dma_start3A_2244 = arith.constant 0 : i32
      %dma_start3A_2245 = arith.constant 0 : i32
      %dma_start3A_2246 = tpu.memref_slice %arg6[%dma_start3A_2237, %dma_start3A_2244, %dma_start3A_2245] : memref<10x64x128xf32, #tpu.memory_space<vmem>> -> memref<1x64x128xf32, #tpu.memory_space<vmem>>
      %dma_start3A_2247 = tpu.memref_squeeze %dma_start3A_2246 : memref<1x64x128xf32, #tpu.memory_space<vmem>> -> memref<64x128xf32, #tpu.memory_space<vmem>>
      %dma_start3A_2248 = arith.constant 0 : i32
      %dma_start3A_2249 = tpu.memref_slice %arg2[%dma_start3A_2248, %multiple_of3A_2236] : memref<64x1000000xf32, #tpu.memory_space<hbm>> -> memref<64x128xf32, #tpu.memory_space<hbm>>
      tpu.enqueue_dma source(%dma_start3A_2249 : memref<64x128xf32, #tpu.memory_space<hbm>>) target(%dma_start3A_2247 : memref<64x128xf32, #tpu.memory_space<vmem>>) target_semaphore(%arg13 : memref<!tpu.dma_semaphore, #tpu.memory_space<semaphore_mem>>)
      %dma_wait3A_2250 = arith.constant 6 : i32
      %dma_wait3A_2251 = arith.constant 0 : i32
      %dma_wait3A_2252 = arith.constant 0 : i32
      %dma_wait3A_2253 = tpu.memref_slice %arg6[%dma_wait3A_2250, %dma_wait3A_2251, %dma_wait3A_2252] : memref<10x64x128xf32, #tpu.memory_space<vmem>> -> memref<1x64x128xf32, #tpu.memory_space<vmem>>
      %dma_wait3A_2254 = tpu.memref_squeeze %dma_wait3A_2253 : memref<1x64x128xf32, #tpu.memory_space<vmem>> -> memref<64x128xf32, #tpu.memory_space<vmem>>
      %dma_wait3A_2255 = arith.constant 0 : i32
      %dma_wait3A_2256 = arith.constant 0 : i32
      %dma_wait3A_2257 = tpu.memref_slice %arg2[%dma_wait3A_2255, %dma_wait3A_2256] : memref<64x1000000xf32, #tpu.memory_space<hbm>> -> memref<64x128xf32, #tpu.memory_space<hbm>>
      %dma_wait3A_2258 = arith.constant 0 : i32
      %dma_wait3A_2259 = arith.constant 0 : i32
      %dma_wait3A_2260 = tpu.memref_slice %arg6[%dma_wait3A_2250, %dma_wait3A_2258, %dma_wait3A_2259] : memref<10x64x128xf32, #tpu.memory_space<vmem>> -> memref<1x64x128xf32, #tpu.memory_space<vmem>>
      %dma_wait3A_2261 = tpu.memref_squeeze %dma_wait3A_2260 : memref<1x64x128xf32, #tpu.memory_space<vmem>> -> memref<64x128xf32, #tpu.memory_space<vmem>>
      %dma_wait3A_2262 = arith.constant 0 : i32
      %dma_wait3A_2263 = arith.constant 0 : i32
      %dma_wait3A_2264 = tpu.memref_slice %arg2[%dma_wait3A_2262, %dma_wait3A_2263] : memref<64x1000000xf32, #tpu.memory_space<hbm>> -> memref<64x128xf32, #tpu.memory_space<hbm>>
      tpu.wait_dma2 semaphore(%arg14 : memref<!tpu.dma_semaphore, #tpu.memory_space<semaphore_mem>>) src(%dma_wait3A_2264 : memref<64x128xf32, #tpu.memory_space<hbm>>) dst(%dma_wait3A_2261 : memref<64x128xf32, #tpu.memory_space<vmem>>)
      %gt3A_2265 = arith.constant 0 : i32
      %gt3A_2266 = arith.cmpi sgt, %scan3A_1588, %gt3A_2265 : i32
      %convert_element_type3A_2267 = arith.extui %gt3A_2266 : i1 to i32
      %cond3A_2268 = arith.constant 0 : i32
      %cond3A_2269 = arith.cmpi ne, %convert_element_type3A_2267, %cond3A_2268 : i32
      scf.if %cond3A_2269 {
        %dma_wait3A_2686 = arith.constant 6 : i32
        %dma_wait3A_2687 = arith.constant 0 : i32
        %dma_wait3A_2688 = arith.constant 0 : i32
        %dma_wait3A_2689 = tpu.memref_slice %arg7[%dma_wait3A_2686, %dma_wait3A_2687, %dma_wait3A_2688] : memref<10x1x64xf32, #tpu.memory_space<vmem>> -> memref<1x1x64xf32, #tpu.memory_space<vmem>>
        %dma_wait3A_2690 = tpu.memref_squeeze %dma_wait3A_2689 : memref<1x1x64xf32, #tpu.memory_space<vmem>> -> memref<1x64xf32, #tpu.memory_space<vmem>>
        %dma_wait3A_2691 = arith.constant 0 : i32
        %dma_wait3A_2692 = arith.constant 0 : i32
        %dma_wait3A_2693 = tpu.memref_slice %arg4[%mul3A_2, %dma_wait3A_2691, %dma_wait3A_2692] : memref<16384x1x64xf32, #tpu.memory_space<hbm>> -> memref<1x1x64xf32, #tpu.memory_space<hbm>>
        %dma_wait3A_2694 = tpu.memref_squeeze %dma_wait3A_2693 : memref<1x1x64xf32, #tpu.memory_space<hbm>> -> memref<1x64xf32, #tpu.memory_space<hbm>>
        %dma_wait3A_2695 = arith.constant 0 : i32
        %dma_wait3A_2696 = arith.constant 0 : i32
        %dma_wait3A_2697 = tpu.memref_slice %arg4[%mul3A_2, %dma_wait3A_2695, %dma_wait3A_2696] : memref<16384x1x64xf32, #tpu.memory_space<hbm>> -> memref<1x1x64xf32, #tpu.memory_space<hbm>>
        %dma_wait3A_2698 = tpu.memref_squeeze %dma_wait3A_2697 : memref<1x1x64xf32, #tpu.memory_space<hbm>> -> memref<1x64xf32, #tpu.memory_space<hbm>>
        %dma_wait3A_2699 = arith.constant 0 : i32
        %dma_wait3A_2700 = arith.constant 0 : i32
        %dma_wait3A_2701 = tpu.memref_slice %arg7[%dma_wait3A_2686, %dma_wait3A_2699, %dma_wait3A_2700] : memref<10x1x64xf32, #tpu.memory_space<vmem>> -> memref<1x1x64xf32, #tpu.memory_space<vmem>>
        %dma_wait3A_2702 = tpu.memref_squeeze %dma_wait3A_2701 : memref<1x1x64xf32, #tpu.memory_space<vmem>> -> memref<1x64xf32, #tpu.memory_space<vmem>>
        tpu.wait_dma2 semaphore(%arg24 : memref<!tpu.dma_semaphore, #tpu.memory_space<semaphore_mem>>) src(%dma_wait3A_2702 : memref<1x64xf32, #tpu.memory_space<vmem>>) dst(%dma_wait3A_2698 : memref<1x64xf32, #tpu.memory_space<hbm>>)
      } else {
      }
      %mul3A_2270 = arith.constant 10 : i32
      %mul3A_2271 = arith.muli %scan3A_1588, %mul3A_2270 : i32
      %add3A_2272 = arith.constant 6 : i32
      %add3A_2273 = arith.addi %mul3A_2271, %add3A_2272 : i32
      %slice3A_2274 = vector.extract_strided_slice %get3A_1592 {offsets = [6], sizes = [1], strides = [1]} : vector<16xi32> to vector<1xi32>
      %squeeze3A_2275 = vector.extract %slice3A_2274[0] : i32 from vector<1xi32>
      %and3A_2276 = arith.constant 127 : i32
      %and3A_2277 = arith.andi %squeeze3A_2275, %and3A_2276 : i32
      %broadcast_in_dim3A_2278 = vector.broadcast %and3A_2277 : i32 to vector<16xi32>
      %broadcast_in_dim3A_2279 = arith.constant 6 : i32
      %broadcast_in_dim3A_2280 = vector.broadcast %broadcast_in_dim3A_2279 : i32 to vector<16xi32>
      %add3A_2281 = arith.constant 0 : i32
      %add3A_2282 = vector.broadcast %add3A_2281 : i32 to vector<16xi32>
      %add3A_2283 = arith.addi %iota3A, %add3A_2282 : vector<16xi32>
      %gather3A_2284 = tpu.vector_load_idx %arg6[%broadcast_in_dim3A_2280, %add3A_2283, %broadcast_in_dim3A_2278] : memref<10x64x128xf32, #tpu.memory_space<vmem>>[vector<16xi32>, vector<16xi32>, vector<16xi32>], vector<16xf32>,
      %swap3A_2285 = arith.constant 6 : i32
      %swap3A_2286 = arith.constant 0 : i32
      %swap3A_2287 = arith.index_cast %swap3A_2285 : i32 to index
      %swap3A_2288 = arith.index_cast %swap3A_2286 : i32 to index
      %swap3A_2289 = arith.constant 0 : index
      %swap3A_2290 = tpu.vector_load %arg7[%swap3A_2287, %swap3A_2288, %swap3A_2289] {strides = array<i32>} : memref<10x1x64xf32, #tpu.memory_space<vmem>>, vector<16xf32>,
      tpu.vector_store %arg7[%swap3A_2287, %swap3A_2288, %swap3A_2289], %gather3A_2284 {strides = array<i32>} : memref<10x1x64xf32, #tpu.memory_space<vmem>>, vector<16xf32>,
      %add3A_2291 = arith.constant 16 : i32
      %add3A_2292 = vector.broadcast %add3A_2291 : i32 to vector<16xi32>
      %add3A_2293 = arith.addi %iota3A, %add3A_2292 : vector<16xi32>
      %gather3A_2294 = tpu.vector_load_idx %arg6[%broadcast_in_dim3A_2280, %add3A_2293, %broadcast_in_dim3A_2278] : memref<10x64x128xf32, #tpu.memory_space<vmem>>[vector<16xi32>, vector<16xi32>, vector<16xi32>], vector<16xf32>,
      %swap3A_2295 = arith.constant 6 : i32
      %swap3A_2296 = arith.constant 0 : i32
      %swap3A_2297 = arith.index_cast %swap3A_2295 : i32 to index
      %swap3A_2298 = arith.index_cast %swap3A_2296 : i32 to index
      %swap3A_2299 = arith.constant 16 : index
      %swap3A_2300 = tpu.vector_load %arg7[%swap3A_2297, %swap3A_2298, %swap3A_2299] {strides = array<i32>} : memref<10x1x64xf32, #tpu.memory_space<vmem>>, vector<16xf32>,
      tpu.vector_store %arg7[%swap3A_2297, %swap3A_2298, %swap3A_2299], %gather3A_2294 {strides = array<i32>} : memref<10x1x64xf32, #tpu.memory_space<vmem>>, vector<16xf32>,
      %add3A_2301 = arith.constant 32 : i32
      %add3A_2302 = vector.broadcast %add3A_2301 : i32 to vector<16xi32>
      %add3A_2303 = arith.addi %iota3A, %add3A_2302 : vector<16xi32>
      %gather3A_2304 = tpu.vector_load_idx %arg6[%broadcast_in_dim3A_2280, %add3A_2303, %broadcast_in_dim3A_2278] : memref<10x64x128xf32, #tpu.memory_space<vmem>>[vector<16xi32>, vector<16xi32>, vector<16xi32>], vector<16xf32>,
      %swap3A_2305 = arith.constant 6 : i32
      %swap3A_2306 = arith.constant 0 : i32
      %swap3A_2307 = arith.index_cast %swap3A_2305 : i32 to index
      %swap3A_2308 = arith.index_cast %swap3A_2306 : i32 to index
      %swap3A_2309 = arith.constant 32 : index
      %swap3A_2310 = tpu.vector_load %arg7[%swap3A_2307, %swap3A_2308, %swap3A_2309] {strides = array<i32>} : memref<10x1x64xf32, #tpu.memory_space<vmem>>, vector<16xf32>,
      tpu.vector_store %arg7[%swap3A_2307, %swap3A_2308, %swap3A_2309], %gather3A_2304 {strides = array<i32>} : memref<10x1x64xf32, #tpu.memory_space<vmem>>, vector<16xf32>,
      %add3A_2311 = arith.constant 48 : i32
      %add3A_2312 = vector.broadcast %add3A_2311 : i32 to vector<16xi32>
      %add3A_2313 = arith.addi %iota3A, %add3A_2312 : vector<16xi32>
      %gather3A_2314 = tpu.vector_load_idx %arg6[%broadcast_in_dim3A_2280, %add3A_2313, %broadcast_in_dim3A_2278] : memref<10x64x128xf32, #tpu.memory_space<vmem>>[vector<16xi32>, vector<16xi32>, vector<16xi32>], vector<16xf32>,
      %swap3A_2315 = arith.constant 6 : i32
      %swap3A_2316 = arith.constant 0 : i32
      %swap3A_2317 = arith.index_cast %swap3A_2315 : i32 to index
      %swap3A_2318 = arith.index_cast %swap3A_2316 : i32 to index
      %swap3A_2319 = arith.constant 48 : index
      %swap3A_2320 = tpu.vector_load %arg7[%swap3A_2317, %swap3A_2318, %swap3A_2319] {strides = array<i32>} : memref<10x1x64xf32, #tpu.memory_space<vmem>>, vector<16xf32>,
      tpu.vector_store %arg7[%swap3A_2317, %swap3A_2318, %swap3A_2319], %gather3A_2314 {strides = array<i32>} : memref<10x1x64xf32, #tpu.memory_space<vmem>>, vector<16xf32>,
      %add3A_2321 = arith.addi %mul3A_2, %add3A_2273 : i32
      %dma_start3A_2322 = arith.constant 6 : i32
      %dma_start3A_2323 = arith.constant 0 : i32
      %dma_start3A_2324 = arith.constant 0 : i32
      %dma_start3A_2325 = tpu.memref_slice %arg7[%dma_start3A_2322, %dma_start3A_2323, %dma_start3A_2324] : memref<10x1x64xf32, #tpu.memory_space<vmem>> -> memref<1x1x64xf32, #tpu.memory_space<vmem>>
      %dma_start3A_2326 = tpu.memref_squeeze %dma_start3A_2325 : memref<1x1x64xf32, #tpu.memory_space<vmem>> -> memref<1x64xf32, #tpu.memory_space<vmem>>
      %dma_start3A_2327 = arith.constant 0 : i32
      %dma_start3A_2328 = arith.constant 0 : i32
      %dma_start3A_2329 = tpu.memref_slice %arg4[%add3A_2321, %dma_start3A_2327, %dma_start3A_2328] : memref<16384x1x64xf32, #tpu.memory_space<hbm>> -> memref<1x1x64xf32, #tpu.memory_space<hbm>>
      %dma_start3A_2330 = tpu.memref_squeeze %dma_start3A_2329 : memref<1x1x64xf32, #tpu.memory_space<hbm>> -> memref<1x64xf32, #tpu.memory_space<hbm>>
      %dma_start3A_2331 = arith.constant 0 : i32
      %dma_start3A_2332 = arith.constant 0 : i32
      %dma_start3A_2333 = tpu.memref_slice %arg4[%add3A_2321, %dma_start3A_2331, %dma_start3A_2332] : memref<16384x1x64xf32, #tpu.memory_space<hbm>> -> memref<1x1x64xf32, #tpu.memory_space<hbm>>
      %dma_start3A_2334 = tpu.memref_squeeze %dma_start3A_2333 : memref<1x1x64xf32, #tpu.memory_space<hbm>> -> memref<1x64xf32, #tpu.memory_space<hbm>>
      %dma_start3A_2335 = arith.constant 0 : i32
      %dma_start3A_2336 = arith.constant 0 : i32
      %dma_start3A_2337 = tpu.memref_slice %arg7[%dma_start3A_2322, %dma_start3A_2335, %dma_start3A_2336] : memref<10x1x64xf32, #tpu.memory_space<vmem>> -> memref<1x1x64xf32, #tpu.memory_space<vmem>>
      %dma_start3A_2338 = tpu.memref_squeeze %dma_start3A_2337 : memref<1x1x64xf32, #tpu.memory_space<vmem>> -> memref<1x64xf32, #tpu.memory_space<vmem>>
      tpu.enqueue_dma source(%dma_start3A_2338 : memref<1x64xf32, #tpu.memory_space<vmem>>) target(%dma_start3A_2334 : memref<1x64xf32, #tpu.memory_space<hbm>>) target_semaphore(%arg24 : memref<!tpu.dma_semaphore, #tpu.memory_space<semaphore_mem>>)
      %slice3A_2339 = vector.extract_strided_slice %get3A_1598 {offsets = [6], sizes = [1], strides = [1]} : vector<16xi32> to vector<1xi32>
      %squeeze3A_2340 = vector.extract %slice3A_2339[0] : i32 from vector<1xi32>
      %shift_right_logical3A_2341 = arith.constant 7 : i32
      %shift_right_logical3A_2342 = arith.shrui %squeeze3A_2340, %shift_right_logical3A_2341 : i32
      %shift_left3A_2343 = arith.constant 7 : i32
      %shift_left3A_2344 = arith.shli %shift_right_logical3A_2342, %shift_left3A_2343 : i32
      %multiple_of3A_2345 = tpu.assume_multiple %shift_left3A_2344, 128 : i32
      %dma_start3A_2346 = arith.constant 6 : i32
      %dma_start3A_2347 = arith.constant 0 : i32
      %dma_start3A_2348 = arith.constant 0 : i32
      %dma_start3A_2349 = tpu.memref_slice %arg6[%dma_start3A_2346, %dma_start3A_2347, %dma_start3A_2348] : memref<10x64x128xf32, #tpu.memory_space<vmem>> -> memref<1x64x128xf32, #tpu.memory_space<vmem>>
      %dma_start3A_2350 = tpu.memref_squeeze %dma_start3A_2349 : memref<1x64x128xf32, #tpu.memory_space<vmem>> -> memref<64x128xf32, #tpu.memory_space<vmem>>
      %dma_start3A_2351 = arith.constant 0 : i32
      %dma_start3A_2352 = tpu.memref_slice %arg2[%dma_start3A_2351, %multiple_of3A_2345] : memref<64x1000000xf32, #tpu.memory_space<hbm>> -> memref<64x128xf32, #tpu.memory_space<hbm>>
      %dma_start3A_2353 = arith.constant 0 : i32
      %dma_start3A_2354 = arith.constant 0 : i32
      %dma_start3A_2355 = tpu.memref_slice %arg6[%dma_start3A_2346, %dma_start3A_2353, %dma_start3A_2354] : memref<10x64x128xf32, #tpu.memory_space<vmem>> -> memref<1x64x128xf32, #tpu.memory_space<vmem>>
      %dma_start3A_2356 = tpu.memref_squeeze %dma_start3A_2355 : memref<1x64x128xf32, #tpu.memory_space<vmem>> -> memref<64x128xf32, #tpu.memory_space<vmem>>
      %dma_start3A_2357 = arith.constant 0 : i32
      %dma_start3A_2358 = tpu.memref_slice %arg2[%dma_start3A_2357, %multiple_of3A_2345] : memref<64x1000000xf32, #tpu.memory_space<hbm>> -> memref<64x128xf32, #tpu.memory_space<hbm>>
      tpu.enqueue_dma source(%dma_start3A_2358 : memref<64x128xf32, #tpu.memory_space<hbm>>) target(%dma_start3A_2356 : memref<64x128xf32, #tpu.memory_space<vmem>>) target_semaphore(%arg14 : memref<!tpu.dma_semaphore, #tpu.memory_space<semaphore_mem>>)
      %dma_wait3A_2359 = arith.constant 7 : i32
      %dma_wait3A_2360 = arith.constant 0 : i32
      %dma_wait3A_2361 = arith.constant 0 : i32
      %dma_wait3A_2362 = tpu.memref_slice %arg6[%dma_wait3A_2359, %dma_wait3A_2360, %dma_wait3A_2361] : memref<10x64x128xf32, #tpu.memory_space<vmem>> -> memref<1x64x128xf32, #tpu.memory_space<vmem>>
      %dma_wait3A_2363 = tpu.memref_squeeze %dma_wait3A_2362 : memref<1x64x128xf32, #tpu.memory_space<vmem>> -> memref<64x128xf32, #tpu.memory_space<vmem>>
      %dma_wait3A_2364 = arith.constant 0 : i32
      %dma_wait3A_2365 = arith.constant 0 : i32
      %dma_wait3A_2366 = tpu.memref_slice %arg2[%dma_wait3A_2364, %dma_wait3A_2365] : memref<64x1000000xf32, #tpu.memory_space<hbm>> -> memref<64x128xf32, #tpu.memory_space<hbm>>
      %dma_wait3A_2367 = arith.constant 0 : i32
      %dma_wait3A_2368 = arith.constant 0 : i32
      %dma_wait3A_2369 = tpu.memref_slice %arg6[%dma_wait3A_2359, %dma_wait3A_2367, %dma_wait3A_2368] : memref<10x64x128xf32, #tpu.memory_space<vmem>> -> memref<1x64x128xf32, #tpu.memory_space<vmem>>
      %dma_wait3A_2370 = tpu.memref_squeeze %dma_wait3A_2369 : memref<1x64x128xf32, #tpu.memory_space<vmem>> -> memref<64x128xf32, #tpu.memory_space<vmem>>
      %dma_wait3A_2371 = arith.constant 0 : i32
      %dma_wait3A_2372 = arith.constant 0 : i32
      %dma_wait3A_2373 = tpu.memref_slice %arg2[%dma_wait3A_2371, %dma_wait3A_2372] : memref<64x1000000xf32, #tpu.memory_space<hbm>> -> memref<64x128xf32, #tpu.memory_space<hbm>>
      tpu.wait_dma2 semaphore(%arg15 : memref<!tpu.dma_semaphore, #tpu.memory_space<semaphore_mem>>) src(%dma_wait3A_2373 : memref<64x128xf32, #tpu.memory_space<hbm>>) dst(%dma_wait3A_2370 : memref<64x128xf32, #tpu.memory_space<vmem>>)
      %gt3A_2374 = arith.constant 0 : i32
      %gt3A_2375 = arith.cmpi sgt, %scan3A_1588, %gt3A_2374 : i32
      %convert_element_type3A_2376 = arith.extui %gt3A_2375 : i1 to i32
      %cond3A_2377 = arith.constant 0 : i32
      %cond3A_2378 = arith.cmpi ne, %convert_element_type3A_2376, %cond3A_2377 : i32
      scf.if %cond3A_2378 {
        %dma_wait3A_2686 = arith.constant 7 : i32
        %dma_wait3A_2687 = arith.constant 0 : i32
        %dma_wait3A_2688 = arith.constant 0 : i32
        %dma_wait3A_2689 = tpu.memref_slice %arg7[%dma_wait3A_2686, %dma_wait3A_2687, %dma_wait3A_2688] : memref<10x1x64xf32, #tpu.memory_space<vmem>> -> memref<1x1x64xf32, #tpu.memory_space<vmem>>
        %dma_wait3A_2690 = tpu.memref_squeeze %dma_wait3A_2689 : memref<1x1x64xf32, #tpu.memory_space<vmem>> -> memref<1x64xf32, #tpu.memory_space<vmem>>
        %dma_wait3A_2691 = arith.constant 0 : i32
        %dma_wait3A_2692 = arith.constant 0 : i32
        %dma_wait3A_2693 = tpu.memref_slice %arg4[%mul3A_2, %dma_wait3A_2691, %dma_wait3A_2692] : memref<16384x1x64xf32, #tpu.memory_space<hbm>> -> memref<1x1x64xf32, #tpu.memory_space<hbm>>
        %dma_wait3A_2694 = tpu.memref_squeeze %dma_wait3A_2693 : memref<1x1x64xf32, #tpu.memory_space<hbm>> -> memref<1x64xf32, #tpu.memory_space<hbm>>
        %dma_wait3A_2695 = arith.constant 0 : i32
        %dma_wait3A_2696 = arith.constant 0 : i32
        %dma_wait3A_2697 = tpu.memref_slice %arg4[%mul3A_2, %dma_wait3A_2695, %dma_wait3A_2696] : memref<16384x1x64xf32, #tpu.memory_space<hbm>> -> memref<1x1x64xf32, #tpu.memory_space<hbm>>
        %dma_wait3A_2698 = tpu.memref_squeeze %dma_wait3A_2697 : memref<1x1x64xf32, #tpu.memory_space<hbm>> -> memref<1x64xf32, #tpu.memory_space<hbm>>
        %dma_wait3A_2699 = arith.constant 0 : i32
        %dma_wait3A_2700 = arith.constant 0 : i32
        %dma_wait3A_2701 = tpu.memref_slice %arg7[%dma_wait3A_2686, %dma_wait3A_2699, %dma_wait3A_2700] : memref<10x1x64xf32, #tpu.memory_space<vmem>> -> memref<1x1x64xf32, #tpu.memory_space<vmem>>
        %dma_wait3A_2702 = tpu.memref_squeeze %dma_wait3A_2701 : memref<1x1x64xf32, #tpu.memory_space<vmem>> -> memref<1x64xf32, #tpu.memory_space<vmem>>
        tpu.wait_dma2 semaphore(%arg25 : memref<!tpu.dma_semaphore, #tpu.memory_space<semaphore_mem>>) src(%dma_wait3A_2702 : memref<1x64xf32, #tpu.memory_space<vmem>>) dst(%dma_wait3A_2698 : memref<1x64xf32, #tpu.memory_space<hbm>>)
      } else {
      }
      %mul3A_2379 = arith.constant 10 : i32
      %mul3A_2380 = arith.muli %scan3A_1588, %mul3A_2379 : i32
      %add3A_2381 = arith.constant 7 : i32
      %add3A_2382 = arith.addi %mul3A_2380, %add3A_2381 : i32
      %slice3A_2383 = vector.extract_strided_slice %get3A_1592 {offsets = [7], sizes = [1], strides = [1]} : vector<16xi32> to vector<1xi32>
      %squeeze3A_2384 = vector.extract %slice3A_2383[0] : i32 from vector<1xi32>
      %and3A_2385 = arith.constant 127 : i32
      %and3A_2386 = arith.andi %squeeze3A_2384, %and3A_2385 : i32
      %broadcast_in_dim3A_2387 = vector.broadcast %and3A_2386 : i32 to vector<16xi32>
      %broadcast_in_dim3A_2388 = arith.constant 7 : i32
      %broadcast_in_dim3A_2389 = vector.broadcast %broadcast_in_dim3A_2388 : i32 to vector<16xi32>
      %add3A_2390 = arith.constant 0 : i32
      %add3A_2391 = vector.broadcast %add3A_2390 : i32 to vector<16xi32>
      %add3A_2392 = arith.addi %iota3A, %add3A_2391 : vector<16xi32>
      %gather3A_2393 = tpu.vector_load_idx %arg6[%broadcast_in_dim3A_2389, %add3A_2392, %broadcast_in_dim3A_2387] : memref<10x64x128xf32, #tpu.memory_space<vmem>>[vector<16xi32>, vector<16xi32>, vector<16xi32>], vector<16xf32>,
      %swap3A_2394 = arith.constant 7 : i32
      %swap3A_2395 = arith.constant 0 : i32
      %swap3A_2396 = arith.index_cast %swap3A_2394 : i32 to index
      %swap3A_2397 = arith.index_cast %swap3A_2395 : i32 to index
      %swap3A_2398 = arith.constant 0 : index
      %swap3A_2399 = tpu.vector_load %arg7[%swap3A_2396, %swap3A_2397, %swap3A_2398] {strides = array<i32>} : memref<10x1x64xf32, #tpu.memory_space<vmem>>, vector<16xf32>,
      tpu.vector_store %arg7[%swap3A_2396, %swap3A_2397, %swap3A_2398], %gather3A_2393 {strides = array<i32>} : memref<10x1x64xf32, #tpu.memory_space<vmem>>, vector<16xf32>,
      %add3A_2400 = arith.constant 16 : i32
      %add3A_2401 = vector.broadcast %add3A_2400 : i32 to vector<16xi32>
      %add3A_2402 = arith.addi %iota3A, %add3A_2401 : vector<16xi32>
      %gather3A_2403 = tpu.vector_load_idx %arg6[%broadcast_in_dim3A_2389, %add3A_2402, %broadcast_in_dim3A_2387] : memref<10x64x128xf32, #tpu.memory_space<vmem>>[vector<16xi32>, vector<16xi32>, vector<16xi32>], vector<16xf32>,
      %swap3A_2404 = arith.constant 7 : i32
      %swap3A_2405 = arith.constant 0 : i32
      %swap3A_2406 = arith.index_cast %swap3A_2404 : i32 to index
      %swap3A_2407 = arith.index_cast %swap3A_2405 : i32 to index
      %swap3A_2408 = arith.constant 16 : index
      %swap3A_2409 = tpu.vector_load %arg7[%swap3A_2406, %swap3A_2407, %swap3A_2408] {strides = array<i32>} : memref<10x1x64xf32, #tpu.memory_space<vmem>>, vector<16xf32>,
      tpu.vector_store %arg7[%swap3A_2406, %swap3A_2407, %swap3A_2408], %gather3A_2403 {strides = array<i32>} : memref<10x1x64xf32, #tpu.memory_space<vmem>>, vector<16xf32>,
      %add3A_2410 = arith.constant 32 : i32
      %add3A_2411 = vector.broadcast %add3A_2410 : i32 to vector<16xi32>
      %add3A_2412 = arith.addi %iota3A, %add3A_2411 : vector<16xi32>
      %gather3A_2413 = tpu.vector_load_idx %arg6[%broadcast_in_dim3A_2389, %add3A_2412, %broadcast_in_dim3A_2387] : memref<10x64x128xf32, #tpu.memory_space<vmem>>[vector<16xi32>, vector<16xi32>, vector<16xi32>], vector<16xf32>,
      %swap3A_2414 = arith.constant 7 : i32
      %swap3A_2415 = arith.constant 0 : i32
      %swap3A_2416 = arith.index_cast %swap3A_2414 : i32 to index
      %swap3A_2417 = arith.index_cast %swap3A_2415 : i32 to index
      %swap3A_2418 = arith.constant 32 : index
      %swap3A_2419 = tpu.vector_load %arg7[%swap3A_2416, %swap3A_2417, %swap3A_2418] {strides = array<i32>} : memref<10x1x64xf32, #tpu.memory_space<vmem>>, vector<16xf32>,
      tpu.vector_store %arg7[%swap3A_2416, %swap3A_2417, %swap3A_2418], %gather3A_2413 {strides = array<i32>} : memref<10x1x64xf32, #tpu.memory_space<vmem>>, vector<16xf32>,
      %add3A_2420 = arith.constant 48 : i32
      %add3A_2421 = vector.broadcast %add3A_2420 : i32 to vector<16xi32>
      %add3A_2422 = arith.addi %iota3A, %add3A_2421 : vector<16xi32>
      %gather3A_2423 = tpu.vector_load_idx %arg6[%broadcast_in_dim3A_2389, %add3A_2422, %broadcast_in_dim3A_2387] : memref<10x64x128xf32, #tpu.memory_space<vmem>>[vector<16xi32>, vector<16xi32>, vector<16xi32>], vector<16xf32>,
      %swap3A_2424 = arith.constant 7 : i32
      %swap3A_2425 = arith.constant 0 : i32
      %swap3A_2426 = arith.index_cast %swap3A_2424 : i32 to index
      %swap3A_2427 = arith.index_cast %swap3A_2425 : i32 to index
      %swap3A_2428 = arith.constant 48 : index
      %swap3A_2429 = tpu.vector_load %arg7[%swap3A_2426, %swap3A_2427, %swap3A_2428] {strides = array<i32>} : memref<10x1x64xf32, #tpu.memory_space<vmem>>, vector<16xf32>,
      tpu.vector_store %arg7[%swap3A_2426, %swap3A_2427, %swap3A_2428], %gather3A_2423 {strides = array<i32>} : memref<10x1x64xf32, #tpu.memory_space<vmem>>, vector<16xf32>,
      %add3A_2430 = arith.addi %mul3A_2, %add3A_2382 : i32
      %dma_start3A_2431 = arith.constant 7 : i32
      %dma_start3A_2432 = arith.constant 0 : i32
      %dma_start3A_2433 = arith.constant 0 : i32
      %dma_start3A_2434 = tpu.memref_slice %arg7[%dma_start3A_2431, %dma_start3A_2432, %dma_start3A_2433] : memref<10x1x64xf32, #tpu.memory_space<vmem>> -> memref<1x1x64xf32, #tpu.memory_space<vmem>>
      %dma_start3A_2435 = tpu.memref_squeeze %dma_start3A_2434 : memref<1x1x64xf32, #tpu.memory_space<vmem>> -> memref<1x64xf32, #tpu.memory_space<vmem>>
      %dma_start3A_2436 = arith.constant 0 : i32
      %dma_start3A_2437 = arith.constant 0 : i32
      %dma_start3A_2438 = tpu.memref_slice %arg4[%add3A_2430, %dma_start3A_2436, %dma_start3A_2437] : memref<16384x1x64xf32, #tpu.memory_space<hbm>> -> memref<1x1x64xf32, #tpu.memory_space<hbm>>
      %dma_start3A_2439 = tpu.memref_squeeze %dma_start3A_2438 : memref<1x1x64xf32, #tpu.memory_space<hbm>> -> memref<1x64xf32, #tpu.memory_space<hbm>>
      %dma_start3A_2440 = arith.constant 0 : i32
      %dma_start3A_2441 = arith.constant 0 : i32
      %dma_start3A_2442 = tpu.memref_slice %arg4[%add3A_2430, %dma_start3A_2440, %dma_start3A_2441] : memref<16384x1x64xf32, #tpu.memory_space<hbm>> -> memref<1x1x64xf32, #tpu.memory_space<hbm>>
      %dma_start3A_2443 = tpu.memref_squeeze %dma_start3A_2442 : memref<1x1x64xf32, #tpu.memory_space<hbm>> -> memref<1x64xf32, #tpu.memory_space<hbm>>
      %dma_start3A_2444 = arith.constant 0 : i32
      %dma_start3A_2445 = arith.constant 0 : i32
      %dma_start3A_2446 = tpu.memref_slice %arg7[%dma_start3A_2431, %dma_start3A_2444, %dma_start3A_2445] : memref<10x1x64xf32, #tpu.memory_space<vmem>> -> memref<1x1x64xf32, #tpu.memory_space<vmem>>
      %dma_start3A_2447 = tpu.memref_squeeze %dma_start3A_2446 : memref<1x1x64xf32, #tpu.memory_space<vmem>> -> memref<1x64xf32, #tpu.memory_space<vmem>>
      tpu.enqueue_dma source(%dma_start3A_2447 : memref<1x64xf32, #tpu.memory_space<vmem>>) target(%dma_start3A_2443 : memref<1x64xf32, #tpu.memory_space<hbm>>) target_semaphore(%arg25 : memref<!tpu.dma_semaphore, #tpu.memory_space<semaphore_mem>>)
      %slice3A_2448 = vector.extract_strided_slice %get3A_1598 {offsets = [7], sizes = [1], strides = [1]} : vector<16xi32> to vector<1xi32>
      %squeeze3A_2449 = vector.extract %slice3A_2448[0] : i32 from vector<1xi32>
      %shift_right_logical3A_2450 = arith.constant 7 : i32
      %shift_right_logical3A_2451 = arith.shrui %squeeze3A_2449, %shift_right_logical3A_2450 : i32
      %shift_left3A_2452 = arith.constant 7 : i32
      %shift_left3A_2453 = arith.shli %shift_right_logical3A_2451, %shift_left3A_2452 : i32
      %multiple_of3A_2454 = tpu.assume_multiple %shift_left3A_2453, 128 : i32
      %dma_start3A_2455 = arith.constant 7 : i32
      %dma_start3A_2456 = arith.constant 0 : i32
      %dma_start3A_2457 = arith.constant 0 : i32
      %dma_start3A_2458 = tpu.memref_slice %arg6[%dma_start3A_2455, %dma_start3A_2456, %dma_start3A_2457] : memref<10x64x128xf32, #tpu.memory_space<vmem>> -> memref<1x64x128xf32, #tpu.memory_space<vmem>>
      %dma_start3A_2459 = tpu.memref_squeeze %dma_start3A_2458 : memref<1x64x128xf32, #tpu.memory_space<vmem>> -> memref<64x128xf32, #tpu.memory_space<vmem>>
      %dma_start3A_2460 = arith.constant 0 : i32
      %dma_start3A_2461 = tpu.memref_slice %arg2[%dma_start3A_2460, %multiple_of3A_2454] : memref<64x1000000xf32, #tpu.memory_space<hbm>> -> memref<64x128xf32, #tpu.memory_space<hbm>>
      %dma_start3A_2462 = arith.constant 0 : i32
      %dma_start3A_2463 = arith.constant 0 : i32
      %dma_start3A_2464 = tpu.memref_slice %arg6[%dma_start3A_2455, %dma_start3A_2462, %dma_start3A_2463] : memref<10x64x128xf32, #tpu.memory_space<vmem>> -> memref<1x64x128xf32, #tpu.memory_space<vmem>>
      %dma_start3A_2465 = tpu.memref_squeeze %dma_start3A_2464 : memref<1x64x128xf32, #tpu.memory_space<vmem>> -> memref<64x128xf32, #tpu.memory_space<vmem>>
      %dma_start3A_2466 = arith.constant 0 : i32
      %dma_start3A_2467 = tpu.memref_slice %arg2[%dma_start3A_2466, %multiple_of3A_2454] : memref<64x1000000xf32, #tpu.memory_space<hbm>> -> memref<64x128xf32, #tpu.memory_space<hbm>>
      tpu.enqueue_dma source(%dma_start3A_2467 : memref<64x128xf32, #tpu.memory_space<hbm>>) target(%dma_start3A_2465 : memref<64x128xf32, #tpu.memory_space<vmem>>) target_semaphore(%arg15 : memref<!tpu.dma_semaphore, #tpu.memory_space<semaphore_mem>>)
      %dma_wait3A_2468 = arith.constant 8 : i32
      %dma_wait3A_2469 = arith.constant 0 : i32
      %dma_wait3A_2470 = arith.constant 0 : i32
      %dma_wait3A_2471 = tpu.memref_slice %arg6[%dma_wait3A_2468, %dma_wait3A_2469, %dma_wait3A_2470] : memref<10x64x128xf32, #tpu.memory_space<vmem>> -> memref<1x64x128xf32, #tpu.memory_space<vmem>>
      %dma_wait3A_2472 = tpu.memref_squeeze %dma_wait3A_2471 : memref<1x64x128xf32, #tpu.memory_space<vmem>> -> memref<64x128xf32, #tpu.memory_space<vmem>>
      %dma_wait3A_2473 = arith.constant 0 : i32
      %dma_wait3A_2474 = arith.constant 0 : i32
      %dma_wait3A_2475 = tpu.memref_slice %arg2[%dma_wait3A_2473, %dma_wait3A_2474] : memref<64x1000000xf32, #tpu.memory_space<hbm>> -> memref<64x128xf32, #tpu.memory_space<hbm>>
      %dma_wait3A_2476 = arith.constant 0 : i32
      %dma_wait3A_2477 = arith.constant 0 : i32
      %dma_wait3A_2478 = tpu.memref_slice %arg6[%dma_wait3A_2468, %dma_wait3A_2476, %dma_wait3A_2477] : memref<10x64x128xf32, #tpu.memory_space<vmem>> -> memref<1x64x128xf32, #tpu.memory_space<vmem>>
      %dma_wait3A_2479 = tpu.memref_squeeze %dma_wait3A_2478 : memref<1x64x128xf32, #tpu.memory_space<vmem>> -> memref<64x128xf32, #tpu.memory_space<vmem>>
      %dma_wait3A_2480 = arith.constant 0 : i32
      %dma_wait3A_2481 = arith.constant 0 : i32
      %dma_wait3A_2482 = tpu.memref_slice %arg2[%dma_wait3A_2480, %dma_wait3A_2481] : memref<64x1000000xf32, #tpu.memory_space<hbm>> -> memref<64x128xf32, #tpu.memory_space<hbm>>
      tpu.wait_dma2 semaphore(%arg16 : memref<!tpu.dma_semaphore, #tpu.memory_space<semaphore_mem>>) src(%dma_wait3A_2482 : memref<64x128xf32, #tpu.memory_space<hbm>>) dst(%dma_wait3A_2479 : memref<64x128xf32, #tpu.memory_space<vmem>>)
      %gt3A_2483 = arith.constant 0 : i32
      %gt3A_2484 = arith.cmpi sgt, %scan3A_1588, %gt3A_2483 : i32
      %convert_element_type3A_2485 = arith.extui %gt3A_2484 : i1 to i32
      %cond3A_2486 = arith.constant 0 : i32
      %cond3A_2487 = arith.cmpi ne, %convert_element_type3A_2485, %cond3A_2486 : i32
      scf.if %cond3A_2487 {
        %dma_wait3A_2686 = arith.constant 8 : i32
        %dma_wait3A_2687 = arith.constant 0 : i32
        %dma_wait3A_2688 = arith.constant 0 : i32
        %dma_wait3A_2689 = tpu.memref_slice %arg7[%dma_wait3A_2686, %dma_wait3A_2687, %dma_wait3A_2688] : memref<10x1x64xf32, #tpu.memory_space<vmem>> -> memref<1x1x64xf32, #tpu.memory_space<vmem>>
        %dma_wait3A_2690 = tpu.memref_squeeze %dma_wait3A_2689 : memref<1x1x64xf32, #tpu.memory_space<vmem>> -> memref<1x64xf32, #tpu.memory_space<vmem>>
        %dma_wait3A_2691 = arith.constant 0 : i32
        %dma_wait3A_2692 = arith.constant 0 : i32
        %dma_wait3A_2693 = tpu.memref_slice %arg4[%mul3A_2, %dma_wait3A_2691, %dma_wait3A_2692] : memref<16384x1x64xf32, #tpu.memory_space<hbm>> -> memref<1x1x64xf32, #tpu.memory_space<hbm>>
        %dma_wait3A_2694 = tpu.memref_squeeze %dma_wait3A_2693 : memref<1x1x64xf32, #tpu.memory_space<hbm>> -> memref<1x64xf32, #tpu.memory_space<hbm>>
        %dma_wait3A_2695 = arith.constant 0 : i32
        %dma_wait3A_2696 = arith.constant 0 : i32
        %dma_wait3A_2697 = tpu.memref_slice %arg4[%mul3A_2, %dma_wait3A_2695, %dma_wait3A_2696] : memref<16384x1x64xf32, #tpu.memory_space<hbm>> -> memref<1x1x64xf32, #tpu.memory_space<hbm>>
        %dma_wait3A_2698 = tpu.memref_squeeze %dma_wait3A_2697 : memref<1x1x64xf32, #tpu.memory_space<hbm>> -> memref<1x64xf32, #tpu.memory_space<hbm>>
        %dma_wait3A_2699 = arith.constant 0 : i32
        %dma_wait3A_2700 = arith.constant 0 : i32
        %dma_wait3A_2701 = tpu.memref_slice %arg7[%dma_wait3A_2686, %dma_wait3A_2699, %dma_wait3A_2700] : memref<10x1x64xf32, #tpu.memory_space<vmem>> -> memref<1x1x64xf32, #tpu.memory_space<vmem>>
        %dma_wait3A_2702 = tpu.memref_squeeze %dma_wait3A_2701 : memref<1x1x64xf32, #tpu.memory_space<vmem>> -> memref<1x64xf32, #tpu.memory_space<vmem>>
        tpu.wait_dma2 semaphore(%arg26 : memref<!tpu.dma_semaphore, #tpu.memory_space<semaphore_mem>>) src(%dma_wait3A_2702 : memref<1x64xf32, #tpu.memory_space<vmem>>) dst(%dma_wait3A_2698 : memref<1x64xf32, #tpu.memory_space<hbm>>)
      } else {
      }
      %mul3A_2488 = arith.constant 10 : i32
      %mul3A_2489 = arith.muli %scan3A_1588, %mul3A_2488 : i32
      %add3A_2490 = arith.constant 8 : i32
      %add3A_2491 = arith.addi %mul3A_2489, %add3A_2490 : i32
      %slice3A_2492 = vector.extract_strided_slice %get3A_1592 {offsets = [8], sizes = [1], strides = [1]} : vector<16xi32> to vector<1xi32>
      %squeeze3A_2493 = vector.extract %slice3A_2492[0] : i32 from vector<1xi32>
      %and3A_2494 = arith.constant 127 : i32
      %and3A_2495 = arith.andi %squeeze3A_2493, %and3A_2494 : i32
      %broadcast_in_dim3A_2496 = vector.broadcast %and3A_2495 : i32 to vector<16xi32>
      %broadcast_in_dim3A_2497 = arith.constant 8 : i32
      %broadcast_in_dim3A_2498 = vector.broadcast %broadcast_in_dim3A_2497 : i32 to vector<16xi32>
      %add3A_2499 = arith.constant 0 : i32
      %add3A_2500 = vector.broadcast %add3A_2499 : i32 to vector<16xi32>
      %add3A_2501 = arith.addi %iota3A, %add3A_2500 : vector<16xi32>
      %gather3A_2502 = tpu.vector_load_idx %arg6[%broadcast_in_dim3A_2498, %add3A_2501, %broadcast_in_dim3A_2496] : memref<10x64x128xf32, #tpu.memory_space<vmem>>[vector<16xi32>, vector<16xi32>, vector<16xi32>], vector<16xf32>,
      %swap3A_2503 = arith.constant 8 : i32
      %swap3A_2504 = arith.constant 0 : i32
      %swap3A_2505 = arith.index_cast %swap3A_2503 : i32 to index
      %swap3A_2506 = arith.index_cast %swap3A_2504 : i32 to index
      %swap3A_2507 = arith.constant 0 : index
      %swap3A_2508 = tpu.vector_load %arg7[%swap3A_2505, %swap3A_2506, %swap3A_2507] {strides = array<i32>} : memref<10x1x64xf32, #tpu.memory_space<vmem>>, vector<16xf32>,
      tpu.vector_store %arg7[%swap3A_2505, %swap3A_2506, %swap3A_2507], %gather3A_2502 {strides = array<i32>} : memref<10x1x64xf32, #tpu.memory_space<vmem>>, vector<16xf32>,
      %add3A_2509 = arith.constant 16 : i32
      %add3A_2510 = vector.broadcast %add3A_2509 : i32 to vector<16xi32>
      %add3A_2511 = arith.addi %iota3A, %add3A_2510 : vector<16xi32>
      %gather3A_2512 = tpu.vector_load_idx %arg6[%broadcast_in_dim3A_2498, %add3A_2511, %broadcast_in_dim3A_2496] : memref<10x64x128xf32, #tpu.memory_space<vmem>>[vector<16xi32>, vector<16xi32>, vector<16xi32>], vector<16xf32>,
      %swap3A_2513 = arith.constant 8 : i32
      %swap3A_2514 = arith.constant 0 : i32
      %swap3A_2515 = arith.index_cast %swap3A_2513 : i32 to index
      %swap3A_2516 = arith.index_cast %swap3A_2514 : i32 to index
      %swap3A_2517 = arith.constant 16 : index
      %swap3A_2518 = tpu.vector_load %arg7[%swap3A_2515, %swap3A_2516, %swap3A_2517] {strides = array<i32>} : memref<10x1x64xf32, #tpu.memory_space<vmem>>, vector<16xf32>,
      tpu.vector_store %arg7[%swap3A_2515, %swap3A_2516, %swap3A_2517], %gather3A_2512 {strides = array<i32>} : memref<10x1x64xf32, #tpu.memory_space<vmem>>, vector<16xf32>,
      %add3A_2519 = arith.constant 32 : i32
      %add3A_2520 = vector.broadcast %add3A_2519 : i32 to vector<16xi32>
      %add3A_2521 = arith.addi %iota3A, %add3A_2520 : vector<16xi32>
      %gather3A_2522 = tpu.vector_load_idx %arg6[%broadcast_in_dim3A_2498, %add3A_2521, %broadcast_in_dim3A_2496] : memref<10x64x128xf32, #tpu.memory_space<vmem>>[vector<16xi32>, vector<16xi32>, vector<16xi32>], vector<16xf32>,
      %swap3A_2523 = arith.constant 8 : i32
      %swap3A_2524 = arith.constant 0 : i32
      %swap3A_2525 = arith.index_cast %swap3A_2523 : i32 to index
      %swap3A_2526 = arith.index_cast %swap3A_2524 : i32 to index
      %swap3A_2527 = arith.constant 32 : index
      %swap3A_2528 = tpu.vector_load %arg7[%swap3A_2525, %swap3A_2526, %swap3A_2527] {strides = array<i32>} : memref<10x1x64xf32, #tpu.memory_space<vmem>>, vector<16xf32>,
      tpu.vector_store %arg7[%swap3A_2525, %swap3A_2526, %swap3A_2527], %gather3A_2522 {strides = array<i32>} : memref<10x1x64xf32, #tpu.memory_space<vmem>>, vector<16xf32>,
      %add3A_2529 = arith.constant 48 : i32
      %add3A_2530 = vector.broadcast %add3A_2529 : i32 to vector<16xi32>
      %add3A_2531 = arith.addi %iota3A, %add3A_2530 : vector<16xi32>
      %gather3A_2532 = tpu.vector_load_idx %arg6[%broadcast_in_dim3A_2498, %add3A_2531, %broadcast_in_dim3A_2496] : memref<10x64x128xf32, #tpu.memory_space<vmem>>[vector<16xi32>, vector<16xi32>, vector<16xi32>], vector<16xf32>,
      %swap3A_2533 = arith.constant 8 : i32
      %swap3A_2534 = arith.constant 0 : i32
      %swap3A_2535 = arith.index_cast %swap3A_2533 : i32 to index
      %swap3A_2536 = arith.index_cast %swap3A_2534 : i32 to index
      %swap3A_2537 = arith.constant 48 : index
      %swap3A_2538 = tpu.vector_load %arg7[%swap3A_2535, %swap3A_2536, %swap3A_2537] {strides = array<i32>} : memref<10x1x64xf32, #tpu.memory_space<vmem>>, vector<16xf32>,
      tpu.vector_store %arg7[%swap3A_2535, %swap3A_2536, %swap3A_2537], %gather3A_2532 {strides = array<i32>} : memref<10x1x64xf32, #tpu.memory_space<vmem>>, vector<16xf32>,
      %add3A_2539 = arith.addi %mul3A_2, %add3A_2491 : i32
      %dma_start3A_2540 = arith.constant 8 : i32
      %dma_start3A_2541 = arith.constant 0 : i32
      %dma_start3A_2542 = arith.constant 0 : i32
      %dma_start3A_2543 = tpu.memref_slice %arg7[%dma_start3A_2540, %dma_start3A_2541, %dma_start3A_2542] : memref<10x1x64xf32, #tpu.memory_space<vmem>> -> memref<1x1x64xf32, #tpu.memory_space<vmem>>
      %dma_start3A_2544 = tpu.memref_squeeze %dma_start3A_2543 : memref<1x1x64xf32, #tpu.memory_space<vmem>> -> memref<1x64xf32, #tpu.memory_space<vmem>>
      %dma_start3A_2545 = arith.constant 0 : i32
      %dma_start3A_2546 = arith.constant 0 : i32
      %dma_start3A_2547 = tpu.memref_slice %arg4[%add3A_2539, %dma_start3A_2545, %dma_start3A_2546] : memref<16384x1x64xf32, #tpu.memory_space<hbm>> -> memref<1x1x64xf32, #tpu.memory_space<hbm>>
      %dma_start3A_2548 = tpu.memref_squeeze %dma_start3A_2547 : memref<1x1x64xf32, #tpu.memory_space<hbm>> -> memref<1x64xf32, #tpu.memory_space<hbm>>
      %dma_start3A_2549 = arith.constant 0 : i32
      %dma_start3A_2550 = arith.constant 0 : i32
      %dma_start3A_2551 = tpu.memref_slice %arg4[%add3A_2539, %dma_start3A_2549, %dma_start3A_2550] : memref<16384x1x64xf32, #tpu.memory_space<hbm>> -> memref<1x1x64xf32, #tpu.memory_space<hbm>>
      %dma_start3A_2552 = tpu.memref_squeeze %dma_start3A_2551 : memref<1x1x64xf32, #tpu.memory_space<hbm>> -> memref<1x64xf32, #tpu.memory_space<hbm>>
      %dma_start3A_2553 = arith.constant 0 : i32
      %dma_start3A_2554 = arith.constant 0 : i32
      %dma_start3A_2555 = tpu.memref_slice %arg7[%dma_start3A_2540, %dma_start3A_2553, %dma_start3A_2554] : memref<10x1x64xf32, #tpu.memory_space<vmem>> -> memref<1x1x64xf32, #tpu.memory_space<vmem>>
      %dma_start3A_2556 = tpu.memref_squeeze %dma_start3A_2555 : memref<1x1x64xf32, #tpu.memory_space<vmem>> -> memref<1x64xf32, #tpu.memory_space<vmem>>
      tpu.enqueue_dma source(%dma_start3A_2556 : memref<1x64xf32, #tpu.memory_space<vmem>>) target(%dma_start3A_2552 : memref<1x64xf32, #tpu.memory_space<hbm>>) target_semaphore(%arg26 : memref<!tpu.dma_semaphore, #tpu.memory_space<semaphore_mem>>)
      %slice3A_2557 = vector.extract_strided_slice %get3A_1598 {offsets = [8], sizes = [1], strides = [1]} : vector<16xi32> to vector<1xi32>
      %squeeze3A_2558 = vector.extract %slice3A_2557[0] : i32 from vector<1xi32>
      %shift_right_logical3A_2559 = arith.constant 7 : i32
      %shift_right_logical3A_2560 = arith.shrui %squeeze3A_2558, %shift_right_logical3A_2559 : i32
      %shift_left3A_2561 = arith.constant 7 : i32
      %shift_left3A_2562 = arith.shli %shift_right_logical3A_2560, %shift_left3A_2561 : i32
      %multiple_of3A_2563 = tpu.assume_multiple %shift_left3A_2562, 128 : i32
      %dma_start3A_2564 = arith.constant 8 : i32
      %dma_start3A_2565 = arith.constant 0 : i32
      %dma_start3A_2566 = arith.constant 0 : i32
      %dma_start3A_2567 = tpu.memref_slice %arg6[%dma_start3A_2564, %dma_start3A_2565, %dma_start3A_2566] : memref<10x64x128xf32, #tpu.memory_space<vmem>> -> memref<1x64x128xf32, #tpu.memory_space<vmem>>
      %dma_start3A_2568 = tpu.memref_squeeze %dma_start3A_2567 : memref<1x64x128xf32, #tpu.memory_space<vmem>> -> memref<64x128xf32, #tpu.memory_space<vmem>>
      %dma_start3A_2569 = arith.constant 0 : i32
      %dma_start3A_2570 = tpu.memref_slice %arg2[%dma_start3A_2569, %multiple_of3A_2563] : memref<64x1000000xf32, #tpu.memory_space<hbm>> -> memref<64x128xf32, #tpu.memory_space<hbm>>
      %dma_start3A_2571 = arith.constant 0 : i32
      %dma_start3A_2572 = arith.constant 0 : i32
      %dma_start3A_2573 = tpu.memref_slice %arg6[%dma_start3A_2564, %dma_start3A_2571, %dma_start3A_2572] : memref<10x64x128xf32, #tpu.memory_space<vmem>> -> memref<1x64x128xf32, #tpu.memory_space<vmem>>
      %dma_start3A_2574 = tpu.memref_squeeze %dma_start3A_2573 : memref<1x64x128xf32, #tpu.memory_space<vmem>> -> memref<64x128xf32, #tpu.memory_space<vmem>>
      %dma_start3A_2575 = arith.constant 0 : i32
      %dma_start3A_2576 = tpu.memref_slice %arg2[%dma_start3A_2575, %multiple_of3A_2563] : memref<64x1000000xf32, #tpu.memory_space<hbm>> -> memref<64x128xf32, #tpu.memory_space<hbm>>
      tpu.enqueue_dma source(%dma_start3A_2576 : memref<64x128xf32, #tpu.memory_space<hbm>>) target(%dma_start3A_2574 : memref<64x128xf32, #tpu.memory_space<vmem>>) target_semaphore(%arg16 : memref<!tpu.dma_semaphore, #tpu.memory_space<semaphore_mem>>)
      %dma_wait3A_2577 = arith.constant 9 : i32
      %dma_wait3A_2578 = arith.constant 0 : i32
      %dma_wait3A_2579 = arith.constant 0 : i32
      %dma_wait3A_2580 = tpu.memref_slice %arg6[%dma_wait3A_2577, %dma_wait3A_2578, %dma_wait3A_2579] : memref<10x64x128xf32, #tpu.memory_space<vmem>> -> memref<1x64x128xf32, #tpu.memory_space<vmem>>
      %dma_wait3A_2581 = tpu.memref_squeeze %dma_wait3A_2580 : memref<1x64x128xf32, #tpu.memory_space<vmem>> -> memref<64x128xf32, #tpu.memory_space<vmem>>
      %dma_wait3A_2582 = arith.constant 0 : i32
      %dma_wait3A_2583 = arith.constant 0 : i32
      %dma_wait3A_2584 = tpu.memref_slice %arg2[%dma_wait3A_2582, %dma_wait3A_2583] : memref<64x1000000xf32, #tpu.memory_space<hbm>> -> memref<64x128xf32, #tpu.memory_space<hbm>>
      %dma_wait3A_2585 = arith.constant 0 : i32
      %dma_wait3A_2586 = arith.constant 0 : i32
      %dma_wait3A_2587 = tpu.memref_slice %arg6[%dma_wait3A_2577, %dma_wait3A_2585, %dma_wait3A_2586] : memref<10x64x128xf32, #tpu.memory_space<vmem>> -> memref<1x64x128xf32, #tpu.memory_space<vmem>>
      %dma_wait3A_2588 = tpu.memref_squeeze %dma_wait3A_2587 : memref<1x64x128xf32, #tpu.memory_space<vmem>> -> memref<64x128xf32, #tpu.memory_space<vmem>>
      %dma_wait3A_2589 = arith.constant 0 : i32
      %dma_wait3A_2590 = arith.constant 0 : i32
      %dma_wait3A_2591 = tpu.memref_slice %arg2[%dma_wait3A_2589, %dma_wait3A_2590] : memref<64x1000000xf32, #tpu.memory_space<hbm>> -> memref<64x128xf32, #tpu.memory_space<hbm>>
      tpu.wait_dma2 semaphore(%arg17 : memref<!tpu.dma_semaphore, #tpu.memory_space<semaphore_mem>>) src(%dma_wait3A_2591 : memref<64x128xf32, #tpu.memory_space<hbm>>) dst(%dma_wait3A_2588 : memref<64x128xf32, #tpu.memory_space<vmem>>)
      %gt3A_2592 = arith.constant 0 : i32
      %gt3A_2593 = arith.cmpi sgt, %scan3A_1588, %gt3A_2592 : i32
      %convert_element_type3A_2594 = arith.extui %gt3A_2593 : i1 to i32
      %cond3A_2595 = arith.constant 0 : i32
      %cond3A_2596 = arith.cmpi ne, %convert_element_type3A_2594, %cond3A_2595 : i32
      scf.if %cond3A_2596 {
        %dma_wait3A_2686 = arith.constant 9 : i32
        %dma_wait3A_2687 = arith.constant 0 : i32
        %dma_wait3A_2688 = arith.constant 0 : i32
        %dma_wait3A_2689 = tpu.memref_slice %arg7[%dma_wait3A_2686, %dma_wait3A_2687, %dma_wait3A_2688] : memref<10x1x64xf32, #tpu.memory_space<vmem>> -> memref<1x1x64xf32, #tpu.memory_space<vmem>>
        %dma_wait3A_2690 = tpu.memref_squeeze %dma_wait3A_2689 : memref<1x1x64xf32, #tpu.memory_space<vmem>> -> memref<1x64xf32, #tpu.memory_space<vmem>>
        %dma_wait3A_2691 = arith.constant 0 : i32
        %dma_wait3A_2692 = arith.constant 0 : i32
        %dma_wait3A_2693 = tpu.memref_slice %arg4[%mul3A_2, %dma_wait3A_2691, %dma_wait3A_2692] : memref<16384x1x64xf32, #tpu.memory_space<hbm>> -> memref<1x1x64xf32, #tpu.memory_space<hbm>>
        %dma_wait3A_2694 = tpu.memref_squeeze %dma_wait3A_2693 : memref<1x1x64xf32, #tpu.memory_space<hbm>> -> memref<1x64xf32, #tpu.memory_space<hbm>>
        %dma_wait3A_2695 = arith.constant 0 : i32
        %dma_wait3A_2696 = arith.constant 0 : i32
        %dma_wait3A_2697 = tpu.memref_slice %arg4[%mul3A_2, %dma_wait3A_2695, %dma_wait3A_2696] : memref<16384x1x64xf32, #tpu.memory_space<hbm>> -> memref<1x1x64xf32, #tpu.memory_space<hbm>>
        %dma_wait3A_2698 = tpu.memref_squeeze %dma_wait3A_2697 : memref<1x1x64xf32, #tpu.memory_space<hbm>> -> memref<1x64xf32, #tpu.memory_space<hbm>>
        %dma_wait3A_2699 = arith.constant 0 : i32
        %dma_wait3A_2700 = arith.constant 0 : i32
        %dma_wait3A_2701 = tpu.memref_slice %arg7[%dma_wait3A_2686, %dma_wait3A_2699, %dma_wait3A_2700] : memref<10x1x64xf32, #tpu.memory_space<vmem>> -> memref<1x1x64xf32, #tpu.memory_space<vmem>>
        %dma_wait3A_2702 = tpu.memref_squeeze %dma_wait3A_2701 : memref<1x1x64xf32, #tpu.memory_space<vmem>> -> memref<1x64xf32, #tpu.memory_space<vmem>>
        tpu.wait_dma2 semaphore(%arg27 : memref<!tpu.dma_semaphore, #tpu.memory_space<semaphore_mem>>) src(%dma_wait3A_2702 : memref<1x64xf32, #tpu.memory_space<vmem>>) dst(%dma_wait3A_2698 : memref<1x64xf32, #tpu.memory_space<hbm>>)
      } else {
      }
      %mul3A_2597 = arith.constant 10 : i32
      %mul3A_2598 = arith.muli %scan3A_1588, %mul3A_2597 : i32
      %add3A_2599 = arith.constant 9 : i32
      %add3A_2600 = arith.addi %mul3A_2598, %add3A_2599 : i32
      %slice3A_2601 = vector.extract_strided_slice %get3A_1592 {offsets = [9], sizes = [1], strides = [1]} : vector<16xi32> to vector<1xi32>
      %squeeze3A_2602 = vector.extract %slice3A_2601[0] : i32 from vector<1xi32>
      %and3A_2603 = arith.constant 127 : i32
      %and3A_2604 = arith.andi %squeeze3A_2602, %and3A_2603 : i32
      %broadcast_in_dim3A_2605 = vector.broadcast %and3A_2604 : i32 to vector<16xi32>
      %broadcast_in_dim3A_2606 = arith.constant 9 : i32
      %broadcast_in_dim3A_2607 = vector.broadcast %broadcast_in_dim3A_2606 : i32 to vector<16xi32>
      %add3A_2608 = arith.constant 0 : i32
      %add3A_2609 = vector.broadcast %add3A_2608 : i32 to vector<16xi32>
      %add3A_2610 = arith.addi %iota3A, %add3A_2609 : vector<16xi32>
      %gather3A_2611 = tpu.vector_load_idx %arg6[%broadcast_in_dim3A_2607, %add3A_2610, %broadcast_in_dim3A_2605] : memref<10x64x128xf32, #tpu.memory_space<vmem>>[vector<16xi32>, vector<16xi32>, vector<16xi32>], vector<16xf32>,
      %swap3A_2612 = arith.constant 9 : i32
      %swap3A_2613 = arith.constant 0 : i32
      %swap3A_2614 = arith.index_cast %swap3A_2612 : i32 to index
      %swap3A_2615 = arith.index_cast %swap3A_2613 : i32 to index
      %swap3A_2616 = arith.constant 0 : index
      %swap3A_2617 = tpu.vector_load %arg7[%swap3A_2614, %swap3A_2615, %swap3A_2616] {strides = array<i32>} : memref<10x1x64xf32, #tpu.memory_space<vmem>>, vector<16xf32>,
      tpu.vector_store %arg7[%swap3A_2614, %swap3A_2615, %swap3A_2616], %gather3A_2611 {strides = array<i32>} : memref<10x1x64xf32, #tpu.memory_space<vmem>>, vector<16xf32>,
      %add3A_2618 = arith.constant 16 : i32
      %add3A_2619 = vector.broadcast %add3A_2618 : i32 to vector<16xi32>
      %add3A_2620 = arith.addi %iota3A, %add3A_2619 : vector<16xi32>
      %gather3A_2621 = tpu.vector_load_idx %arg6[%broadcast_in_dim3A_2607, %add3A_2620, %broadcast_in_dim3A_2605] : memref<10x64x128xf32, #tpu.memory_space<vmem>>[vector<16xi32>, vector<16xi32>, vector<16xi32>], vector<16xf32>,
      %swap3A_2622 = arith.constant 9 : i32
      %swap3A_2623 = arith.constant 0 : i32
      %swap3A_2624 = arith.index_cast %swap3A_2622 : i32 to index
      %swap3A_2625 = arith.index_cast %swap3A_2623 : i32 to index
      %swap3A_2626 = arith.constant 16 : index
      %swap3A_2627 = tpu.vector_load %arg7[%swap3A_2624, %swap3A_2625, %swap3A_2626] {strides = array<i32>} : memref<10x1x64xf32, #tpu.memory_space<vmem>>, vector<16xf32>,
      tpu.vector_store %arg7[%swap3A_2624, %swap3A_2625, %swap3A_2626], %gather3A_2621 {strides = array<i32>} : memref<10x1x64xf32, #tpu.memory_space<vmem>>, vector<16xf32>,
      %add3A_2628 = arith.constant 32 : i32
      %add3A_2629 = vector.broadcast %add3A_2628 : i32 to vector<16xi32>
      %add3A_2630 = arith.addi %iota3A, %add3A_2629 : vector<16xi32>
      %gather3A_2631 = tpu.vector_load_idx %arg6[%broadcast_in_dim3A_2607, %add3A_2630, %broadcast_in_dim3A_2605] : memref<10x64x128xf32, #tpu.memory_space<vmem>>[vector<16xi32>, vector<16xi32>, vector<16xi32>], vector<16xf32>,
      %swap3A_2632 = arith.constant 9 : i32
      %swap3A_2633 = arith.constant 0 : i32
      %swap3A_2634 = arith.index_cast %swap3A_2632 : i32 to index
      %swap3A_2635 = arith.index_cast %swap3A_2633 : i32 to index
      %swap3A_2636 = arith.constant 32 : index
      %swap3A_2637 = tpu.vector_load %arg7[%swap3A_2634, %swap3A_2635, %swap3A_2636] {strides = array<i32>} : memref<10x1x64xf32, #tpu.memory_space<vmem>>, vector<16xf32>,
      tpu.vector_store %arg7[%swap3A_2634, %swap3A_2635, %swap3A_2636], %gather3A_2631 {strides = array<i32>} : memref<10x1x64xf32, #tpu.memory_space<vmem>>, vector<16xf32>,
      %add3A_2638 = arith.constant 48 : i32
      %add3A_2639 = vector.broadcast %add3A_2638 : i32 to vector<16xi32>
      %add3A_2640 = arith.addi %iota3A, %add3A_2639 : vector<16xi32>
      %gather3A_2641 = tpu.vector_load_idx %arg6[%broadcast_in_dim3A_2607, %add3A_2640, %broadcast_in_dim3A_2605] : memref<10x64x128xf32, #tpu.memory_space<vmem>>[vector<16xi32>, vector<16xi32>, vector<16xi32>], vector<16xf32>,
      %swap3A_2642 = arith.constant 9 : i32
      %swap3A_2643 = arith.constant 0 : i32
      %swap3A_2644 = arith.index_cast %swap3A_2642 : i32 to index
      %swap3A_2645 = arith.index_cast %swap3A_2643 : i32 to index
      %swap3A_2646 = arith.constant 48 : index
      %swap3A_2647 = tpu.vector_load %arg7[%swap3A_2644, %swap3A_2645, %swap3A_2646] {strides = array<i32>} : memref<10x1x64xf32, #tpu.memory_space<vmem>>, vector<16xf32>,
      tpu.vector_store %arg7[%swap3A_2644, %swap3A_2645, %swap3A_2646], %gather3A_2641 {strides = array<i32>} : memref<10x1x64xf32, #tpu.memory_space<vmem>>, vector<16xf32>,
      %add3A_2648 = arith.addi %mul3A_2, %add3A_2600 : i32
      %dma_start3A_2649 = arith.constant 9 : i32
      %dma_start3A_2650 = arith.constant 0 : i32
      %dma_start3A_2651 = arith.constant 0 : i32
      %dma_start3A_2652 = tpu.memref_slice %arg7[%dma_start3A_2649, %dma_start3A_2650, %dma_start3A_2651] : memref<10x1x64xf32, #tpu.memory_space<vmem>> -> memref<1x1x64xf32, #tpu.memory_space<vmem>>
      %dma_start3A_2653 = tpu.memref_squeeze %dma_start3A_2652 : memref<1x1x64xf32, #tpu.memory_space<vmem>> -> memref<1x64xf32, #tpu.memory_space<vmem>>
      %dma_start3A_2654 = arith.constant 0 : i32
      %dma_start3A_2655 = arith.constant 0 : i32
      %dma_start3A_2656 = tpu.memref_slice %arg4[%add3A_2648, %dma_start3A_2654, %dma_start3A_2655] : memref<16384x1x64xf32, #tpu.memory_space<hbm>> -> memref<1x1x64xf32, #tpu.memory_space<hbm>>
      %dma_start3A_2657 = tpu.memref_squeeze %dma_start3A_2656 : memref<1x1x64xf32, #tpu.memory_space<hbm>> -> memref<1x64xf32, #tpu.memory_space<hbm>>
      %dma_start3A_2658 = arith.constant 0 : i32
      %dma_start3A_2659 = arith.constant 0 : i32
      %dma_start3A_2660 = tpu.memref_slice %arg4[%add3A_2648, %dma_start3A_2658, %dma_start3A_2659] : memref<16384x1x64xf32, #tpu.memory_space<hbm>> -> memref<1x1x64xf32, #tpu.memory_space<hbm>>
      %dma_start3A_2661 = tpu.memref_squeeze %dma_start3A_2660 : memref<1x1x64xf32, #tpu.memory_space<hbm>> -> memref<1x64xf32, #tpu.memory_space<hbm>>
      %dma_start3A_2662 = arith.constant 0 : i32
      %dma_start3A_2663 = arith.constant 0 : i32
      %dma_start3A_2664 = tpu.memref_slice %arg7[%dma_start3A_2649, %dma_start3A_2662, %dma_start3A_2663] : memref<10x1x64xf32, #tpu.memory_space<vmem>> -> memref<1x1x64xf32, #tpu.memory_space<vmem>>
      %dma_start3A_2665 = tpu.memref_squeeze %dma_start3A_2664 : memref<1x1x64xf32, #tpu.memory_space<vmem>> -> memref<1x64xf32, #tpu.memory_space<vmem>>
      tpu.enqueue_dma source(%dma_start3A_2665 : memref<1x64xf32, #tpu.memory_space<vmem>>) target(%dma_start3A_2661 : memref<1x64xf32, #tpu.memory_space<hbm>>) target_semaphore(%arg27 : memref<!tpu.dma_semaphore, #tpu.memory_space<semaphore_mem>>)
      %slice3A_2666 = vector.extract_strided_slice %get3A_1598 {offsets = [9], sizes = [1], strides = [1]} : vector<16xi32> to vector<1xi32>
      %squeeze3A_2667 = vector.extract %slice3A_2666[0] : i32 from vector<1xi32>
      %shift_right_logical3A_2668 = arith.constant 7 : i32
      %shift_right_logical3A_2669 = arith.shrui %squeeze3A_2667, %shift_right_logical3A_2668 : i32
      %shift_left3A_2670 = arith.constant 7 : i32
      %shift_left3A_2671 = arith.shli %shift_right_logical3A_2669, %shift_left3A_2670 : i32
      %multiple_of3A_2672 = tpu.assume_multiple %shift_left3A_2671, 128 : i32
      %dma_start3A_2673 = arith.constant 9 : i32
      %dma_start3A_2674 = arith.constant 0 : i32
      %dma_start3A_2675 = arith.constant 0 : i32
      %dma_start3A_2676 = tpu.memref_slice %arg6[%dma_start3A_2673, %dma_start3A_2674, %dma_start3A_2675] : memref<10x64x128xf32, #tpu.memory_space<vmem>> -> memref<1x64x128xf32, #tpu.memory_space<vmem>>
      %dma_start3A_2677 = tpu.memref_squeeze %dma_start3A_2676 : memref<1x64x128xf32, #tpu.memory_space<vmem>> -> memref<64x128xf32, #tpu.memory_space<vmem>>
      %dma_start3A_2678 = arith.constant 0 : i32
      %dma_start3A_2679 = tpu.memref_slice %arg2[%dma_start3A_2678, %multiple_of3A_2672] : memref<64x1000000xf32, #tpu.memory_space<hbm>> -> memref<64x128xf32, #tpu.memory_space<hbm>>
      %dma_start3A_2680 = arith.constant 0 : i32
      %dma_start3A_2681 = arith.constant 0 : i32
      %dma_start3A_2682 = tpu.memref_slice %arg6[%dma_start3A_2673, %dma_start3A_2680, %dma_start3A_2681] : memref<10x64x128xf32, #tpu.memory_space<vmem>> -> memref<1x64x128xf32, #tpu.memory_space<vmem>>
      %dma_start3A_2683 = tpu.memref_squeeze %dma_start3A_2682 : memref<1x64x128xf32, #tpu.memory_space<vmem>> -> memref<64x128xf32, #tpu.memory_space<vmem>>
      %dma_start3A_2684 = arith.constant 0 : i32
      %dma_start3A_2685 = tpu.memref_slice %arg2[%dma_start3A_2684, %multiple_of3A_2672] : memref<64x1000000xf32, #tpu.memory_space<hbm>> -> memref<64x128xf32, #tpu.memory_space<hbm>>
      tpu.enqueue_dma source(%dma_start3A_2685 : memref<64x128xf32, #tpu.memory_space<hbm>>) target(%dma_start3A_2683 : memref<64x128xf32, #tpu.memory_space<vmem>>) target_semaphore(%arg17 : memref<!tpu.dma_semaphore, #tpu.memory_space<semaphore_mem>>)
    }
    %scan3A_202 = arith.constant 50 : i32
    %get3A_203 = arith.constant 500 : index
    %get3A_204 = tpu.vector_load %arg5[%get3A_203] {strides = array<i32>} : memref<528xi32, #tpu.memory_space<vmem>>, vector<16xi32>,
    %dma_wait3A = arith.constant 0 : i32
    %dma_wait3A_205 = arith.constant 0 : i32
    %dma_wait3A_206 = arith.constant 0 : i32
    %dma_wait3A_207 = tpu.memref_slice %arg6[%dma_wait3A, %dma_wait3A_205, %dma_wait3A_206] : memref<10x64x128xf32, #tpu.memory_space<vmem>> -> memref<1x64x128xf32, #tpu.memory_space<vmem>>
    %dma_wait3A_208 = tpu.memref_squeeze %dma_wait3A_207 : memref<1x64x128xf32, #tpu.memory_space<vmem>> -> memref<64x128xf32, #tpu.memory_space<vmem>>
    %dma_wait3A_209 = arith.constant 0 : i32
    %dma_wait3A_210 = arith.constant 0 : i32
    %dma_wait3A_211 = tpu.memref_slice %arg2[%dma_wait3A_209, %dma_wait3A_210] : memref<64x1000000xf32, #tpu.memory_space<hbm>> -> memref<64x128xf32, #tpu.memory_space<hbm>>
    %dma_wait3A_212 = arith.constant 0 : i32
    %dma_wait3A_213 = arith.constant 0 : i32
    %dma_wait3A_214 = tpu.memref_slice %arg6[%dma_wait3A, %dma_wait3A_212, %dma_wait3A_213] : memref<10x64x128xf32, #tpu.memory_space<vmem>> -> memref<1x64x128xf32, #tpu.memory_space<vmem>>
    %dma_wait3A_215 = tpu.memref_squeeze %dma_wait3A_214 : memref<1x64x128xf32, #tpu.memory_space<vmem>> -> memref<64x128xf32, #tpu.memory_space<vmem>>
    %dma_wait3A_216 = arith.constant 0 : i32
    %dma_wait3A_217 = arith.constant 0 : i32
    %dma_wait3A_218 = tpu.memref_slice %arg2[%dma_wait3A_216, %dma_wait3A_217] : memref<64x1000000xf32, #tpu.memory_space<hbm>> -> memref<64x128xf32, #tpu.memory_space<hbm>>
    tpu.wait_dma2 semaphore(%arg8 : memref<!tpu.dma_semaphore, #tpu.memory_space<semaphore_mem>>) src(%dma_wait3A_218 : memref<64x128xf32, #tpu.memory_space<hbm>>) dst(%dma_wait3A_215 : memref<64x128xf32, #tpu.memory_space<vmem>>)
    %dma_wait3A_219 = arith.constant 0 : i32
    %dma_wait3A_220 = arith.constant 0 : i32
    %dma_wait3A_221 = arith.constant 0 : i32
    %dma_wait3A_222 = tpu.memref_slice %arg7[%dma_wait3A_219, %dma_wait3A_220, %dma_wait3A_221] : memref<10x1x64xf32, #tpu.memory_space<vmem>> -> memref<1x1x64xf32, #tpu.memory_space<vmem>>
    %dma_wait3A_223 = tpu.memref_squeeze %dma_wait3A_222 : memref<1x1x64xf32, #tpu.memory_space<vmem>> -> memref<1x64xf32, #tpu.memory_space<vmem>>
    %dma_wait3A_224 = arith.constant 0 : i32
    %dma_wait3A_225 = arith.constant 0 : i32
    %dma_wait3A_226 = tpu.memref_slice %arg4[%mul3A_2, %dma_wait3A_224, %dma_wait3A_225] : memref<16384x1x64xf32, #tpu.memory_space<hbm>> -> memref<1x1x64xf32, #tpu.memory_space<hbm>>
    %dma_wait3A_227 = tpu.memref_squeeze %dma_wait3A_226 : memref<1x1x64xf32, #tpu.memory_space<hbm>> -> memref<1x64xf32, #tpu.memory_space<hbm>>
    %dma_wait3A_228 = arith.constant 0 : i32
    %dma_wait3A_229 = arith.constant 0 : i32
    %dma_wait3A_230 = tpu.memref_slice %arg4[%mul3A_2, %dma_wait3A_228, %dma_wait3A_229] : memref<16384x1x64xf32, #tpu.memory_space<hbm>> -> memref<1x1x64xf32, #tpu.memory_space<hbm>>
    %dma_wait3A_231 = tpu.memref_squeeze %dma_wait3A_230 : memref<1x1x64xf32, #tpu.memory_space<hbm>> -> memref<1x64xf32, #tpu.memory_space<hbm>>
    %dma_wait3A_232 = arith.constant 0 : i32
    %dma_wait3A_233 = arith.constant 0 : i32
    %dma_wait3A_234 = tpu.memref_slice %arg7[%dma_wait3A_219, %dma_wait3A_232, %dma_wait3A_233] : memref<10x1x64xf32, #tpu.memory_space<vmem>> -> memref<1x1x64xf32, #tpu.memory_space<vmem>>
    %dma_wait3A_235 = tpu.memref_squeeze %dma_wait3A_234 : memref<1x1x64xf32, #tpu.memory_space<vmem>> -> memref<1x64xf32, #tpu.memory_space<vmem>>
    tpu.wait_dma2 semaphore(%arg18 : memref<!tpu.dma_semaphore, #tpu.memory_space<semaphore_mem>>) src(%dma_wait3A_235 : memref<1x64xf32, #tpu.memory_space<vmem>>) dst(%dma_wait3A_231 : memref<1x64xf32, #tpu.memory_space<hbm>>)
    %slice3A_236 = vector.extract_strided_slice %get3A_204 {offsets = [0], sizes = [1], strides = [1]} : vector<16xi32> to vector<1xi32>
    %squeeze3A_237 = vector.extract %slice3A_236[0] : i32 from vector<1xi32>
    %and3A = arith.constant 127 : i32
    %and3A_238 = arith.andi %squeeze3A_237, %and3A : i32
    %broadcast_in_dim3A = vector.broadcast %and3A_238 : i32 to vector<16xi32>
    %broadcast_in_dim3A_239 = arith.constant 0 : i32
    %broadcast_in_dim3A_240 = vector.broadcast %broadcast_in_dim3A_239 : i32 to vector<16xi32>
    %add3A_241 = arith.constant 0 : i32
    %add3A_242 = vector.broadcast %add3A_241 : i32 to vector<16xi32>
    %add3A_243 = arith.addi %iota3A, %add3A_242 : vector<16xi32>
    %gather3A = tpu.vector_load_idx %arg6[%broadcast_in_dim3A_240, %add3A_243, %broadcast_in_dim3A] : memref<10x64x128xf32, #tpu.memory_space<vmem>>[vector<16xi32>, vector<16xi32>, vector<16xi32>], vector<16xf32>,
    %swap3A = arith.constant 0 : i32
    %swap3A_244 = arith.constant 0 : i32
    %swap3A_245 = arith.index_cast %swap3A : i32 to index
    %swap3A_246 = arith.index_cast %swap3A_244 : i32 to index
    %swap3A_247 = arith.constant 0 : index
    %swap3A_248 = tpu.vector_load %arg7[%swap3A_245, %swap3A_246, %swap3A_247] {strides = array<i32>} : memref<10x1x64xf32, #tpu.memory_space<vmem>>, vector<16xf32>,
    tpu.vector_store %arg7[%swap3A_245, %swap3A_246, %swap3A_247], %gather3A {strides = array<i32>} : memref<10x1x64xf32, #tpu.memory_space<vmem>>, vector<16xf32>,
    %add3A_249 = arith.constant 16 : i32
    %add3A_250 = vector.broadcast %add3A_249 : i32 to vector<16xi32>
    %add3A_251 = arith.addi %iota3A, %add3A_250 : vector<16xi32>
    %gather3A_252 = tpu.vector_load_idx %arg6[%broadcast_in_dim3A_240, %add3A_251, %broadcast_in_dim3A] : memref<10x64x128xf32, #tpu.memory_space<vmem>>[vector<16xi32>, vector<16xi32>, vector<16xi32>], vector<16xf32>,
    %swap3A_253 = arith.constant 0 : i32
    %swap3A_254 = arith.constant 0 : i32
    %swap3A_255 = arith.index_cast %swap3A_253 : i32 to index
    %swap3A_256 = arith.index_cast %swap3A_254 : i32 to index
    %swap3A_257 = arith.constant 16 : index
    %swap3A_258 = tpu.vector_load %arg7[%swap3A_255, %swap3A_256, %swap3A_257] {strides = array<i32>} : memref<10x1x64xf32, #tpu.memory_space<vmem>>, vector<16xf32>,
    tpu.vector_store %arg7[%swap3A_255, %swap3A_256, %swap3A_257], %gather3A_252 {strides = array<i32>} : memref<10x1x64xf32, #tpu.memory_space<vmem>>, vector<16xf32>,
    %add3A_259 = arith.constant 32 : i32
    %add3A_260 = vector.broadcast %add3A_259 : i32 to vector<16xi32>
    %add3A_261 = arith.addi %iota3A, %add3A_260 : vector<16xi32>
    %gather3A_262 = tpu.vector_load_idx %arg6[%broadcast_in_dim3A_240, %add3A_261, %broadcast_in_dim3A] : memref<10x64x128xf32, #tpu.memory_space<vmem>>[vector<16xi32>, vector<16xi32>, vector<16xi32>], vector<16xf32>,
    %swap3A_263 = arith.constant 0 : i32
    %swap3A_264 = arith.constant 0 : i32
    %swap3A_265 = arith.index_cast %swap3A_263 : i32 to index
    %swap3A_266 = arith.index_cast %swap3A_264 : i32 to index
    %swap3A_267 = arith.constant 32 : index
    %swap3A_268 = tpu.vector_load %arg7[%swap3A_265, %swap3A_266, %swap3A_267] {strides = array<i32>} : memref<10x1x64xf32, #tpu.memory_space<vmem>>, vector<16xf32>,
    tpu.vector_store %arg7[%swap3A_265, %swap3A_266, %swap3A_267], %gather3A_262 {strides = array<i32>} : memref<10x1x64xf32, #tpu.memory_space<vmem>>, vector<16xf32>,
    %add3A_269 = arith.constant 48 : i32
    %add3A_270 = vector.broadcast %add3A_269 : i32 to vector<16xi32>
    %add3A_271 = arith.addi %iota3A, %add3A_270 : vector<16xi32>
    %gather3A_272 = tpu.vector_load_idx %arg6[%broadcast_in_dim3A_240, %add3A_271, %broadcast_in_dim3A] : memref<10x64x128xf32, #tpu.memory_space<vmem>>[vector<16xi32>, vector<16xi32>, vector<16xi32>], vector<16xf32>,
    %swap3A_273 = arith.constant 0 : i32
    %swap3A_274 = arith.constant 0 : i32
    %swap3A_275 = arith.index_cast %swap3A_273 : i32 to index
    %swap3A_276 = arith.index_cast %swap3A_274 : i32 to index
    %swap3A_277 = arith.constant 48 : index
    %swap3A_278 = tpu.vector_load %arg7[%swap3A_275, %swap3A_276, %swap3A_277] {strides = array<i32>} : memref<10x1x64xf32, #tpu.memory_space<vmem>>, vector<16xf32>,
    tpu.vector_store %arg7[%swap3A_275, %swap3A_276, %swap3A_277], %gather3A_272 {strides = array<i32>} : memref<10x1x64xf32, #tpu.memory_space<vmem>>, vector<16xf32>,
    %add3A_279 = arith.constant 500 : i32
    %add3A_280 = arith.addi %mul3A_2, %add3A_279 : i32
    %dma_start3A_281 = arith.constant 0 : i32
    %dma_start3A_282 = arith.constant 0 : i32
    %dma_start3A_283 = arith.constant 0 : i32
    %dma_start3A_284 = tpu.memref_slice %arg7[%dma_start3A_281, %dma_start3A_282, %dma_start3A_283] : memref<10x1x64xf32, #tpu.memory_space<vmem>> -> memref<1x1x64xf32, #tpu.memory_space<vmem>>
    %dma_start3A_285 = tpu.memref_squeeze %dma_start3A_284 : memref<1x1x64xf32, #tpu.memory_space<vmem>> -> memref<1x64xf32, #tpu.memory_space<vmem>>
    %dma_start3A_286 = arith.constant 0 : i32
    %dma_start3A_287 = arith.constant 0 : i32
    %dma_start3A_288 = tpu.memref_slice %arg4[%add3A_280, %dma_start3A_286, %dma_start3A_287] : memref<16384x1x64xf32, #tpu.memory_space<hbm>> -> memref<1x1x64xf32, #tpu.memory_space<hbm>>
    %dma_start3A_289 = tpu.memref_squeeze %dma_start3A_288 : memref<1x1x64xf32, #tpu.memory_space<hbm>> -> memref<1x64xf32, #tpu.memory_space<hbm>>
    %dma_start3A_290 = arith.constant 0 : i32
    %dma_start3A_291 = arith.constant 0 : i32
    %dma_start3A_292 = tpu.memref_slice %arg4[%add3A_280, %dma_start3A_290, %dma_start3A_291] : memref<16384x1x64xf32, #tpu.memory_space<hbm>> -> memref<1x1x64xf32, #tpu.memory_space<hbm>>
    %dma_start3A_293 = tpu.memref_squeeze %dma_start3A_292 : memref<1x1x64xf32, #tpu.memory_space<hbm>> -> memref<1x64xf32, #tpu.memory_space<hbm>>
    %dma_start3A_294 = arith.constant 0 : i32
    %dma_start3A_295 = arith.constant 0 : i32
    %dma_start3A_296 = tpu.memref_slice %arg7[%dma_start3A_281, %dma_start3A_294, %dma_start3A_295] : memref<10x1x64xf32, #tpu.memory_space<vmem>> -> memref<1x1x64xf32, #tpu.memory_space<vmem>>
    %dma_start3A_297 = tpu.memref_squeeze %dma_start3A_296 : memref<1x1x64xf32, #tpu.memory_space<vmem>> -> memref<1x64xf32, #tpu.memory_space<vmem>>
    tpu.enqueue_dma source(%dma_start3A_297 : memref<1x64xf32, #tpu.memory_space<vmem>>) target(%dma_start3A_293 : memref<1x64xf32, #tpu.memory_space<hbm>>) target_semaphore(%arg18 : memref<!tpu.dma_semaphore, #tpu.memory_space<semaphore_mem>>)
    %dma_wait3A_298 = arith.constant 1 : i32
    %dma_wait3A_299 = arith.constant 0 : i32
    %dma_wait3A_300 = arith.constant 0 : i32
    %dma_wait3A_301 = tpu.memref_slice %arg6[%dma_wait3A_298, %dma_wait3A_299, %dma_wait3A_300] : memref<10x64x128xf32, #tpu.memory_space<vmem>> -> memref<1x64x128xf32, #tpu.memory_space<vmem>>
    %dma_wait3A_302 = tpu.memref_squeeze %dma_wait3A_301 : memref<1x64x128xf32, #tpu.memory_space<vmem>> -> memref<64x128xf32, #tpu.memory_space<vmem>>
    %dma_wait3A_303 = arith.constant 0 : i32
    %dma_wait3A_304 = arith.constant 0 : i32
    %dma_wait3A_305 = tpu.memref_slice %arg2[%dma_wait3A_303, %dma_wait3A_304] : memref<64x1000000xf32, #tpu.memory_space<hbm>> -> memref<64x128xf32, #tpu.memory_space<hbm>>
    %dma_wait3A_306 = arith.constant 0 : i32
    %dma_wait3A_307 = arith.constant 0 : i32
    %dma_wait3A_308 = tpu.memref_slice %arg6[%dma_wait3A_298, %dma_wait3A_306, %dma_wait3A_307] : memref<10x64x128xf32, #tpu.memory_space<vmem>> -> memref<1x64x128xf32, #tpu.memory_space<vmem>>
    %dma_wait3A_309 = tpu.memref_squeeze %dma_wait3A_308 : memref<1x64x128xf32, #tpu.memory_space<vmem>> -> memref<64x128xf32, #tpu.memory_space<vmem>>
    %dma_wait3A_310 = arith.constant 0 : i32
    %dma_wait3A_311 = arith.constant 0 : i32
    %dma_wait3A_312 = tpu.memref_slice %arg2[%dma_wait3A_310, %dma_wait3A_311] : memref<64x1000000xf32, #tpu.memory_space<hbm>> -> memref<64x128xf32, #tpu.memory_space<hbm>>
    tpu.wait_dma2 semaphore(%arg9 : memref<!tpu.dma_semaphore, #tpu.memory_space<semaphore_mem>>) src(%dma_wait3A_312 : memref<64x128xf32, #tpu.memory_space<hbm>>) dst(%dma_wait3A_309 : memref<64x128xf32, #tpu.memory_space<vmem>>)
    %dma_wait3A_313 = arith.constant 1 : i32
    %dma_wait3A_314 = arith.constant 0 : i32
    %dma_wait3A_315 = arith.constant 0 : i32
    %dma_wait3A_316 = tpu.memref_slice %arg7[%dma_wait3A_313, %dma_wait3A_314, %dma_wait3A_315] : memref<10x1x64xf32, #tpu.memory_space<vmem>> -> memref<1x1x64xf32, #tpu.memory_space<vmem>>
    %dma_wait3A_317 = tpu.memref_squeeze %dma_wait3A_316 : memref<1x1x64xf32, #tpu.memory_space<vmem>> -> memref<1x64xf32, #tpu.memory_space<vmem>>
    %dma_wait3A_318 = arith.constant 0 : i32
    %dma_wait3A_319 = arith.constant 0 : i32
    %dma_wait3A_320 = tpu.memref_slice %arg4[%mul3A_2, %dma_wait3A_318, %dma_wait3A_319] : memref<16384x1x64xf32, #tpu.memory_space<hbm>> -> memref<1x1x64xf32, #tpu.memory_space<hbm>>
    %dma_wait3A_321 = tpu.memref_squeeze %dma_wait3A_320 : memref<1x1x64xf32, #tpu.memory_space<hbm>> -> memref<1x64xf32, #tpu.memory_space<hbm>>
    %dma_wait3A_322 = arith.constant 0 : i32
    %dma_wait3A_323 = arith.constant 0 : i32
    %dma_wait3A_324 = tpu.memref_slice %arg4[%mul3A_2, %dma_wait3A_322, %dma_wait3A_323] : memref<16384x1x64xf32, #tpu.memory_space<hbm>> -> memref<1x1x64xf32, #tpu.memory_space<hbm>>
    %dma_wait3A_325 = tpu.memref_squeeze %dma_wait3A_324 : memref<1x1x64xf32, #tpu.memory_space<hbm>> -> memref<1x64xf32, #tpu.memory_space<hbm>>
    %dma_wait3A_326 = arith.constant 0 : i32
    %dma_wait3A_327 = arith.constant 0 : i32
    %dma_wait3A_328 = tpu.memref_slice %arg7[%dma_wait3A_313, %dma_wait3A_326, %dma_wait3A_327] : memref<10x1x64xf32, #tpu.memory_space<vmem>> -> memref<1x1x64xf32, #tpu.memory_space<vmem>>
    %dma_wait3A_329 = tpu.memref_squeeze %dma_wait3A_328 : memref<1x1x64xf32, #tpu.memory_space<vmem>> -> memref<1x64xf32, #tpu.memory_space<vmem>>
    tpu.wait_dma2 semaphore(%arg19 : memref<!tpu.dma_semaphore, #tpu.memory_space<semaphore_mem>>) src(%dma_wait3A_329 : memref<1x64xf32, #tpu.memory_space<vmem>>) dst(%dma_wait3A_325 : memref<1x64xf32, #tpu.memory_space<hbm>>)
    %slice3A_330 = vector.extract_strided_slice %get3A_204 {offsets = [1], sizes = [1], strides = [1]} : vector<16xi32> to vector<1xi32>
    %squeeze3A_331 = vector.extract %slice3A_330[0] : i32 from vector<1xi32>
    %and3A_332 = arith.constant 127 : i32
    %and3A_333 = arith.andi %squeeze3A_331, %and3A_332 : i32
    %broadcast_in_dim3A_334 = vector.broadcast %and3A_333 : i32 to vector<16xi32>
    %broadcast_in_dim3A_335 = arith.constant 1 : i32
    %broadcast_in_dim3A_336 = vector.broadcast %broadcast_in_dim3A_335 : i32 to vector<16xi32>
    %add3A_337 = arith.constant 0 : i32
    %add3A_338 = vector.broadcast %add3A_337 : i32 to vector<16xi32>
    %add3A_339 = arith.addi %iota3A, %add3A_338 : vector<16xi32>
    %gather3A_340 = tpu.vector_load_idx %arg6[%broadcast_in_dim3A_336, %add3A_339, %broadcast_in_dim3A_334] : memref<10x64x128xf32, #tpu.memory_space<vmem>>[vector<16xi32>, vector<16xi32>, vector<16xi32>], vector<16xf32>,
    %swap3A_341 = arith.constant 1 : i32
    %swap3A_342 = arith.constant 0 : i32
    %swap3A_343 = arith.index_cast %swap3A_341 : i32 to index
    %swap3A_344 = arith.index_cast %swap3A_342 : i32 to index
    %swap3A_345 = arith.constant 0 : index
    %swap3A_346 = tpu.vector_load %arg7[%swap3A_343, %swap3A_344, %swap3A_345] {strides = array<i32>} : memref<10x1x64xf32, #tpu.memory_space<vmem>>, vector<16xf32>,
    tpu.vector_store %arg7[%swap3A_343, %swap3A_344, %swap3A_345], %gather3A_340 {strides = array<i32>} : memref<10x1x64xf32, #tpu.memory_space<vmem>>, vector<16xf32>,
    %add3A_347 = arith.constant 16 : i32
    %add3A_348 = vector.broadcast %add3A_347 : i32 to vector<16xi32>
    %add3A_349 = arith.addi %iota3A, %add3A_348 : vector<16xi32>
    %gather3A_350 = tpu.vector_load_idx %arg6[%broadcast_in_dim3A_336, %add3A_349, %broadcast_in_dim3A_334] : memref<10x64x128xf32, #tpu.memory_space<vmem>>[vector<16xi32>, vector<16xi32>, vector<16xi32>], vector<16xf32>,
    %swap3A_351 = arith.constant 1 : i32
    %swap3A_352 = arith.constant 0 : i32
    %swap3A_353 = arith.index_cast %swap3A_351 : i32 to index
    %swap3A_354 = arith.index_cast %swap3A_352 : i32 to index
    %swap3A_355 = arith.constant 16 : index
    %swap3A_356 = tpu.vector_load %arg7[%swap3A_353, %swap3A_354, %swap3A_355] {strides = array<i32>} : memref<10x1x64xf32, #tpu.memory_space<vmem>>, vector<16xf32>,
    tpu.vector_store %arg7[%swap3A_353, %swap3A_354, %swap3A_355], %gather3A_350 {strides = array<i32>} : memref<10x1x64xf32, #tpu.memory_space<vmem>>, vector<16xf32>,
    %add3A_357 = arith.constant 32 : i32
    %add3A_358 = vector.broadcast %add3A_357 : i32 to vector<16xi32>
    %add3A_359 = arith.addi %iota3A, %add3A_358 : vector<16xi32>
    %gather3A_360 = tpu.vector_load_idx %arg6[%broadcast_in_dim3A_336, %add3A_359, %broadcast_in_dim3A_334] : memref<10x64x128xf32, #tpu.memory_space<vmem>>[vector<16xi32>, vector<16xi32>, vector<16xi32>], vector<16xf32>,
    %swap3A_361 = arith.constant 1 : i32
    %swap3A_362 = arith.constant 0 : i32
    %swap3A_363 = arith.index_cast %swap3A_361 : i32 to index
    %swap3A_364 = arith.index_cast %swap3A_362 : i32 to index
    %swap3A_365 = arith.constant 32 : index
    %swap3A_366 = tpu.vector_load %arg7[%swap3A_363, %swap3A_364, %swap3A_365] {strides = array<i32>} : memref<10x1x64xf32, #tpu.memory_space<vmem>>, vector<16xf32>,
    tpu.vector_store %arg7[%swap3A_363, %swap3A_364, %swap3A_365], %gather3A_360 {strides = array<i32>} : memref<10x1x64xf32, #tpu.memory_space<vmem>>, vector<16xf32>,
    %add3A_367 = arith.constant 48 : i32
    %add3A_368 = vector.broadcast %add3A_367 : i32 to vector<16xi32>
    %add3A_369 = arith.addi %iota3A, %add3A_368 : vector<16xi32>
    %gather3A_370 = tpu.vector_load_idx %arg6[%broadcast_in_dim3A_336, %add3A_369, %broadcast_in_dim3A_334] : memref<10x64x128xf32, #tpu.memory_space<vmem>>[vector<16xi32>, vector<16xi32>, vector<16xi32>], vector<16xf32>,
    %swap3A_371 = arith.constant 1 : i32
    %swap3A_372 = arith.constant 0 : i32
    %swap3A_373 = arith.index_cast %swap3A_371 : i32 to index
    %swap3A_374 = arith.index_cast %swap3A_372 : i32 to index
    %swap3A_375 = arith.constant 48 : index
    %swap3A_376 = tpu.vector_load %arg7[%swap3A_373, %swap3A_374, %swap3A_375] {strides = array<i32>} : memref<10x1x64xf32, #tpu.memory_space<vmem>>, vector<16xf32>,
    tpu.vector_store %arg7[%swap3A_373, %swap3A_374, %swap3A_375], %gather3A_370 {strides = array<i32>} : memref<10x1x64xf32, #tpu.memory_space<vmem>>, vector<16xf32>,
    %add3A_377 = arith.constant 501 : i32
    %add3A_378 = arith.addi %mul3A_2, %add3A_377 : i32
    %dma_start3A_379 = arith.constant 1 : i32
    %dma_start3A_380 = arith.constant 0 : i32
    %dma_start3A_381 = arith.constant 0 : i32
    %dma_start3A_382 = tpu.memref_slice %arg7[%dma_start3A_379, %dma_start3A_380, %dma_start3A_381] : memref<10x1x64xf32, #tpu.memory_space<vmem>> -> memref<1x1x64xf32, #tpu.memory_space<vmem>>
    %dma_start3A_383 = tpu.memref_squeeze %dma_start3A_382 : memref<1x1x64xf32, #tpu.memory_space<vmem>> -> memref<1x64xf32, #tpu.memory_space<vmem>>
    %dma_start3A_384 = arith.constant 0 : i32
    %dma_start3A_385 = arith.constant 0 : i32
    %dma_start3A_386 = tpu.memref_slice %arg4[%add3A_378, %dma_start3A_384, %dma_start3A_385] : memref<16384x1x64xf32, #tpu.memory_space<hbm>> -> memref<1x1x64xf32, #tpu.memory_space<hbm>>
    %dma_start3A_387 = tpu.memref_squeeze %dma_start3A_386 : memref<1x1x64xf32, #tpu.memory_space<hbm>> -> memref<1x64xf32, #tpu.memory_space<hbm>>
    %dma_start3A_388 = arith.constant 0 : i32
    %dma_start3A_389 = arith.constant 0 : i32
    %dma_start3A_390 = tpu.memref_slice %arg4[%add3A_378, %dma_start3A_388, %dma_start3A_389] : memref<16384x1x64xf32, #tpu.memory_space<hbm>> -> memref<1x1x64xf32, #tpu.memory_space<hbm>>
    %dma_start3A_391 = tpu.memref_squeeze %dma_start3A_390 : memref<1x1x64xf32, #tpu.memory_space<hbm>> -> memref<1x64xf32, #tpu.memory_space<hbm>>
    %dma_start3A_392 = arith.constant 0 : i32
    %dma_start3A_393 = arith.constant 0 : i32
    %dma_start3A_394 = tpu.memref_slice %arg7[%dma_start3A_379, %dma_start3A_392, %dma_start3A_393] : memref<10x1x64xf32, #tpu.memory_space<vmem>> -> memref<1x1x64xf32, #tpu.memory_space<vmem>>
    %dma_start3A_395 = tpu.memref_squeeze %dma_start3A_394 : memref<1x1x64xf32, #tpu.memory_space<vmem>> -> memref<1x64xf32, #tpu.memory_space<vmem>>
    tpu.enqueue_dma source(%dma_start3A_395 : memref<1x64xf32, #tpu.memory_space<vmem>>) target(%dma_start3A_391 : memref<1x64xf32, #tpu.memory_space<hbm>>) target_semaphore(%arg19 : memref<!tpu.dma_semaphore, #tpu.memory_space<semaphore_mem>>)
    %dma_wait3A_396 = arith.constant 2 : i32
    %dma_wait3A_397 = arith.constant 0 : i32
    %dma_wait3A_398 = arith.constant 0 : i32
    %dma_wait3A_399 = tpu.memref_slice %arg6[%dma_wait3A_396, %dma_wait3A_397, %dma_wait3A_398] : memref<10x64x128xf32, #tpu.memory_space<vmem>> -> memref<1x64x128xf32, #tpu.memory_space<vmem>>
    %dma_wait3A_400 = tpu.memref_squeeze %dma_wait3A_399 : memref<1x64x128xf32, #tpu.memory_space<vmem>> -> memref<64x128xf32, #tpu.memory_space<vmem>>
    %dma_wait3A_401 = arith.constant 0 : i32
    %dma_wait3A_402 = arith.constant 0 : i32
    %dma_wait3A_403 = tpu.memref_slice %arg2[%dma_wait3A_401, %dma_wait3A_402] : memref<64x1000000xf32, #tpu.memory_space<hbm>> -> memref<64x128xf32, #tpu.memory_space<hbm>>
    %dma_wait3A_404 = arith.constant 0 : i32
    %dma_wait3A_405 = arith.constant 0 : i32
    %dma_wait3A_406 = tpu.memref_slice %arg6[%dma_wait3A_396, %dma_wait3A_404, %dma_wait3A_405] : memref<10x64x128xf32, #tpu.memory_space<vmem>> -> memref<1x64x128xf32, #tpu.memory_space<vmem>>
    %dma_wait3A_407 = tpu.memref_squeeze %dma_wait3A_406 : memref<1x64x128xf32, #tpu.memory_space<vmem>> -> memref<64x128xf32, #tpu.memory_space<vmem>>
    %dma_wait3A_408 = arith.constant 0 : i32
    %dma_wait3A_409 = arith.constant 0 : i32
    %dma_wait3A_410 = tpu.memref_slice %arg2[%dma_wait3A_408, %dma_wait3A_409] : memref<64x1000000xf32, #tpu.memory_space<hbm>> -> memref<64x128xf32, #tpu.memory_space<hbm>>
    tpu.wait_dma2 semaphore(%arg10 : memref<!tpu.dma_semaphore, #tpu.memory_space<semaphore_mem>>) src(%dma_wait3A_410 : memref<64x128xf32, #tpu.memory_space<hbm>>) dst(%dma_wait3A_407 : memref<64x128xf32, #tpu.memory_space<vmem>>)
    %dma_wait3A_411 = arith.constant 2 : i32
    %dma_wait3A_412 = arith.constant 0 : i32
    %dma_wait3A_413 = arith.constant 0 : i32
    %dma_wait3A_414 = tpu.memref_slice %arg7[%dma_wait3A_411, %dma_wait3A_412, %dma_wait3A_413] : memref<10x1x64xf32, #tpu.memory_space<vmem>> -> memref<1x1x64xf32, #tpu.memory_space<vmem>>
    %dma_wait3A_415 = tpu.memref_squeeze %dma_wait3A_414 : memref<1x1x64xf32, #tpu.memory_space<vmem>> -> memref<1x64xf32, #tpu.memory_space<vmem>>
    %dma_wait3A_416 = arith.constant 0 : i32
    %dma_wait3A_417 = arith.constant 0 : i32
    %dma_wait3A_418 = tpu.memref_slice %arg4[%mul3A_2, %dma_wait3A_416, %dma_wait3A_417] : memref<16384x1x64xf32, #tpu.memory_space<hbm>> -> memref<1x1x64xf32, #tpu.memory_space<hbm>>
    %dma_wait3A_419 = tpu.memref_squeeze %dma_wait3A_418 : memref<1x1x64xf32, #tpu.memory_space<hbm>> -> memref<1x64xf32, #tpu.memory_space<hbm>>
    %dma_wait3A_420 = arith.constant 0 : i32
    %dma_wait3A_421 = arith.constant 0 : i32
    %dma_wait3A_422 = tpu.memref_slice %arg4[%mul3A_2, %dma_wait3A_420, %dma_wait3A_421] : memref<16384x1x64xf32, #tpu.memory_space<hbm>> -> memref<1x1x64xf32, #tpu.memory_space<hbm>>
    %dma_wait3A_423 = tpu.memref_squeeze %dma_wait3A_422 : memref<1x1x64xf32, #tpu.memory_space<hbm>> -> memref<1x64xf32, #tpu.memory_space<hbm>>
    %dma_wait3A_424 = arith.constant 0 : i32
    %dma_wait3A_425 = arith.constant 0 : i32
    %dma_wait3A_426 = tpu.memref_slice %arg7[%dma_wait3A_411, %dma_wait3A_424, %dma_wait3A_425] : memref<10x1x64xf32, #tpu.memory_space<vmem>> -> memref<1x1x64xf32, #tpu.memory_space<vmem>>
    %dma_wait3A_427 = tpu.memref_squeeze %dma_wait3A_426 : memref<1x1x64xf32, #tpu.memory_space<vmem>> -> memref<1x64xf32, #tpu.memory_space<vmem>>
    tpu.wait_dma2 semaphore(%arg20 : memref<!tpu.dma_semaphore, #tpu.memory_space<semaphore_mem>>) src(%dma_wait3A_427 : memref<1x64xf32, #tpu.memory_space<vmem>>) dst(%dma_wait3A_423 : memref<1x64xf32, #tpu.memory_space<hbm>>)
    %slice3A_428 = vector.extract_strided_slice %get3A_204 {offsets = [2], sizes = [1], strides = [1]} : vector<16xi32> to vector<1xi32>
    %squeeze3A_429 = vector.extract %slice3A_428[0] : i32 from vector<1xi32>
    %and3A_430 = arith.constant 127 : i32
    %and3A_431 = arith.andi %squeeze3A_429, %and3A_430 : i32
    %broadcast_in_dim3A_432 = vector.broadcast %and3A_431 : i32 to vector<16xi32>
    %broadcast_in_dim3A_433 = arith.constant 2 : i32
    %broadcast_in_dim3A_434 = vector.broadcast %broadcast_in_dim3A_433 : i32 to vector<16xi32>
    %add3A_435 = arith.constant 0 : i32
    %add3A_436 = vector.broadcast %add3A_435 : i32 to vector<16xi32>
    %add3A_437 = arith.addi %iota3A, %add3A_436 : vector<16xi32>
    %gather3A_438 = tpu.vector_load_idx %arg6[%broadcast_in_dim3A_434, %add3A_437, %broadcast_in_dim3A_432] : memref<10x64x128xf32, #tpu.memory_space<vmem>>[vector<16xi32>, vector<16xi32>, vector<16xi32>], vector<16xf32>,
    %swap3A_439 = arith.constant 2 : i32
    %swap3A_440 = arith.constant 0 : i32
    %swap3A_441 = arith.index_cast %swap3A_439 : i32 to index
    %swap3A_442 = arith.index_cast %swap3A_440 : i32 to index
    %swap3A_443 = arith.constant 0 : index
    %swap3A_444 = tpu.vector_load %arg7[%swap3A_441, %swap3A_442, %swap3A_443] {strides = array<i32>} : memref<10x1x64xf32, #tpu.memory_space<vmem>>, vector<16xf32>,
    tpu.vector_store %arg7[%swap3A_441, %swap3A_442, %swap3A_443], %gather3A_438 {strides = array<i32>} : memref<10x1x64xf32, #tpu.memory_space<vmem>>, vector<16xf32>,
    %add3A_445 = arith.constant 16 : i32
    %add3A_446 = vector.broadcast %add3A_445 : i32 to vector<16xi32>
    %add3A_447 = arith.addi %iota3A, %add3A_446 : vector<16xi32>
    %gather3A_448 = tpu.vector_load_idx %arg6[%broadcast_in_dim3A_434, %add3A_447, %broadcast_in_dim3A_432] : memref<10x64x128xf32, #tpu.memory_space<vmem>>[vector<16xi32>, vector<16xi32>, vector<16xi32>], vector<16xf32>,
    %swap3A_449 = arith.constant 2 : i32
    %swap3A_450 = arith.constant 0 : i32
    %swap3A_451 = arith.index_cast %swap3A_449 : i32 to index
    %swap3A_452 = arith.index_cast %swap3A_450 : i32 to index
    %swap3A_453 = arith.constant 16 : index
    %swap3A_454 = tpu.vector_load %arg7[%swap3A_451, %swap3A_452, %swap3A_453] {strides = array<i32>} : memref<10x1x64xf32, #tpu.memory_space<vmem>>, vector<16xf32>,
    tpu.vector_store %arg7[%swap3A_451, %swap3A_452, %swap3A_453], %gather3A_448 {strides = array<i32>} : memref<10x1x64xf32, #tpu.memory_space<vmem>>, vector<16xf32>,
    %add3A_455 = arith.constant 32 : i32
    %add3A_456 = vector.broadcast %add3A_455 : i32 to vector<16xi32>
    %add3A_457 = arith.addi %iota3A, %add3A_456 : vector<16xi32>
    %gather3A_458 = tpu.vector_load_idx %arg6[%broadcast_in_dim3A_434, %add3A_457, %broadcast_in_dim3A_432] : memref<10x64x128xf32, #tpu.memory_space<vmem>>[vector<16xi32>, vector<16xi32>, vector<16xi32>], vector<16xf32>,
    %swap3A_459 = arith.constant 2 : i32
    %swap3A_460 = arith.constant 0 : i32
    %swap3A_461 = arith.index_cast %swap3A_459 : i32 to index
    %swap3A_462 = arith.index_cast %swap3A_460 : i32 to index
    %swap3A_463 = arith.constant 32 : index
    %swap3A_464 = tpu.vector_load %arg7[%swap3A_461, %swap3A_462, %swap3A_463] {strides = array<i32>} : memref<10x1x64xf32, #tpu.memory_space<vmem>>, vector<16xf32>,
    tpu.vector_store %arg7[%swap3A_461, %swap3A_462, %swap3A_463], %gather3A_458 {strides = array<i32>} : memref<10x1x64xf32, #tpu.memory_space<vmem>>, vector<16xf32>,
    %add3A_465 = arith.constant 48 : i32
    %add3A_466 = vector.broadcast %add3A_465 : i32 to vector<16xi32>
    %add3A_467 = arith.addi %iota3A, %add3A_466 : vector<16xi32>
    %gather3A_468 = tpu.vector_load_idx %arg6[%broadcast_in_dim3A_434, %add3A_467, %broadcast_in_dim3A_432] : memref<10x64x128xf32, #tpu.memory_space<vmem>>[vector<16xi32>, vector<16xi32>, vector<16xi32>], vector<16xf32>,
    %swap3A_469 = arith.constant 2 : i32
    %swap3A_470 = arith.constant 0 : i32
    %swap3A_471 = arith.index_cast %swap3A_469 : i32 to index
    %swap3A_472 = arith.index_cast %swap3A_470 : i32 to index
    %swap3A_473 = arith.constant 48 : index
    %swap3A_474 = tpu.vector_load %arg7[%swap3A_471, %swap3A_472, %swap3A_473] {strides = array<i32>} : memref<10x1x64xf32, #tpu.memory_space<vmem>>, vector<16xf32>,
    tpu.vector_store %arg7[%swap3A_471, %swap3A_472, %swap3A_473], %gather3A_468 {strides = array<i32>} : memref<10x1x64xf32, #tpu.memory_space<vmem>>, vector<16xf32>,
    %add3A_475 = arith.constant 502 : i32
    %add3A_476 = arith.addi %mul3A_2, %add3A_475 : i32
    %dma_start3A_477 = arith.constant 2 : i32
    %dma_start3A_478 = arith.constant 0 : i32
    %dma_start3A_479 = arith.constant 0 : i32
    %dma_start3A_480 = tpu.memref_slice %arg7[%dma_start3A_477, %dma_start3A_478, %dma_start3A_479] : memref<10x1x64xf32, #tpu.memory_space<vmem>> -> memref<1x1x64xf32, #tpu.memory_space<vmem>>
    %dma_start3A_481 = tpu.memref_squeeze %dma_start3A_480 : memref<1x1x64xf32, #tpu.memory_space<vmem>> -> memref<1x64xf32, #tpu.memory_space<vmem>>
    %dma_start3A_482 = arith.constant 0 : i32
    %dma_start3A_483 = arith.constant 0 : i32
    %dma_start3A_484 = tpu.memref_slice %arg4[%add3A_476, %dma_start3A_482, %dma_start3A_483] : memref<16384x1x64xf32, #tpu.memory_space<hbm>> -> memref<1x1x64xf32, #tpu.memory_space<hbm>>
    %dma_start3A_485 = tpu.memref_squeeze %dma_start3A_484 : memref<1x1x64xf32, #tpu.memory_space<hbm>> -> memref<1x64xf32, #tpu.memory_space<hbm>>
    %dma_start3A_486 = arith.constant 0 : i32
    %dma_start3A_487 = arith.constant 0 : i32
    %dma_start3A_488 = tpu.memref_slice %arg4[%add3A_476, %dma_start3A_486, %dma_start3A_487] : memref<16384x1x64xf32, #tpu.memory_space<hbm>> -> memref<1x1x64xf32, #tpu.memory_space<hbm>>
    %dma_start3A_489 = tpu.memref_squeeze %dma_start3A_488 : memref<1x1x64xf32, #tpu.memory_space<hbm>> -> memref<1x64xf32, #tpu.memory_space<hbm>>
    %dma_start3A_490 = arith.constant 0 : i32
    %dma_start3A_491 = arith.constant 0 : i32
    %dma_start3A_492 = tpu.memref_slice %arg7[%dma_start3A_477, %dma_start3A_490, %dma_start3A_491] : memref<10x1x64xf32, #tpu.memory_space<vmem>> -> memref<1x1x64xf32, #tpu.memory_space<vmem>>
    %dma_start3A_493 = tpu.memref_squeeze %dma_start3A_492 : memref<1x1x64xf32, #tpu.memory_space<vmem>> -> memref<1x64xf32, #tpu.memory_space<vmem>>
    tpu.enqueue_dma source(%dma_start3A_493 : memref<1x64xf32, #tpu.memory_space<vmem>>) target(%dma_start3A_489 : memref<1x64xf32, #tpu.memory_space<hbm>>) target_semaphore(%arg20 : memref<!tpu.dma_semaphore, #tpu.memory_space<semaphore_mem>>)
    %dma_wait3A_494 = arith.constant 3 : i32
    %dma_wait3A_495 = arith.constant 0 : i32
    %dma_wait3A_496 = arith.constant 0 : i32
    %dma_wait3A_497 = tpu.memref_slice %arg6[%dma_wait3A_494, %dma_wait3A_495, %dma_wait3A_496] : memref<10x64x128xf32, #tpu.memory_space<vmem>> -> memref<1x64x128xf32, #tpu.memory_space<vmem>>
    %dma_wait3A_498 = tpu.memref_squeeze %dma_wait3A_497 : memref<1x64x128xf32, #tpu.memory_space<vmem>> -> memref<64x128xf32, #tpu.memory_space<vmem>>
    %dma_wait3A_499 = arith.constant 0 : i32
    %dma_wait3A_500 = arith.constant 0 : i32
    %dma_wait3A_501 = tpu.memref_slice %arg2[%dma_wait3A_499, %dma_wait3A_500] : memref<64x1000000xf32, #tpu.memory_space<hbm>> -> memref<64x128xf32, #tpu.memory_space<hbm>>
    %dma_wait3A_502 = arith.constant 0 : i32
    %dma_wait3A_503 = arith.constant 0 : i32
    %dma_wait3A_504 = tpu.memref_slice %arg6[%dma_wait3A_494, %dma_wait3A_502, %dma_wait3A_503] : memref<10x64x128xf32, #tpu.memory_space<vmem>> -> memref<1x64x128xf32, #tpu.memory_space<vmem>>
    %dma_wait3A_505 = tpu.memref_squeeze %dma_wait3A_504 : memref<1x64x128xf32, #tpu.memory_space<vmem>> -> memref<64x128xf32, #tpu.memory_space<vmem>>
    %dma_wait3A_506 = arith.constant 0 : i32
    %dma_wait3A_507 = arith.constant 0 : i32
    %dma_wait3A_508 = tpu.memref_slice %arg2[%dma_wait3A_506, %dma_wait3A_507] : memref<64x1000000xf32, #tpu.memory_space<hbm>> -> memref<64x128xf32, #tpu.memory_space<hbm>>
    tpu.wait_dma2 semaphore(%arg11 : memref<!tpu.dma_semaphore, #tpu.memory_space<semaphore_mem>>) src(%dma_wait3A_508 : memref<64x128xf32, #tpu.memory_space<hbm>>) dst(%dma_wait3A_505 : memref<64x128xf32, #tpu.memory_space<vmem>>)
    %dma_wait3A_509 = arith.constant 3 : i32
    %dma_wait3A_510 = arith.constant 0 : i32
    %dma_wait3A_511 = arith.constant 0 : i32
    %dma_wait3A_512 = tpu.memref_slice %arg7[%dma_wait3A_509, %dma_wait3A_510, %dma_wait3A_511] : memref<10x1x64xf32, #tpu.memory_space<vmem>> -> memref<1x1x64xf32, #tpu.memory_space<vmem>>
    %dma_wait3A_513 = tpu.memref_squeeze %dma_wait3A_512 : memref<1x1x64xf32, #tpu.memory_space<vmem>> -> memref<1x64xf32, #tpu.memory_space<vmem>>
    %dma_wait3A_514 = arith.constant 0 : i32
    %dma_wait3A_515 = arith.constant 0 : i32
    %dma_wait3A_516 = tpu.memref_slice %arg4[%mul3A_2, %dma_wait3A_514, %dma_wait3A_515] : memref<16384x1x64xf32, #tpu.memory_space<hbm>> -> memref<1x1x64xf32, #tpu.memory_space<hbm>>
    %dma_wait3A_517 = tpu.memref_squeeze %dma_wait3A_516 : memref<1x1x64xf32, #tpu.memory_space<hbm>> -> memref<1x64xf32, #tpu.memory_space<hbm>>
    %dma_wait3A_518 = arith.constant 0 : i32
    %dma_wait3A_519 = arith.constant 0 : i32
    %dma_wait3A_520 = tpu.memref_slice %arg4[%mul3A_2, %dma_wait3A_518, %dma_wait3A_519] : memref<16384x1x64xf32, #tpu.memory_space<hbm>> -> memref<1x1x64xf32, #tpu.memory_space<hbm>>
    %dma_wait3A_521 = tpu.memref_squeeze %dma_wait3A_520 : memref<1x1x64xf32, #tpu.memory_space<hbm>> -> memref<1x64xf32, #tpu.memory_space<hbm>>
    %dma_wait3A_522 = arith.constant 0 : i32
    %dma_wait3A_523 = arith.constant 0 : i32
    %dma_wait3A_524 = tpu.memref_slice %arg7[%dma_wait3A_509, %dma_wait3A_522, %dma_wait3A_523] : memref<10x1x64xf32, #tpu.memory_space<vmem>> -> memref<1x1x64xf32, #tpu.memory_space<vmem>>
    %dma_wait3A_525 = tpu.memref_squeeze %dma_wait3A_524 : memref<1x1x64xf32, #tpu.memory_space<vmem>> -> memref<1x64xf32, #tpu.memory_space<vmem>>
    tpu.wait_dma2 semaphore(%arg21 : memref<!tpu.dma_semaphore, #tpu.memory_space<semaphore_mem>>) src(%dma_wait3A_525 : memref<1x64xf32, #tpu.memory_space<vmem>>) dst(%dma_wait3A_521 : memref<1x64xf32, #tpu.memory_space<hbm>>)
    %slice3A_526 = vector.extract_strided_slice %get3A_204 {offsets = [3], sizes = [1], strides = [1]} : vector<16xi32> to vector<1xi32>
    %squeeze3A_527 = vector.extract %slice3A_526[0] : i32 from vector<1xi32>
    %and3A_528 = arith.constant 127 : i32
    %and3A_529 = arith.andi %squeeze3A_527, %and3A_528 : i32
    %broadcast_in_dim3A_530 = vector.broadcast %and3A_529 : i32 to vector<16xi32>
    %broadcast_in_dim3A_531 = arith.constant 3 : i32
    %broadcast_in_dim3A_532 = vector.broadcast %broadcast_in_dim3A_531 : i32 to vector<16xi32>
    %add3A_533 = arith.constant 0 : i32
    %add3A_534 = vector.broadcast %add3A_533 : i32 to vector<16xi32>
    %add3A_535 = arith.addi %iota3A, %add3A_534 : vector<16xi32>
    %gather3A_536 = tpu.vector_load_idx %arg6[%broadcast_in_dim3A_532, %add3A_535, %broadcast_in_dim3A_530] : memref<10x64x128xf32, #tpu.memory_space<vmem>>[vector<16xi32>, vector<16xi32>, vector<16xi32>], vector<16xf32>,
    %swap3A_537 = arith.constant 3 : i32
    %swap3A_538 = arith.constant 0 : i32
    %swap3A_539 = arith.index_cast %swap3A_537 : i32 to index
    %swap3A_540 = arith.index_cast %swap3A_538 : i32 to index
    %swap3A_541 = arith.constant 0 : index
    %swap3A_542 = tpu.vector_load %arg7[%swap3A_539, %swap3A_540, %swap3A_541] {strides = array<i32>} : memref<10x1x64xf32, #tpu.memory_space<vmem>>, vector<16xf32>,
    tpu.vector_store %arg7[%swap3A_539, %swap3A_540, %swap3A_541], %gather3A_536 {strides = array<i32>} : memref<10x1x64xf32, #tpu.memory_space<vmem>>, vector<16xf32>,
    %add3A_543 = arith.constant 16 : i32
    %add3A_544 = vector.broadcast %add3A_543 : i32 to vector<16xi32>
    %add3A_545 = arith.addi %iota3A, %add3A_544 : vector<16xi32>
    %gather3A_546 = tpu.vector_load_idx %arg6[%broadcast_in_dim3A_532, %add3A_545, %broadcast_in_dim3A_530] : memref<10x64x128xf32, #tpu.memory_space<vmem>>[vector<16xi32>, vector<16xi32>, vector<16xi32>], vector<16xf32>,
    %swap3A_547 = arith.constant 3 : i32
    %swap3A_548 = arith.constant 0 : i32
    %swap3A_549 = arith.index_cast %swap3A_547 : i32 to index
    %swap3A_550 = arith.index_cast %swap3A_548 : i32 to index
    %swap3A_551 = arith.constant 16 : index
    %swap3A_552 = tpu.vector_load %arg7[%swap3A_549, %swap3A_550, %swap3A_551] {strides = array<i32>} : memref<10x1x64xf32, #tpu.memory_space<vmem>>, vector<16xf32>,
    tpu.vector_store %arg7[%swap3A_549, %swap3A_550, %swap3A_551], %gather3A_546 {strides = array<i32>} : memref<10x1x64xf32, #tpu.memory_space<vmem>>, vector<16xf32>,
    %add3A_553 = arith.constant 32 : i32
    %add3A_554 = vector.broadcast %add3A_553 : i32 to vector<16xi32>
    %add3A_555 = arith.addi %iota3A, %add3A_554 : vector<16xi32>
    %gather3A_556 = tpu.vector_load_idx %arg6[%broadcast_in_dim3A_532, %add3A_555, %broadcast_in_dim3A_530] : memref<10x64x128xf32, #tpu.memory_space<vmem>>[vector<16xi32>, vector<16xi32>, vector<16xi32>], vector<16xf32>,
    %swap3A_557 = arith.constant 3 : i32
    %swap3A_558 = arith.constant 0 : i32
    %swap3A_559 = arith.index_cast %swap3A_557 : i32 to index
    %swap3A_560 = arith.index_cast %swap3A_558 : i32 to index
    %swap3A_561 = arith.constant 32 : index
    %swap3A_562 = tpu.vector_load %arg7[%swap3A_559, %swap3A_560, %swap3A_561] {strides = array<i32>} : memref<10x1x64xf32, #tpu.memory_space<vmem>>, vector<16xf32>,
    tpu.vector_store %arg7[%swap3A_559, %swap3A_560, %swap3A_561], %gather3A_556 {strides = array<i32>} : memref<10x1x64xf32, #tpu.memory_space<vmem>>, vector<16xf32>,
    %add3A_563 = arith.constant 48 : i32
    %add3A_564 = vector.broadcast %add3A_563 : i32 to vector<16xi32>
    %add3A_565 = arith.addi %iota3A, %add3A_564 : vector<16xi32>
    %gather3A_566 = tpu.vector_load_idx %arg6[%broadcast_in_dim3A_532, %add3A_565, %broadcast_in_dim3A_530] : memref<10x64x128xf32, #tpu.memory_space<vmem>>[vector<16xi32>, vector<16xi32>, vector<16xi32>], vector<16xf32>,
    %swap3A_567 = arith.constant 3 : i32
    %swap3A_568 = arith.constant 0 : i32
    %swap3A_569 = arith.index_cast %swap3A_567 : i32 to index
    %swap3A_570 = arith.index_cast %swap3A_568 : i32 to index
    %swap3A_571 = arith.constant 48 : index
    %swap3A_572 = tpu.vector_load %arg7[%swap3A_569, %swap3A_570, %swap3A_571] {strides = array<i32>} : memref<10x1x64xf32, #tpu.memory_space<vmem>>, vector<16xf32>,
    tpu.vector_store %arg7[%swap3A_569, %swap3A_570, %swap3A_571], %gather3A_566 {strides = array<i32>} : memref<10x1x64xf32, #tpu.memory_space<vmem>>, vector<16xf32>,
    %add3A_573 = arith.constant 503 : i32
    %add3A_574 = arith.addi %mul3A_2, %add3A_573 : i32
    %dma_start3A_575 = arith.constant 3 : i32
    %dma_start3A_576 = arith.constant 0 : i32
    %dma_start3A_577 = arith.constant 0 : i32
    %dma_start3A_578 = tpu.memref_slice %arg7[%dma_start3A_575, %dma_start3A_576, %dma_start3A_577] : memref<10x1x64xf32, #tpu.memory_space<vmem>> -> memref<1x1x64xf32, #tpu.memory_space<vmem>>
    %dma_start3A_579 = tpu.memref_squeeze %dma_start3A_578 : memref<1x1x64xf32, #tpu.memory_space<vmem>> -> memref<1x64xf32, #tpu.memory_space<vmem>>
    %dma_start3A_580 = arith.constant 0 : i32
    %dma_start3A_581 = arith.constant 0 : i32
    %dma_start3A_582 = tpu.memref_slice %arg4[%add3A_574, %dma_start3A_580, %dma_start3A_581] : memref<16384x1x64xf32, #tpu.memory_space<hbm>> -> memref<1x1x64xf32, #tpu.memory_space<hbm>>
    %dma_start3A_583 = tpu.memref_squeeze %dma_start3A_582 : memref<1x1x64xf32, #tpu.memory_space<hbm>> -> memref<1x64xf32, #tpu.memory_space<hbm>>
    %dma_start3A_584 = arith.constant 0 : i32
    %dma_start3A_585 = arith.constant 0 : i32
    %dma_start3A_586 = tpu.memref_slice %arg4[%add3A_574, %dma_start3A_584, %dma_start3A_585] : memref<16384x1x64xf32, #tpu.memory_space<hbm>> -> memref<1x1x64xf32, #tpu.memory_space<hbm>>
    %dma_start3A_587 = tpu.memref_squeeze %dma_start3A_586 : memref<1x1x64xf32, #tpu.memory_space<hbm>> -> memref<1x64xf32, #tpu.memory_space<hbm>>
    %dma_start3A_588 = arith.constant 0 : i32
    %dma_start3A_589 = arith.constant 0 : i32
    %dma_start3A_590 = tpu.memref_slice %arg7[%dma_start3A_575, %dma_start3A_588, %dma_start3A_589] : memref<10x1x64xf32, #tpu.memory_space<vmem>> -> memref<1x1x64xf32, #tpu.memory_space<vmem>>
    %dma_start3A_591 = tpu.memref_squeeze %dma_start3A_590 : memref<1x1x64xf32, #tpu.memory_space<vmem>> -> memref<1x64xf32, #tpu.memory_space<vmem>>
    tpu.enqueue_dma source(%dma_start3A_591 : memref<1x64xf32, #tpu.memory_space<vmem>>) target(%dma_start3A_587 : memref<1x64xf32, #tpu.memory_space<hbm>>) target_semaphore(%arg21 : memref<!tpu.dma_semaphore, #tpu.memory_space<semaphore_mem>>)
    %dma_wait3A_592 = arith.constant 4 : i32
    %dma_wait3A_593 = arith.constant 0 : i32
    %dma_wait3A_594 = arith.constant 0 : i32
    %dma_wait3A_595 = tpu.memref_slice %arg6[%dma_wait3A_592, %dma_wait3A_593, %dma_wait3A_594] : memref<10x64x128xf32, #tpu.memory_space<vmem>> -> memref<1x64x128xf32, #tpu.memory_space<vmem>>
    %dma_wait3A_596 = tpu.memref_squeeze %dma_wait3A_595 : memref<1x64x128xf32, #tpu.memory_space<vmem>> -> memref<64x128xf32, #tpu.memory_space<vmem>>
    %dma_wait3A_597 = arith.constant 0 : i32
    %dma_wait3A_598 = arith.constant 0 : i32
    %dma_wait3A_599 = tpu.memref_slice %arg2[%dma_wait3A_597, %dma_wait3A_598] : memref<64x1000000xf32, #tpu.memory_space<hbm>> -> memref<64x128xf32, #tpu.memory_space<hbm>>
    %dma_wait3A_600 = arith.constant 0 : i32
    %dma_wait3A_601 = arith.constant 0 : i32
    %dma_wait3A_602 = tpu.memref_slice %arg6[%dma_wait3A_592, %dma_wait3A_600, %dma_wait3A_601] : memref<10x64x128xf32, #tpu.memory_space<vmem>> -> memref<1x64x128xf32, #tpu.memory_space<vmem>>
    %dma_wait3A_603 = tpu.memref_squeeze %dma_wait3A_602 : memref<1x64x128xf32, #tpu.memory_space<vmem>> -> memref<64x128xf32, #tpu.memory_space<vmem>>
    %dma_wait3A_604 = arith.constant 0 : i32
    %dma_wait3A_605 = arith.constant 0 : i32
    %dma_wait3A_606 = tpu.memref_slice %arg2[%dma_wait3A_604, %dma_wait3A_605] : memref<64x1000000xf32, #tpu.memory_space<hbm>> -> memref<64x128xf32, #tpu.memory_space<hbm>>
    tpu.wait_dma2 semaphore(%arg12 : memref<!tpu.dma_semaphore, #tpu.memory_space<semaphore_mem>>) src(%dma_wait3A_606 : memref<64x128xf32, #tpu.memory_space<hbm>>) dst(%dma_wait3A_603 : memref<64x128xf32, #tpu.memory_space<vmem>>)
    %dma_wait3A_607 = arith.constant 4 : i32
    %dma_wait3A_608 = arith.constant 0 : i32
    %dma_wait3A_609 = arith.constant 0 : i32
    %dma_wait3A_610 = tpu.memref_slice %arg7[%dma_wait3A_607, %dma_wait3A_608, %dma_wait3A_609] : memref<10x1x64xf32, #tpu.memory_space<vmem>> -> memref<1x1x64xf32, #tpu.memory_space<vmem>>
    %dma_wait3A_611 = tpu.memref_squeeze %dma_wait3A_610 : memref<1x1x64xf32, #tpu.memory_space<vmem>> -> memref<1x64xf32, #tpu.memory_space<vmem>>
    %dma_wait3A_612 = arith.constant 0 : i32
    %dma_wait3A_613 = arith.constant 0 : i32
    %dma_wait3A_614 = tpu.memref_slice %arg4[%mul3A_2, %dma_wait3A_612, %dma_wait3A_613] : memref<16384x1x64xf32, #tpu.memory_space<hbm>> -> memref<1x1x64xf32, #tpu.memory_space<hbm>>
    %dma_wait3A_615 = tpu.memref_squeeze %dma_wait3A_614 : memref<1x1x64xf32, #tpu.memory_space<hbm>> -> memref<1x64xf32, #tpu.memory_space<hbm>>
    %dma_wait3A_616 = arith.constant 0 : i32
    %dma_wait3A_617 = arith.constant 0 : i32
    %dma_wait3A_618 = tpu.memref_slice %arg4[%mul3A_2, %dma_wait3A_616, %dma_wait3A_617] : memref<16384x1x64xf32, #tpu.memory_space<hbm>> -> memref<1x1x64xf32, #tpu.memory_space<hbm>>
    %dma_wait3A_619 = tpu.memref_squeeze %dma_wait3A_618 : memref<1x1x64xf32, #tpu.memory_space<hbm>> -> memref<1x64xf32, #tpu.memory_space<hbm>>
    %dma_wait3A_620 = arith.constant 0 : i32
    %dma_wait3A_621 = arith.constant 0 : i32
    %dma_wait3A_622 = tpu.memref_slice %arg7[%dma_wait3A_607, %dma_wait3A_620, %dma_wait3A_621] : memref<10x1x64xf32, #tpu.memory_space<vmem>> -> memref<1x1x64xf32, #tpu.memory_space<vmem>>
    %dma_wait3A_623 = tpu.memref_squeeze %dma_wait3A_622 : memref<1x1x64xf32, #tpu.memory_space<vmem>> -> memref<1x64xf32, #tpu.memory_space<vmem>>
    tpu.wait_dma2 semaphore(%arg22 : memref<!tpu.dma_semaphore, #tpu.memory_space<semaphore_mem>>) src(%dma_wait3A_623 : memref<1x64xf32, #tpu.memory_space<vmem>>) dst(%dma_wait3A_619 : memref<1x64xf32, #tpu.memory_space<hbm>>)
    %slice3A_624 = vector.extract_strided_slice %get3A_204 {offsets = [4], sizes = [1], strides = [1]} : vector<16xi32> to vector<1xi32>
    %squeeze3A_625 = vector.extract %slice3A_624[0] : i32 from vector<1xi32>
    %and3A_626 = arith.constant 127 : i32
    %and3A_627 = arith.andi %squeeze3A_625, %and3A_626 : i32
    %broadcast_in_dim3A_628 = vector.broadcast %and3A_627 : i32 to vector<16xi32>
    %broadcast_in_dim3A_629 = arith.constant 4 : i32
    %broadcast_in_dim3A_630 = vector.broadcast %broadcast_in_dim3A_629 : i32 to vector<16xi32>
    %add3A_631 = arith.constant 0 : i32
    %add3A_632 = vector.broadcast %add3A_631 : i32 to vector<16xi32>
    %add3A_633 = arith.addi %iota3A, %add3A_632 : vector<16xi32>
    %gather3A_634 = tpu.vector_load_idx %arg6[%broadcast_in_dim3A_630, %add3A_633, %broadcast_in_dim3A_628] : memref<10x64x128xf32, #tpu.memory_space<vmem>>[vector<16xi32>, vector<16xi32>, vector<16xi32>], vector<16xf32>,
    %swap3A_635 = arith.constant 4 : i32
    %swap3A_636 = arith.constant 0 : i32
    %swap3A_637 = arith.index_cast %swap3A_635 : i32 to index
    %swap3A_638 = arith.index_cast %swap3A_636 : i32 to index
    %swap3A_639 = arith.constant 0 : index
    %swap3A_640 = tpu.vector_load %arg7[%swap3A_637, %swap3A_638, %swap3A_639] {strides = array<i32>} : memref<10x1x64xf32, #tpu.memory_space<vmem>>, vector<16xf32>,
    tpu.vector_store %arg7[%swap3A_637, %swap3A_638, %swap3A_639], %gather3A_634 {strides = array<i32>} : memref<10x1x64xf32, #tpu.memory_space<vmem>>, vector<16xf32>,
    %add3A_641 = arith.constant 16 : i32
    %add3A_642 = vector.broadcast %add3A_641 : i32 to vector<16xi32>
    %add3A_643 = arith.addi %iota3A, %add3A_642 : vector<16xi32>
    %gather3A_644 = tpu.vector_load_idx %arg6[%broadcast_in_dim3A_630, %add3A_643, %broadcast_in_dim3A_628] : memref<10x64x128xf32, #tpu.memory_space<vmem>>[vector<16xi32>, vector<16xi32>, vector<16xi32>], vector<16xf32>,
    %swap3A_645 = arith.constant 4 : i32
    %swap3A_646 = arith.constant 0 : i32
    %swap3A_647 = arith.index_cast %swap3A_645 : i32 to index
    %swap3A_648 = arith.index_cast %swap3A_646 : i32 to index
    %swap3A_649 = arith.constant 16 : index
    %swap3A_650 = tpu.vector_load %arg7[%swap3A_647, %swap3A_648, %swap3A_649] {strides = array<i32>} : memref<10x1x64xf32, #tpu.memory_space<vmem>>, vector<16xf32>,
    tpu.vector_store %arg7[%swap3A_647, %swap3A_648, %swap3A_649], %gather3A_644 {strides = array<i32>} : memref<10x1x64xf32, #tpu.memory_space<vmem>>, vector<16xf32>,
    %add3A_651 = arith.constant 32 : i32
    %add3A_652 = vector.broadcast %add3A_651 : i32 to vector<16xi32>
    %add3A_653 = arith.addi %iota3A, %add3A_652 : vector<16xi32>
    %gather3A_654 = tpu.vector_load_idx %arg6[%broadcast_in_dim3A_630, %add3A_653, %broadcast_in_dim3A_628] : memref<10x64x128xf32, #tpu.memory_space<vmem>>[vector<16xi32>, vector<16xi32>, vector<16xi32>], vector<16xf32>,
    %swap3A_655 = arith.constant 4 : i32
    %swap3A_656 = arith.constant 0 : i32
    %swap3A_657 = arith.index_cast %swap3A_655 : i32 to index
    %swap3A_658 = arith.index_cast %swap3A_656 : i32 to index
    %swap3A_659 = arith.constant 32 : index
    %swap3A_660 = tpu.vector_load %arg7[%swap3A_657, %swap3A_658, %swap3A_659] {strides = array<i32>} : memref<10x1x64xf32, #tpu.memory_space<vmem>>, vector<16xf32>,
    tpu.vector_store %arg7[%swap3A_657, %swap3A_658, %swap3A_659], %gather3A_654 {strides = array<i32>} : memref<10x1x64xf32, #tpu.memory_space<vmem>>, vector<16xf32>,
    %add3A_661 = arith.constant 48 : i32
    %add3A_662 = vector.broadcast %add3A_661 : i32 to vector<16xi32>
    %add3A_663 = arith.addi %iota3A, %add3A_662 : vector<16xi32>
    %gather3A_664 = tpu.vector_load_idx %arg6[%broadcast_in_dim3A_630, %add3A_663, %broadcast_in_dim3A_628] : memref<10x64x128xf32, #tpu.memory_space<vmem>>[vector<16xi32>, vector<16xi32>, vector<16xi32>], vector<16xf32>,
    %swap3A_665 = arith.constant 4 : i32
    %swap3A_666 = arith.constant 0 : i32
    %swap3A_667 = arith.index_cast %swap3A_665 : i32 to index
    %swap3A_668 = arith.index_cast %swap3A_666 : i32 to index
    %swap3A_669 = arith.constant 48 : index
    %swap3A_670 = tpu.vector_load %arg7[%swap3A_667, %swap3A_668, %swap3A_669] {strides = array<i32>} : memref<10x1x64xf32, #tpu.memory_space<vmem>>, vector<16xf32>,
    tpu.vector_store %arg7[%swap3A_667, %swap3A_668, %swap3A_669], %gather3A_664 {strides = array<i32>} : memref<10x1x64xf32, #tpu.memory_space<vmem>>, vector<16xf32>,
    %add3A_671 = arith.constant 504 : i32
    %add3A_672 = arith.addi %mul3A_2, %add3A_671 : i32
    %dma_start3A_673 = arith.constant 4 : i32
    %dma_start3A_674 = arith.constant 0 : i32
    %dma_start3A_675 = arith.constant 0 : i32
    %dma_start3A_676 = tpu.memref_slice %arg7[%dma_start3A_673, %dma_start3A_674, %dma_start3A_675] : memref<10x1x64xf32, #tpu.memory_space<vmem>> -> memref<1x1x64xf32, #tpu.memory_space<vmem>>
    %dma_start3A_677 = tpu.memref_squeeze %dma_start3A_676 : memref<1x1x64xf32, #tpu.memory_space<vmem>> -> memref<1x64xf32, #tpu.memory_space<vmem>>
    %dma_start3A_678 = arith.constant 0 : i32
    %dma_start3A_679 = arith.constant 0 : i32
    %dma_start3A_680 = tpu.memref_slice %arg4[%add3A_672, %dma_start3A_678, %dma_start3A_679] : memref<16384x1x64xf32, #tpu.memory_space<hbm>> -> memref<1x1x64xf32, #tpu.memory_space<hbm>>
    %dma_start3A_681 = tpu.memref_squeeze %dma_start3A_680 : memref<1x1x64xf32, #tpu.memory_space<hbm>> -> memref<1x64xf32, #tpu.memory_space<hbm>>
    %dma_start3A_682 = arith.constant 0 : i32
    %dma_start3A_683 = arith.constant 0 : i32
    %dma_start3A_684 = tpu.memref_slice %arg4[%add3A_672, %dma_start3A_682, %dma_start3A_683] : memref<16384x1x64xf32, #tpu.memory_space<hbm>> -> memref<1x1x64xf32, #tpu.memory_space<hbm>>
    %dma_start3A_685 = tpu.memref_squeeze %dma_start3A_684 : memref<1x1x64xf32, #tpu.memory_space<hbm>> -> memref<1x64xf32, #tpu.memory_space<hbm>>
    %dma_start3A_686 = arith.constant 0 : i32
    %dma_start3A_687 = arith.constant 0 : i32
    %dma_start3A_688 = tpu.memref_slice %arg7[%dma_start3A_673, %dma_start3A_686, %dma_start3A_687] : memref<10x1x64xf32, #tpu.memory_space<vmem>> -> memref<1x1x64xf32, #tpu.memory_space<vmem>>
    %dma_start3A_689 = tpu.memref_squeeze %dma_start3A_688 : memref<1x1x64xf32, #tpu.memory_space<vmem>> -> memref<1x64xf32, #tpu.memory_space<vmem>>
    tpu.enqueue_dma source(%dma_start3A_689 : memref<1x64xf32, #tpu.memory_space<vmem>>) target(%dma_start3A_685 : memref<1x64xf32, #tpu.memory_space<hbm>>) target_semaphore(%arg22 : memref<!tpu.dma_semaphore, #tpu.memory_space<semaphore_mem>>)
    %dma_wait3A_690 = arith.constant 5 : i32
    %dma_wait3A_691 = arith.constant 0 : i32
    %dma_wait3A_692 = arith.constant 0 : i32
    %dma_wait3A_693 = tpu.memref_slice %arg6[%dma_wait3A_690, %dma_wait3A_691, %dma_wait3A_692] : memref<10x64x128xf32, #tpu.memory_space<vmem>> -> memref<1x64x128xf32, #tpu.memory_space<vmem>>
    %dma_wait3A_694 = tpu.memref_squeeze %dma_wait3A_693 : memref<1x64x128xf32, #tpu.memory_space<vmem>> -> memref<64x128xf32, #tpu.memory_space<vmem>>
    %dma_wait3A_695 = arith.constant 0 : i32
    %dma_wait3A_696 = arith.constant 0 : i32
    %dma_wait3A_697 = tpu.memref_slice %arg2[%dma_wait3A_695, %dma_wait3A_696] : memref<64x1000000xf32, #tpu.memory_space<hbm>> -> memref<64x128xf32, #tpu.memory_space<hbm>>
    %dma_wait3A_698 = arith.constant 0 : i32
    %dma_wait3A_699 = arith.constant 0 : i32
    %dma_wait3A_700 = tpu.memref_slice %arg6[%dma_wait3A_690, %dma_wait3A_698, %dma_wait3A_699] : memref<10x64x128xf32, #tpu.memory_space<vmem>> -> memref<1x64x128xf32, #tpu.memory_space<vmem>>
    %dma_wait3A_701 = tpu.memref_squeeze %dma_wait3A_700 : memref<1x64x128xf32, #tpu.memory_space<vmem>> -> memref<64x128xf32, #tpu.memory_space<vmem>>
    %dma_wait3A_702 = arith.constant 0 : i32
    %dma_wait3A_703 = arith.constant 0 : i32
    %dma_wait3A_704 = tpu.memref_slice %arg2[%dma_wait3A_702, %dma_wait3A_703] : memref<64x1000000xf32, #tpu.memory_space<hbm>> -> memref<64x128xf32, #tpu.memory_space<hbm>>
    tpu.wait_dma2 semaphore(%arg13 : memref<!tpu.dma_semaphore, #tpu.memory_space<semaphore_mem>>) src(%dma_wait3A_704 : memref<64x128xf32, #tpu.memory_space<hbm>>) dst(%dma_wait3A_701 : memref<64x128xf32, #tpu.memory_space<vmem>>)
    %dma_wait3A_705 = arith.constant 5 : i32
    %dma_wait3A_706 = arith.constant 0 : i32
    %dma_wait3A_707 = arith.constant 0 : i32
    %dma_wait3A_708 = tpu.memref_slice %arg7[%dma_wait3A_705, %dma_wait3A_706, %dma_wait3A_707] : memref<10x1x64xf32, #tpu.memory_space<vmem>> -> memref<1x1x64xf32, #tpu.memory_space<vmem>>
    %dma_wait3A_709 = tpu.memref_squeeze %dma_wait3A_708 : memref<1x1x64xf32, #tpu.memory_space<vmem>> -> memref<1x64xf32, #tpu.memory_space<vmem>>
    %dma_wait3A_710 = arith.constant 0 : i32
    %dma_wait3A_711 = arith.constant 0 : i32
    %dma_wait3A_712 = tpu.memref_slice %arg4[%mul3A_2, %dma_wait3A_710, %dma_wait3A_711] : memref<16384x1x64xf32, #tpu.memory_space<hbm>> -> memref<1x1x64xf32, #tpu.memory_space<hbm>>
    %dma_wait3A_713 = tpu.memref_squeeze %dma_wait3A_712 : memref<1x1x64xf32, #tpu.memory_space<hbm>> -> memref<1x64xf32, #tpu.memory_space<hbm>>
    %dma_wait3A_714 = arith.constant 0 : i32
    %dma_wait3A_715 = arith.constant 0 : i32
    %dma_wait3A_716 = tpu.memref_slice %arg4[%mul3A_2, %dma_wait3A_714, %dma_wait3A_715] : memref<16384x1x64xf32, #tpu.memory_space<hbm>> -> memref<1x1x64xf32, #tpu.memory_space<hbm>>
    %dma_wait3A_717 = tpu.memref_squeeze %dma_wait3A_716 : memref<1x1x64xf32, #tpu.memory_space<hbm>> -> memref<1x64xf32, #tpu.memory_space<hbm>>
    %dma_wait3A_718 = arith.constant 0 : i32
    %dma_wait3A_719 = arith.constant 0 : i32
    %dma_wait3A_720 = tpu.memref_slice %arg7[%dma_wait3A_705, %dma_wait3A_718, %dma_wait3A_719] : memref<10x1x64xf32, #tpu.memory_space<vmem>> -> memref<1x1x64xf32, #tpu.memory_space<vmem>>
    %dma_wait3A_721 = tpu.memref_squeeze %dma_wait3A_720 : memref<1x1x64xf32, #tpu.memory_space<vmem>> -> memref<1x64xf32, #tpu.memory_space<vmem>>
    tpu.wait_dma2 semaphore(%arg23 : memref<!tpu.dma_semaphore, #tpu.memory_space<semaphore_mem>>) src(%dma_wait3A_721 : memref<1x64xf32, #tpu.memory_space<vmem>>) dst(%dma_wait3A_717 : memref<1x64xf32, #tpu.memory_space<hbm>>)
    %slice3A_722 = vector.extract_strided_slice %get3A_204 {offsets = [5], sizes = [1], strides = [1]} : vector<16xi32> to vector<1xi32>
    %squeeze3A_723 = vector.extract %slice3A_722[0] : i32 from vector<1xi32>
    %and3A_724 = arith.constant 127 : i32
    %and3A_725 = arith.andi %squeeze3A_723, %and3A_724 : i32
    %broadcast_in_dim3A_726 = vector.broadcast %and3A_725 : i32 to vector<16xi32>
    %broadcast_in_dim3A_727 = arith.constant 5 : i32
    %broadcast_in_dim3A_728 = vector.broadcast %broadcast_in_dim3A_727 : i32 to vector<16xi32>
    %add3A_729 = arith.constant 0 : i32
    %add3A_730 = vector.broadcast %add3A_729 : i32 to vector<16xi32>
    %add3A_731 = arith.addi %iota3A, %add3A_730 : vector<16xi32>
    %gather3A_732 = tpu.vector_load_idx %arg6[%broadcast_in_dim3A_728, %add3A_731, %broadcast_in_dim3A_726] : memref<10x64x128xf32, #tpu.memory_space<vmem>>[vector<16xi32>, vector<16xi32>, vector<16xi32>], vector<16xf32>,
    %swap3A_733 = arith.constant 5 : i32
    %swap3A_734 = arith.constant 0 : i32
    %swap3A_735 = arith.index_cast %swap3A_733 : i32 to index
    %swap3A_736 = arith.index_cast %swap3A_734 : i32 to index
    %swap3A_737 = arith.constant 0 : index
    %swap3A_738 = tpu.vector_load %arg7[%swap3A_735, %swap3A_736, %swap3A_737] {strides = array<i32>} : memref<10x1x64xf32, #tpu.memory_space<vmem>>, vector<16xf32>,
    tpu.vector_store %arg7[%swap3A_735, %swap3A_736, %swap3A_737], %gather3A_732 {strides = array<i32>} : memref<10x1x64xf32, #tpu.memory_space<vmem>>, vector<16xf32>,
    %add3A_739 = arith.constant 16 : i32
    %add3A_740 = vector.broadcast %add3A_739 : i32 to vector<16xi32>
    %add3A_741 = arith.addi %iota3A, %add3A_740 : vector<16xi32>
    %gather3A_742 = tpu.vector_load_idx %arg6[%broadcast_in_dim3A_728, %add3A_741, %broadcast_in_dim3A_726] : memref<10x64x128xf32, #tpu.memory_space<vmem>>[vector<16xi32>, vector<16xi32>, vector<16xi32>], vector<16xf32>,
    %swap3A_743 = arith.constant 5 : i32
    %swap3A_744 = arith.constant 0 : i32
    %swap3A_745 = arith.index_cast %swap3A_743 : i32 to index
    %swap3A_746 = arith.index_cast %swap3A_744 : i32 to index
    %swap3A_747 = arith.constant 16 : index
    %swap3A_748 = tpu.vector_load %arg7[%swap3A_745, %swap3A_746, %swap3A_747] {strides = array<i32>} : memref<10x1x64xf32, #tpu.memory_space<vmem>>, vector<16xf32>,
    tpu.vector_store %arg7[%swap3A_745, %swap3A_746, %swap3A_747], %gather3A_742 {strides = array<i32>} : memref<10x1x64xf32, #tpu.memory_space<vmem>>, vector<16xf32>,
    %add3A_749 = arith.constant 32 : i32
    %add3A_750 = vector.broadcast %add3A_749 : i32 to vector<16xi32>
    %add3A_751 = arith.addi %iota3A, %add3A_750 : vector<16xi32>
    %gather3A_752 = tpu.vector_load_idx %arg6[%broadcast_in_dim3A_728, %add3A_751, %broadcast_in_dim3A_726] : memref<10x64x128xf32, #tpu.memory_space<vmem>>[vector<16xi32>, vector<16xi32>, vector<16xi32>], vector<16xf32>,
    %swap3A_753 = arith.constant 5 : i32
    %swap3A_754 = arith.constant 0 : i32
    %swap3A_755 = arith.index_cast %swap3A_753 : i32 to index
    %swap3A_756 = arith.index_cast %swap3A_754 : i32 to index
    %swap3A_757 = arith.constant 32 : index
    %swap3A_758 = tpu.vector_load %arg7[%swap3A_755, %swap3A_756, %swap3A_757] {strides = array<i32>} : memref<10x1x64xf32, #tpu.memory_space<vmem>>, vector<16xf32>,
    tpu.vector_store %arg7[%swap3A_755, %swap3A_756, %swap3A_757], %gather3A_752 {strides = array<i32>} : memref<10x1x64xf32, #tpu.memory_space<vmem>>, vector<16xf32>,
    %add3A_759 = arith.constant 48 : i32
    %add3A_760 = vector.broadcast %add3A_759 : i32 to vector<16xi32>
    %add3A_761 = arith.addi %iota3A, %add3A_760 : vector<16xi32>
    %gather3A_762 = tpu.vector_load_idx %arg6[%broadcast_in_dim3A_728, %add3A_761, %broadcast_in_dim3A_726] : memref<10x64x128xf32, #tpu.memory_space<vmem>>[vector<16xi32>, vector<16xi32>, vector<16xi32>], vector<16xf32>,
    %swap3A_763 = arith.constant 5 : i32
    %swap3A_764 = arith.constant 0 : i32
    %swap3A_765 = arith.index_cast %swap3A_763 : i32 to index
    %swap3A_766 = arith.index_cast %swap3A_764 : i32 to index
    %swap3A_767 = arith.constant 48 : index
    %swap3A_768 = tpu.vector_load %arg7[%swap3A_765, %swap3A_766, %swap3A_767] {strides = array<i32>} : memref<10x1x64xf32, #tpu.memory_space<vmem>>, vector<16xf32>,
    tpu.vector_store %arg7[%swap3A_765, %swap3A_766, %swap3A_767], %gather3A_762 {strides = array<i32>} : memref<10x1x64xf32, #tpu.memory_space<vmem>>, vector<16xf32>,
    %add3A_769 = arith.constant 505 : i32
    %add3A_770 = arith.addi %mul3A_2, %add3A_769 : i32
    %dma_start3A_771 = arith.constant 5 : i32
    %dma_start3A_772 = arith.constant 0 : i32
    %dma_start3A_773 = arith.constant 0 : i32
    %dma_start3A_774 = tpu.memref_slice %arg7[%dma_start3A_771, %dma_start3A_772, %dma_start3A_773] : memref<10x1x64xf32, #tpu.memory_space<vmem>> -> memref<1x1x64xf32, #tpu.memory_space<vmem>>
    %dma_start3A_775 = tpu.memref_squeeze %dma_start3A_774 : memref<1x1x64xf32, #tpu.memory_space<vmem>> -> memref<1x64xf32, #tpu.memory_space<vmem>>
    %dma_start3A_776 = arith.constant 0 : i32
    %dma_start3A_777 = arith.constant 0 : i32
    %dma_start3A_778 = tpu.memref_slice %arg4[%add3A_770, %dma_start3A_776, %dma_start3A_777] : memref<16384x1x64xf32, #tpu.memory_space<hbm>> -> memref<1x1x64xf32, #tpu.memory_space<hbm>>
    %dma_start3A_779 = tpu.memref_squeeze %dma_start3A_778 : memref<1x1x64xf32, #tpu.memory_space<hbm>> -> memref<1x64xf32, #tpu.memory_space<hbm>>
    %dma_start3A_780 = arith.constant 0 : i32
    %dma_start3A_781 = arith.constant 0 : i32
    %dma_start3A_782 = tpu.memref_slice %arg4[%add3A_770, %dma_start3A_780, %dma_start3A_781] : memref<16384x1x64xf32, #tpu.memory_space<hbm>> -> memref<1x1x64xf32, #tpu.memory_space<hbm>>
    %dma_start3A_783 = tpu.memref_squeeze %dma_start3A_782 : memref<1x1x64xf32, #tpu.memory_space<hbm>> -> memref<1x64xf32, #tpu.memory_space<hbm>>
    %dma_start3A_784 = arith.constant 0 : i32
    %dma_start3A_785 = arith.constant 0 : i32
    %dma_start3A_786 = tpu.memref_slice %arg7[%dma_start3A_771, %dma_start3A_784, %dma_start3A_785] : memref<10x1x64xf32, #tpu.memory_space<vmem>> -> memref<1x1x64xf32, #tpu.memory_space<vmem>>
    %dma_start3A_787 = tpu.memref_squeeze %dma_start3A_786 : memref<1x1x64xf32, #tpu.memory_space<vmem>> -> memref<1x64xf32, #tpu.memory_space<vmem>>
    tpu.enqueue_dma source(%dma_start3A_787 : memref<1x64xf32, #tpu.memory_space<vmem>>) target(%dma_start3A_783 : memref<1x64xf32, #tpu.memory_space<hbm>>) target_semaphore(%arg23 : memref<!tpu.dma_semaphore, #tpu.memory_space<semaphore_mem>>)
    %dma_wait3A_788 = arith.constant 6 : i32
    %dma_wait3A_789 = arith.constant 0 : i32
    %dma_wait3A_790 = arith.constant 0 : i32
    %dma_wait3A_791 = tpu.memref_slice %arg6[%dma_wait3A_788, %dma_wait3A_789, %dma_wait3A_790] : memref<10x64x128xf32, #tpu.memory_space<vmem>> -> memref<1x64x128xf32, #tpu.memory_space<vmem>>
    %dma_wait3A_792 = tpu.memref_squeeze %dma_wait3A_791 : memref<1x64x128xf32, #tpu.memory_space<vmem>> -> memref<64x128xf32, #tpu.memory_space<vmem>>
    %dma_wait3A_793 = arith.constant 0 : i32
    %dma_wait3A_794 = arith.constant 0 : i32
    %dma_wait3A_795 = tpu.memref_slice %arg2[%dma_wait3A_793, %dma_wait3A_794] : memref<64x1000000xf32, #tpu.memory_space<hbm>> -> memref<64x128xf32, #tpu.memory_space<hbm>>
    %dma_wait3A_796 = arith.constant 0 : i32
    %dma_wait3A_797 = arith.constant 0 : i32
    %dma_wait3A_798 = tpu.memref_slice %arg6[%dma_wait3A_788, %dma_wait3A_796, %dma_wait3A_797] : memref<10x64x128xf32, #tpu.memory_space<vmem>> -> memref<1x64x128xf32, #tpu.memory_space<vmem>>
    %dma_wait3A_799 = tpu.memref_squeeze %dma_wait3A_798 : memref<1x64x128xf32, #tpu.memory_space<vmem>> -> memref<64x128xf32, #tpu.memory_space<vmem>>
    %dma_wait3A_800 = arith.constant 0 : i32
    %dma_wait3A_801 = arith.constant 0 : i32
    %dma_wait3A_802 = tpu.memref_slice %arg2[%dma_wait3A_800, %dma_wait3A_801] : memref<64x1000000xf32, #tpu.memory_space<hbm>> -> memref<64x128xf32, #tpu.memory_space<hbm>>
    tpu.wait_dma2 semaphore(%arg14 : memref<!tpu.dma_semaphore, #tpu.memory_space<semaphore_mem>>) src(%dma_wait3A_802 : memref<64x128xf32, #tpu.memory_space<hbm>>) dst(%dma_wait3A_799 : memref<64x128xf32, #tpu.memory_space<vmem>>)
    %dma_wait3A_803 = arith.constant 6 : i32
    %dma_wait3A_804 = arith.constant 0 : i32
    %dma_wait3A_805 = arith.constant 0 : i32
    %dma_wait3A_806 = tpu.memref_slice %arg7[%dma_wait3A_803, %dma_wait3A_804, %dma_wait3A_805] : memref<10x1x64xf32, #tpu.memory_space<vmem>> -> memref<1x1x64xf32, #tpu.memory_space<vmem>>
    %dma_wait3A_807 = tpu.memref_squeeze %dma_wait3A_806 : memref<1x1x64xf32, #tpu.memory_space<vmem>> -> memref<1x64xf32, #tpu.memory_space<vmem>>
    %dma_wait3A_808 = arith.constant 0 : i32
    %dma_wait3A_809 = arith.constant 0 : i32
    %dma_wait3A_810 = tpu.memref_slice %arg4[%mul3A_2, %dma_wait3A_808, %dma_wait3A_809] : memref<16384x1x64xf32, #tpu.memory_space<hbm>> -> memref<1x1x64xf32, #tpu.memory_space<hbm>>
    %dma_wait3A_811 = tpu.memref_squeeze %dma_wait3A_810 : memref<1x1x64xf32, #tpu.memory_space<hbm>> -> memref<1x64xf32, #tpu.memory_space<hbm>>
    %dma_wait3A_812 = arith.constant 0 : i32
    %dma_wait3A_813 = arith.constant 0 : i32
    %dma_wait3A_814 = tpu.memref_slice %arg4[%mul3A_2, %dma_wait3A_812, %dma_wait3A_813] : memref<16384x1x64xf32, #tpu.memory_space<hbm>> -> memref<1x1x64xf32, #tpu.memory_space<hbm>>
    %dma_wait3A_815 = tpu.memref_squeeze %dma_wait3A_814 : memref<1x1x64xf32, #tpu.memory_space<hbm>> -> memref<1x64xf32, #tpu.memory_space<hbm>>
    %dma_wait3A_816 = arith.constant 0 : i32
    %dma_wait3A_817 = arith.constant 0 : i32
    %dma_wait3A_818 = tpu.memref_slice %arg7[%dma_wait3A_803, %dma_wait3A_816, %dma_wait3A_817] : memref<10x1x64xf32, #tpu.memory_space<vmem>> -> memref<1x1x64xf32, #tpu.memory_space<vmem>>
    %dma_wait3A_819 = tpu.memref_squeeze %dma_wait3A_818 : memref<1x1x64xf32, #tpu.memory_space<vmem>> -> memref<1x64xf32, #tpu.memory_space<vmem>>
    tpu.wait_dma2 semaphore(%arg24 : memref<!tpu.dma_semaphore, #tpu.memory_space<semaphore_mem>>) src(%dma_wait3A_819 : memref<1x64xf32, #tpu.memory_space<vmem>>) dst(%dma_wait3A_815 : memref<1x64xf32, #tpu.memory_space<hbm>>)
    %slice3A_820 = vector.extract_strided_slice %get3A_204 {offsets = [6], sizes = [1], strides = [1]} : vector<16xi32> to vector<1xi32>
    %squeeze3A_821 = vector.extract %slice3A_820[0] : i32 from vector<1xi32>
    %and3A_822 = arith.constant 127 : i32
    %and3A_823 = arith.andi %squeeze3A_821, %and3A_822 : i32
    %broadcast_in_dim3A_824 = vector.broadcast %and3A_823 : i32 to vector<16xi32>
    %broadcast_in_dim3A_825 = arith.constant 6 : i32
    %broadcast_in_dim3A_826 = vector.broadcast %broadcast_in_dim3A_825 : i32 to vector<16xi32>
    %add3A_827 = arith.constant 0 : i32
    %add3A_828 = vector.broadcast %add3A_827 : i32 to vector<16xi32>
    %add3A_829 = arith.addi %iota3A, %add3A_828 : vector<16xi32>
    %gather3A_830 = tpu.vector_load_idx %arg6[%broadcast_in_dim3A_826, %add3A_829, %broadcast_in_dim3A_824] : memref<10x64x128xf32, #tpu.memory_space<vmem>>[vector<16xi32>, vector<16xi32>, vector<16xi32>], vector<16xf32>,
    %swap3A_831 = arith.constant 6 : i32
    %swap3A_832 = arith.constant 0 : i32
    %swap3A_833 = arith.index_cast %swap3A_831 : i32 to index
    %swap3A_834 = arith.index_cast %swap3A_832 : i32 to index
    %swap3A_835 = arith.constant 0 : index
    %swap3A_836 = tpu.vector_load %arg7[%swap3A_833, %swap3A_834, %swap3A_835] {strides = array<i32>} : memref<10x1x64xf32, #tpu.memory_space<vmem>>, vector<16xf32>,
    tpu.vector_store %arg7[%swap3A_833, %swap3A_834, %swap3A_835], %gather3A_830 {strides = array<i32>} : memref<10x1x64xf32, #tpu.memory_space<vmem>>, vector<16xf32>,
    %add3A_837 = arith.constant 16 : i32
    %add3A_838 = vector.broadcast %add3A_837 : i32 to vector<16xi32>
    %add3A_839 = arith.addi %iota3A, %add3A_838 : vector<16xi32>
    %gather3A_840 = tpu.vector_load_idx %arg6[%broadcast_in_dim3A_826, %add3A_839, %broadcast_in_dim3A_824] : memref<10x64x128xf32, #tpu.memory_space<vmem>>[vector<16xi32>, vector<16xi32>, vector<16xi32>], vector<16xf32>,
    %swap3A_841 = arith.constant 6 : i32
    %swap3A_842 = arith.constant 0 : i32
    %swap3A_843 = arith.index_cast %swap3A_841 : i32 to index
    %swap3A_844 = arith.index_cast %swap3A_842 : i32 to index
    %swap3A_845 = arith.constant 16 : index
    %swap3A_846 = tpu.vector_load %arg7[%swap3A_843, %swap3A_844, %swap3A_845] {strides = array<i32>} : memref<10x1x64xf32, #tpu.memory_space<vmem>>, vector<16xf32>,
    tpu.vector_store %arg7[%swap3A_843, %swap3A_844, %swap3A_845], %gather3A_840 {strides = array<i32>} : memref<10x1x64xf32, #tpu.memory_space<vmem>>, vector<16xf32>,
    %add3A_847 = arith.constant 32 : i32
    %add3A_848 = vector.broadcast %add3A_847 : i32 to vector<16xi32>
    %add3A_849 = arith.addi %iota3A, %add3A_848 : vector<16xi32>
    %gather3A_850 = tpu.vector_load_idx %arg6[%broadcast_in_dim3A_826, %add3A_849, %broadcast_in_dim3A_824] : memref<10x64x128xf32, #tpu.memory_space<vmem>>[vector<16xi32>, vector<16xi32>, vector<16xi32>], vector<16xf32>,
    %swap3A_851 = arith.constant 6 : i32
    %swap3A_852 = arith.constant 0 : i32
    %swap3A_853 = arith.index_cast %swap3A_851 : i32 to index
    %swap3A_854 = arith.index_cast %swap3A_852 : i32 to index
    %swap3A_855 = arith.constant 32 : index
    %swap3A_856 = tpu.vector_load %arg7[%swap3A_853, %swap3A_854, %swap3A_855] {strides = array<i32>} : memref<10x1x64xf32, #tpu.memory_space<vmem>>, vector<16xf32>,
    tpu.vector_store %arg7[%swap3A_853, %swap3A_854, %swap3A_855], %gather3A_850 {strides = array<i32>} : memref<10x1x64xf32, #tpu.memory_space<vmem>>, vector<16xf32>,
    %add3A_857 = arith.constant 48 : i32
    %add3A_858 = vector.broadcast %add3A_857 : i32 to vector<16xi32>
    %add3A_859 = arith.addi %iota3A, %add3A_858 : vector<16xi32>
    %gather3A_860 = tpu.vector_load_idx %arg6[%broadcast_in_dim3A_826, %add3A_859, %broadcast_in_dim3A_824] : memref<10x64x128xf32, #tpu.memory_space<vmem>>[vector<16xi32>, vector<16xi32>, vector<16xi32>], vector<16xf32>,
    %swap3A_861 = arith.constant 6 : i32
    %swap3A_862 = arith.constant 0 : i32
    %swap3A_863 = arith.index_cast %swap3A_861 : i32 to index
    %swap3A_864 = arith.index_cast %swap3A_862 : i32 to index
    %swap3A_865 = arith.constant 48 : index
    %swap3A_866 = tpu.vector_load %arg7[%swap3A_863, %swap3A_864, %swap3A_865] {strides = array<i32>} : memref<10x1x64xf32, #tpu.memory_space<vmem>>, vector<16xf32>,
    tpu.vector_store %arg7[%swap3A_863, %swap3A_864, %swap3A_865], %gather3A_860 {strides = array<i32>} : memref<10x1x64xf32, #tpu.memory_space<vmem>>, vector<16xf32>,
    %add3A_867 = arith.constant 506 : i32
    %add3A_868 = arith.addi %mul3A_2, %add3A_867 : i32
    %dma_start3A_869 = arith.constant 6 : i32
    %dma_start3A_870 = arith.constant 0 : i32
    %dma_start3A_871 = arith.constant 0 : i32
    %dma_start3A_872 = tpu.memref_slice %arg7[%dma_start3A_869, %dma_start3A_870, %dma_start3A_871] : memref<10x1x64xf32, #tpu.memory_space<vmem>> -> memref<1x1x64xf32, #tpu.memory_space<vmem>>
    %dma_start3A_873 = tpu.memref_squeeze %dma_start3A_872 : memref<1x1x64xf32, #tpu.memory_space<vmem>> -> memref<1x64xf32, #tpu.memory_space<vmem>>
    %dma_start3A_874 = arith.constant 0 : i32
    %dma_start3A_875 = arith.constant 0 : i32
    %dma_start3A_876 = tpu.memref_slice %arg4[%add3A_868, %dma_start3A_874, %dma_start3A_875] : memref<16384x1x64xf32, #tpu.memory_space<hbm>> -> memref<1x1x64xf32, #tpu.memory_space<hbm>>
    %dma_start3A_877 = tpu.memref_squeeze %dma_start3A_876 : memref<1x1x64xf32, #tpu.memory_space<hbm>> -> memref<1x64xf32, #tpu.memory_space<hbm>>
    %dma_start3A_878 = arith.constant 0 : i32
    %dma_start3A_879 = arith.constant 0 : i32
    %dma_start3A_880 = tpu.memref_slice %arg4[%add3A_868, %dma_start3A_878, %dma_start3A_879] : memref<16384x1x64xf32, #tpu.memory_space<hbm>> -> memref<1x1x64xf32, #tpu.memory_space<hbm>>
    %dma_start3A_881 = tpu.memref_squeeze %dma_start3A_880 : memref<1x1x64xf32, #tpu.memory_space<hbm>> -> memref<1x64xf32, #tpu.memory_space<hbm>>
    %dma_start3A_882 = arith.constant 0 : i32
    %dma_start3A_883 = arith.constant 0 : i32
    %dma_start3A_884 = tpu.memref_slice %arg7[%dma_start3A_869, %dma_start3A_882, %dma_start3A_883] : memref<10x1x64xf32, #tpu.memory_space<vmem>> -> memref<1x1x64xf32, #tpu.memory_space<vmem>>
    %dma_start3A_885 = tpu.memref_squeeze %dma_start3A_884 : memref<1x1x64xf32, #tpu.memory_space<vmem>> -> memref<1x64xf32, #tpu.memory_space<vmem>>
    tpu.enqueue_dma source(%dma_start3A_885 : memref<1x64xf32, #tpu.memory_space<vmem>>) target(%dma_start3A_881 : memref<1x64xf32, #tpu.memory_space<hbm>>) target_semaphore(%arg24 : memref<!tpu.dma_semaphore, #tpu.memory_space<semaphore_mem>>)
    %dma_wait3A_886 = arith.constant 7 : i32
    %dma_wait3A_887 = arith.constant 0 : i32
    %dma_wait3A_888 = arith.constant 0 : i32
    %dma_wait3A_889 = tpu.memref_slice %arg6[%dma_wait3A_886, %dma_wait3A_887, %dma_wait3A_888] : memref<10x64x128xf32, #tpu.memory_space<vmem>> -> memref<1x64x128xf32, #tpu.memory_space<vmem>>
    %dma_wait3A_890 = tpu.memref_squeeze %dma_wait3A_889 : memref<1x64x128xf32, #tpu.memory_space<vmem>> -> memref<64x128xf32, #tpu.memory_space<vmem>>
    %dma_wait3A_891 = arith.constant 0 : i32
    %dma_wait3A_892 = arith.constant 0 : i32
    %dma_wait3A_893 = tpu.memref_slice %arg2[%dma_wait3A_891, %dma_wait3A_892] : memref<64x1000000xf32, #tpu.memory_space<hbm>> -> memref<64x128xf32, #tpu.memory_space<hbm>>
    %dma_wait3A_894 = arith.constant 0 : i32
    %dma_wait3A_895 = arith.constant 0 : i32
    %dma_wait3A_896 = tpu.memref_slice %arg6[%dma_wait3A_886, %dma_wait3A_894, %dma_wait3A_895] : memref<10x64x128xf32, #tpu.memory_space<vmem>> -> memref<1x64x128xf32, #tpu.memory_space<vmem>>
    %dma_wait3A_897 = tpu.memref_squeeze %dma_wait3A_896 : memref<1x64x128xf32, #tpu.memory_space<vmem>> -> memref<64x128xf32, #tpu.memory_space<vmem>>
    %dma_wait3A_898 = arith.constant 0 : i32
    %dma_wait3A_899 = arith.constant 0 : i32
    %dma_wait3A_900 = tpu.memref_slice %arg2[%dma_wait3A_898, %dma_wait3A_899] : memref<64x1000000xf32, #tpu.memory_space<hbm>> -> memref<64x128xf32, #tpu.memory_space<hbm>>
    tpu.wait_dma2 semaphore(%arg15 : memref<!tpu.dma_semaphore, #tpu.memory_space<semaphore_mem>>) src(%dma_wait3A_900 : memref<64x128xf32, #tpu.memory_space<hbm>>) dst(%dma_wait3A_897 : memref<64x128xf32, #tpu.memory_space<vmem>>)
    %dma_wait3A_901 = arith.constant 7 : i32
    %dma_wait3A_902 = arith.constant 0 : i32
    %dma_wait3A_903 = arith.constant 0 : i32
    %dma_wait3A_904 = tpu.memref_slice %arg7[%dma_wait3A_901, %dma_wait3A_902, %dma_wait3A_903] : memref<10x1x64xf32, #tpu.memory_space<vmem>> -> memref<1x1x64xf32, #tpu.memory_space<vmem>>
    %dma_wait3A_905 = tpu.memref_squeeze %dma_wait3A_904 : memref<1x1x64xf32, #tpu.memory_space<vmem>> -> memref<1x64xf32, #tpu.memory_space<vmem>>
    %dma_wait3A_906 = arith.constant 0 : i32
    %dma_wait3A_907 = arith.constant 0 : i32
    %dma_wait3A_908 = tpu.memref_slice %arg4[%mul3A_2, %dma_wait3A_906, %dma_wait3A_907] : memref<16384x1x64xf32, #tpu.memory_space<hbm>> -> memref<1x1x64xf32, #tpu.memory_space<hbm>>
    %dma_wait3A_909 = tpu.memref_squeeze %dma_wait3A_908 : memref<1x1x64xf32, #tpu.memory_space<hbm>> -> memref<1x64xf32, #tpu.memory_space<hbm>>
    %dma_wait3A_910 = arith.constant 0 : i32
    %dma_wait3A_911 = arith.constant 0 : i32
    %dma_wait3A_912 = tpu.memref_slice %arg4[%mul3A_2, %dma_wait3A_910, %dma_wait3A_911] : memref<16384x1x64xf32, #tpu.memory_space<hbm>> -> memref<1x1x64xf32, #tpu.memory_space<hbm>>
    %dma_wait3A_913 = tpu.memref_squeeze %dma_wait3A_912 : memref<1x1x64xf32, #tpu.memory_space<hbm>> -> memref<1x64xf32, #tpu.memory_space<hbm>>
    %dma_wait3A_914 = arith.constant 0 : i32
    %dma_wait3A_915 = arith.constant 0 : i32
    %dma_wait3A_916 = tpu.memref_slice %arg7[%dma_wait3A_901, %dma_wait3A_914, %dma_wait3A_915] : memref<10x1x64xf32, #tpu.memory_space<vmem>> -> memref<1x1x64xf32, #tpu.memory_space<vmem>>
    %dma_wait3A_917 = tpu.memref_squeeze %dma_wait3A_916 : memref<1x1x64xf32, #tpu.memory_space<vmem>> -> memref<1x64xf32, #tpu.memory_space<vmem>>
    tpu.wait_dma2 semaphore(%arg25 : memref<!tpu.dma_semaphore, #tpu.memory_space<semaphore_mem>>) src(%dma_wait3A_917 : memref<1x64xf32, #tpu.memory_space<vmem>>) dst(%dma_wait3A_913 : memref<1x64xf32, #tpu.memory_space<hbm>>)
    %slice3A_918 = vector.extract_strided_slice %get3A_204 {offsets = [7], sizes = [1], strides = [1]} : vector<16xi32> to vector<1xi32>
    %squeeze3A_919 = vector.extract %slice3A_918[0] : i32 from vector<1xi32>
    %and3A_920 = arith.constant 127 : i32
    %and3A_921 = arith.andi %squeeze3A_919, %and3A_920 : i32
    %broadcast_in_dim3A_922 = vector.broadcast %and3A_921 : i32 to vector<16xi32>
    %broadcast_in_dim3A_923 = arith.constant 7 : i32
    %broadcast_in_dim3A_924 = vector.broadcast %broadcast_in_dim3A_923 : i32 to vector<16xi32>
    %add3A_925 = arith.constant 0 : i32
    %add3A_926 = vector.broadcast %add3A_925 : i32 to vector<16xi32>
    %add3A_927 = arith.addi %iota3A, %add3A_926 : vector<16xi32>
    %gather3A_928 = tpu.vector_load_idx %arg6[%broadcast_in_dim3A_924, %add3A_927, %broadcast_in_dim3A_922] : memref<10x64x128xf32, #tpu.memory_space<vmem>>[vector<16xi32>, vector<16xi32>, vector<16xi32>], vector<16xf32>,
    %swap3A_929 = arith.constant 7 : i32
    %swap3A_930 = arith.constant 0 : i32
    %swap3A_931 = arith.index_cast %swap3A_929 : i32 to index
    %swap3A_932 = arith.index_cast %swap3A_930 : i32 to index
    %swap3A_933 = arith.constant 0 : index
    %swap3A_934 = tpu.vector_load %arg7[%swap3A_931, %swap3A_932, %swap3A_933] {strides = array<i32>} : memref<10x1x64xf32, #tpu.memory_space<vmem>>, vector<16xf32>,
    tpu.vector_store %arg7[%swap3A_931, %swap3A_932, %swap3A_933], %gather3A_928 {strides = array<i32>} : memref<10x1x64xf32, #tpu.memory_space<vmem>>, vector<16xf32>,
    %add3A_935 = arith.constant 16 : i32
    %add3A_936 = vector.broadcast %add3A_935 : i32 to vector<16xi32>
    %add3A_937 = arith.addi %iota3A, %add3A_936 : vector<16xi32>
    %gather3A_938 = tpu.vector_load_idx %arg6[%broadcast_in_dim3A_924, %add3A_937, %broadcast_in_dim3A_922] : memref<10x64x128xf32, #tpu.memory_space<vmem>>[vector<16xi32>, vector<16xi32>, vector<16xi32>], vector<16xf32>,
    %swap3A_939 = arith.constant 7 : i32
    %swap3A_940 = arith.constant 0 : i32
    %swap3A_941 = arith.index_cast %swap3A_939 : i32 to index
    %swap3A_942 = arith.index_cast %swap3A_940 : i32 to index
    %swap3A_943 = arith.constant 16 : index
    %swap3A_944 = tpu.vector_load %arg7[%swap3A_941, %swap3A_942, %swap3A_943] {strides = array<i32>} : memref<10x1x64xf32, #tpu.memory_space<vmem>>, vector<16xf32>,
    tpu.vector_store %arg7[%swap3A_941, %swap3A_942, %swap3A_943], %gather3A_938 {strides = array<i32>} : memref<10x1x64xf32, #tpu.memory_space<vmem>>, vector<16xf32>,
    %add3A_945 = arith.constant 32 : i32
    %add3A_946 = vector.broadcast %add3A_945 : i32 to vector<16xi32>
    %add3A_947 = arith.addi %iota3A, %add3A_946 : vector<16xi32>
    %gather3A_948 = tpu.vector_load_idx %arg6[%broadcast_in_dim3A_924, %add3A_947, %broadcast_in_dim3A_922] : memref<10x64x128xf32, #tpu.memory_space<vmem>>[vector<16xi32>, vector<16xi32>, vector<16xi32>], vector<16xf32>,
    %swap3A_949 = arith.constant 7 : i32
    %swap3A_950 = arith.constant 0 : i32
    %swap3A_951 = arith.index_cast %swap3A_949 : i32 to index
    %swap3A_952 = arith.index_cast %swap3A_950 : i32 to index
    %swap3A_953 = arith.constant 32 : index
    %swap3A_954 = tpu.vector_load %arg7[%swap3A_951, %swap3A_952, %swap3A_953] {strides = array<i32>} : memref<10x1x64xf32, #tpu.memory_space<vmem>>, vector<16xf32>,
    tpu.vector_store %arg7[%swap3A_951, %swap3A_952, %swap3A_953], %gather3A_948 {strides = array<i32>} : memref<10x1x64xf32, #tpu.memory_space<vmem>>, vector<16xf32>,
    %add3A_955 = arith.constant 48 : i32
    %add3A_956 = vector.broadcast %add3A_955 : i32 to vector<16xi32>
    %add3A_957 = arith.addi %iota3A, %add3A_956 : vector<16xi32>
    %gather3A_958 = tpu.vector_load_idx %arg6[%broadcast_in_dim3A_924, %add3A_957, %broadcast_in_dim3A_922] : memref<10x64x128xf32, #tpu.memory_space<vmem>>[vector<16xi32>, vector<16xi32>, vector<16xi32>], vector<16xf32>,
    %swap3A_959 = arith.constant 7 : i32
    %swap3A_960 = arith.constant 0 : i32
    %swap3A_961 = arith.index_cast %swap3A_959 : i32 to index
    %swap3A_962 = arith.index_cast %swap3A_960 : i32 to index
    %swap3A_963 = arith.constant 48 : index
    %swap3A_964 = tpu.vector_load %arg7[%swap3A_961, %swap3A_962, %swap3A_963] {strides = array<i32>} : memref<10x1x64xf32, #tpu.memory_space<vmem>>, vector<16xf32>,
    tpu.vector_store %arg7[%swap3A_961, %swap3A_962, %swap3A_963], %gather3A_958 {strides = array<i32>} : memref<10x1x64xf32, #tpu.memory_space<vmem>>, vector<16xf32>,
    %add3A_965 = arith.constant 507 : i32
    %add3A_966 = arith.addi %mul3A_2, %add3A_965 : i32
    %dma_start3A_967 = arith.constant 7 : i32
    %dma_start3A_968 = arith.constant 0 : i32
    %dma_start3A_969 = arith.constant 0 : i32
    %dma_start3A_970 = tpu.memref_slice %arg7[%dma_start3A_967, %dma_start3A_968, %dma_start3A_969] : memref<10x1x64xf32, #tpu.memory_space<vmem>> -> memref<1x1x64xf32, #tpu.memory_space<vmem>>
    %dma_start3A_971 = tpu.memref_squeeze %dma_start3A_970 : memref<1x1x64xf32, #tpu.memory_space<vmem>> -> memref<1x64xf32, #tpu.memory_space<vmem>>
    %dma_start3A_972 = arith.constant 0 : i32
    %dma_start3A_973 = arith.constant 0 : i32
    %dma_start3A_974 = tpu.memref_slice %arg4[%add3A_966, %dma_start3A_972, %dma_start3A_973] : memref<16384x1x64xf32, #tpu.memory_space<hbm>> -> memref<1x1x64xf32, #tpu.memory_space<hbm>>
    %dma_start3A_975 = tpu.memref_squeeze %dma_start3A_974 : memref<1x1x64xf32, #tpu.memory_space<hbm>> -> memref<1x64xf32, #tpu.memory_space<hbm>>
    %dma_start3A_976 = arith.constant 0 : i32
    %dma_start3A_977 = arith.constant 0 : i32
    %dma_start3A_978 = tpu.memref_slice %arg4[%add3A_966, %dma_start3A_976, %dma_start3A_977] : memref<16384x1x64xf32, #tpu.memory_space<hbm>> -> memref<1x1x64xf32, #tpu.memory_space<hbm>>
    %dma_start3A_979 = tpu.memref_squeeze %dma_start3A_978 : memref<1x1x64xf32, #tpu.memory_space<hbm>> -> memref<1x64xf32, #tpu.memory_space<hbm>>
    %dma_start3A_980 = arith.constant 0 : i32
    %dma_start3A_981 = arith.constant 0 : i32
    %dma_start3A_982 = tpu.memref_slice %arg7[%dma_start3A_967, %dma_start3A_980, %dma_start3A_981] : memref<10x1x64xf32, #tpu.memory_space<vmem>> -> memref<1x1x64xf32, #tpu.memory_space<vmem>>
    %dma_start3A_983 = tpu.memref_squeeze %dma_start3A_982 : memref<1x1x64xf32, #tpu.memory_space<vmem>> -> memref<1x64xf32, #tpu.memory_space<vmem>>
    tpu.enqueue_dma source(%dma_start3A_983 : memref<1x64xf32, #tpu.memory_space<vmem>>) target(%dma_start3A_979 : memref<1x64xf32, #tpu.memory_space<hbm>>) target_semaphore(%arg25 : memref<!tpu.dma_semaphore, #tpu.memory_space<semaphore_mem>>)
    %dma_wait3A_984 = arith.constant 8 : i32
    %dma_wait3A_985 = arith.constant 0 : i32
    %dma_wait3A_986 = arith.constant 0 : i32
    %dma_wait3A_987 = tpu.memref_slice %arg6[%dma_wait3A_984, %dma_wait3A_985, %dma_wait3A_986] : memref<10x64x128xf32, #tpu.memory_space<vmem>> -> memref<1x64x128xf32, #tpu.memory_space<vmem>>
    %dma_wait3A_988 = tpu.memref_squeeze %dma_wait3A_987 : memref<1x64x128xf32, #tpu.memory_space<vmem>> -> memref<64x128xf32, #tpu.memory_space<vmem>>
    %dma_wait3A_989 = arith.constant 0 : i32
    %dma_wait3A_990 = arith.constant 0 : i32
    %dma_wait3A_991 = tpu.memref_slice %arg2[%dma_wait3A_989, %dma_wait3A_990] : memref<64x1000000xf32, #tpu.memory_space<hbm>> -> memref<64x128xf32, #tpu.memory_space<hbm>>
    %dma_wait3A_992 = arith.constant 0 : i32
    %dma_wait3A_993 = arith.constant 0 : i32
    %dma_wait3A_994 = tpu.memref_slice %arg6[%dma_wait3A_984, %dma_wait3A_992, %dma_wait3A_993] : memref<10x64x128xf32, #tpu.memory_space<vmem>> -> memref<1x64x128xf32, #tpu.memory_space<vmem>>
    %dma_wait3A_995 = tpu.memref_squeeze %dma_wait3A_994 : memref<1x64x128xf32, #tpu.memory_space<vmem>> -> memref<64x128xf32, #tpu.memory_space<vmem>>
    %dma_wait3A_996 = arith.constant 0 : i32
    %dma_wait3A_997 = arith.constant 0 : i32
    %dma_wait3A_998 = tpu.memref_slice %arg2[%dma_wait3A_996, %dma_wait3A_997] : memref<64x1000000xf32, #tpu.memory_space<hbm>> -> memref<64x128xf32, #tpu.memory_space<hbm>>
    tpu.wait_dma2 semaphore(%arg16 : memref<!tpu.dma_semaphore, #tpu.memory_space<semaphore_mem>>) src(%dma_wait3A_998 : memref<64x128xf32, #tpu.memory_space<hbm>>) dst(%dma_wait3A_995 : memref<64x128xf32, #tpu.memory_space<vmem>>)
    %dma_wait3A_999 = arith.constant 8 : i32
    %dma_wait3A_1000 = arith.constant 0 : i32
    %dma_wait3A_1001 = arith.constant 0 : i32
    %dma_wait3A_1002 = tpu.memref_slice %arg7[%dma_wait3A_999, %dma_wait3A_1000, %dma_wait3A_1001] : memref<10x1x64xf32, #tpu.memory_space<vmem>> -> memref<1x1x64xf32, #tpu.memory_space<vmem>>
    %dma_wait3A_1003 = tpu.memref_squeeze %dma_wait3A_1002 : memref<1x1x64xf32, #tpu.memory_space<vmem>> -> memref<1x64xf32, #tpu.memory_space<vmem>>
    %dma_wait3A_1004 = arith.constant 0 : i32
    %dma_wait3A_1005 = arith.constant 0 : i32
    %dma_wait3A_1006 = tpu.memref_slice %arg4[%mul3A_2, %dma_wait3A_1004, %dma_wait3A_1005] : memref<16384x1x64xf32, #tpu.memory_space<hbm>> -> memref<1x1x64xf32, #tpu.memory_space<hbm>>
    %dma_wait3A_1007 = tpu.memref_squeeze %dma_wait3A_1006 : memref<1x1x64xf32, #tpu.memory_space<hbm>> -> memref<1x64xf32, #tpu.memory_space<hbm>>
    %dma_wait3A_1008 = arith.constant 0 : i32
    %dma_wait3A_1009 = arith.constant 0 : i32
    %dma_wait3A_1010 = tpu.memref_slice %arg4[%mul3A_2, %dma_wait3A_1008, %dma_wait3A_1009] : memref<16384x1x64xf32, #tpu.memory_space<hbm>> -> memref<1x1x64xf32, #tpu.memory_space<hbm>>
    %dma_wait3A_1011 = tpu.memref_squeeze %dma_wait3A_1010 : memref<1x1x64xf32, #tpu.memory_space<hbm>> -> memref<1x64xf32, #tpu.memory_space<hbm>>
    %dma_wait3A_1012 = arith.constant 0 : i32
    %dma_wait3A_1013 = arith.constant 0 : i32
    %dma_wait3A_1014 = tpu.memref_slice %arg7[%dma_wait3A_999, %dma_wait3A_1012, %dma_wait3A_1013] : memref<10x1x64xf32, #tpu.memory_space<vmem>> -> memref<1x1x64xf32, #tpu.memory_space<vmem>>
    %dma_wait3A_1015 = tpu.memref_squeeze %dma_wait3A_1014 : memref<1x1x64xf32, #tpu.memory_space<vmem>> -> memref<1x64xf32, #tpu.memory_space<vmem>>
    tpu.wait_dma2 semaphore(%arg26 : memref<!tpu.dma_semaphore, #tpu.memory_space<semaphore_mem>>) src(%dma_wait3A_1015 : memref<1x64xf32, #tpu.memory_space<vmem>>) dst(%dma_wait3A_1011 : memref<1x64xf32, #tpu.memory_space<hbm>>)
    %slice3A_1016 = vector.extract_strided_slice %get3A_204 {offsets = [8], sizes = [1], strides = [1]} : vector<16xi32> to vector<1xi32>
    %squeeze3A_1017 = vector.extract %slice3A_1016[0] : i32 from vector<1xi32>
    %and3A_1018 = arith.constant 127 : i32
    %and3A_1019 = arith.andi %squeeze3A_1017, %and3A_1018 : i32
    %broadcast_in_dim3A_1020 = vector.broadcast %and3A_1019 : i32 to vector<16xi32>
    %broadcast_in_dim3A_1021 = arith.constant 8 : i32
    %broadcast_in_dim3A_1022 = vector.broadcast %broadcast_in_dim3A_1021 : i32 to vector<16xi32>
    %add3A_1023 = arith.constant 0 : i32
    %add3A_1024 = vector.broadcast %add3A_1023 : i32 to vector<16xi32>
    %add3A_1025 = arith.addi %iota3A, %add3A_1024 : vector<16xi32>
    %gather3A_1026 = tpu.vector_load_idx %arg6[%broadcast_in_dim3A_1022, %add3A_1025, %broadcast_in_dim3A_1020] : memref<10x64x128xf32, #tpu.memory_space<vmem>>[vector<16xi32>, vector<16xi32>, vector<16xi32>], vector<16xf32>,
    %swap3A_1027 = arith.constant 8 : i32
    %swap3A_1028 = arith.constant 0 : i32
    %swap3A_1029 = arith.index_cast %swap3A_1027 : i32 to index
    %swap3A_1030 = arith.index_cast %swap3A_1028 : i32 to index
    %swap3A_1031 = arith.constant 0 : index
    %swap3A_1032 = tpu.vector_load %arg7[%swap3A_1029, %swap3A_1030, %swap3A_1031] {strides = array<i32>} : memref<10x1x64xf32, #tpu.memory_space<vmem>>, vector<16xf32>,
    tpu.vector_store %arg7[%swap3A_1029, %swap3A_1030, %swap3A_1031], %gather3A_1026 {strides = array<i32>} : memref<10x1x64xf32, #tpu.memory_space<vmem>>, vector<16xf32>,
    %add3A_1033 = arith.constant 16 : i32
    %add3A_1034 = vector.broadcast %add3A_1033 : i32 to vector<16xi32>
    %add3A_1035 = arith.addi %iota3A, %add3A_1034 : vector<16xi32>
    %gather3A_1036 = tpu.vector_load_idx %arg6[%broadcast_in_dim3A_1022, %add3A_1035, %broadcast_in_dim3A_1020] : memref<10x64x128xf32, #tpu.memory_space<vmem>>[vector<16xi32>, vector<16xi32>, vector<16xi32>], vector<16xf32>,
    %swap3A_1037 = arith.constant 8 : i32
    %swap3A_1038 = arith.constant 0 : i32
    %swap3A_1039 = arith.index_cast %swap3A_1037 : i32 to index
    %swap3A_1040 = arith.index_cast %swap3A_1038 : i32 to index
    %swap3A_1041 = arith.constant 16 : index
    %swap3A_1042 = tpu.vector_load %arg7[%swap3A_1039, %swap3A_1040, %swap3A_1041] {strides = array<i32>} : memref<10x1x64xf32, #tpu.memory_space<vmem>>, vector<16xf32>,
    tpu.vector_store %arg7[%swap3A_1039, %swap3A_1040, %swap3A_1041], %gather3A_1036 {strides = array<i32>} : memref<10x1x64xf32, #tpu.memory_space<vmem>>, vector<16xf32>,
    %add3A_1043 = arith.constant 32 : i32
    %add3A_1044 = vector.broadcast %add3A_1043 : i32 to vector<16xi32>
    %add3A_1045 = arith.addi %iota3A, %add3A_1044 : vector<16xi32>
    %gather3A_1046 = tpu.vector_load_idx %arg6[%broadcast_in_dim3A_1022, %add3A_1045, %broadcast_in_dim3A_1020] : memref<10x64x128xf32, #tpu.memory_space<vmem>>[vector<16xi32>, vector<16xi32>, vector<16xi32>], vector<16xf32>,
    %swap3A_1047 = arith.constant 8 : i32
    %swap3A_1048 = arith.constant 0 : i32
    %swap3A_1049 = arith.index_cast %swap3A_1047 : i32 to index
    %swap3A_1050 = arith.index_cast %swap3A_1048 : i32 to index
    %swap3A_1051 = arith.constant 32 : index
    %swap3A_1052 = tpu.vector_load %arg7[%swap3A_1049, %swap3A_1050, %swap3A_1051] {strides = array<i32>} : memref<10x1x64xf32, #tpu.memory_space<vmem>>, vector<16xf32>,
    tpu.vector_store %arg7[%swap3A_1049, %swap3A_1050, %swap3A_1051], %gather3A_1046 {strides = array<i32>} : memref<10x1x64xf32, #tpu.memory_space<vmem>>, vector<16xf32>,
    %add3A_1053 = arith.constant 48 : i32
    %add3A_1054 = vector.broadcast %add3A_1053 : i32 to vector<16xi32>
    %add3A_1055 = arith.addi %iota3A, %add3A_1054 : vector<16xi32>
    %gather3A_1056 = tpu.vector_load_idx %arg6[%broadcast_in_dim3A_1022, %add3A_1055, %broadcast_in_dim3A_1020] : memref<10x64x128xf32, #tpu.memory_space<vmem>>[vector<16xi32>, vector<16xi32>, vector<16xi32>], vector<16xf32>,
    %swap3A_1057 = arith.constant 8 : i32
    %swap3A_1058 = arith.constant 0 : i32
    %swap3A_1059 = arith.index_cast %swap3A_1057 : i32 to index
    %swap3A_1060 = arith.index_cast %swap3A_1058 : i32 to index
    %swap3A_1061 = arith.constant 48 : index
    %swap3A_1062 = tpu.vector_load %arg7[%swap3A_1059, %swap3A_1060, %swap3A_1061] {strides = array<i32>} : memref<10x1x64xf32, #tpu.memory_space<vmem>>, vector<16xf32>,
    tpu.vector_store %arg7[%swap3A_1059, %swap3A_1060, %swap3A_1061], %gather3A_1056 {strides = array<i32>} : memref<10x1x64xf32, #tpu.memory_space<vmem>>, vector<16xf32>,
    %add3A_1063 = arith.constant 508 : i32
    %add3A_1064 = arith.addi %mul3A_2, %add3A_1063 : i32
    %dma_start3A_1065 = arith.constant 8 : i32
    %dma_start3A_1066 = arith.constant 0 : i32
    %dma_start3A_1067 = arith.constant 0 : i32
    %dma_start3A_1068 = tpu.memref_slice %arg7[%dma_start3A_1065, %dma_start3A_1066, %dma_start3A_1067] : memref<10x1x64xf32, #tpu.memory_space<vmem>> -> memref<1x1x64xf32, #tpu.memory_space<vmem>>
    %dma_start3A_1069 = tpu.memref_squeeze %dma_start3A_1068 : memref<1x1x64xf32, #tpu.memory_space<vmem>> -> memref<1x64xf32, #tpu.memory_space<vmem>>
    %dma_start3A_1070 = arith.constant 0 : i32
    %dma_start3A_1071 = arith.constant 0 : i32
    %dma_start3A_1072 = tpu.memref_slice %arg4[%add3A_1064, %dma_start3A_1070, %dma_start3A_1071] : memref<16384x1x64xf32, #tpu.memory_space<hbm>> -> memref<1x1x64xf32, #tpu.memory_space<hbm>>
    %dma_start3A_1073 = tpu.memref_squeeze %dma_start3A_1072 : memref<1x1x64xf32, #tpu.memory_space<hbm>> -> memref<1x64xf32, #tpu.memory_space<hbm>>
    %dma_start3A_1074 = arith.constant 0 : i32
    %dma_start3A_1075 = arith.constant 0 : i32
    %dma_start3A_1076 = tpu.memref_slice %arg4[%add3A_1064, %dma_start3A_1074, %dma_start3A_1075] : memref<16384x1x64xf32, #tpu.memory_space<hbm>> -> memref<1x1x64xf32, #tpu.memory_space<hbm>>
    %dma_start3A_1077 = tpu.memref_squeeze %dma_start3A_1076 : memref<1x1x64xf32, #tpu.memory_space<hbm>> -> memref<1x64xf32, #tpu.memory_space<hbm>>
    %dma_start3A_1078 = arith.constant 0 : i32
    %dma_start3A_1079 = arith.constant 0 : i32
    %dma_start3A_1080 = tpu.memref_slice %arg7[%dma_start3A_1065, %dma_start3A_1078, %dma_start3A_1079] : memref<10x1x64xf32, #tpu.memory_space<vmem>> -> memref<1x1x64xf32, #tpu.memory_space<vmem>>
    %dma_start3A_1081 = tpu.memref_squeeze %dma_start3A_1080 : memref<1x1x64xf32, #tpu.memory_space<vmem>> -> memref<1x64xf32, #tpu.memory_space<vmem>>
    tpu.enqueue_dma source(%dma_start3A_1081 : memref<1x64xf32, #tpu.memory_space<vmem>>) target(%dma_start3A_1077 : memref<1x64xf32, #tpu.memory_space<hbm>>) target_semaphore(%arg26 : memref<!tpu.dma_semaphore, #tpu.memory_space<semaphore_mem>>)
    %dma_wait3A_1082 = arith.constant 9 : i32
    %dma_wait3A_1083 = arith.constant 0 : i32
    %dma_wait3A_1084 = arith.constant 0 : i32
    %dma_wait3A_1085 = tpu.memref_slice %arg6[%dma_wait3A_1082, %dma_wait3A_1083, %dma_wait3A_1084] : memref<10x64x128xf32, #tpu.memory_space<vmem>> -> memref<1x64x128xf32, #tpu.memory_space<vmem>>
    %dma_wait3A_1086 = tpu.memref_squeeze %dma_wait3A_1085 : memref<1x64x128xf32, #tpu.memory_space<vmem>> -> memref<64x128xf32, #tpu.memory_space<vmem>>
    %dma_wait3A_1087 = arith.constant 0 : i32
    %dma_wait3A_1088 = arith.constant 0 : i32
    %dma_wait3A_1089 = tpu.memref_slice %arg2[%dma_wait3A_1087, %dma_wait3A_1088] : memref<64x1000000xf32, #tpu.memory_space<hbm>> -> memref<64x128xf32, #tpu.memory_space<hbm>>
    %dma_wait3A_1090 = arith.constant 0 : i32
    %dma_wait3A_1091 = arith.constant 0 : i32
    %dma_wait3A_1092 = tpu.memref_slice %arg6[%dma_wait3A_1082, %dma_wait3A_1090, %dma_wait3A_1091] : memref<10x64x128xf32, #tpu.memory_space<vmem>> -> memref<1x64x128xf32, #tpu.memory_space<vmem>>
    %dma_wait3A_1093 = tpu.memref_squeeze %dma_wait3A_1092 : memref<1x64x128xf32, #tpu.memory_space<vmem>> -> memref<64x128xf32, #tpu.memory_space<vmem>>
    %dma_wait3A_1094 = arith.constant 0 : i32
    %dma_wait3A_1095 = arith.constant 0 : i32
    %dma_wait3A_1096 = tpu.memref_slice %arg2[%dma_wait3A_1094, %dma_wait3A_1095] : memref<64x1000000xf32, #tpu.memory_space<hbm>> -> memref<64x128xf32, #tpu.memory_space<hbm>>
    tpu.wait_dma2 semaphore(%arg17 : memref<!tpu.dma_semaphore, #tpu.memory_space<semaphore_mem>>) src(%dma_wait3A_1096 : memref<64x128xf32, #tpu.memory_space<hbm>>) dst(%dma_wait3A_1093 : memref<64x128xf32, #tpu.memory_space<vmem>>)
    %dma_wait3A_1097 = arith.constant 9 : i32
    %dma_wait3A_1098 = arith.constant 0 : i32
    %dma_wait3A_1099 = arith.constant 0 : i32
    %dma_wait3A_1100 = tpu.memref_slice %arg7[%dma_wait3A_1097, %dma_wait3A_1098, %dma_wait3A_1099] : memref<10x1x64xf32, #tpu.memory_space<vmem>> -> memref<1x1x64xf32, #tpu.memory_space<vmem>>
    %dma_wait3A_1101 = tpu.memref_squeeze %dma_wait3A_1100 : memref<1x1x64xf32, #tpu.memory_space<vmem>> -> memref<1x64xf32, #tpu.memory_space<vmem>>
    %dma_wait3A_1102 = arith.constant 0 : i32
    %dma_wait3A_1103 = arith.constant 0 : i32
    %dma_wait3A_1104 = tpu.memref_slice %arg4[%mul3A_2, %dma_wait3A_1102, %dma_wait3A_1103] : memref<16384x1x64xf32, #tpu.memory_space<hbm>> -> memref<1x1x64xf32, #tpu.memory_space<hbm>>
    %dma_wait3A_1105 = tpu.memref_squeeze %dma_wait3A_1104 : memref<1x1x64xf32, #tpu.memory_space<hbm>> -> memref<1x64xf32, #tpu.memory_space<hbm>>
    %dma_wait3A_1106 = arith.constant 0 : i32
    %dma_wait3A_1107 = arith.constant 0 : i32
    %dma_wait3A_1108 = tpu.memref_slice %arg4[%mul3A_2, %dma_wait3A_1106, %dma_wait3A_1107] : memref<16384x1x64xf32, #tpu.memory_space<hbm>> -> memref<1x1x64xf32, #tpu.memory_space<hbm>>
    %dma_wait3A_1109 = tpu.memref_squeeze %dma_wait3A_1108 : memref<1x1x64xf32, #tpu.memory_space<hbm>> -> memref<1x64xf32, #tpu.memory_space<hbm>>
    %dma_wait3A_1110 = arith.constant 0 : i32
    %dma_wait3A_1111 = arith.constant 0 : i32
    %dma_wait3A_1112 = tpu.memref_slice %arg7[%dma_wait3A_1097, %dma_wait3A_1110, %dma_wait3A_1111] : memref<10x1x64xf32, #tpu.memory_space<vmem>> -> memref<1x1x64xf32, #tpu.memory_space<vmem>>
    %dma_wait3A_1113 = tpu.memref_squeeze %dma_wait3A_1112 : memref<1x1x64xf32, #tpu.memory_space<vmem>> -> memref<1x64xf32, #tpu.memory_space<vmem>>
    tpu.wait_dma2 semaphore(%arg27 : memref<!tpu.dma_semaphore, #tpu.memory_space<semaphore_mem>>) src(%dma_wait3A_1113 : memref<1x64xf32, #tpu.memory_space<vmem>>) dst(%dma_wait3A_1109 : memref<1x64xf32, #tpu.memory_space<hbm>>)
    %slice3A_1114 = vector.extract_strided_slice %get3A_204 {offsets = [9], sizes = [1], strides = [1]} : vector<16xi32> to vector<1xi32>
    %squeeze3A_1115 = vector.extract %slice3A_1114[0] : i32 from vector<1xi32>
    %and3A_1116 = arith.constant 127 : i32
    %and3A_1117 = arith.andi %squeeze3A_1115, %and3A_1116 : i32
    %broadcast_in_dim3A_1118 = vector.broadcast %and3A_1117 : i32 to vector<16xi32>
    %broadcast_in_dim3A_1119 = arith.constant 9 : i32
    %broadcast_in_dim3A_1120 = vector.broadcast %broadcast_in_dim3A_1119 : i32 to vector<16xi32>
    %add3A_1121 = arith.constant 0 : i32
    %add3A_1122 = vector.broadcast %add3A_1121 : i32 to vector<16xi32>
    %add3A_1123 = arith.addi %iota3A, %add3A_1122 : vector<16xi32>
    %gather3A_1124 = tpu.vector_load_idx %arg6[%broadcast_in_dim3A_1120, %add3A_1123, %broadcast_in_dim3A_1118] : memref<10x64x128xf32, #tpu.memory_space<vmem>>[vector<16xi32>, vector<16xi32>, vector<16xi32>], vector<16xf32>,
    %swap3A_1125 = arith.constant 9 : i32
    %swap3A_1126 = arith.constant 0 : i32
    %swap3A_1127 = arith.index_cast %swap3A_1125 : i32 to index
    %swap3A_1128 = arith.index_cast %swap3A_1126 : i32 to index
    %swap3A_1129 = arith.constant 0 : index
    %swap3A_1130 = tpu.vector_load %arg7[%swap3A_1127, %swap3A_1128, %swap3A_1129] {strides = array<i32>} : memref<10x1x64xf32, #tpu.memory_space<vmem>>, vector<16xf32>,
    tpu.vector_store %arg7[%swap3A_1127, %swap3A_1128, %swap3A_1129], %gather3A_1124 {strides = array<i32>} : memref<10x1x64xf32, #tpu.memory_space<vmem>>, vector<16xf32>,
    %add3A_1131 = arith.constant 16 : i32
    %add3A_1132 = vector.broadcast %add3A_1131 : i32 to vector<16xi32>
    %add3A_1133 = arith.addi %iota3A, %add3A_1132 : vector<16xi32>
    %gather3A_1134 = tpu.vector_load_idx %arg6[%broadcast_in_dim3A_1120, %add3A_1133, %broadcast_in_dim3A_1118] : memref<10x64x128xf32, #tpu.memory_space<vmem>>[vector<16xi32>, vector<16xi32>, vector<16xi32>], vector<16xf32>,
    %swap3A_1135 = arith.constant 9 : i32
    %swap3A_1136 = arith.constant 0 : i32
    %swap3A_1137 = arith.index_cast %swap3A_1135 : i32 to index
    %swap3A_1138 = arith.index_cast %swap3A_1136 : i32 to index
    %swap3A_1139 = arith.constant 16 : index
    %swap3A_1140 = tpu.vector_load %arg7[%swap3A_1137, %swap3A_1138, %swap3A_1139] {strides = array<i32>} : memref<10x1x64xf32, #tpu.memory_space<vmem>>, vector<16xf32>,
    tpu.vector_store %arg7[%swap3A_1137, %swap3A_1138, %swap3A_1139], %gather3A_1134 {strides = array<i32>} : memref<10x1x64xf32, #tpu.memory_space<vmem>>, vector<16xf32>,
    %add3A_1141 = arith.constant 32 : i32
    %add3A_1142 = vector.broadcast %add3A_1141 : i32 to vector<16xi32>
    %add3A_1143 = arith.addi %iota3A, %add3A_1142 : vector<16xi32>
    %gather3A_1144 = tpu.vector_load_idx %arg6[%broadcast_in_dim3A_1120, %add3A_1143, %broadcast_in_dim3A_1118] : memref<10x64x128xf32, #tpu.memory_space<vmem>>[vector<16xi32>, vector<16xi32>, vector<16xi32>], vector<16xf32>,
    %swap3A_1145 = arith.constant 9 : i32
    %swap3A_1146 = arith.constant 0 : i32
    %swap3A_1147 = arith.index_cast %swap3A_1145 : i32 to index
    %swap3A_1148 = arith.index_cast %swap3A_1146 : i32 to index
    %swap3A_1149 = arith.constant 32 : index
    %swap3A_1150 = tpu.vector_load %arg7[%swap3A_1147, %swap3A_1148, %swap3A_1149] {strides = array<i32>} : memref<10x1x64xf32, #tpu.memory_space<vmem>>, vector<16xf32>,
    tpu.vector_store %arg7[%swap3A_1147, %swap3A_1148, %swap3A_1149], %gather3A_1144 {strides = array<i32>} : memref<10x1x64xf32, #tpu.memory_space<vmem>>, vector<16xf32>,
    %add3A_1151 = arith.constant 48 : i32
    %add3A_1152 = vector.broadcast %add3A_1151 : i32 to vector<16xi32>
    %add3A_1153 = arith.addi %iota3A, %add3A_1152 : vector<16xi32>
    %gather3A_1154 = tpu.vector_load_idx %arg6[%broadcast_in_dim3A_1120, %add3A_1153, %broadcast_in_dim3A_1118] : memref<10x64x128xf32, #tpu.memory_space<vmem>>[vector<16xi32>, vector<16xi32>, vector<16xi32>], vector<16xf32>,
    %swap3A_1155 = arith.constant 9 : i32
    %swap3A_1156 = arith.constant 0 : i32
    %swap3A_1157 = arith.index_cast %swap3A_1155 : i32 to index
    %swap3A_1158 = arith.index_cast %swap3A_1156 : i32 to index
    %swap3A_1159 = arith.constant 48 : index
    %swap3A_1160 = tpu.vector_load %arg7[%swap3A_1157, %swap3A_1158, %swap3A_1159] {strides = array<i32>} : memref<10x1x64xf32, #tpu.memory_space<vmem>>, vector<16xf32>,
    tpu.vector_store %arg7[%swap3A_1157, %swap3A_1158, %swap3A_1159], %gather3A_1154 {strides = array<i32>} : memref<10x1x64xf32, #tpu.memory_space<vmem>>, vector<16xf32>,
    %add3A_1161 = arith.constant 509 : i32
    %add3A_1162 = arith.addi %mul3A_2, %add3A_1161 : i32
    %dma_start3A_1163 = arith.constant 9 : i32
    %dma_start3A_1164 = arith.constant 0 : i32
    %dma_start3A_1165 = arith.constant 0 : i32
    %dma_start3A_1166 = tpu.memref_slice %arg7[%dma_start3A_1163, %dma_start3A_1164, %dma_start3A_1165] : memref<10x1x64xf32, #tpu.memory_space<vmem>> -> memref<1x1x64xf32, #tpu.memory_space<vmem>>
    %dma_start3A_1167 = tpu.memref_squeeze %dma_start3A_1166 : memref<1x1x64xf32, #tpu.memory_space<vmem>> -> memref<1x64xf32, #tpu.memory_space<vmem>>
    %dma_start3A_1168 = arith.constant 0 : i32
    %dma_start3A_1169 = arith.constant 0 : i32
    %dma_start3A_1170 = tpu.memref_slice %arg4[%add3A_1162, %dma_start3A_1168, %dma_start3A_1169] : memref<16384x1x64xf32, #tpu.memory_space<hbm>> -> memref<1x1x64xf32, #tpu.memory_space<hbm>>
    %dma_start3A_1171 = tpu.memref_squeeze %dma_start3A_1170 : memref<1x1x64xf32, #tpu.memory_space<hbm>> -> memref<1x64xf32, #tpu.memory_space<hbm>>
    %dma_start3A_1172 = arith.constant 0 : i32
    %dma_start3A_1173 = arith.constant 0 : i32
    %dma_start3A_1174 = tpu.memref_slice %arg4[%add3A_1162, %dma_start3A_1172, %dma_start3A_1173] : memref<16384x1x64xf32, #tpu.memory_space<hbm>> -> memref<1x1x64xf32, #tpu.memory_space<hbm>>
    %dma_start3A_1175 = tpu.memref_squeeze %dma_start3A_1174 : memref<1x1x64xf32, #tpu.memory_space<hbm>> -> memref<1x64xf32, #tpu.memory_space<hbm>>
    %dma_start3A_1176 = arith.constant 0 : i32
    %dma_start3A_1177 = arith.constant 0 : i32
    %dma_start3A_1178 = tpu.memref_slice %arg7[%dma_start3A_1163, %dma_start3A_1176, %dma_start3A_1177] : memref<10x1x64xf32, #tpu.memory_space<vmem>> -> memref<1x1x64xf32, #tpu.memory_space<vmem>>
    %dma_start3A_1179 = tpu.memref_squeeze %dma_start3A_1178 : memref<1x1x64xf32, #tpu.memory_space<vmem>> -> memref<1x64xf32, #tpu.memory_space<vmem>>
    tpu.enqueue_dma source(%dma_start3A_1179 : memref<1x64xf32, #tpu.memory_space<vmem>>) target(%dma_start3A_1175 : memref<1x64xf32, #tpu.memory_space<hbm>>) target_semaphore(%arg27 : memref<!tpu.dma_semaphore, #tpu.memory_space<semaphore_mem>>)
    %get3A_1180 = arith.constant 496 : index
    %get3A_1181 = tpu.vector_load %arg5[%get3A_1180] {strides = array<i32>} : memref<528xi32, #tpu.memory_space<vmem>>, vector<16xi32>,
    %slice3A_1182 = vector.extract_strided_slice %get3A_1181 {offsets = [14], sizes = [1], strides = [1]} : vector<16xi32> to vector<1xi32>
    %squeeze3A_1183 = vector.extract %slice3A_1182[0] : i32 from vector<1xi32>
    %shift_right_logical3A_1184 = arith.constant 7 : i32
    %shift_right_logical3A_1185 = arith.shrui %squeeze3A_1183, %shift_right_logical3A_1184 : i32
    %shift_left3A_1186 = arith.constant 7 : i32
    %shift_left3A_1187 = arith.shli %shift_right_logical3A_1185, %shift_left3A_1186 : i32
    %multiple_of3A_1188 = tpu.assume_multiple %shift_left3A_1187, 128 : i32
    %dma_start3A_1189 = arith.constant 0 : i32
    %dma_start3A_1190 = arith.constant 0 : i32
    %dma_start3A_1191 = arith.constant 0 : i32
    %dma_start3A_1192 = tpu.memref_slice %arg6[%dma_start3A_1189, %dma_start3A_1190, %dma_start3A_1191] : memref<10x64x128xf32, #tpu.memory_space<vmem>> -> memref<1x64x128xf32, #tpu.memory_space<vmem>>
    %dma_start3A_1193 = tpu.memref_squeeze %dma_start3A_1192 : memref<1x64x128xf32, #tpu.memory_space<vmem>> -> memref<64x128xf32, #tpu.memory_space<vmem>>
    %dma_start3A_1194 = arith.constant 0 : i32
    %dma_start3A_1195 = tpu.memref_slice %arg2[%dma_start3A_1194, %multiple_of3A_1188] : memref<64x1000000xf32, #tpu.memory_space<hbm>> -> memref<64x128xf32, #tpu.memory_space<hbm>>
    %dma_start3A_1196 = arith.constant 0 : i32
    %dma_start3A_1197 = arith.constant 0 : i32
    %dma_start3A_1198 = tpu.memref_slice %arg6[%dma_start3A_1189, %dma_start3A_1196, %dma_start3A_1197] : memref<10x64x128xf32, #tpu.memory_space<vmem>> -> memref<1x64x128xf32, #tpu.memory_space<vmem>>
    %dma_start3A_1199 = tpu.memref_squeeze %dma_start3A_1198 : memref<1x64x128xf32, #tpu.memory_space<vmem>> -> memref<64x128xf32, #tpu.memory_space<vmem>>
    %dma_start3A_1200 = arith.constant 0 : i32
    %dma_start3A_1201 = tpu.memref_slice %arg2[%dma_start3A_1200, %multiple_of3A_1188] : memref<64x1000000xf32, #tpu.memory_space<hbm>> -> memref<64x128xf32, #tpu.memory_space<hbm>>
    tpu.enqueue_dma source(%dma_start3A_1201 : memref<64x128xf32, #tpu.memory_space<hbm>>) target(%dma_start3A_1199 : memref<64x128xf32, #tpu.memory_space<vmem>>) target_semaphore(%arg8 : memref<!tpu.dma_semaphore, #tpu.memory_space<semaphore_mem>>)
    %slice3A_1202 = vector.extract_strided_slice %get3A_1181 {offsets = [15], sizes = [1], strides = [1]} : vector<16xi32> to vector<1xi32>
    %squeeze3A_1203 = vector.extract %slice3A_1202[0] : i32 from vector<1xi32>
    %shift_right_logical3A_1204 = arith.constant 7 : i32
    %shift_right_logical3A_1205 = arith.shrui %squeeze3A_1203, %shift_right_logical3A_1204 : i32
    %shift_left3A_1206 = arith.constant 7 : i32
    %shift_left3A_1207 = arith.shli %shift_right_logical3A_1205, %shift_left3A_1206 : i32
    %multiple_of3A_1208 = tpu.assume_multiple %shift_left3A_1207, 128 : i32
    %dma_start3A_1209 = arith.constant 1 : i32
    %dma_start3A_1210 = arith.constant 0 : i32
    %dma_start3A_1211 = arith.constant 0 : i32
    %dma_start3A_1212 = tpu.memref_slice %arg6[%dma_start3A_1209, %dma_start3A_1210, %dma_start3A_1211] : memref<10x64x128xf32, #tpu.memory_space<vmem>> -> memref<1x64x128xf32, #tpu.memory_space<vmem>>
    %dma_start3A_1213 = tpu.memref_squeeze %dma_start3A_1212 : memref<1x64x128xf32, #tpu.memory_space<vmem>> -> memref<64x128xf32, #tpu.memory_space<vmem>>
    %dma_start3A_1214 = arith.constant 0 : i32
    %dma_start3A_1215 = tpu.memref_slice %arg2[%dma_start3A_1214, %multiple_of3A_1208] : memref<64x1000000xf32, #tpu.memory_space<hbm>> -> memref<64x128xf32, #tpu.memory_space<hbm>>
    %dma_start3A_1216 = arith.constant 0 : i32
    %dma_start3A_1217 = arith.constant 0 : i32
    %dma_start3A_1218 = tpu.memref_slice %arg6[%dma_start3A_1209, %dma_start3A_1216, %dma_start3A_1217] : memref<10x64x128xf32, #tpu.memory_space<vmem>> -> memref<1x64x128xf32, #tpu.memory_space<vmem>>
    %dma_start3A_1219 = tpu.memref_squeeze %dma_start3A_1218 : memref<1x64x128xf32, #tpu.memory_space<vmem>> -> memref<64x128xf32, #tpu.memory_space<vmem>>
    %dma_start3A_1220 = arith.constant 0 : i32
    %dma_start3A_1221 = tpu.memref_slice %arg2[%dma_start3A_1220, %multiple_of3A_1208] : memref<64x1000000xf32, #tpu.memory_space<hbm>> -> memref<64x128xf32, #tpu.memory_space<hbm>>
    tpu.enqueue_dma source(%dma_start3A_1221 : memref<64x128xf32, #tpu.memory_space<hbm>>) target(%dma_start3A_1219 : memref<64x128xf32, #tpu.memory_space<vmem>>) target_semaphore(%arg9 : memref<!tpu.dma_semaphore, #tpu.memory_space<semaphore_mem>>)
    %dma_wait3A_1222 = arith.constant 0 : i32
    %dma_wait3A_1223 = arith.constant 0 : i32
    %dma_wait3A_1224 = arith.constant 0 : i32
    %dma_wait3A_1225 = tpu.memref_slice %arg6[%dma_wait3A_1222, %dma_wait3A_1223, %dma_wait3A_1224] : memref<10x64x128xf32, #tpu.memory_space<vmem>> -> memref<1x64x128xf32, #tpu.memory_space<vmem>>
    %dma_wait3A_1226 = tpu.memref_squeeze %dma_wait3A_1225 : memref<1x64x128xf32, #tpu.memory_space<vmem>> -> memref<64x128xf32, #tpu.memory_space<vmem>>
    %dma_wait3A_1227 = arith.constant 0 : i32
    %dma_wait3A_1228 = arith.constant 0 : i32
    %dma_wait3A_1229 = tpu.memref_slice %arg2[%dma_wait3A_1227, %dma_wait3A_1228] : memref<64x1000000xf32, #tpu.memory_space<hbm>> -> memref<64x128xf32, #tpu.memory_space<hbm>>
    %dma_wait3A_1230 = arith.constant 0 : i32
    %dma_wait3A_1231 = arith.constant 0 : i32
    %dma_wait3A_1232 = tpu.memref_slice %arg6[%dma_wait3A_1222, %dma_wait3A_1230, %dma_wait3A_1231] : memref<10x64x128xf32, #tpu.memory_space<vmem>> -> memref<1x64x128xf32, #tpu.memory_space<vmem>>
    %dma_wait3A_1233 = tpu.memref_squeeze %dma_wait3A_1232 : memref<1x64x128xf32, #tpu.memory_space<vmem>> -> memref<64x128xf32, #tpu.memory_space<vmem>>
    %dma_wait3A_1234 = arith.constant 0 : i32
    %dma_wait3A_1235 = arith.constant 0 : i32
    %dma_wait3A_1236 = tpu.memref_slice %arg2[%dma_wait3A_1234, %dma_wait3A_1235] : memref<64x1000000xf32, #tpu.memory_space<hbm>> -> memref<64x128xf32, #tpu.memory_space<hbm>>
    tpu.wait_dma2 semaphore(%arg8 : memref<!tpu.dma_semaphore, #tpu.memory_space<semaphore_mem>>) src(%dma_wait3A_1236 : memref<64x128xf32, #tpu.memory_space<hbm>>) dst(%dma_wait3A_1233 : memref<64x128xf32, #tpu.memory_space<vmem>>)
    %dma_wait3A_1237 = arith.constant 0 : i32
    %dma_wait3A_1238 = arith.constant 0 : i32
    %dma_wait3A_1239 = arith.constant 0 : i32
    %dma_wait3A_1240 = tpu.memref_slice %arg7[%dma_wait3A_1237, %dma_wait3A_1238, %dma_wait3A_1239] : memref<10x1x64xf32, #tpu.memory_space<vmem>> -> memref<1x1x64xf32, #tpu.memory_space<vmem>>
    %dma_wait3A_1241 = tpu.memref_squeeze %dma_wait3A_1240 : memref<1x1x64xf32, #tpu.memory_space<vmem>> -> memref<1x64xf32, #tpu.memory_space<vmem>>
    %dma_wait3A_1242 = arith.constant 0 : i32
    %dma_wait3A_1243 = arith.constant 0 : i32
    %dma_wait3A_1244 = tpu.memref_slice %arg4[%mul3A_2, %dma_wait3A_1242, %dma_wait3A_1243] : memref<16384x1x64xf32, #tpu.memory_space<hbm>> -> memref<1x1x64xf32, #tpu.memory_space<hbm>>
    %dma_wait3A_1245 = tpu.memref_squeeze %dma_wait3A_1244 : memref<1x1x64xf32, #tpu.memory_space<hbm>> -> memref<1x64xf32, #tpu.memory_space<hbm>>
    %dma_wait3A_1246 = arith.constant 0 : i32
    %dma_wait3A_1247 = arith.constant 0 : i32
    %dma_wait3A_1248 = tpu.memref_slice %arg4[%mul3A_2, %dma_wait3A_1246, %dma_wait3A_1247] : memref<16384x1x64xf32, #tpu.memory_space<hbm>> -> memref<1x1x64xf32, #tpu.memory_space<hbm>>
    %dma_wait3A_1249 = tpu.memref_squeeze %dma_wait3A_1248 : memref<1x1x64xf32, #tpu.memory_space<hbm>> -> memref<1x64xf32, #tpu.memory_space<hbm>>
    %dma_wait3A_1250 = arith.constant 0 : i32
    %dma_wait3A_1251 = arith.constant 0 : i32
    %dma_wait3A_1252 = tpu.memref_slice %arg7[%dma_wait3A_1237, %dma_wait3A_1250, %dma_wait3A_1251] : memref<10x1x64xf32, #tpu.memory_space<vmem>> -> memref<1x1x64xf32, #tpu.memory_space<vmem>>
    %dma_wait3A_1253 = tpu.memref_squeeze %dma_wait3A_1252 : memref<1x1x64xf32, #tpu.memory_space<vmem>> -> memref<1x64xf32, #tpu.memory_space<vmem>>
    tpu.wait_dma2 semaphore(%arg18 : memref<!tpu.dma_semaphore, #tpu.memory_space<semaphore_mem>>) src(%dma_wait3A_1253 : memref<1x64xf32, #tpu.memory_space<vmem>>) dst(%dma_wait3A_1249 : memref<1x64xf32, #tpu.memory_space<hbm>>)
    %slice3A_1254 = vector.extract_strided_slice %get3A_1181 {offsets = [14], sizes = [1], strides = [1]} : vector<16xi32> to vector<1xi32>
    %squeeze3A_1255 = vector.extract %slice3A_1254[0] : i32 from vector<1xi32>
    %and3A_1256 = arith.constant 127 : i32
    %and3A_1257 = arith.andi %squeeze3A_1255, %and3A_1256 : i32
    %broadcast_in_dim3A_1258 = vector.broadcast %and3A_1257 : i32 to vector<16xi32>
    %broadcast_in_dim3A_1259 = arith.constant 0 : i32
    %broadcast_in_dim3A_1260 = vector.broadcast %broadcast_in_dim3A_1259 : i32 to vector<16xi32>
    %add3A_1261 = arith.constant 0 : i32
    %add3A_1262 = vector.broadcast %add3A_1261 : i32 to vector<16xi32>
    %add3A_1263 = arith.addi %iota3A, %add3A_1262 : vector<16xi32>
    %gather3A_1264 = tpu.vector_load_idx %arg6[%broadcast_in_dim3A_1260, %add3A_1263, %broadcast_in_dim3A_1258] : memref<10x64x128xf32, #tpu.memory_space<vmem>>[vector<16xi32>, vector<16xi32>, vector<16xi32>], vector<16xf32>,
    %swap3A_1265 = arith.constant 0 : i32
    %swap3A_1266 = arith.constant 0 : i32
    %swap3A_1267 = arith.index_cast %swap3A_1265 : i32 to index
    %swap3A_1268 = arith.index_cast %swap3A_1266 : i32 to index
    %swap3A_1269 = arith.constant 0 : index
    %swap3A_1270 = tpu.vector_load %arg7[%swap3A_1267, %swap3A_1268, %swap3A_1269] {strides = array<i32>} : memref<10x1x64xf32, #tpu.memory_space<vmem>>, vector<16xf32>,
    tpu.vector_store %arg7[%swap3A_1267, %swap3A_1268, %swap3A_1269], %gather3A_1264 {strides = array<i32>} : memref<10x1x64xf32, #tpu.memory_space<vmem>>, vector<16xf32>,
    %add3A_1271 = arith.constant 16 : i32
    %add3A_1272 = vector.broadcast %add3A_1271 : i32 to vector<16xi32>
    %add3A_1273 = arith.addi %iota3A, %add3A_1272 : vector<16xi32>
    %gather3A_1274 = tpu.vector_load_idx %arg6[%broadcast_in_dim3A_1260, %add3A_1273, %broadcast_in_dim3A_1258] : memref<10x64x128xf32, #tpu.memory_space<vmem>>[vector<16xi32>, vector<16xi32>, vector<16xi32>], vector<16xf32>,
    %swap3A_1275 = arith.constant 0 : i32
    %swap3A_1276 = arith.constant 0 : i32
    %swap3A_1277 = arith.index_cast %swap3A_1275 : i32 to index
    %swap3A_1278 = arith.index_cast %swap3A_1276 : i32 to index
    %swap3A_1279 = arith.constant 16 : index
    %swap3A_1280 = tpu.vector_load %arg7[%swap3A_1277, %swap3A_1278, %swap3A_1279] {strides = array<i32>} : memref<10x1x64xf32, #tpu.memory_space<vmem>>, vector<16xf32>,
    tpu.vector_store %arg7[%swap3A_1277, %swap3A_1278, %swap3A_1279], %gather3A_1274 {strides = array<i32>} : memref<10x1x64xf32, #tpu.memory_space<vmem>>, vector<16xf32>,
    %add3A_1281 = arith.constant 32 : i32
    %add3A_1282 = vector.broadcast %add3A_1281 : i32 to vector<16xi32>
    %add3A_1283 = arith.addi %iota3A, %add3A_1282 : vector<16xi32>
    %gather3A_1284 = tpu.vector_load_idx %arg6[%broadcast_in_dim3A_1260, %add3A_1283, %broadcast_in_dim3A_1258] : memref<10x64x128xf32, #tpu.memory_space<vmem>>[vector<16xi32>, vector<16xi32>, vector<16xi32>], vector<16xf32>,
    %swap3A_1285 = arith.constant 0 : i32
    %swap3A_1286 = arith.constant 0 : i32
    %swap3A_1287 = arith.index_cast %swap3A_1285 : i32 to index
    %swap3A_1288 = arith.index_cast %swap3A_1286 : i32 to index
    %swap3A_1289 = arith.constant 32 : index
    %swap3A_1290 = tpu.vector_load %arg7[%swap3A_1287, %swap3A_1288, %swap3A_1289] {strides = array<i32>} : memref<10x1x64xf32, #tpu.memory_space<vmem>>, vector<16xf32>,
    tpu.vector_store %arg7[%swap3A_1287, %swap3A_1288, %swap3A_1289], %gather3A_1284 {strides = array<i32>} : memref<10x1x64xf32, #tpu.memory_space<vmem>>, vector<16xf32>,
    %add3A_1291 = arith.constant 48 : i32
    %add3A_1292 = vector.broadcast %add3A_1291 : i32 to vector<16xi32>
    %add3A_1293 = arith.addi %iota3A, %add3A_1292 : vector<16xi32>
    %gather3A_1294 = tpu.vector_load_idx %arg6[%broadcast_in_dim3A_1260, %add3A_1293, %broadcast_in_dim3A_1258] : memref<10x64x128xf32, #tpu.memory_space<vmem>>[vector<16xi32>, vector<16xi32>, vector<16xi32>], vector<16xf32>,
    %swap3A_1295 = arith.constant 0 : i32
    %swap3A_1296 = arith.constant 0 : i32
    %swap3A_1297 = arith.index_cast %swap3A_1295 : i32 to index
    %swap3A_1298 = arith.index_cast %swap3A_1296 : i32 to index
    %swap3A_1299 = arith.constant 48 : index
    %swap3A_1300 = tpu.vector_load %arg7[%swap3A_1297, %swap3A_1298, %swap3A_1299] {strides = array<i32>} : memref<10x1x64xf32, #tpu.memory_space<vmem>>, vector<16xf32>,
    tpu.vector_store %arg7[%swap3A_1297, %swap3A_1298, %swap3A_1299], %gather3A_1294 {strides = array<i32>} : memref<10x1x64xf32, #tpu.memory_space<vmem>>, vector<16xf32>,
    %add3A_1301 = arith.constant 510 : i32
    %add3A_1302 = arith.addi %mul3A_2, %add3A_1301 : i32
    %dma_start3A_1303 = arith.constant 0 : i32
    %dma_start3A_1304 = arith.constant 0 : i32
    %dma_start3A_1305 = arith.constant 0 : i32
    %dma_start3A_1306 = tpu.memref_slice %arg7[%dma_start3A_1303, %dma_start3A_1304, %dma_start3A_1305] : memref<10x1x64xf32, #tpu.memory_space<vmem>> -> memref<1x1x64xf32, #tpu.memory_space<vmem>>
    %dma_start3A_1307 = tpu.memref_squeeze %dma_start3A_1306 : memref<1x1x64xf32, #tpu.memory_space<vmem>> -> memref<1x64xf32, #tpu.memory_space<vmem>>
    %dma_start3A_1308 = arith.constant 0 : i32
    %dma_start3A_1309 = arith.constant 0 : i32
    %dma_start3A_1310 = tpu.memref_slice %arg4[%add3A_1302, %dma_start3A_1308, %dma_start3A_1309] : memref<16384x1x64xf32, #tpu.memory_space<hbm>> -> memref<1x1x64xf32, #tpu.memory_space<hbm>>
    %dma_start3A_1311 = tpu.memref_squeeze %dma_start3A_1310 : memref<1x1x64xf32, #tpu.memory_space<hbm>> -> memref<1x64xf32, #tpu.memory_space<hbm>>
    %dma_start3A_1312 = arith.constant 0 : i32
    %dma_start3A_1313 = arith.constant 0 : i32
    %dma_start3A_1314 = tpu.memref_slice %arg4[%add3A_1302, %dma_start3A_1312, %dma_start3A_1313] : memref<16384x1x64xf32, #tpu.memory_space<hbm>> -> memref<1x1x64xf32, #tpu.memory_space<hbm>>
    %dma_start3A_1315 = tpu.memref_squeeze %dma_start3A_1314 : memref<1x1x64xf32, #tpu.memory_space<hbm>> -> memref<1x64xf32, #tpu.memory_space<hbm>>
    %dma_start3A_1316 = arith.constant 0 : i32
    %dma_start3A_1317 = arith.constant 0 : i32
    %dma_start3A_1318 = tpu.memref_slice %arg7[%dma_start3A_1303, %dma_start3A_1316, %dma_start3A_1317] : memref<10x1x64xf32, #tpu.memory_space<vmem>> -> memref<1x1x64xf32, #tpu.memory_space<vmem>>
    %dma_start3A_1319 = tpu.memref_squeeze %dma_start3A_1318 : memref<1x1x64xf32, #tpu.memory_space<vmem>> -> memref<1x64xf32, #tpu.memory_space<vmem>>
    tpu.enqueue_dma source(%dma_start3A_1319 : memref<1x64xf32, #tpu.memory_space<vmem>>) target(%dma_start3A_1315 : memref<1x64xf32, #tpu.memory_space<hbm>>) target_semaphore(%arg18 : memref<!tpu.dma_semaphore, #tpu.memory_space<semaphore_mem>>)
    %dma_wait3A_1320 = arith.constant 1 : i32
    %dma_wait3A_1321 = arith.constant 0 : i32
    %dma_wait3A_1322 = arith.constant 0 : i32
    %dma_wait3A_1323 = tpu.memref_slice %arg6[%dma_wait3A_1320, %dma_wait3A_1321, %dma_wait3A_1322] : memref<10x64x128xf32, #tpu.memory_space<vmem>> -> memref<1x64x128xf32, #tpu.memory_space<vmem>>
    %dma_wait3A_1324 = tpu.memref_squeeze %dma_wait3A_1323 : memref<1x64x128xf32, #tpu.memory_space<vmem>> -> memref<64x128xf32, #tpu.memory_space<vmem>>
    %dma_wait3A_1325 = arith.constant 0 : i32
    %dma_wait3A_1326 = arith.constant 0 : i32
    %dma_wait3A_1327 = tpu.memref_slice %arg2[%dma_wait3A_1325, %dma_wait3A_1326] : memref<64x1000000xf32, #tpu.memory_space<hbm>> -> memref<64x128xf32, #tpu.memory_space<hbm>>
    %dma_wait3A_1328 = arith.constant 0 : i32
    %dma_wait3A_1329 = arith.constant 0 : i32
    %dma_wait3A_1330 = tpu.memref_slice %arg6[%dma_wait3A_1320, %dma_wait3A_1328, %dma_wait3A_1329] : memref<10x64x128xf32, #tpu.memory_space<vmem>> -> memref<1x64x128xf32, #tpu.memory_space<vmem>>
    %dma_wait3A_1331 = tpu.memref_squeeze %dma_wait3A_1330 : memref<1x64x128xf32, #tpu.memory_space<vmem>> -> memref<64x128xf32, #tpu.memory_space<vmem>>
    %dma_wait3A_1332 = arith.constant 0 : i32
    %dma_wait3A_1333 = arith.constant 0 : i32
    %dma_wait3A_1334 = tpu.memref_slice %arg2[%dma_wait3A_1332, %dma_wait3A_1333] : memref<64x1000000xf32, #tpu.memory_space<hbm>> -> memref<64x128xf32, #tpu.memory_space<hbm>>
    tpu.wait_dma2 semaphore(%arg9 : memref<!tpu.dma_semaphore, #tpu.memory_space<semaphore_mem>>) src(%dma_wait3A_1334 : memref<64x128xf32, #tpu.memory_space<hbm>>) dst(%dma_wait3A_1331 : memref<64x128xf32, #tpu.memory_space<vmem>>)
    %dma_wait3A_1335 = arith.constant 1 : i32
    %dma_wait3A_1336 = arith.constant 0 : i32
    %dma_wait3A_1337 = arith.constant 0 : i32
    %dma_wait3A_1338 = tpu.memref_slice %arg7[%dma_wait3A_1335, %dma_wait3A_1336, %dma_wait3A_1337] : memref<10x1x64xf32, #tpu.memory_space<vmem>> -> memref<1x1x64xf32, #tpu.memory_space<vmem>>
    %dma_wait3A_1339 = tpu.memref_squeeze %dma_wait3A_1338 : memref<1x1x64xf32, #tpu.memory_space<vmem>> -> memref<1x64xf32, #tpu.memory_space<vmem>>
    %dma_wait3A_1340 = arith.constant 0 : i32
    %dma_wait3A_1341 = arith.constant 0 : i32
    %dma_wait3A_1342 = tpu.memref_slice %arg4[%mul3A_2, %dma_wait3A_1340, %dma_wait3A_1341] : memref<16384x1x64xf32, #tpu.memory_space<hbm>> -> memref<1x1x64xf32, #tpu.memory_space<hbm>>
    %dma_wait3A_1343 = tpu.memref_squeeze %dma_wait3A_1342 : memref<1x1x64xf32, #tpu.memory_space<hbm>> -> memref<1x64xf32, #tpu.memory_space<hbm>>
    %dma_wait3A_1344 = arith.constant 0 : i32
    %dma_wait3A_1345 = arith.constant 0 : i32
    %dma_wait3A_1346 = tpu.memref_slice %arg4[%mul3A_2, %dma_wait3A_1344, %dma_wait3A_1345] : memref<16384x1x64xf32, #tpu.memory_space<hbm>> -> memref<1x1x64xf32, #tpu.memory_space<hbm>>
    %dma_wait3A_1347 = tpu.memref_squeeze %dma_wait3A_1346 : memref<1x1x64xf32, #tpu.memory_space<hbm>> -> memref<1x64xf32, #tpu.memory_space<hbm>>
    %dma_wait3A_1348 = arith.constant 0 : i32
    %dma_wait3A_1349 = arith.constant 0 : i32
    %dma_wait3A_1350 = tpu.memref_slice %arg7[%dma_wait3A_1335, %dma_wait3A_1348, %dma_wait3A_1349] : memref<10x1x64xf32, #tpu.memory_space<vmem>> -> memref<1x1x64xf32, #tpu.memory_space<vmem>>
    %dma_wait3A_1351 = tpu.memref_squeeze %dma_wait3A_1350 : memref<1x1x64xf32, #tpu.memory_space<vmem>> -> memref<1x64xf32, #tpu.memory_space<vmem>>
    tpu.wait_dma2 semaphore(%arg19 : memref<!tpu.dma_semaphore, #tpu.memory_space<semaphore_mem>>) src(%dma_wait3A_1351 : memref<1x64xf32, #tpu.memory_space<vmem>>) dst(%dma_wait3A_1347 : memref<1x64xf32, #tpu.memory_space<hbm>>)
    %slice3A_1352 = vector.extract_strided_slice %get3A_1181 {offsets = [15], sizes = [1], strides = [1]} : vector<16xi32> to vector<1xi32>
    %squeeze3A_1353 = vector.extract %slice3A_1352[0] : i32 from vector<1xi32>
    %and3A_1354 = arith.constant 127 : i32
    %and3A_1355 = arith.andi %squeeze3A_1353, %and3A_1354 : i32
    %broadcast_in_dim3A_1356 = vector.broadcast %and3A_1355 : i32 to vector<16xi32>
    %broadcast_in_dim3A_1357 = arith.constant 1 : i32
    %broadcast_in_dim3A_1358 = vector.broadcast %broadcast_in_dim3A_1357 : i32 to vector<16xi32>
    %add3A_1359 = arith.constant 0 : i32
    %add3A_1360 = vector.broadcast %add3A_1359 : i32 to vector<16xi32>
    %add3A_1361 = arith.addi %iota3A, %add3A_1360 : vector<16xi32>
    %gather3A_1362 = tpu.vector_load_idx %arg6[%broadcast_in_dim3A_1358, %add3A_1361, %broadcast_in_dim3A_1356] : memref<10x64x128xf32, #tpu.memory_space<vmem>>[vector<16xi32>, vector<16xi32>, vector<16xi32>], vector<16xf32>,
    %swap3A_1363 = arith.constant 1 : i32
    %swap3A_1364 = arith.constant 0 : i32
    %swap3A_1365 = arith.index_cast %swap3A_1363 : i32 to index
    %swap3A_1366 = arith.index_cast %swap3A_1364 : i32 to index
    %swap3A_1367 = arith.constant 0 : index
    %swap3A_1368 = tpu.vector_load %arg7[%swap3A_1365, %swap3A_1366, %swap3A_1367] {strides = array<i32>} : memref<10x1x64xf32, #tpu.memory_space<vmem>>, vector<16xf32>,
    tpu.vector_store %arg7[%swap3A_1365, %swap3A_1366, %swap3A_1367], %gather3A_1362 {strides = array<i32>} : memref<10x1x64xf32, #tpu.memory_space<vmem>>, vector<16xf32>,
    %add3A_1369 = arith.constant 16 : i32
    %add3A_1370 = vector.broadcast %add3A_1369 : i32 to vector<16xi32>
    %add3A_1371 = arith.addi %iota3A, %add3A_1370 : vector<16xi32>
    %gather3A_1372 = tpu.vector_load_idx %arg6[%broadcast_in_dim3A_1358, %add3A_1371, %broadcast_in_dim3A_1356] : memref<10x64x128xf32, #tpu.memory_space<vmem>>[vector<16xi32>, vector<16xi32>, vector<16xi32>], vector<16xf32>,
    %swap3A_1373 = arith.constant 1 : i32
    %swap3A_1374 = arith.constant 0 : i32
    %swap3A_1375 = arith.index_cast %swap3A_1373 : i32 to index
    %swap3A_1376 = arith.index_cast %swap3A_1374 : i32 to index
    %swap3A_1377 = arith.constant 16 : index
    %swap3A_1378 = tpu.vector_load %arg7[%swap3A_1375, %swap3A_1376, %swap3A_1377] {strides = array<i32>} : memref<10x1x64xf32, #tpu.memory_space<vmem>>, vector<16xf32>,
    tpu.vector_store %arg7[%swap3A_1375, %swap3A_1376, %swap3A_1377], %gather3A_1372 {strides = array<i32>} : memref<10x1x64xf32, #tpu.memory_space<vmem>>, vector<16xf32>,
    %add3A_1379 = arith.constant 32 : i32
    %add3A_1380 = vector.broadcast %add3A_1379 : i32 to vector<16xi32>
    %add3A_1381 = arith.addi %iota3A, %add3A_1380 : vector<16xi32>
    %gather3A_1382 = tpu.vector_load_idx %arg6[%broadcast_in_dim3A_1358, %add3A_1381, %broadcast_in_dim3A_1356] : memref<10x64x128xf32, #tpu.memory_space<vmem>>[vector<16xi32>, vector<16xi32>, vector<16xi32>], vector<16xf32>,
    %swap3A_1383 = arith.constant 1 : i32
    %swap3A_1384 = arith.constant 0 : i32
    %swap3A_1385 = arith.index_cast %swap3A_1383 : i32 to index
    %swap3A_1386 = arith.index_cast %swap3A_1384 : i32 to index
    %swap3A_1387 = arith.constant 32 : index
    %swap3A_1388 = tpu.vector_load %arg7[%swap3A_1385, %swap3A_1386, %swap3A_1387] {strides = array<i32>} : memref<10x1x64xf32, #tpu.memory_space<vmem>>, vector<16xf32>,
    tpu.vector_store %arg7[%swap3A_1385, %swap3A_1386, %swap3A_1387], %gather3A_1382 {strides = array<i32>} : memref<10x1x64xf32, #tpu.memory_space<vmem>>, vector<16xf32>,
    %add3A_1389 = arith.constant 48 : i32
    %add3A_1390 = vector.broadcast %add3A_1389 : i32 to vector<16xi32>
    %add3A_1391 = arith.addi %iota3A, %add3A_1390 : vector<16xi32>
    %gather3A_1392 = tpu.vector_load_idx %arg6[%broadcast_in_dim3A_1358, %add3A_1391, %broadcast_in_dim3A_1356] : memref<10x64x128xf32, #tpu.memory_space<vmem>>[vector<16xi32>, vector<16xi32>, vector<16xi32>], vector<16xf32>,
    %swap3A_1393 = arith.constant 1 : i32
    %swap3A_1394 = arith.constant 0 : i32
    %swap3A_1395 = arith.index_cast %swap3A_1393 : i32 to index
    %swap3A_1396 = arith.index_cast %swap3A_1394 : i32 to index
    %swap3A_1397 = arith.constant 48 : index
    %swap3A_1398 = tpu.vector_load %arg7[%swap3A_1395, %swap3A_1396, %swap3A_1397] {strides = array<i32>} : memref<10x1x64xf32, #tpu.memory_space<vmem>>, vector<16xf32>,
    tpu.vector_store %arg7[%swap3A_1395, %swap3A_1396, %swap3A_1397], %gather3A_1392 {strides = array<i32>} : memref<10x1x64xf32, #tpu.memory_space<vmem>>, vector<16xf32>,
    %add3A_1399 = arith.constant 511 : i32
    %add3A_1400 = arith.addi %mul3A_2, %add3A_1399 : i32
    %dma_start3A_1401 = arith.constant 1 : i32
    %dma_start3A_1402 = arith.constant 0 : i32
    %dma_start3A_1403 = arith.constant 0 : i32
    %dma_start3A_1404 = tpu.memref_slice %arg7[%dma_start3A_1401, %dma_start3A_1402, %dma_start3A_1403] : memref<10x1x64xf32, #tpu.memory_space<vmem>> -> memref<1x1x64xf32, #tpu.memory_space<vmem>>
    %dma_start3A_1405 = tpu.memref_squeeze %dma_start3A_1404 : memref<1x1x64xf32, #tpu.memory_space<vmem>> -> memref<1x64xf32, #tpu.memory_space<vmem>>
    %dma_start3A_1406 = arith.constant 0 : i32
    %dma_start3A_1407 = arith.constant 0 : i32
    %dma_start3A_1408 = tpu.memref_slice %arg4[%add3A_1400, %dma_start3A_1406, %dma_start3A_1407] : memref<16384x1x64xf32, #tpu.memory_space<hbm>> -> memref<1x1x64xf32, #tpu.memory_space<hbm>>
    %dma_start3A_1409 = tpu.memref_squeeze %dma_start3A_1408 : memref<1x1x64xf32, #tpu.memory_space<hbm>> -> memref<1x64xf32, #tpu.memory_space<hbm>>
    %dma_start3A_1410 = arith.constant 0 : i32
    %dma_start3A_1411 = arith.constant 0 : i32
    %dma_start3A_1412 = tpu.memref_slice %arg4[%add3A_1400, %dma_start3A_1410, %dma_start3A_1411] : memref<16384x1x64xf32, #tpu.memory_space<hbm>> -> memref<1x1x64xf32, #tpu.memory_space<hbm>>
    %dma_start3A_1413 = tpu.memref_squeeze %dma_start3A_1412 : memref<1x1x64xf32, #tpu.memory_space<hbm>> -> memref<1x64xf32, #tpu.memory_space<hbm>>
    %dma_start3A_1414 = arith.constant 0 : i32
    %dma_start3A_1415 = arith.constant 0 : i32
    %dma_start3A_1416 = tpu.memref_slice %arg7[%dma_start3A_1401, %dma_start3A_1414, %dma_start3A_1415] : memref<10x1x64xf32, #tpu.memory_space<vmem>> -> memref<1x1x64xf32, #tpu.memory_space<vmem>>
    %dma_start3A_1417 = tpu.memref_squeeze %dma_start3A_1416 : memref<1x1x64xf32, #tpu.memory_space<vmem>> -> memref<1x64xf32, #tpu.memory_space<vmem>>
    tpu.enqueue_dma source(%dma_start3A_1417 : memref<1x64xf32, #tpu.memory_space<vmem>>) target(%dma_start3A_1413 : memref<1x64xf32, #tpu.memory_space<hbm>>) target_semaphore(%arg19 : memref<!tpu.dma_semaphore, #tpu.memory_space<semaphore_mem>>)
    %dma_wait3A_1418 = arith.constant 0 : i32
    %dma_wait3A_1419 = arith.constant 0 : i32
    %dma_wait3A_1420 = arith.constant 0 : i32
    %dma_wait3A_1421 = tpu.memref_slice %arg7[%dma_wait3A_1418, %dma_wait3A_1419, %dma_wait3A_1420] : memref<10x1x64xf32, #tpu.memory_space<vmem>> -> memref<1x1x64xf32, #tpu.memory_space<vmem>>
    %dma_wait3A_1422 = tpu.memref_squeeze %dma_wait3A_1421 : memref<1x1x64xf32, #tpu.memory_space<vmem>> -> memref<1x64xf32, #tpu.memory_space<vmem>>
    %dma_wait3A_1423 = arith.constant 0 : i32
    %dma_wait3A_1424 = arith.constant 0 : i32
    %dma_wait3A_1425 = tpu.memref_slice %arg4[%mul3A_2, %dma_wait3A_1423, %dma_wait3A_1424] : memref<16384x1x64xf32, #tpu.memory_space<hbm>> -> memref<1x1x64xf32, #tpu.memory_space<hbm>>
    %dma_wait3A_1426 = tpu.memref_squeeze %dma_wait3A_1425 : memref<1x1x64xf32, #tpu.memory_space<hbm>> -> memref<1x64xf32, #tpu.memory_space<hbm>>
    %dma_wait3A_1427 = arith.constant 0 : i32
    %dma_wait3A_1428 = arith.constant 0 : i32
    %dma_wait3A_1429 = tpu.memref_slice %arg4[%mul3A_2, %dma_wait3A_1427, %dma_wait3A_1428] : memref<16384x1x64xf32, #tpu.memory_space<hbm>> -> memref<1x1x64xf32, #tpu.memory_space<hbm>>
    %dma_wait3A_1430 = tpu.memref_squeeze %dma_wait3A_1429 : memref<1x1x64xf32, #tpu.memory_space<hbm>> -> memref<1x64xf32, #tpu.memory_space<hbm>>
    %dma_wait3A_1431 = arith.constant 0 : i32
    %dma_wait3A_1432 = arith.constant 0 : i32
    %dma_wait3A_1433 = tpu.memref_slice %arg7[%dma_wait3A_1418, %dma_wait3A_1431, %dma_wait3A_1432] : memref<10x1x64xf32, #tpu.memory_space<vmem>> -> memref<1x1x64xf32, #tpu.memory_space<vmem>>
    %dma_wait3A_1434 = tpu.memref_squeeze %dma_wait3A_1433 : memref<1x1x64xf32, #tpu.memory_space<vmem>> -> memref<1x64xf32, #tpu.memory_space<vmem>>
    tpu.wait_dma2 semaphore(%arg18 : memref<!tpu.dma_semaphore, #tpu.memory_space<semaphore_mem>>) src(%dma_wait3A_1434 : memref<1x64xf32, #tpu.memory_space<vmem>>) dst(%dma_wait3A_1430 : memref<1x64xf32, #tpu.memory_space<hbm>>)
    %dma_wait3A_1435 = arith.constant 1 : i32
    %dma_wait3A_1436 = arith.constant 0 : i32
    %dma_wait3A_1437 = arith.constant 0 : i32
    %dma_wait3A_1438 = tpu.memref_slice %arg7[%dma_wait3A_1435, %dma_wait3A_1436, %dma_wait3A_1437] : memref<10x1x64xf32, #tpu.memory_space<vmem>> -> memref<1x1x64xf32, #tpu.memory_space<vmem>>
    %dma_wait3A_1439 = tpu.memref_squeeze %dma_wait3A_1438 : memref<1x1x64xf32, #tpu.memory_space<vmem>> -> memref<1x64xf32, #tpu.memory_space<vmem>>
    %dma_wait3A_1440 = arith.constant 0 : i32
    %dma_wait3A_1441 = arith.constant 0 : i32
    %dma_wait3A_1442 = tpu.memref_slice %arg4[%mul3A_2, %dma_wait3A_1440, %dma_wait3A_1441] : memref<16384x1x64xf32, #tpu.memory_space<hbm>> -> memref<1x1x64xf32, #tpu.memory_space<hbm>>
    %dma_wait3A_1443 = tpu.memref_squeeze %dma_wait3A_1442 : memref<1x1x64xf32, #tpu.memory_space<hbm>> -> memref<1x64xf32, #tpu.memory_space<hbm>>
    %dma_wait3A_1444 = arith.constant 0 : i32
    %dma_wait3A_1445 = arith.constant 0 : i32
    %dma_wait3A_1446 = tpu.memref_slice %arg4[%mul3A_2, %dma_wait3A_1444, %dma_wait3A_1445] : memref<16384x1x64xf32, #tpu.memory_space<hbm>> -> memref<1x1x64xf32, #tpu.memory_space<hbm>>
    %dma_wait3A_1447 = tpu.memref_squeeze %dma_wait3A_1446 : memref<1x1x64xf32, #tpu.memory_space<hbm>> -> memref<1x64xf32, #tpu.memory_space<hbm>>
    %dma_wait3A_1448 = arith.constant 0 : i32
    %dma_wait3A_1449 = arith.constant 0 : i32
    %dma_wait3A_1450 = tpu.memref_slice %arg7[%dma_wait3A_1435, %dma_wait3A_1448, %dma_wait3A_1449] : memref<10x1x64xf32, #tpu.memory_space<vmem>> -> memref<1x1x64xf32, #tpu.memory_space<vmem>>
    %dma_wait3A_1451 = tpu.memref_squeeze %dma_wait3A_1450 : memref<1x1x64xf32, #tpu.memory_space<vmem>> -> memref<1x64xf32, #tpu.memory_space<vmem>>
    tpu.wait_dma2 semaphore(%arg19 : memref<!tpu.dma_semaphore, #tpu.memory_space<semaphore_mem>>) src(%dma_wait3A_1451 : memref<1x64xf32, #tpu.memory_space<vmem>>) dst(%dma_wait3A_1447 : memref<1x64xf32, #tpu.memory_space<hbm>>)
    %dma_wait3A_1452 = arith.constant 2 : i32
    %dma_wait3A_1453 = arith.constant 0 : i32
    %dma_wait3A_1454 = arith.constant 0 : i32
    %dma_wait3A_1455 = tpu.memref_slice %arg7[%dma_wait3A_1452, %dma_wait3A_1453, %dma_wait3A_1454] : memref<10x1x64xf32, #tpu.memory_space<vmem>> -> memref<1x1x64xf32, #tpu.memory_space<vmem>>
    %dma_wait3A_1456 = tpu.memref_squeeze %dma_wait3A_1455 : memref<1x1x64xf32, #tpu.memory_space<vmem>> -> memref<1x64xf32, #tpu.memory_space<vmem>>
    %dma_wait3A_1457 = arith.constant 0 : i32
    %dma_wait3A_1458 = arith.constant 0 : i32
    %dma_wait3A_1459 = tpu.memref_slice %arg4[%mul3A_2, %dma_wait3A_1457, %dma_wait3A_1458] : memref<16384x1x64xf32, #tpu.memory_space<hbm>> -> memref<1x1x64xf32, #tpu.memory_space<hbm>>
    %dma_wait3A_1460 = tpu.memref_squeeze %dma_wait3A_1459 : memref<1x1x64xf32, #tpu.memory_space<hbm>> -> memref<1x64xf32, #tpu.memory_space<hbm>>
    %dma_wait3A_1461 = arith.constant 0 : i32
    %dma_wait3A_1462 = arith.constant 0 : i32
    %dma_wait3A_1463 = tpu.memref_slice %arg4[%mul3A_2, %dma_wait3A_1461, %dma_wait3A_1462] : memref<16384x1x64xf32, #tpu.memory_space<hbm>> -> memref<1x1x64xf32, #tpu.memory_space<hbm>>
    %dma_wait3A_1464 = tpu.memref_squeeze %dma_wait3A_1463 : memref<1x1x64xf32, #tpu.memory_space<hbm>> -> memref<1x64xf32, #tpu.memory_space<hbm>>
    %dma_wait3A_1465 = arith.constant 0 : i32
    %dma_wait3A_1466 = arith.constant 0 : i32
    %dma_wait3A_1467 = tpu.memref_slice %arg7[%dma_wait3A_1452, %dma_wait3A_1465, %dma_wait3A_1466] : memref<10x1x64xf32, #tpu.memory_space<vmem>> -> memref<1x1x64xf32, #tpu.memory_space<vmem>>
    %dma_wait3A_1468 = tpu.memref_squeeze %dma_wait3A_1467 : memref<1x1x64xf32, #tpu.memory_space<vmem>> -> memref<1x64xf32, #tpu.memory_space<vmem>>
    tpu.wait_dma2 semaphore(%arg20 : memref<!tpu.dma_semaphore, #tpu.memory_space<semaphore_mem>>) src(%dma_wait3A_1468 : memref<1x64xf32, #tpu.memory_space<vmem>>) dst(%dma_wait3A_1464 : memref<1x64xf32, #tpu.memory_space<hbm>>)
    %dma_wait3A_1469 = arith.constant 3 : i32
    %dma_wait3A_1470 = arith.constant 0 : i32
    %dma_wait3A_1471 = arith.constant 0 : i32
    %dma_wait3A_1472 = tpu.memref_slice %arg7[%dma_wait3A_1469, %dma_wait3A_1470, %dma_wait3A_1471] : memref<10x1x64xf32, #tpu.memory_space<vmem>> -> memref<1x1x64xf32, #tpu.memory_space<vmem>>
    %dma_wait3A_1473 = tpu.memref_squeeze %dma_wait3A_1472 : memref<1x1x64xf32, #tpu.memory_space<vmem>> -> memref<1x64xf32, #tpu.memory_space<vmem>>
    %dma_wait3A_1474 = arith.constant 0 : i32
    %dma_wait3A_1475 = arith.constant 0 : i32
    %dma_wait3A_1476 = tpu.memref_slice %arg4[%mul3A_2, %dma_wait3A_1474, %dma_wait3A_1475] : memref<16384x1x64xf32, #tpu.memory_space<hbm>> -> memref<1x1x64xf32, #tpu.memory_space<hbm>>
    %dma_wait3A_1477 = tpu.memref_squeeze %dma_wait3A_1476 : memref<1x1x64xf32, #tpu.memory_space<hbm>> -> memref<1x64xf32, #tpu.memory_space<hbm>>
    %dma_wait3A_1478 = arith.constant 0 : i32
    %dma_wait3A_1479 = arith.constant 0 : i32
    %dma_wait3A_1480 = tpu.memref_slice %arg4[%mul3A_2, %dma_wait3A_1478, %dma_wait3A_1479] : memref<16384x1x64xf32, #tpu.memory_space<hbm>> -> memref<1x1x64xf32, #tpu.memory_space<hbm>>
    %dma_wait3A_1481 = tpu.memref_squeeze %dma_wait3A_1480 : memref<1x1x64xf32, #tpu.memory_space<hbm>> -> memref<1x64xf32, #tpu.memory_space<hbm>>
    %dma_wait3A_1482 = arith.constant 0 : i32
    %dma_wait3A_1483 = arith.constant 0 : i32
    %dma_wait3A_1484 = tpu.memref_slice %arg7[%dma_wait3A_1469, %dma_wait3A_1482, %dma_wait3A_1483] : memref<10x1x64xf32, #tpu.memory_space<vmem>> -> memref<1x1x64xf32, #tpu.memory_space<vmem>>
    %dma_wait3A_1485 = tpu.memref_squeeze %dma_wait3A_1484 : memref<1x1x64xf32, #tpu.memory_space<vmem>> -> memref<1x64xf32, #tpu.memory_space<vmem>>
    tpu.wait_dma2 semaphore(%arg21 : memref<!tpu.dma_semaphore, #tpu.memory_space<semaphore_mem>>) src(%dma_wait3A_1485 : memref<1x64xf32, #tpu.memory_space<vmem>>) dst(%dma_wait3A_1481 : memref<1x64xf32, #tpu.memory_space<hbm>>)
    %dma_wait3A_1486 = arith.constant 4 : i32
    %dma_wait3A_1487 = arith.constant 0 : i32
    %dma_wait3A_1488 = arith.constant 0 : i32
    %dma_wait3A_1489 = tpu.memref_slice %arg7[%dma_wait3A_1486, %dma_wait3A_1487, %dma_wait3A_1488] : memref<10x1x64xf32, #tpu.memory_space<vmem>> -> memref<1x1x64xf32, #tpu.memory_space<vmem>>
    %dma_wait3A_1490 = tpu.memref_squeeze %dma_wait3A_1489 : memref<1x1x64xf32, #tpu.memory_space<vmem>> -> memref<1x64xf32, #tpu.memory_space<vmem>>
    %dma_wait3A_1491 = arith.constant 0 : i32
    %dma_wait3A_1492 = arith.constant 0 : i32
    %dma_wait3A_1493 = tpu.memref_slice %arg4[%mul3A_2, %dma_wait3A_1491, %dma_wait3A_1492] : memref<16384x1x64xf32, #tpu.memory_space<hbm>> -> memref<1x1x64xf32, #tpu.memory_space<hbm>>
    %dma_wait3A_1494 = tpu.memref_squeeze %dma_wait3A_1493 : memref<1x1x64xf32, #tpu.memory_space<hbm>> -> memref<1x64xf32, #tpu.memory_space<hbm>>
    %dma_wait3A_1495 = arith.constant 0 : i32
    %dma_wait3A_1496 = arith.constant 0 : i32
    %dma_wait3A_1497 = tpu.memref_slice %arg4[%mul3A_2, %dma_wait3A_1495, %dma_wait3A_1496] : memref<16384x1x64xf32, #tpu.memory_space<hbm>> -> memref<1x1x64xf32, #tpu.memory_space<hbm>>
    %dma_wait3A_1498 = tpu.memref_squeeze %dma_wait3A_1497 : memref<1x1x64xf32, #tpu.memory_space<hbm>> -> memref<1x64xf32, #tpu.memory_space<hbm>>
    %dma_wait3A_1499 = arith.constant 0 : i32
    %dma_wait3A_1500 = arith.constant 0 : i32
    %dma_wait3A_1501 = tpu.memref_slice %arg7[%dma_wait3A_1486, %dma_wait3A_1499, %dma_wait3A_1500] : memref<10x1x64xf32, #tpu.memory_space<vmem>> -> memref<1x1x64xf32, #tpu.memory_space<vmem>>
    %dma_wait3A_1502 = tpu.memref_squeeze %dma_wait3A_1501 : memref<1x1x64xf32, #tpu.memory_space<vmem>> -> memref<1x64xf32, #tpu.memory_space<vmem>>
    tpu.wait_dma2 semaphore(%arg22 : memref<!tpu.dma_semaphore, #tpu.memory_space<semaphore_mem>>) src(%dma_wait3A_1502 : memref<1x64xf32, #tpu.memory_space<vmem>>) dst(%dma_wait3A_1498 : memref<1x64xf32, #tpu.memory_space<hbm>>)
    %dma_wait3A_1503 = arith.constant 5 : i32
    %dma_wait3A_1504 = arith.constant 0 : i32
    %dma_wait3A_1505 = arith.constant 0 : i32
    %dma_wait3A_1506 = tpu.memref_slice %arg7[%dma_wait3A_1503, %dma_wait3A_1504, %dma_wait3A_1505] : memref<10x1x64xf32, #tpu.memory_space<vmem>> -> memref<1x1x64xf32, #tpu.memory_space<vmem>>
    %dma_wait3A_1507 = tpu.memref_squeeze %dma_wait3A_1506 : memref<1x1x64xf32, #tpu.memory_space<vmem>> -> memref<1x64xf32, #tpu.memory_space<vmem>>
    %dma_wait3A_1508 = arith.constant 0 : i32
    %dma_wait3A_1509 = arith.constant 0 : i32
    %dma_wait3A_1510 = tpu.memref_slice %arg4[%mul3A_2, %dma_wait3A_1508, %dma_wait3A_1509] : memref<16384x1x64xf32, #tpu.memory_space<hbm>> -> memref<1x1x64xf32, #tpu.memory_space<hbm>>
    %dma_wait3A_1511 = tpu.memref_squeeze %dma_wait3A_1510 : memref<1x1x64xf32, #tpu.memory_space<hbm>> -> memref<1x64xf32, #tpu.memory_space<hbm>>
    %dma_wait3A_1512 = arith.constant 0 : i32
    %dma_wait3A_1513 = arith.constant 0 : i32
    %dma_wait3A_1514 = tpu.memref_slice %arg4[%mul3A_2, %dma_wait3A_1512, %dma_wait3A_1513] : memref<16384x1x64xf32, #tpu.memory_space<hbm>> -> memref<1x1x64xf32, #tpu.memory_space<hbm>>
    %dma_wait3A_1515 = tpu.memref_squeeze %dma_wait3A_1514 : memref<1x1x64xf32, #tpu.memory_space<hbm>> -> memref<1x64xf32, #tpu.memory_space<hbm>>
    %dma_wait3A_1516 = arith.constant 0 : i32
    %dma_wait3A_1517 = arith.constant 0 : i32
    %dma_wait3A_1518 = tpu.memref_slice %arg7[%dma_wait3A_1503, %dma_wait3A_1516, %dma_wait3A_1517] : memref<10x1x64xf32, #tpu.memory_space<vmem>> -> memref<1x1x64xf32, #tpu.memory_space<vmem>>
    %dma_wait3A_1519 = tpu.memref_squeeze %dma_wait3A_1518 : memref<1x1x64xf32, #tpu.memory_space<vmem>> -> memref<1x64xf32, #tpu.memory_space<vmem>>
    tpu.wait_dma2 semaphore(%arg23 : memref<!tpu.dma_semaphore, #tpu.memory_space<semaphore_mem>>) src(%dma_wait3A_1519 : memref<1x64xf32, #tpu.memory_space<vmem>>) dst(%dma_wait3A_1515 : memref<1x64xf32, #tpu.memory_space<hbm>>)
    %dma_wait3A_1520 = arith.constant 6 : i32
    %dma_wait3A_1521 = arith.constant 0 : i32
    %dma_wait3A_1522 = arith.constant 0 : i32
    %dma_wait3A_1523 = tpu.memref_slice %arg7[%dma_wait3A_1520, %dma_wait3A_1521, %dma_wait3A_1522] : memref<10x1x64xf32, #tpu.memory_space<vmem>> -> memref<1x1x64xf32, #tpu.memory_space<vmem>>
    %dma_wait3A_1524 = tpu.memref_squeeze %dma_wait3A_1523 : memref<1x1x64xf32, #tpu.memory_space<vmem>> -> memref<1x64xf32, #tpu.memory_space<vmem>>
    %dma_wait3A_1525 = arith.constant 0 : i32
    %dma_wait3A_1526 = arith.constant 0 : i32
    %dma_wait3A_1527 = tpu.memref_slice %arg4[%mul3A_2, %dma_wait3A_1525, %dma_wait3A_1526] : memref<16384x1x64xf32, #tpu.memory_space<hbm>> -> memref<1x1x64xf32, #tpu.memory_space<hbm>>
    %dma_wait3A_1528 = tpu.memref_squeeze %dma_wait3A_1527 : memref<1x1x64xf32, #tpu.memory_space<hbm>> -> memref<1x64xf32, #tpu.memory_space<hbm>>
    %dma_wait3A_1529 = arith.constant 0 : i32
    %dma_wait3A_1530 = arith.constant 0 : i32
    %dma_wait3A_1531 = tpu.memref_slice %arg4[%mul3A_2, %dma_wait3A_1529, %dma_wait3A_1530] : memref<16384x1x64xf32, #tpu.memory_space<hbm>> -> memref<1x1x64xf32, #tpu.memory_space<hbm>>
    %dma_wait3A_1532 = tpu.memref_squeeze %dma_wait3A_1531 : memref<1x1x64xf32, #tpu.memory_space<hbm>> -> memref<1x64xf32, #tpu.memory_space<hbm>>
    %dma_wait3A_1533 = arith.constant 0 : i32
    %dma_wait3A_1534 = arith.constant 0 : i32
    %dma_wait3A_1535 = tpu.memref_slice %arg7[%dma_wait3A_1520, %dma_wait3A_1533, %dma_wait3A_1534] : memref<10x1x64xf32, #tpu.memory_space<vmem>> -> memref<1x1x64xf32, #tpu.memory_space<vmem>>
    %dma_wait3A_1536 = tpu.memref_squeeze %dma_wait3A_1535 : memref<1x1x64xf32, #tpu.memory_space<vmem>> -> memref<1x64xf32, #tpu.memory_space<vmem>>
    tpu.wait_dma2 semaphore(%arg24 : memref<!tpu.dma_semaphore, #tpu.memory_space<semaphore_mem>>) src(%dma_wait3A_1536 : memref<1x64xf32, #tpu.memory_space<vmem>>) dst(%dma_wait3A_1532 : memref<1x64xf32, #tpu.memory_space<hbm>>)
    %dma_wait3A_1537 = arith.constant 7 : i32
    %dma_wait3A_1538 = arith.constant 0 : i32
    %dma_wait3A_1539 = arith.constant 0 : i32
    %dma_wait3A_1540 = tpu.memref_slice %arg7[%dma_wait3A_1537, %dma_wait3A_1538, %dma_wait3A_1539] : memref<10x1x64xf32, #tpu.memory_space<vmem>> -> memref<1x1x64xf32, #tpu.memory_space<vmem>>
    %dma_wait3A_1541 = tpu.memref_squeeze %dma_wait3A_1540 : memref<1x1x64xf32, #tpu.memory_space<vmem>> -> memref<1x64xf32, #tpu.memory_space<vmem>>
    %dma_wait3A_1542 = arith.constant 0 : i32
    %dma_wait3A_1543 = arith.constant 0 : i32
    %dma_wait3A_1544 = tpu.memref_slice %arg4[%mul3A_2, %dma_wait3A_1542, %dma_wait3A_1543] : memref<16384x1x64xf32, #tpu.memory_space<hbm>> -> memref<1x1x64xf32, #tpu.memory_space<hbm>>
    %dma_wait3A_1545 = tpu.memref_squeeze %dma_wait3A_1544 : memref<1x1x64xf32, #tpu.memory_space<hbm>> -> memref<1x64xf32, #tpu.memory_space<hbm>>
    %dma_wait3A_1546 = arith.constant 0 : i32
    %dma_wait3A_1547 = arith.constant 0 : i32
    %dma_wait3A_1548 = tpu.memref_slice %arg4[%mul3A_2, %dma_wait3A_1546, %dma_wait3A_1547] : memref<16384x1x64xf32, #tpu.memory_space<hbm>> -> memref<1x1x64xf32, #tpu.memory_space<hbm>>
    %dma_wait3A_1549 = tpu.memref_squeeze %dma_wait3A_1548 : memref<1x1x64xf32, #tpu.memory_space<hbm>> -> memref<1x64xf32, #tpu.memory_space<hbm>>
    %dma_wait3A_1550 = arith.constant 0 : i32
    %dma_wait3A_1551 = arith.constant 0 : i32
    %dma_wait3A_1552 = tpu.memref_slice %arg7[%dma_wait3A_1537, %dma_wait3A_1550, %dma_wait3A_1551] : memref<10x1x64xf32, #tpu.memory_space<vmem>> -> memref<1x1x64xf32, #tpu.memory_space<vmem>>
    %dma_wait3A_1553 = tpu.memref_squeeze %dma_wait3A_1552 : memref<1x1x64xf32, #tpu.memory_space<vmem>> -> memref<1x64xf32, #tpu.memory_space<vmem>>
    tpu.wait_dma2 semaphore(%arg25 : memref<!tpu.dma_semaphore, #tpu.memory_space<semaphore_mem>>) src(%dma_wait3A_1553 : memref<1x64xf32, #tpu.memory_space<vmem>>) dst(%dma_wait3A_1549 : memref<1x64xf32, #tpu.memory_space<hbm>>)
    %dma_wait3A_1554 = arith.constant 8 : i32
    %dma_wait3A_1555 = arith.constant 0 : i32
    %dma_wait3A_1556 = arith.constant 0 : i32
    %dma_wait3A_1557 = tpu.memref_slice %arg7[%dma_wait3A_1554, %dma_wait3A_1555, %dma_wait3A_1556] : memref<10x1x64xf32, #tpu.memory_space<vmem>> -> memref<1x1x64xf32, #tpu.memory_space<vmem>>
    %dma_wait3A_1558 = tpu.memref_squeeze %dma_wait3A_1557 : memref<1x1x64xf32, #tpu.memory_space<vmem>> -> memref<1x64xf32, #tpu.memory_space<vmem>>
    %dma_wait3A_1559 = arith.constant 0 : i32
    %dma_wait3A_1560 = arith.constant 0 : i32
    %dma_wait3A_1561 = tpu.memref_slice %arg4[%mul3A_2, %dma_wait3A_1559, %dma_wait3A_1560] : memref<16384x1x64xf32, #tpu.memory_space<hbm>> -> memref<1x1x64xf32, #tpu.memory_space<hbm>>
    %dma_wait3A_1562 = tpu.memref_squeeze %dma_wait3A_1561 : memref<1x1x64xf32, #tpu.memory_space<hbm>> -> memref<1x64xf32, #tpu.memory_space<hbm>>
    %dma_wait3A_1563 = arith.constant 0 : i32
    %dma_wait3A_1564 = arith.constant 0 : i32
    %dma_wait3A_1565 = tpu.memref_slice %arg4[%mul3A_2, %dma_wait3A_1563, %dma_wait3A_1564] : memref<16384x1x64xf32, #tpu.memory_space<hbm>> -> memref<1x1x64xf32, #tpu.memory_space<hbm>>
    %dma_wait3A_1566 = tpu.memref_squeeze %dma_wait3A_1565 : memref<1x1x64xf32, #tpu.memory_space<hbm>> -> memref<1x64xf32, #tpu.memory_space<hbm>>
    %dma_wait3A_1567 = arith.constant 0 : i32
    %dma_wait3A_1568 = arith.constant 0 : i32
    %dma_wait3A_1569 = tpu.memref_slice %arg7[%dma_wait3A_1554, %dma_wait3A_1567, %dma_wait3A_1568] : memref<10x1x64xf32, #tpu.memory_space<vmem>> -> memref<1x1x64xf32, #tpu.memory_space<vmem>>
    %dma_wait3A_1570 = tpu.memref_squeeze %dma_wait3A_1569 : memref<1x1x64xf32, #tpu.memory_space<vmem>> -> memref<1x64xf32, #tpu.memory_space<vmem>>
    tpu.wait_dma2 semaphore(%arg26 : memref<!tpu.dma_semaphore, #tpu.memory_space<semaphore_mem>>) src(%dma_wait3A_1570 : memref<1x64xf32, #tpu.memory_space<vmem>>) dst(%dma_wait3A_1566 : memref<1x64xf32, #tpu.memory_space<hbm>>)
    %dma_wait3A_1571 = arith.constant 9 : i32
    %dma_wait3A_1572 = arith.constant 0 : i32
    %dma_wait3A_1573 = arith.constant 0 : i32
    %dma_wait3A_1574 = tpu.memref_slice %arg7[%dma_wait3A_1571, %dma_wait3A_1572, %dma_wait3A_1573] : memref<10x1x64xf32, #tpu.memory_space<vmem>> -> memref<1x1x64xf32, #tpu.memory_space<vmem>>
    %dma_wait3A_1575 = tpu.memref_squeeze %dma_wait3A_1574 : memref<1x1x64xf32, #tpu.memory_space<vmem>> -> memref<1x64xf32, #tpu.memory_space<vmem>>
    %dma_wait3A_1576 = arith.constant 0 : i32
    %dma_wait3A_1577 = arith.constant 0 : i32
    %dma_wait3A_1578 = tpu.memref_slice %arg4[%mul3A_2, %dma_wait3A_1576, %dma_wait3A_1577] : memref<16384x1x64xf32, #tpu.memory_space<hbm>> -> memref<1x1x64xf32, #tpu.memory_space<hbm>>
    %dma_wait3A_1579 = tpu.memref_squeeze %dma_wait3A_1578 : memref<1x1x64xf32, #tpu.memory_space<hbm>> -> memref<1x64xf32, #tpu.memory_space<hbm>>
    %dma_wait3A_1580 = arith.constant 0 : i32
    %dma_wait3A_1581 = arith.constant 0 : i32
    %dma_wait3A_1582 = tpu.memref_slice %arg4[%mul3A_2, %dma_wait3A_1580, %dma_wait3A_1581] : memref<16384x1x64xf32, #tpu.memory_space<hbm>> -> memref<1x1x64xf32, #tpu.memory_space<hbm>>
    %dma_wait3A_1583 = tpu.memref_squeeze %dma_wait3A_1582 : memref<1x1x64xf32, #tpu.memory_space<hbm>> -> memref<1x64xf32, #tpu.memory_space<hbm>>
    %dma_wait3A_1584 = arith.constant 0 : i32
    %dma_wait3A_1585 = arith.constant 0 : i32
    %dma_wait3A_1586 = tpu.memref_slice %arg7[%dma_wait3A_1571, %dma_wait3A_1584, %dma_wait3A_1585] : memref<10x1x64xf32, #tpu.memory_space<vmem>> -> memref<1x1x64xf32, #tpu.memory_space<vmem>>
    %dma_wait3A_1587 = tpu.memref_squeeze %dma_wait3A_1586 : memref<1x1x64xf32, #tpu.memory_space<vmem>> -> memref<1x64xf32, #tpu.memory_space<vmem>>
    tpu.wait_dma2 semaphore(%arg27 : memref<!tpu.dma_semaphore, #tpu.memory_space<semaphore_mem>>) src(%dma_wait3A_1587 : memref<1x64xf32, #tpu.memory_space<vmem>>) dst(%dma_wait3A_1583 : memref<1x64xf32, #tpu.memory_space<hbm>>)
    return
  }
}

</mosaic_0001>

<sc_bundles>
// kernel: kernel.3.cloned.1.call-start
scs
__scs_entry_jumppad:
0x0: {  	(pc) =	sbr.rel $0x88, $3  }
0x1: {  	(tag) =	ssettag $0x0;
	lr =	simm.s32 $0x1  }
0x2: {  	[smem:$0x3F9F] =	sst lr;
	_ =	strace $0xD0000000  }
0x3: {  	_ = 	snop  }
0x4: {  	_ = 	snop  }
0x5: {  	_ = 	snop  }
0x6: {  	_ = 	snop  }
0x7: {  	_ = 	snop  }
__scs_overlays_trampoline_lowered:
0x8: {  	[smem:$0x3FAE] =	sst s0  }
0x9: {  	[smem:$0x3FAF] =	sst s1  }
0xa: {  	[smem:$0x3FB0] =	sst s2  }
0xb: {  	[smem:$0x3FB1] =	sst s3  }
0xc: {  	[smem:$0x3FB2] =	sst s4  }
0xd: {  	[smem:$0x3FB3] =	sst s5  }
0xe: {  	[smem:$0x3FB4] =	sst s6  }
0xf: {  	[smem:$0x3FB5] =	sst s7  }
0x10: {  	[smem:$0x3FB6] =	sst s8  }
0x11: {  	[smem:$0x3FB7] =	sst s9;
	s0 =	simm.s32 @!p0 $0x0  }
0x12: {  	s1 =	sld [smem:$0x3F9D];
	s0 =	simm.s32 @p0 $0x1  }
0x13: {  	[smem:$0x3FB8] =	sst s0;
	s0 =	simm.s32 @!p1 $0x0  }
0x14: {  	s2 =	sld [smem:$0x3F9C];
	s0 =	simm.s32 @p1 $0x1  }
0x15: {  	[smem:$0x3FB9] =	sst s0;
	s0 =	simm.s32 @!p2 $0x0  }
0x16: {  	s3 =	sld [smem:$0x3FDB];
	s0 =	simm.s32 @p2 $0x1  }
0x17: {  	s4 =	simm.s32 $0x1BF5;
	[smem:$0x3FBB] =	sst s0  }
0x18: {  	s0 =	sld [smem:$0x3F9E];
	_ =	swait.ge [sflag:s4], $0x0  }
0x19: {  	s7 =	sld [smem:$0x3F9F]  }
0x1a: {  	s8 =	sadd.s32 $0xFFFFE003, lr  }
0x1b: {  	s9 =	sadd.s32 $0xFFFFFEF7, lr;
	s5 =	simm.s32 $0xFFFFFFFF;
	p2 =	slt.u32 s8, $0xFFFFF086  }
0x1c: {  	p1 =	slt.u32 s9, $0xF7A;
	s5 =	simm.s32 @!p2 $0x0  }
0x1d: {  	s5 =	simm.s32 @p1 $0x1;
	p0 =	seq.s32 s7, s2  }
0x1e: {  	s7 =	smul.u32 @!p0 $0xF7A, s2;
	p2 =	seq.s32 @!p0 s5, $0x0  }
0x1f: {  	s9 =	smul.u32 $0xF7A, s1;
	s8 =	simm.s32 @!p0 $0x1BF5;
	p2 =	por !p2, p0  }
0x20: {  	[sflag:s8] =	ssyncset.s32 @!p0 $0xFFFFF086;
	s6 =	sadd.s32 @!p0 s3, s7;
	s7 =	simm.s32 @!p0 $0x108  }
0x21: {  	s3 =	sadd.s32 s3, s9;
	s6 =	sadd.s32 @!p0 $0x88, s6;
	s7 =	simm.s32 @p2 $0x1082  }
0x22: {  	[simem:s7], [sflag:s8] =	dma.local @!p0 [hbm:s6], $0xF7A  }
0x23: {  	s9 =	sor.u32 $0xD0000000, s2;
	s6 =	simm.s32 $0x108;
	_ =	swait.ge @!p0 [sflag:s8], $0x0  }
0x24: {  	s3 =	sadd.s32 $0x88, s3;
	s6 =	simm.s32 @!p1 $0x1082;
	[sflag:s4] =	ssyncset.s32 $0xFFFFF086  }
0x25: {  	[simem:s6], [sflag:s4] =	dma.local [hbm:s3], $0xF7A  }
0x26: {  	[smem:$0x3F9F] =	sst s1;
	(tag) =	ssettag s2;
	_ =	strace s9  }
0x27: {  	s1 =	sld [smem:$0x3FAF]  }
0x28: {  	s2 =	sld [smem:$0x3FB0]  }
0x29: {  	s4 =	sld [smem:$0x3FB2]  }
0x2a: {  	p0 =	seq.s32 s5, $0x0;
	s5 =	sld [smem:$0x3FB3]  }
0x2b: {  	s6 =	sld [smem:$0x3FB4]  }
0x2c: {  	s7 =	sld [smem:$0x3FB5]  }
0x2d: {  	s3 =	simm.s32 $0x108;
	s8 =	sld [smem:$0x3FB6]  }
0x2e: {  	s3 =	simm.s32 @!p0 $0x1082;
	s9 =	sld [smem:$0x3FB7]  }
0x2f: {  	lr =	sadd.s32 s0, s3;
	s0 =	sld [smem:$0x3FAE]  }
0x30: {  	s3 =	sld [smem:$0x3FB1]  }
0x31: {  	[smem:$0x3FBA] =	sst s10  }
0x32: {  	s10 =	sld [smem:$0x3FB8];
	_ =	sdelay $0x3  }
0x33: {  	p0 =	seq.s32 s10, $0x1;
	s10 =	sld [smem:$0x3FBA];
	_ =	sdelay $0x3  }
0x34: {  	[smem:$0x3FBA] =	sst s10  }
0x35: {  	s10 =	sld [smem:$0x3FB9];
	_ =	sdelay $0x3  }
0x36: {  	p1 =	seq.s32 s10, $0x1;
	s10 =	sld [smem:$0x3FBA];
	_ =	sdelay $0x3  }
0x37: {  	[smem:$0x3FBA] =	sst s10  }
0x38: {  	s10 =	sld [smem:$0x3FBB]  }
0x39: {  	_ = 	snop;
	(pc) =	sbr.ind lr, $3  }
0x3a: {  	_ = 	snop  }
0x3b: {  	_ = 	snop  }
0x3c: {  	p2 =	seq.s32 s10, $0x1;
	s10 =	sld [smem:$0x3FBA]  }
0x3d: {  	_ =	shalt  }
0x3e: {  	_ =	shalt  }
0x3f: {  	_ =	shalt  }
0x40: {  	_ =	shalt  }
0x41: {  	_ =	shalt  }
0x42: {  	_ =	shalt  }
0x43: {  	_ =	shalt  }
0x44: {  	_ =	shalt  }
0x45: {  	_ =	shalt  }
0x46: {  	_ =	shalt  }
0x47: {  	_ =	shalt  }
0x48: {  	_ =	shalt  }
0x49: {  	_ =	shalt  }
0x4a: {  	_ =	shalt  }
0x4b: {  	_ =	shalt  }
0x4c: {  	_ =	shalt  }
0x4d: {  	_ =	shalt  }
0x4e: {  	_ =	shalt  }
0x4f: {  	_ =	shalt  }
0x50: {  	_ =	shalt  }
0x51: {  	_ =	shalt  }
0x52: {  	_ =	shalt  }
0x53: {  	_ =	shalt  }
0x54: {  	_ =	shalt  }
0x55: {  	_ =	shalt  }
0x56: {  	_ =	shalt  }
0x57: {  	_ =	shalt  }
0x58: {  	_ =	shalt  }
0x59: {  	_ =	shalt  }
0x5a: {  	_ =	shalt  }
0x5b: {  	_ =	shalt  }
0x5c: {  	_ =	shalt  }
0x5d: {  	_ =	shalt  }
0x5e: {  	_ =	shalt  }
0x5f: {  	_ =	shalt  }
0x60: {  	_ =	shalt  }
0x61: {  	_ =	shalt  }
0x62: {  	_ =	shalt  }
0x63: {  	_ =	shalt  }
0x64: {  	_ =	shalt  }
0x65: {  	_ =	shalt  }
0x66: {  	_ =	shalt  }
0x67: {  	_ =	shalt  }
0x68: {  	_ =	shalt  }
0x69: {  	_ =	shalt  }
0x6a: {  	_ =	shalt  }
0x6b: {  	_ =	shalt  }
0x6c: {  	_ =	shalt  }
0x6d: {  	_ =	shalt  }
0x6e: {  	_ =	shalt  }
0x6f: {  	_ =	shalt  }
0x70: {  	_ =	shalt  }
0x71: {  	_ =	shalt  }
0x72: {  	_ =	shalt  }
0x73: {  	_ =	shalt  }
0x74: {  	_ =	shalt  }
0x75: {  	_ =	shalt  }
0x76: {  	_ =	shalt  }
0x77: {  	_ =	shalt  }
0x78: {  	_ =	shalt  }
0x79: {  	_ =	shalt  }
0x7a: {  	_ =	shalt  }
0x7b: {  	_ =	shalt  }
0x7c: {  	_ =	shalt  }
0x7d: {  	_ =	shalt  }
0x7e: {  	_ =	shalt  }
0x7f: {  	_ =	shalt  }
0x80: {  	_ =	shalt  }
0x81: {  	_ =	shalt  }
0x82: {  	_ =	shalt  }
0x83: {  	_ =	shalt  }
0x84: {  	_ =	shalt  }
0x85: {  	_ =	shalt  }
0x86: {  	_ =	shalt  }
0x87: {  	_ =	shalt  }
.Lfunc_end0:
.L_simem_size_0:
called_computation_lowered:
.L_overlay_start_0:
0x88: {  	s2 =	sld [smem:$0x3FD9]  }
0x89: {  	s3 =	sld [smem:$0x3FFE];
	_ =	sdelay $0x1  }
0x8a: {  	s1 =	srdreg.scid  }
0x8b: {  	s0 =	sand.u32 $0x1, s1  }
0x8c: {  	s17 =	sshll.u32 s0, $0xA;
	s2 =	sadd.s32 s3, s2  }
0x8d: {  	s2 =	sadd.s32 s2, s17  }
0x8e: {  	[smem:$0x3FC6] =	sst s2  }
0x8f: {  	_ = 	snop  }
0x90: {  	s2 =	sld [smem:$0x3FC9]  }
0x91: {  	s18 =	sld [smem:$0x3FC8];
	(tm) =	ssettm $0x1  }
0x92: {  	s4 =	sld [smem:$0x3FFB];
	_ =	sdelay $0x3  }
0x93: {  	_ =	strace s4  }
0x94: {  	s4 =	sld [smem:$0x3FFC];
	_ =	sdelay $0x3  }
0x95: {  	_ =	strace s4  }
0x96: {  	s4 =	sld [smem:$0x3FFD];
	_ =	sdelay $0x3  }
0x97: {  	_ =	strace s4  }
0x98: {  	_ =	strace $0x8FFFFFFF  }
0x99: {  	s19 =	sld [smem:$0x3FDB];
	_ =	sdelay $0x1  }
0x9a: {  	s5 =	simm.s32 $_scs_section_size  }
0x9b: {  	s6 =	simm.s32 $_size__tile_overlayer_lowered;
	s7 =	simm.s32 $_tile_overlayer_lowered  }
0x9c: {  	s22 =	simm.s32 $0x1BFF;
	s21 =	sshll.u32 s7, $0x1;
	s4 =	sadd.s32 s5, s19  }
0x9d: {  	s8 =	simm.s32 $0x0;
	s20 =	sshll.u32 s6, $0x1;
	s6 =	sadd.s32 s21, s4  }
0x9e: {  	[timem:s8], [sflag:s22] =	dma.local [hbm:s6], s20  }
0x9f: {  	_ =	swait.ge [sflag:s22], s20  }
0xa0: {  	s5 =	ssub.s32 $0x0, s20;
	[sflag:s22] =	ssyncset.done $0x0  }
0xa1: {  	[sflag:s22] =	ssyncadd.s32 s5;
	_ =	sdelay $0x1  }
0xa2: {  	s23 =	simm.s32 $0x1B8B  }
0xa3: {  	_ =	swait.ge [sflag:s23], $0x1  }
0xa4: {  	[sflag:s23] =	ssyncset.done $0x0  }
0xa5: {  	s25 =	simm.s32 $0x1B8E;
	s24 =	sld [smem:$0x3FFE];
	[sflag:s23] =	ssyncadd.s32 $0xFFFFFFFF  }
0xa6: {  	s26 =	simm.s32 $execute0_lowered;
	[smem:$0x3FD2] =	sst s25  }
0xa7: {  	s6 =	sshll.u32 s26, $0x1;
	_ =	strace $0x80000046;
	[dreg:$0x1] =	wrdreg $0xFFFFFFFF  }
0xa8: {  	s28 =	simm.s32 $_size_execute0_lowered;
	s4 =	sadd.s32 s4, s6;
	[dreg:$0x0] =	wrdreg $0x0  }
0xa9: {  	s6 =	sshll.u32 s28, $0x1;
	[dreg:$0x2] =	wrdreg s4  }
0xaa: {  	[dreg:$0x3] =	wrdreg s6  }
0xab: {  	[dreg:$0x4] =	wrdreg $0xC0  }
0xac: {  	_ =	task [dreg:s8], $0x5FFFF  }
0xad: {  	[dreg:$0x1] =	wrdreg $0xFFFFFFFF  }
0xae: {  	[dreg:$0x0] =	wrdreg $0x60  }
0xaf: {  	[dreg:$0x2] =	wrdreg s18  }
0xb0: {  	[dreg:$0x3] =	wrdreg s2  }
0xb1: {  	[dreg:$0x4] =	wrdreg s24  }
0xb2: {  	[dreg:$0x5] =	wrdreg $0x9  }
0xb3: {  	_ =	task.clear_ibuf [dreg:s8], $0x6FFFF;
	_ =	strace $0x90000046  }
0xb4: {  	s29 =	simm.s32 $0x9;
	_ =	strace $0x80000048  }
0xb5: {  	_ =	swait.ge [sflag:s29], $0x1  }
0xb6: {  	[sflag:s29] =	ssyncadd.s32 $0xFFFFFFFF  }
0xb7: {  	_ =	strace $0x90000048  }
0xb8: {  	_ =	sfence  }
0xb9: {  	s30 =	sld [smem:$0x0];
	_ =	sdelay $0x2  }
0xba: {  	s31 =	sshll.u32 s1, $0xD;
	s1 =	sshrl.u32 s1, $0x2  }
0xbb: {  	s3 =	sand.u32 $0x4000, s31;
	s1 =	sadd.s32 s1, s30  }
0xbc: {  	s0 =	sor.u32 s3, s0;
	s1 =	sshll.u32 s1, $0x11  }
0xbd: {  	s0 =	sor.u32 s1, s0  }
0xbe: {  	s0 =	sadd.s32 $0x8F2B, s0  }
0xbf: {  	[sflag:s0] =	ssyncadd.remote.s32 $0x1  }
0xc0: {  	_ =	sfence.sel $0xFFFF  }
0xc1: {  	[dreg:$0x0] =	wrdreg $0xFFFFFFFF;
	(pc) =	sbr.abs _section_cstart, $3  }
0xc2: {  	[dreg:$0x1] =	wrdreg $0xFFFFFFFF  }
0xc3: {  	_ =	task.clear_ibuf [dreg:s8], $0x2FFFF;
	_ =	strace $0x9FFFFFFF  }
0xc4: {  	(tm) =	ssettm $0x7FFFFFFF  }
0xc5: {  	_ =	shalt  }
tec
execute0_lowered:
.L_overlay_start_1:
0x0: {  	(tag) =	ssettag $0x1  }
0x1: {  	s1 =	rddreg [dreg:$0x0]  }
0x2: {  	s0 =	rddreg [dreg:$0x1]  }
0x3: {  	s2 =	rddreg [dreg:$0x2]  }
0x4: {  	s4 =	srdreg.scid;
	s3 =	simm.s32 $0x0;
	s9 =	stileid.u32  }
0x5: {  	s11 =	simm.s32 $0xA280;
	s30 =	simm.s32 $0x12280;
	s31 =	simm.s32 $0x14280  }
0x6: {  	s10 =	simm.s32 $0x5;
	s4 =	sand.u32 $0x1, s4;
	[smem:$0x7FF] =	sst s3  }
0x7: {  	s5 =	sshll.u32 s9, $0xA;
	s2 =	sadd.s32 $0x400, s2;
	s6 =	sshll.u32 s4, $0x9  }
0x8: {  	s24 =	sshll.u32 s9, $0xE;
	s7 =	ssub.s32 $0x2, s4;
	s5 =	sor.u32 s6, s5  }
0x9: {  	s12 =	sshrl.u32 s7, $0x1;
	s8 =	sshll.u32 s5, $0x4;
	s5 =	sshrl.u32 s5, $0x3  }
0xa: {  	_ =	strace $0x80000047;
	s6 =	ssub.s32 s7, s12;
	s0 =	sadd.s32 s0, s5  }
0xb: {  	v0 =	vlaneseq.u32;
	s13 =	sadd.s32 s8, s2;
	s29 =	smax.u32 s6, $0x1;
	[dreg:$0x5] =	wrdreg s0  }
0xc: {  	v0 =	vmul.u32 $0x80, v0;
	s9 =	simm.s32 $0x8280;
	s14 =	sadd.s32 $0x1F40, s13;
	[dreg:$0x12] =	wrdreg s29  }
0xd: {  	s26 =	sshll.u32 s4, $0xD;
	s15 =	sadd.s32 $0x1F50, s13;
	[dreg:$0x6] =	wrdreg s14  }
0xe: {  	s4 =	simm.s32 $0x2;
	v1 =	vor.u32 $0x800, v0;
	s16 =	sadd.s32 $0x1F60, s13;
	[dreg:$0x7] =	wrdreg s15  }
0xf: {  	v2 =	vor.u32 $0x1000, v0;
	v3 =	vor.u32 $0x1800, v0;
	v4 =	vor.u32 $0x2000, v0;
	s7 =	simm.s32 $0x6280;
	s17 =	sadd.s32 $0x1F70, s13;
	[dreg:$0x8] =	wrdreg s16  }
0x10: {  	v5 =	vor.u32 $0x2800, v0;
	v6 =	vor.u32 $0x3000, v0;
	v7 =	vor.u32 $0x3800, v0;
	s12 =	simm.s32 $0x6;
	s18 =	sadd.s32 $0x1F80, s13;
	[dreg:$0x9] =	wrdreg s17  }
0x11: {  	v8 =	vor.u32 $0x4000, v0;
	v9 =	vor.u32 $0x4800, v0;
	v10 =	vor.u32 $0x5000, v0;
	s5 =	simm.s32 $0x10280;
	s19 =	sadd.s32 $0x1F90, s13;
	[dreg:$0xa] =	wrdreg s18  }
0x12: {  	v11 =	vor.u32 $0x5800, v0;
	v12 =	vor.u32 $0x6000, v0;
	v13 =	vor.u32 $0x6800, v0;
	s6 =	simm.s32 $0x3;
	s20 =	sadd.s32 $0x1FA0, s13;
	[dreg:$0xb] =	wrdreg s19  }
0x13: {  	v14 =	vor.u32 $0x7000, v0;
	v15 =	vor.u32 $0x7800, v0;
	v16 =	vor.u32 $0x8000, v0;
	s8 =	simm.s32 $0x4;
	s21 =	sadd.s32 $0x1FB0, s13;
	[dreg:$0xc] =	wrdreg s20  }
0x14: {  	v17 =	vor.u32 $0x8800, v0;
	v18 =	vor.u32 $0x9000, v0;
	v19 =	vor.u32 $0x9800, v0;
	s22 =	sadd.s32 $0x1FC0, s13;
	s23 =	sadd.s32 $0x1FD0, s13;
	[dreg:$0xd] =	wrdreg s21  }
0x15: {  	v20 =	vor.u32 $0xA000, v0;
	v21 =	vor.u32 $0xA800, v0;
	v22 =	vor.u32 $0xB000, v0;
	s25 =	sadd.s32 $0x1FE0, s13;
	s0 =	sadd.s32 s24, s2;
	[dreg:$0xe] =	wrdreg s22  }
0x16: {  	v23 =	vor.u32 $0xB800, v0;
	v24 =	vor.u32 $0xC000, v0;
	v25 =	vor.u32 $0xC800, v0;
	s28 =	sadd.s32 $0x1FF0, s13;
	s13 =	simm.s32 $0xC280;
	[dreg:$0xf] =	wrdreg s23  }
0x17: {  	v26 =	vor.u32 $0xD000, v0;
	v27 =	vor.u32 $0xD800, v0;
	v28 =	vor.u32 $0xE000, v0;
	s2 =	simm.s32 $0xE280;
	s24 =	simm.s32 $0xA;
	[dreg:$0x10] =	wrdreg s25  }
0x18: {  	v29 =	vor.u32 $0xE800, v0;
	v30 =	vor.u32 $0xF000, v0;
	v31 =	vor.u32 $0xF800, v0;
	[dreg:$0x11] =	wrdreg s28;
	s0 =	sadd.s32 s26, s0;
	s19 =	simm.s32 $0x400  }
0x19: {  	v32 =	vor.u32 $0x10000, v0;
	v33 =	vor.u32 $0x10800, v0;
	s20 =	simm.s32 $0x7A1400;
	s21 =	simm.s32 $0x280;
	s22 =	simm.s32 $0x4280  }
0x1a: {  	v34 =	vor.u32 $0x11000, v0;
	v35 =	vor.u32 $0x11800, v0;
	v36 =	vor.u32 $0x12000, v0;
	s14 =	simm.s32 $0x7;
	s16 =	simm.s32 $0x8;
	s18 =	simm.s32 $0x9  }
0x1b: {  	v37 =	vor.u32 $0x12800, v0;
	v38 =	vor.u32 $0x13000, v0;
	v39 =	vor.u32 $0x13800, v0;
	s15 =	simm.s32 $0x0;
	[dreg:$0x4] =	wrdreg s0;
	s0 =	simm.s32 $0x1  }
.LBB2_1:
0x1c: {  	[dreg:$0x13] =	wrdreg s15  }
0x1d: {  	s26 =	rddreg [dreg:$0x5];
	s15 =	simm.s32 $0x15  }
0x1e: {  	[tilespmem:s3], [sflag:$0x15] =	stream.linear.gather [hbm4b:s26+s3], $0x200, $0x38;
	[tilespmem:$0x14780] =	vst v63  }
0x1f: {  	_ =	swait.ge [sflag:s15], $0x200  }
0x20: {  	[sflag:s15] =	ssyncset.done $0x0  }
0x21: {  	[sflag:s15] =	ssyncadd.s32 $0xFFFFFE00  }
0x22: {  	v40 =	vld [tilespmem:$0x0];
	_ =	sdelay $0x4  }
0x23: {  	(v2sf) =	vpush v40, $0x0;
	_ =	sdelay $0x3  }
0x24: {  	(v2sf) =	vpush v40, $0x1;
	_ =	sdelay $0x2  }
0x25: {  	(v2sf) =	vpush v40, $0x2;
	_ =	sdelay $0x1  }
0x26: {  	(v2sf) =	vpush v40, $0x3;
	_ =	sdelay $0x5  }
0x27: {  	s17 =	spop (v2sf);
	(v2sf) =	vpush v40, $0x4;
	_ =	sdelay $0x2  }
0x28: {  	s26 =	sand.u32 $0xFFFFF80, s17  }
0x29: {  	(v2sf) =	vpush v40, $0x5;
	s23 =	spop (v2sf);
	s26 =	sadd.s32 s1, s26  }
0x2a: {  	[tilespmem:s21], [sflag:$0x1] =	stream.strided.gather [hbm4b:s26+s19], $0x2000, s20, s19, $0x38;
	[tilespmem:$0x14780] =	vst v63  }
0x2b: {  	(v2sf) =	vpush v40, $0x6;
	s26 =	sand.u32 $0xFFFFF80, s23  }
0x2c: {  	s28 =	simm.s32 $0x2280;
	s25 =	spop (v2sf);
	(v2sf) =	vpush v40, $0x7;
	s26 =	sadd.s32 s1, s26  }
0x2d: {  	[tilespmem:s28], [sflag:$0x2] =	stream.strided.gather [hbm4b:s26+s19], $0x2000, s20, s19, $0x38;
	[tilespmem:$0x14780] =	vst v63  }
0x2e: {  	s29 =	spop (v2sf);
	(v2sf) =	vpush v40, $0x8;
	s26 =	sand.u32 $0xFFFFF80, s25  }
0x2f: {  	s26 =	sadd.s32 s1, s26  }
0x30: {  	[tilespmem:s22], [sflag:$0x3] =	stream.strided.gather [hbm4b:s26+s19], $0x2000, s20, s19, $0x38;
	[tilespmem:$0x14780] =	vst v63  }
0x31: {  	s26 =	sand.u32 $0xFFFFF80, s29  }
0x32: {  	s26 =	sadd.s32 s1, s26  }
0x33: {  	[tilespmem:s7], [sflag:$0x4] =	stream.strided.gather [hbm4b:s26+s19], $0x2000, s20, s19, $0x38;
	[tilespmem:$0x14780] =	vst v63  }
0x34: {  	s7 =	spop (v2sf);
	(v2sf) =	vpush v40, $0x9;
	_ =	sdelay $0x2  }
0x35: {  	s26 =	sand.u32 $0xFFFFF80, s7  }
0x36: {  	s28 =	spop (v2sf);
	s26 =	sadd.s32 s1, s26  }
0x37: {  	[tilespmem:s9], [sflag:$0x5] =	stream.strided.gather [hbm4b:s26+s19], $0x2000, s20, s19, $0x38;
	[tilespmem:$0x14780] =	vst v63  }
0x38: {  	s9 =	sand.u32 $0xFFFFF80, s28;
	s28 =	spop (v2sf)  }
0x39: {  	s26 =	sadd.s32 s1, s9;
	s17 =	sand.u32 $0xFFFFF80, s28;
	s28 =	spop (v2sf)  }
0x3a: {  	[tilespmem:s11], [sflag:$0x6] =	stream.strided.gather [hbm4b:s26+s19], $0x2000, s20, s19, $0x38;
	[tilespmem:$0x14780] =	vst v63  }
0x3b: {  	s26 =	sadd.s32 s1, s17;
	s23 =	sand.u32 $0xFFFFF80, s28;
	s28 =	spop (v2sf)  }
0x3c: {  	[tilespmem:s13], [sflag:$0x7] =	stream.strided.gather [hbm4b:s26+s19], $0x2000, s20, s19, $0x38;
	[tilespmem:$0x14780] =	vst v63  }
0x3d: {  	s15 =	simm.s32 $0x14300;
	s25 =	sand.u32 $0xFFFFF80, s28;
	s26 =	sadd.s32 s1, s23  }
0x3e: {  	[tilespmem:s2], [sflag:$0x8] =	stream.strided.gather [hbm4b:s26+s19], $0x2000, s20, s19, $0x38;
	[tilespmem:$0x14780] =	vst v63  }
0x3f: {  	s22 =	simm.s32 $0x4280;
	s7 =	simm.s32 $0x6280;
	s26 =	sadd.s32 s1, s25  }
0x40: {  	[tilespmem:s5], [sflag:$0x9] =	stream.strided.gather [hbm4b:s26+s19], $0x2000, s20, s19, $0x38;
	[tilespmem:$0x14780] =	vst v63  }
0x41: {  	s9 =	simm.s32 $0x8280;
	s11 =	simm.s32 $0xA280;
	s29 =	spop (v2sf)  }
0x42: {  	s17 =	simm.s32 $0x14380;
	s28 =	simm.s32 $0x0;
	s26 =	sand.u32 $0xFFFFF80, s29  }
0x43: {  	s13 =	simm.s32 $0xC280;
	s23 =	simm.s32 $0x14400;
	s26 =	sadd.s32 s1, s26  }
0x44: {  	[tilespmem:s30], [sflag:$0xA] =	stream.strided.gather [hbm4b:s26+s19], $0x2000, s20, s19, $0x38;
	[tilespmem:$0x14780] =	vst v63  }
0x45: {  	s2 =	simm.s32 $0xE280;
	s5 =	simm.s32 $0x10280;
	s26 =	simm.s32 $0x0  }
.LBB2_2:
0x46: {  	v41 =	vld [tilespmem:s26+$0x0]  }
0x47: {  	v40 =	vld [tilespmem:s26+$0xA];
	_ =	swait.ge [sflag:s0], $0x2000  }
0x48: {  	p0 =	seq.s32 s28, $0x0;
	[sflag:s0] =	ssyncset.done $0x0  }
0x49: {  	s29 =	simm.s32 @!p0 $0xB;
	[sflag:s0] =	ssyncadd.s32 $0xFFFFE000  }
0x4a: {  	_ =	swait.ge @!p0 [sflag:s29], $0x80  }
0x4b: {  	(v2sf) =	vpush v41, $0x0;
	_ =	sdelay $0xe  }
0x4c: {  	s30 =	spop (v2sf)  }
0x4d: {  	s30 =	sand.u32 $0x7F, s30  }
0x4e: {  	v42 =	vor.u32 s30, v0;
	_ =	sdelay $0x2  }
0x4f: {  	[sflag:s29] =	ssyncset.done @!p0 $0x0  }
0x50: {  	[sflag:s29] =	ssyncadd.s32 @!p0 $0xFFFFFF80  }
0x51: {  	v42 =	vld.idx.msk [tilespmem:v42+s21+$0x0], $0xffff  }
0x52: {  	v43 =	vor.u32 s30, v1;
	_ =	sdelay $0x3  }
0x53: {  	[tilespmem:$0x14280] =	vst v42  }
0x54: {  	v42 =	vld.idx.msk [tilespmem:v43+s21+$0x0], $0xffff  }
0x55: {  	(v2sf) =	vpush v40, $0x0;
	v63 =	vor.u32 s30, v2;
	_ =	sdelay $0x3  }
0x56: {  	[tilespmem:$0x14290] =	vst v42  }
0x57: {  	v42 =	vld.idx.msk [tilespmem:v63+s21+$0x0], $0xffff  }
0x58: {  	v45 =	vor.u32 s30, v3;
	_ =	sdelay $0x3  }
0x59: {  	[tilespmem:$0x142A0] =	vst v42  }
0x5a: {  	v42 =	vld.idx.msk [tilespmem:v45+s21+$0x0], $0xffff;
	_ =	sdelay $0x3  }
0x5b: {  	s25 =	rddreg [dreg:$0x4];
	s30 =	spop (v2sf)  }
0x5c: {  	s29 =	sadd.s32 s28, s25;
	s30 =	sand.u32 $0xFFFFF80, s30;
	[tilespmem:$0x142B0] =	vst v42  }
0x5d: {  	[hbm4b:s29+s3] =	stream.linear.scatter [tilespmem:s31], [sflag:$0xB], $0x80, $0x38;
	[tilespmem:$0x14780] =	vst v63  }
0x5e: {  	s30 =	sadd.s32 s1, s30  }
0x5f: {  	[tilespmem:s21], [sflag:$0x1] =	stream.strided.gather [hbm4b:s30+s19], $0x2000, s20, s19, $0x38;
	[tilespmem:$0x14780] =	vst v63  }
0x60: {  	_ =	swait.ge [sflag:s4], $0x2000  }
0x61: {  	[sflag:s4] =	ssyncset.done $0x0  }
0x62: {  	s30 =	simm.s32 @!p0 $0xC;
	[sflag:s4] =	ssyncadd.s32 $0xFFFFE000  }
0x63: {  	_ =	swait.ge @!p0 [sflag:s30], $0x80  }
0x64: {  	(v2sf) =	vpush v41, $0x1;
	_ =	sdelay $0xe  }
0x65: {  	s31 =	spop (v2sf)  }
0x66: {  	s31 =	sand.u32 $0x7F, s31  }
0x67: {  	v46 =	vor.u32 s31, v4;
	_ =	sdelay $0x2  }
0x68: {  	[sflag:s30] =	ssyncset.done @!p0 $0x0  }
0x69: {  	[sflag:s30] =	ssyncadd.s32 @!p0 $0xFFFFFF80  }
0x6a: {  	v42 =	vld.idx.msk [tilespmem:v46+s21+$0x0], $0xffff  }
0x6b: {  	v47 =	vor.u32 s31, v5;
	_ =	sdelay $0x3  }
0x6c: {  	[tilespmem:$0x14300] =	vst v42  }
0x6d: {  	v42 =	vld.idx.msk [tilespmem:v47+s21+$0x0], $0xffff  }
0x6e: {  	v48 =	vor.u32 s31, v6;
	_ =	sdelay $0x2  }
0x6f: {  	(v2sf) =	vpush v40, $0x1  }
0x70: {  	[tilespmem:$0x14310] =	vst v42  }
0x71: {  	v42 =	vld.idx.msk [tilespmem:v48+s21+$0x0], $0xffff  }
0x72: {  	v49 =	vor.u32 s31, v7;
	_ =	sdelay $0x3  }
0x73: {  	[tilespmem:$0x14320] =	vst v42  }
0x74: {  	v42 =	vld.idx.msk [tilespmem:v49+s21+$0x0], $0xffff;
	_ =	sdelay $0x4  }
0x75: {  	s30 =	sadd.s32 $0x10, s29;
	[tilespmem:$0x14330] =	vst v42  }
0x76: {  	[hbm4b:s30+s3] =	stream.linear.scatter [tilespmem:s15], [sflag:$0xC], $0x80, $0x38;
	[tilespmem:$0x14780] =	vst v63  }
0x77: {  	s30 =	spop (v2sf)  }
0x78: {  	s30 =	sand.u32 $0xFFFFF80, s30  }
0x79: {  	s31 =	simm.s32 $0x2280;
	s30 =	sadd.s32 s1, s30  }
0x7a: {  	[tilespmem:s31], [sflag:$0x2] =	stream.strided.gather [hbm4b:s30+s19], $0x2000, s20, s19, $0x38;
	[tilespmem:$0x14780] =	vst v63  }
0x7b: {  	_ =	swait.ge [sflag:s6], $0x2000  }
0x7c: {  	[sflag:s6] =	ssyncset.done $0x0  }
0x7d: {  	s30 =	simm.s32 @!p0 $0xD;
	[sflag:s6] =	ssyncadd.s32 $0xFFFFE000  }
0x7e: {  	_ =	swait.ge @!p0 [sflag:s30], $0x80  }
0x7f: {  	(v2sf) =	vpush v41, $0x2;
	_ =	sdelay $0xe  }
0x80: {  	s31 =	spop (v2sf)  }
0x81: {  	s31 =	sand.u32 $0x7F, s31  }
0x82: {  	v50 =	vor.u32 s31, v8;
	_ =	sdelay $0x2  }
0x83: {  	[sflag:s30] =	ssyncset.done @!p0 $0x0  }
0x84: {  	[sflag:s30] =	ssyncadd.s32 @!p0 $0xFFFFFF80  }
0x85: {  	v42 =	vld.idx.msk [tilespmem:v50+s21+$0x0], $0xffff  }
0x86: {  	v51 =	vor.u32 s31, v9;
	_ =	sdelay $0x3  }
0x87: {  	[tilespmem:$0x14380] =	vst v42  }
0x88: {  	v42 =	vld.idx.msk [tilespmem:v51+s21+$0x0], $0xffff  }
0x89: {  	v52 =	vor.u32 s31, v10;
	_ =	sdelay $0x2  }
0x8a: {  	(v2sf) =	vpush v40, $0x2  }
0x8b: {  	[tilespmem:$0x14390] =	vst v42  }
0x8c: {  	v42 =	vld.idx.msk [tilespmem:v52+s21+$0x0], $0xffff  }
0x8d: {  	v53 =	vor.u32 s31, v11;
	_ =	sdelay $0x3  }
0x8e: {  	[tilespmem:$0x143A0] =	vst v42  }
0x8f: {  	v42 =	vld.idx.msk [tilespmem:v53+s21+$0x0], $0xffff;
	_ =	sdelay $0x4  }
0x90: {  	s30 =	sadd.s32 $0x20, s29;
	[tilespmem:$0x143B0] =	vst v42  }
0x91: {  	[hbm4b:s30+s3] =	stream.linear.scatter [tilespmem:s17], [sflag:$0xD], $0x80, $0x38;
	[tilespmem:$0x14780] =	vst v63  }
0x92: {  	s30 =	spop (v2sf)  }
0x93: {  	s30 =	sand.u32 $0xFFFFF80, s30  }
0x94: {  	s30 =	sadd.s32 s1, s30  }
0x95: {  	[tilespmem:s22], [sflag:$0x3] =	stream.strided.gather [hbm4b:s30+s19], $0x2000, s20, s19, $0x38;
	[tilespmem:$0x14780] =	vst v63  }
0x96: {  	_ =	swait.ge [sflag:s8], $0x2000  }
0x97: {  	[sflag:s8] =	ssyncset.done $0x0  }
0x98: {  	s30 =	simm.s32 @!p0 $0xE;
	[sflag:s8] =	ssyncadd.s32 $0xFFFFE000  }
0x99: {  	_ =	swait.ge @!p0 [sflag:s30], $0x80  }
0x9a: {  	(v2sf) =	vpush v41, $0x3;
	_ =	sdelay $0xe  }
0x9b: {  	s31 =	spop (v2sf)  }
0x9c: {  	s31 =	sand.u32 $0x7F, s31  }
0x9d: {  	v54 =	vor.u32 s31, v12;
	_ =	sdelay $0x2  }
0x9e: {  	[sflag:s30] =	ssyncset.done @!p0 $0x0  }
0x9f: {  	[sflag:s30] =	ssyncadd.s32 @!p0 $0xFFFFFF80  }
0xa0: {  	v42 =	vld.idx.msk [tilespmem:v54+s21+$0x0], $0xffff  }
0xa1: {  	v55 =	vor.u32 s31, v13;
	_ =	sdelay $0x3  }
0xa2: {  	[tilespmem:$0x14400] =	vst v42  }
0xa3: {  	v42 =	vld.idx.msk [tilespmem:v55+s21+$0x0], $0xffff  }
0xa4: {  	v56 =	vor.u32 s31, v14;
	_ =	sdelay $0x2  }
0xa5: {  	(v2sf) =	vpush v40, $0x3  }
0xa6: {  	[tilespmem:$0x14410] =	vst v42  }
0xa7: {  	v42 =	vld.idx.msk [tilespmem:v56+s21+$0x0], $0xffff  }
0xa8: {  	v57 =	vor.u32 s31, v15;
	_ =	sdelay $0x3  }
0xa9: {  	[tilespmem:$0x14420] =	vst v42  }
0xaa: {  	v42 =	vld.idx.msk [tilespmem:v57+s21+$0x0], $0xffff;
	_ =	sdelay $0x4  }
0xab: {  	s30 =	sadd.s32 $0x30, s29;
	[tilespmem:$0x14430] =	vst v42  }
0xac: {  	[hbm4b:s30+s3] =	stream.linear.scatter [tilespmem:s23], [sflag:$0xE], $0x80, $0x38;
	[tilespmem:$0x14780] =	vst v63  }
0xad: {  	s30 =	spop (v2sf)  }
0xae: {  	s30 =	sand.u32 $0xFFFFF80, s30  }
0xaf: {  	s30 =	sadd.s32 s1, s30  }
0xb0: {  	[tilespmem:s7], [sflag:$0x4] =	stream.strided.gather [hbm4b:s30+s19], $0x2000, s20, s19, $0x38;
	[tilespmem:$0x14780] =	vst v63  }
0xb1: {  	_ =	swait.ge [sflag:s10], $0x2000  }
0xb2: {  	[sflag:s10] =	ssyncset.done $0x0  }
0xb3: {  	s30 =	simm.s32 @!p0 $0xF;
	[sflag:s10] =	ssyncadd.s32 $0xFFFFE000  }
0xb4: {  	_ =	swait.ge @!p0 [sflag:s30], $0x80  }
0xb5: {  	(v2sf) =	vpush v41, $0x4;
	_ =	sdelay $0xe  }
0xb6: {  	s31 =	spop (v2sf)  }
0xb7: {  	s31 =	sand.u32 $0x7F, s31  }
0xb8: {  	v58 =	vor.u32 s31, v16;
	_ =	sdelay $0x2  }
0xb9: {  	[sflag:s30] =	ssyncset.done @!p0 $0x0  }
0xba: {  	[sflag:s30] =	ssyncadd.s32 @!p0 $0xFFFFFF80  }
0xbb: {  	v42 =	vld.idx.msk [tilespmem:v58+s21+$0x0], $0xffff  }
0xbc: {  	v59 =	vor.u32 s31, v17;
	_ =	sdelay $0x3  }
0xbd: {  	[tilespmem:$0x14480] =	vst v42  }
0xbe: {  	v42 =	vld.idx.msk [tilespmem:v59+s21+$0x0], $0xffff  }
0xbf: {  	v60 =	vor.u32 s31, v18;
	_ =	sdelay $0x2  }
0xc0: {  	(v2sf) =	vpush v40, $0x4  }
0xc1: {  	[tilespmem:$0x14490] =	vst v42  }
0xc2: {  	v42 =	vld.idx.msk [tilespmem:v60+s21+$0x0], $0xffff  }
0xc3: {  	v61 =	vor.u32 s31, v19;
	_ =	sdelay $0x3  }
0xc4: {  	[tilespmem:$0x144A0] =	vst v42  }
0xc5: {  	v42 =	vld.idx.msk [tilespmem:v61+s21+$0x0], $0xffff;
	_ =	sdelay $0x4  }
0xc6: {  	s25 =	simm.s32 $0x14480;
	s30 =	sadd.s32 $0x40, s29;
	[tilespmem:$0x144B0] =	vst v42  }
0xc7: {  	[hbm4b:s30+s3] =	stream.linear.scatter [tilespmem:s25], [sflag:$0xF], $0x80, $0x38;
	[tilespmem:$0x14780] =	vst v63  }
0xc8: {  	s30 =	spop (v2sf)  }
0xc9: {  	s30 =	sand.u32 $0xFFFFF80, s30  }
0xca: {  	s30 =	sadd.s32 s1, s30  }
0xcb: {  	[tilespmem:s9], [sflag:$0x5] =	stream.strided.gather [hbm4b:s30+s19], $0x2000, s20, s19, $0x38;
	[tilespmem:$0x14780] =	vst v63  }
0xcc: {  	_ =	swait.ge [sflag:s12], $0x2000  }
0xcd: {  	[sflag:s12] =	ssyncset.done $0x0  }
0xce: {  	s30 =	simm.s32 @!p0 $0x10;
	[sflag:s12] =	ssyncadd.s32 $0xFFFFE000  }
0xcf: {  	_ =	swait.ge @!p0 [sflag:s30], $0x80  }
0xd0: {  	(v2sf) =	vpush v41, $0x5;
	_ =	sdelay $0xe  }
0xd1: {  	s31 =	spop (v2sf)  }
0xd2: {  	s31 =	sand.u32 $0x7F, s31  }
0xd3: {  	v62 =	vor.u32 s31, v20;
	_ =	sdelay $0x2  }
0xd4: {  	[sflag:s30] =	ssyncset.done @!p0 $0x0  }
0xd5: {  	[sflag:s30] =	ssyncadd.s32 @!p0 $0xFFFFFF80  }
0xd6: {  	v42 =	vld.idx.msk [tilespmem:v62+s21+$0x0], $0xffff  }
0xd7: {  	v63 =	vor.u32 s31, v21;
	_ =	sdelay $0x3  }
0xd8: {  	[tilespmem:$0x14500] =	vst v42  }
0xd9: {  	v42 =	vld.idx.msk [tilespmem:v63+s21+$0x0], $0xffff  }
0xda: {  	v45 =	vor.u32 s31, v22;
	_ =	sdelay $0x2  }
0xdb: {  	(v2sf) =	vpush v40, $0x5  }
0xdc: {  	[tilespmem:$0x14510] =	vst v42  }
0xdd: {  	v42 =	vld.idx.msk [tilespmem:v45+s21+$0x0], $0xffff  }
0xde: {  	v46 =	vor.u32 s31, v23;
	_ =	sdelay $0x3  }
0xdf: {  	[tilespmem:$0x14520] =	vst v42  }
0xe0: {  	v42 =	vld.idx.msk [tilespmem:v46+s21+$0x0], $0xffff;
	_ =	sdelay $0x4  }
0xe1: {  	s25 =	simm.s32 $0x14500;
	s30 =	sadd.s32 $0x50, s29;
	[tilespmem:$0x14530] =	vst v42  }
0xe2: {  	[hbm4b:s30+s3] =	stream.linear.scatter [tilespmem:s25], [sflag:$0x10], $0x80, $0x38;
	[tilespmem:$0x14780] =	vst v63  }
0xe3: {  	s30 =	spop (v2sf)  }
0xe4: {  	s30 =	sand.u32 $0xFFFFF80, s30  }
0xe5: {  	s30 =	sadd.s32 s1, s30  }
0xe6: {  	[tilespmem:s11], [sflag:$0x6] =	stream.strided.gather [hbm4b:s30+s19], $0x2000, s20, s19, $0x38;
	[tilespmem:$0x14780] =	vst v63  }
0xe7: {  	_ =	swait.ge [sflag:s14], $0x2000  }
0xe8: {  	[sflag:s14] =	ssyncset.done $0x0  }
0xe9: {  	s30 =	simm.s32 @!p0 $0x11;
	[sflag:s14] =	ssyncadd.s32 $0xFFFFE000  }
0xea: {  	_ =	swait.ge @!p0 [sflag:s30], $0x80  }
0xeb: {  	(v2sf) =	vpush v41, $0x6;
	_ =	sdelay $0xe  }
0xec: {  	s31 =	spop (v2sf)  }
0xed: {  	s31 =	sand.u32 $0x7F, s31  }
0xee: {  	v47 =	vor.u32 s31, v24;
	_ =	sdelay $0x2  }
0xef: {  	[sflag:s30] =	ssyncset.done @!p0 $0x0  }
0xf0: {  	[sflag:s30] =	ssyncadd.s32 @!p0 $0xFFFFFF80  }
0xf1: {  	v42 =	vld.idx.msk [tilespmem:v47+s21+$0x0], $0xffff  }
0xf2: {  	v48 =	vor.u32 s31, v25;
	_ =	sdelay $0x3  }
0xf3: {  	[tilespmem:$0x14580] =	vst v42  }
0xf4: {  	v42 =	vld.idx.msk [tilespmem:v48+s21+$0x0], $0xffff  }
0xf5: {  	v49 =	vor.u32 s31, v26;
	_ =	sdelay $0x2  }
0xf6: {  	(v2sf) =	vpush v40, $0x6  }
0xf7: {  	[tilespmem:$0x14590] =	vst v42  }
0xf8: {  	v42 =	vld.idx.msk [tilespmem:v49+s21+$0x0], $0xffff  }
0xf9: {  	v50 =	vor.u32 s31, v27;
	_ =	sdelay $0x3  }
0xfa: {  	[tilespmem:$0x145A0] =	vst v42  }
0xfb: {  	v42 =	vld.idx.msk [tilespmem:v50+s21+$0x0], $0xffff;
	_ =	sdelay $0x4  }
0xfc: {  	s25 =	simm.s32 $0x14580;
	s30 =	sadd.s32 $0x60, s29;
	[tilespmem:$0x145B0] =	vst v42  }
0xfd: {  	[hbm4b:s30+s3] =	stream.linear.scatter [tilespmem:s25], [sflag:$0x11], $0x80, $0x38;
	[tilespmem:$0x14780] =	vst v63  }
0xfe: {  	s30 =	spop (v2sf)  }
0xff: {  	s30 =	sand.u32 $0xFFFFF80, s30  }
0x100: {  	s30 =	sadd.s32 s1, s30  }
0x101: {  	[tilespmem:s13], [sflag:$0x7] =	stream.strided.gather [hbm4b:s30+s19], $0x2000, s20, s19, $0x38;
	[tilespmem:$0x14780] =	vst v63  }
0x102: {  	_ =	swait.ge [sflag:s16], $0x2000  }
0x103: {  	[sflag:s16] =	ssyncset.done $0x0  }
0x104: {  	s30 =	simm.s32 @!p0 $0x12;
	[sflag:s16] =	ssyncadd.s32 $0xFFFFE000  }
0x105: {  	_ =	swait.ge @!p0 [sflag:s30], $0x80  }
0x106: {  	(v2sf) =	vpush v41, $0x7;
	_ =	sdelay $0xe  }
0x107: {  	s31 =	spop (v2sf)  }
0x108: {  	s31 =	sand.u32 $0x7F, s31  }
0x109: {  	v51 =	vor.u32 s31, v28;
	_ =	sdelay $0x2  }
0x10a: {  	[sflag:s30] =	ssyncset.done @!p0 $0x0  }
0x10b: {  	[sflag:s30] =	ssyncadd.s32 @!p0 $0xFFFFFF80  }
0x10c: {  	v42 =	vld.idx.msk [tilespmem:v51+s21+$0x0], $0xffff  }
0x10d: {  	v52 =	vor.u32 s31, v29;
	_ =	sdelay $0x3  }
0x10e: {  	[tilespmem:$0x14600] =	vst v42  }
0x10f: {  	v42 =	vld.idx.msk [tilespmem:v52+s21+$0x0], $0xffff  }
0x110: {  	v53 =	vor.u32 s31, v30;
	_ =	sdelay $0x2  }
0x111: {  	(v2sf) =	vpush v40, $0x7  }
0x112: {  	[tilespmem:$0x14610] =	vst v42  }
0x113: {  	v42 =	vld.idx.msk [tilespmem:v53+s21+$0x0], $0xffff  }
0x114: {  	v54 =	vor.u32 s31, v31;
	_ =	sdelay $0x3  }
0x115: {  	[tilespmem:$0x14620] =	vst v42  }
0x116: {  	v42 =	vld.idx.msk [tilespmem:v54+s21+$0x0], $0xffff;
	_ =	sdelay $0x4  }
0x117: {  	s25 =	simm.s32 $0x14600;
	s30 =	sadd.s32 $0x70, s29;
	[tilespmem:$0x14630] =	vst v42  }
0x118: {  	[hbm4b:s30+s3] =	stream.linear.scatter [tilespmem:s25], [sflag:$0x12], $0x80, $0x38;
	[tilespmem:$0x14780] =	vst v63  }
0x119: {  	s30 =	spop (v2sf)  }
0x11a: {  	s30 =	sand.u32 $0xFFFFF80, s30  }
0x11b: {  	s30 =	sadd.s32 s1, s30  }
0x11c: {  	[tilespmem:s2], [sflag:$0x8] =	stream.strided.gather [hbm4b:s30+s19], $0x2000, s20, s19, $0x38;
	[tilespmem:$0x14780] =	vst v63  }
0x11d: {  	_ =	swait.ge [sflag:s18], $0x2000  }
0x11e: {  	[sflag:s18] =	ssyncset.done $0x0  }
0x11f: {  	s30 =	simm.s32 @!p0 $0x13;
	[sflag:s18] =	ssyncadd.s32 $0xFFFFE000  }
0x120: {  	_ =	swait.ge @!p0 [sflag:s30], $0x80  }
0x121: {  	(v2sf) =	vpush v41, $0x8;
	_ =	sdelay $0xe  }
0x122: {  	s31 =	spop (v2sf)  }
0x123: {  	s31 =	sand.u32 $0x7F, s31  }
0x124: {  	v55 =	vor.u32 s31, v32;
	_ =	sdelay $0x2  }
0x125: {  	[sflag:s30] =	ssyncset.done @!p0 $0x0  }
0x126: {  	[sflag:s30] =	ssyncadd.s32 @!p0 $0xFFFFFF80  }
0x127: {  	v42 =	vld.idx.msk [tilespmem:v55+s21+$0x0], $0xffff  }
0x128: {  	v56 =	vor.u32 s31, v33;
	_ =	sdelay $0x3  }
0x129: {  	[tilespmem:$0x14680] =	vst v42  }
0x12a: {  	v42 =	vld.idx.msk [tilespmem:v56+s21+$0x0], $0xffff  }
0x12b: {  	v57 =	vor.u32 s31, v34;
	_ =	sdelay $0x2  }
0x12c: {  	(v2sf) =	vpush v40, $0x8  }
0x12d: {  	[tilespmem:$0x14690] =	vst v42  }
0x12e: {  	v42 =	vld.idx.msk [tilespmem:v57+s21+$0x0], $0xffff  }
0x12f: {  	v58 =	vor.u32 s31, v35;
	_ =	sdelay $0x3  }
0x130: {  	[tilespmem:$0x146A0] =	vst v42  }
0x131: {  	v42 =	vld.idx.msk [tilespmem:v58+s21+$0x0], $0xffff;
	_ =	sdelay $0x4  }
0x132: {  	s25 =	simm.s32 $0x14680;
	s30 =	sadd.s32 $0x80, s29;
	[tilespmem:$0x146B0] =	vst v42  }
0x133: {  	[hbm4b:s30+s3] =	stream.linear.scatter [tilespmem:s25], [sflag:$0x13], $0x80, $0x38;
	[tilespmem:$0x14780] =	vst v63  }
0x134: {  	s30 =	spop (v2sf)  }
0x135: {  	s30 =	sand.u32 $0xFFFFF80, s30  }
0x136: {  	s30 =	sadd.s32 s1, s30  }
0x137: {  	[tilespmem:s5], [sflag:$0x9] =	stream.strided.gather [hbm4b:s30+s19], $0x2000, s20, s19, $0x38;
	[tilespmem:$0x14780] =	vst v63  }
0x138: {  	_ =	swait.ge [sflag:s24], $0x2000  }
0x139: {  	[sflag:s24] =	ssyncset.done $0x0  }
0x13a: {  	s30 =	simm.s32 @!p0 $0x14;
	[sflag:s24] =	ssyncadd.s32 $0xFFFFE000  }
0x13b: {  	_ =	swait.ge @!p0 [sflag:s30], $0x80  }
0x13c: {  	(v2sf) =	vpush v41, $0x9;
	_ =	sdelay $0xe  }
0x13d: {  	s31 =	spop (v2sf)  }
0x13e: {  	s31 =	sand.u32 $0x7F, s31  }
0x13f: {  	v59 =	vor.u32 s31, v36;
	_ =	sdelay $0x2  }
0x140: {  	[sflag:s30] =	ssyncset.done @!p0 $0x0  }
0x141: {  	[sflag:s30] =	ssyncadd.s32 @!p0 $0xFFFFFF80  }
0x142: {  	v41 =	vld.idx.msk [tilespmem:v59+s21+$0x0], $0xffff  }
0x143: {  	v60 =	vor.u32 s31, v37;
	_ =	sdelay $0x3  }
0x144: {  	[tilespmem:$0x14700] =	vst v41  }
0x145: {  	v41 =	vld.idx.msk [tilespmem:v60+s21+$0x0], $0xffff  }
0x146: {  	v61 =	vor.u32 s31, v38;
	_ =	sdelay $0x3  }
0x147: {  	(v2sf) =	vpush v40, $0x9;
	[tilespmem:$0x14710] =	vst v41  }
0x148: {  	v62 =	vld.idx.msk [tilespmem:v61+s21+$0x0], $0xffff  }
0x149: {  	v63 =	vor.u32 s31, v39;
	_ =	sdelay $0x3  }
0x14a: {  	[tilespmem:$0x14720] =	vst v62  }
0x14b: {  	v40 =	vld.idx.msk [tilespmem:v63+s21+$0x0], $0xffff;
	_ =	sdelay $0x3  }
0x14c: {  	s28 =	sadd.s32 $0xA0, s28  }
0x14d: {  	s29 =	sadd.s32 $0x90, s29;
	s25 =	simm.s32 $0x14700;
	p0 =	sne.s32 s28, $0x1F40;
	[tilespmem:$0x14730] =	vst v40  }
0x14e: {  	[hbm4b:s29+s3] =	stream.linear.scatter [tilespmem:s25], [sflag:$0x14], $0x80, $0x38;
	[tilespmem:$0x14780] =	vst v63  }
.Ltmp0:
0x14f: {  	_ = 	snop;
	(pc) =	sbr.rel @p0 .LBB2_2-.Ltmp0, $4  }
0x150: {  	s25 =	spop (v2sf)  }
0x151: {  	s26 =	sadd.s32 $0xA, s26;
	s29 =	sand.u32 $0xFFFFF80, s25  }
0x152: {  	s30 =	simm.s32 $0x12280;
	s31 =	simm.s32 $0x14280;
	s29 =	sadd.s32 s1, s29  }
0x153: {  	[tilespmem:s30], [sflag:$0xA] =	stream.strided.gather [hbm4b:s29+s19], $0x2000, s20, s19, $0x38;
	[tilespmem:$0x14780] =	vst v63  }
0x154: {  	v40 =	vld [tilespmem:$0x1F4]  }
0x155: {  	_ =	swait.ge [sflag:s0], $0x2000  }
0x156: {  	[sflag:s0] =	ssyncset.done $0x0  }
0x157: {  	s2 =	simm.s32 $0xB;
	[sflag:s0] =	ssyncadd.s32 $0xFFFFE000  }
0x158: {  	_ =	swait.ge [sflag:s2], $0x80  }
0x159: {  	(v2sf) =	vpush v40, $0x0;
	_ =	sdelay $0xe  }
0x15a: {  	s26 =	spop (v2sf)  }
0x15b: {  	s26 =	sand.u32 $0x7F, s26  }
0x15c: {  	v41 =	vor.u32 s26, v0;
	_ =	sdelay $0x2  }
0x15d: {  	[sflag:s2] =	ssyncset.done $0x0  }
0x15e: {  	[sflag:s2] =	ssyncadd.s32 $0xFFFFFF80  }
0x15f: {  	v41 =	vld.idx.msk [tilespmem:v41+s21+$0x0], $0xffff  }
0x160: {  	v42 =	vor.u32 s26, v1;
	_ =	sdelay $0x3  }
0x161: {  	[tilespmem:$0x14280] =	vst v41  }
0x162: {  	v41 =	vld.idx.msk [tilespmem:v42+s21+$0x0], $0xffff  }
0x163: {  	v55 =	vor.u32 s26, v2;
	_ =	sdelay $0x3  }
0x164: {  	[tilespmem:$0x14290] =	vst v41  }
0x165: {  	v41 =	vld.idx.msk [tilespmem:v55+s21+$0x0], $0xffff  }
0x166: {  	v56 =	vor.u32 s26, v3;
	_ =	sdelay $0x3  }
0x167: {  	[tilespmem:$0x142A0] =	vst v41  }
0x168: {  	v41 =	vld.idx.msk [tilespmem:v56+s21+$0x0], $0xffff;
	_ =	sdelay $0x4  }
0x169: {  	s7 =	rddreg [dreg:$0x6];
	[tilespmem:$0x142B0] =	vst v41  }
0x16a: {  	[hbm4b:s7+s3] =	stream.linear.scatter [tilespmem:s31], [sflag:$0xB], $0x80, $0x38;
	[tilespmem:$0x14780] =	vst v63  }
0x16b: {  	_ =	swait.ge [sflag:s4], $0x2000  }
0x16c: {  	[sflag:s4] =	ssyncset.done $0x0  }
0x16d: {  	s5 =	simm.s32 $0xC;
	[sflag:s4] =	ssyncadd.s32 $0xFFFFE000  }
0x16e: {  	_ =	swait.ge [sflag:s5], $0x80  }
0x16f: {  	(v2sf) =	vpush v40, $0x1;
	_ =	sdelay $0xe  }
0x170: {  	s9 =	spop (v2sf)  }
0x171: {  	s26 =	sand.u32 $0x7F, s9  }
0x172: {  	v57 =	vor.u32 s26, v4;
	_ =	sdelay $0x2  }
0x173: {  	[sflag:s5] =	ssyncset.done $0x0  }
0x174: {  	[sflag:s5] =	ssyncadd.s32 $0xFFFFFF80  }
0x175: {  	v41 =	vld.idx.msk [tilespmem:v57+s21+$0x0], $0xffff  }
0x176: {  	v58 =	vor.u32 s26, v5;
	_ =	sdelay $0x3  }
0x177: {  	[tilespmem:$0x14300] =	vst v41  }
0x178: {  	v41 =	vld.idx.msk [tilespmem:v58+s21+$0x0], $0xffff  }
0x179: {  	v59 =	vor.u32 s26, v6;
	_ =	sdelay $0x3  }
0x17a: {  	[tilespmem:$0x14310] =	vst v41  }
0x17b: {  	v41 =	vld.idx.msk [tilespmem:v59+s21+$0x0], $0xffff  }
0x17c: {  	v60 =	vor.u32 s26, v7;
	_ =	sdelay $0x3  }
0x17d: {  	[tilespmem:$0x14320] =	vst v41  }
0x17e: {  	v41 =	vld.idx.msk [tilespmem:v60+s21+$0x0], $0xffff;
	_ =	sdelay $0x4  }
0x17f: {  	s7 =	simm.s32 $0x14300;
	s11 =	rddreg [dreg:$0x7];
	[tilespmem:$0x14330] =	vst v41  }
0x180: {  	[hbm4b:s11+s3] =	stream.linear.scatter [tilespmem:s7], [sflag:$0xC], $0x80, $0x38;
	[tilespmem:$0x14780] =	vst v63  }
0x181: {  	_ =	swait.ge [sflag:s6], $0x2000  }
0x182: {  	[sflag:s6] =	ssyncset.done $0x0  }
0x183: {  	s7 =	simm.s32 $0xD;
	[sflag:s6] =	ssyncadd.s32 $0xFFFFE000  }
0x184: {  	_ =	swait.ge [sflag:s7], $0x80  }
0x185: {  	(v2sf) =	vpush v40, $0x2;
	_ =	sdelay $0xe  }
0x186: {  	s13 =	spop (v2sf)  }
0x187: {  	s26 =	sand.u32 $0x7F, s13  }
0x188: {  	v61 =	vor.u32 s26, v8;
	_ =	sdelay $0x2  }
0x189: {  	[sflag:s7] =	ssyncset.done $0x0  }
0x18a: {  	[sflag:s7] =	ssyncadd.s32 $0xFFFFFF80  }
0x18b: {  	v41 =	vld.idx.msk [tilespmem:v61+s21+$0x0], $0xffff  }
0x18c: {  	v62 =	vor.u32 s26, v9;
	_ =	sdelay $0x3  }
0x18d: {  	[tilespmem:$0x14380] =	vst v41  }
0x18e: {  	v41 =	vld.idx.msk [tilespmem:v62+s21+$0x0], $0xffff  }
0x18f: {  	v63 =	vor.u32 s26, v10;
	_ =	sdelay $0x3  }
0x190: {  	[tilespmem:$0x14390] =	vst v41  }
0x191: {  	v41 =	vld.idx.msk [tilespmem:v63+s21+$0x0], $0xffff  }
0x192: {  	v45 =	vor.u32 s26, v11;
	_ =	sdelay $0x3  }
0x193: {  	[tilespmem:$0x143A0] =	vst v41  }
0x194: {  	v41 =	vld.idx.msk [tilespmem:v45+s21+$0x0], $0xffff;
	_ =	sdelay $0x4  }
0x195: {  	s15 =	rddreg [dreg:$0x8];
	[tilespmem:$0x143B0] =	vst v41  }
0x196: {  	[hbm4b:s15+s3] =	stream.linear.scatter [tilespmem:s17], [sflag:$0xD], $0x80, $0x38;
	[tilespmem:$0x14780] =	vst v63  }
0x197: {  	_ =	swait.ge [sflag:s8], $0x2000  }
0x198: {  	[sflag:s8] =	ssyncset.done $0x0  }
0x199: {  	s9 =	simm.s32 $0xE;
	[sflag:s8] =	ssyncadd.s32 $0xFFFFE000  }
0x19a: {  	_ =	swait.ge [sflag:s9], $0x80  }
0x19b: {  	(v2sf) =	vpush v40, $0x3;
	_ =	sdelay $0xe  }
0x19c: {  	s22 =	spop (v2sf)  }
0x19d: {  	s26 =	sand.u32 $0x7F, s22  }
0x19e: {  	v46 =	vor.u32 s26, v12;
	_ =	sdelay $0x2  }
0x19f: {  	[sflag:s9] =	ssyncset.done $0x0  }
0x1a0: {  	[sflag:s9] =	ssyncadd.s32 $0xFFFFFF80  }
0x1a1: {  	v41 =	vld.idx.msk [tilespmem:v46+s21+$0x0], $0xffff  }
0x1a2: {  	v47 =	vor.u32 s26, v13;
	_ =	sdelay $0x3  }
0x1a3: {  	[tilespmem:$0x14400] =	vst v41  }
0x1a4: {  	v41 =	vld.idx.msk [tilespmem:v47+s21+$0x0], $0xffff  }
0x1a5: {  	v48 =	vor.u32 s26, v14;
	_ =	sdelay $0x3  }
0x1a6: {  	[tilespmem:$0x14410] =	vst v41  }
0x1a7: {  	v41 =	vld.idx.msk [tilespmem:v48+s21+$0x0], $0xffff  }
0x1a8: {  	v49 =	vor.u32 s26, v15;
	_ =	sdelay $0x3  }
0x1a9: {  	[tilespmem:$0x14420] =	vst v41  }
0x1aa: {  	v41 =	vld.idx.msk [tilespmem:v49+s21+$0x0], $0xffff;
	_ =	sdelay $0x4  }
0x1ab: {  	s25 =	rddreg [dreg:$0x9];
	[tilespmem:$0x14430] =	vst v41  }
0x1ac: {  	[hbm4b:s25+s3] =	stream.linear.scatter [tilespmem:s23], [sflag:$0xE], $0x80, $0x38;
	[tilespmem:$0x14780] =	vst v63  }
0x1ad: {  	_ =	swait.ge [sflag:s10], $0x2000  }
0x1ae: {  	[sflag:s10] =	ssyncset.done $0x0  }
0x1af: {  	s11 =	simm.s32 $0xF;
	[sflag:s10] =	ssyncadd.s32 $0xFFFFE000  }
0x1b0: {  	_ =	swait.ge [sflag:s11], $0x80  }
0x1b1: {  	(v2sf) =	vpush v40, $0x4;
	_ =	sdelay $0xe  }
0x1b2: {  	s28 =	spop (v2sf)  }
0x1b3: {  	s26 =	sand.u32 $0x7F, s28  }
0x1b4: {  	v50 =	vor.u32 s26, v16;
	_ =	sdelay $0x2  }
0x1b5: {  	[sflag:s11] =	ssyncset.done $0x0  }
0x1b6: {  	[sflag:s11] =	ssyncadd.s32 $0xFFFFFF80  }
0x1b7: {  	v41 =	vld.idx.msk [tilespmem:v50+s21+$0x0], $0xffff  }
0x1b8: {  	v51 =	vor.u32 s26, v17;
	_ =	sdelay $0x3  }
0x1b9: {  	[tilespmem:$0x14480] =	vst v41  }
0x1ba: {  	v41 =	vld.idx.msk [tilespmem:v51+s21+$0x0], $0xffff  }
0x1bb: {  	v52 =	vor.u32 s26, v18;
	_ =	sdelay $0x3  }
0x1bc: {  	[tilespmem:$0x14490] =	vst v41  }
0x1bd: {  	v41 =	vld.idx.msk [tilespmem:v52+s21+$0x0], $0xffff  }
0x1be: {  	v53 =	vor.u32 s26, v19;
	_ =	sdelay $0x3  }
0x1bf: {  	[tilespmem:$0x144A0] =	vst v41  }
0x1c0: {  	v41 =	vld.idx.msk [tilespmem:v53+s21+$0x0], $0xffff;
	_ =	sdelay $0x4  }
0x1c1: {  	s13 =	simm.s32 $0x14480;
	s29 =	rddreg [dreg:$0xa];
	[tilespmem:$0x144B0] =	vst v41  }
0x1c2: {  	[hbm4b:s29+s3] =	stream.linear.scatter [tilespmem:s13], [sflag:$0xF], $0x80, $0x38;
	[tilespmem:$0x14780] =	vst v63  }
0x1c3: {  	_ =	swait.ge [sflag:s12], $0x2000  }
0x1c4: {  	[sflag:s12] =	ssyncset.done $0x0  }
0x1c5: {  	s13 =	simm.s32 $0x10;
	[sflag:s12] =	ssyncadd.s32 $0xFFFFE000  }
0x1c6: {  	_ =	swait.ge [sflag:s13], $0x80  }
0x1c7: {  	(v2sf) =	vpush v40, $0x5;
	_ =	sdelay $0xe  }
0x1c8: {  	s15 =	spop (v2sf)  }
0x1c9: {  	s26 =	sand.u32 $0x7F, s15  }
0x1ca: {  	v54 =	vor.u32 s26, v20;
	_ =	sdelay $0x2  }
0x1cb: {  	[sflag:s13] =	ssyncset.done $0x0  }
0x1cc: {  	[sflag:s13] =	ssyncadd.s32 $0xFFFFFF80  }
0x1cd: {  	v41 =	vld.idx.msk [tilespmem:v54+s21+$0x0], $0xffff  }
0x1ce: {  	v55 =	vor.u32 s26, v21;
	_ =	sdelay $0x3  }
0x1cf: {  	[tilespmem:$0x14500] =	vst v41  }
0x1d0: {  	v41 =	vld.idx.msk [tilespmem:v55+s21+$0x0], $0xffff  }
0x1d1: {  	v56 =	vor.u32 s26, v22;
	_ =	sdelay $0x3  }
0x1d2: {  	[tilespmem:$0x14510] =	vst v41  }
0x1d3: {  	v41 =	vld.idx.msk [tilespmem:v56+s21+$0x0], $0xffff  }
0x1d4: {  	v57 =	vor.u32 s26, v23;
	_ =	sdelay $0x3  }
0x1d5: {  	[tilespmem:$0x14520] =	vst v41  }
0x1d6: {  	v41 =	vld.idx.msk [tilespmem:v57+s21+$0x0], $0xffff;
	_ =	sdelay $0x4  }
0x1d7: {  	s17 =	rddreg [dreg:$0xb];
	s15 =	simm.s32 $0x14500;
	[tilespmem:$0x14530] =	vst v41  }
0x1d8: {  	[hbm4b:s17+s3] =	stream.linear.scatter [tilespmem:s15], [sflag:$0x10], $0x80, $0x38;
	[tilespmem:$0x14780] =	vst v63  }
0x1d9: {  	_ =	swait.ge [sflag:s14], $0x2000  }
0x1da: {  	[sflag:s14] =	ssyncset.done $0x0  }
0x1db: {  	s15 =	simm.s32 $0x11;
	[sflag:s14] =	ssyncadd.s32 $0xFFFFE000  }
0x1dc: {  	_ =	swait.ge [sflag:s15], $0x80  }
0x1dd: {  	(v2sf) =	vpush v40, $0x6;
	_ =	sdelay $0xe  }
0x1de: {  	s22 =	spop (v2sf)  }
0x1df: {  	s26 =	sand.u32 $0x7F, s22  }
0x1e0: {  	v58 =	vor.u32 s26, v24;
	_ =	sdelay $0x2  }
0x1e1: {  	[sflag:s15] =	ssyncset.done $0x0  }
0x1e2: {  	[sflag:s15] =	ssyncadd.s32 $0xFFFFFF80  }
0x1e3: {  	v41 =	vld.idx.msk [tilespmem:v58+s21+$0x0], $0xffff  }
0x1e4: {  	v59 =	vor.u32 s26, v25;
	_ =	sdelay $0x3  }
0x1e5: {  	[tilespmem:$0x14580] =	vst v41  }
0x1e6: {  	v41 =	vld.idx.msk [tilespmem:v59+s21+$0x0], $0xffff  }
0x1e7: {  	v60 =	vor.u32 s26, v26;
	_ =	sdelay $0x3  }
0x1e8: {  	[tilespmem:$0x14590] =	vst v41  }
0x1e9: {  	v41 =	vld.idx.msk [tilespmem:v60+s21+$0x0], $0xffff  }
0x1ea: {  	v61 =	vor.u32 s26, v27;
	_ =	sdelay $0x3  }
0x1eb: {  	[tilespmem:$0x145A0] =	vst v41  }
0x1ec: {  	v41 =	vld.idx.msk [tilespmem:v61+s21+$0x0], $0xffff;
	_ =	sdelay $0x4  }
0x1ed: {  	s25 =	simm.s32 $0x14580;
	s23 =	rddreg [dreg:$0xc];
	[tilespmem:$0x145B0] =	vst v41  }
0x1ee: {  	[hbm4b:s23+s3] =	stream.linear.scatter [tilespmem:s25], [sflag:$0x11], $0x80, $0x38;
	[tilespmem:$0x14780] =	vst v63  }
0x1ef: {  	_ =	swait.ge [sflag:s16], $0x2000  }
0x1f0: {  	[sflag:s16] =	ssyncset.done $0x0  }
0x1f1: {  	s17 =	simm.s32 $0x12;
	[sflag:s16] =	ssyncadd.s32 $0xFFFFE000  }
0x1f2: {  	_ =	swait.ge [sflag:s17], $0x80  }
0x1f3: {  	(v2sf) =	vpush v40, $0x7;
	_ =	sdelay $0xe  }
0x1f4: {  	s28 =	spop (v2sf)  }
0x1f5: {  	s26 =	sand.u32 $0x7F, s28  }
0x1f6: {  	v62 =	vor.u32 s26, v28;
	_ =	sdelay $0x2  }
0x1f7: {  	[sflag:s17] =	ssyncset.done $0x0  }
0x1f8: {  	[sflag:s17] =	ssyncadd.s32 $0xFFFFFF80  }
0x1f9: {  	v41 =	vld.idx.msk [tilespmem:v62+s21+$0x0], $0xffff  }
0x1fa: {  	v63 =	vor.u32 s26, v29;
	_ =	sdelay $0x3  }
0x1fb: {  	[tilespmem:$0x14600] =	vst v41  }
0x1fc: {  	v41 =	vld.idx.msk [tilespmem:v63+s21+$0x0], $0xffff  }
0x1fd: {  	v45 =	vor.u32 s26, v30;
	_ =	sdelay $0x3  }
0x1fe: {  	[tilespmem:$0x14610] =	vst v41  }
0x1ff: {  	v41 =	vld.idx.msk [tilespmem:v45+s21+$0x0], $0xffff  }
0x200: {  	v46 =	vor.u32 s26, v31;
	_ =	sdelay $0x3  }
0x201: {  	[tilespmem:$0x14620] =	vst v41  }
0x202: {  	v41 =	vld.idx.msk [tilespmem:v46+s21+$0x0], $0xffff;
	_ =	sdelay $0x4  }
0x203: {  	s22 =	simm.s32 $0x14600;
	s29 =	rddreg [dreg:$0xd];
	[tilespmem:$0x14630] =	vst v41  }
0x204: {  	[hbm4b:s29+s3] =	stream.linear.scatter [tilespmem:s22], [sflag:$0x12], $0x80, $0x38;
	[tilespmem:$0x14780] =	vst v63  }
0x205: {  	_ =	swait.ge [sflag:s18], $0x2000  }
0x206: {  	[sflag:s18] =	ssyncset.done $0x0  }
0x207: {  	s23 =	simm.s32 $0x13;
	[sflag:s18] =	ssyncadd.s32 $0xFFFFE000  }
0x208: {  	_ =	swait.ge [sflag:s23], $0x80  }
0x209: {  	(v2sf) =	vpush v40, $0x8;
	_ =	sdelay $0xe  }
0x20a: {  	s22 =	spop (v2sf)  }
0x20b: {  	s26 =	sand.u32 $0x7F, s22  }
0x20c: {  	v47 =	vor.u32 s26, v32;
	_ =	sdelay $0x2  }
0x20d: {  	[sflag:s23] =	ssyncset.done $0x0  }
0x20e: {  	[sflag:s23] =	ssyncadd.s32 $0xFFFFFF80  }
0x20f: {  	v41 =	vld.idx.msk [tilespmem:v47+s21+$0x0], $0xffff  }
0x210: {  	v48 =	vor.u32 s26, v33;
	_ =	sdelay $0x3  }
0x211: {  	[tilespmem:$0x14680] =	vst v41  }
0x212: {  	v41 =	vld.idx.msk [tilespmem:v48+s21+$0x0], $0xffff  }
0x213: {  	v49 =	vor.u32 s26, v34;
	_ =	sdelay $0x3  }
0x214: {  	[tilespmem:$0x14690] =	vst v41  }
0x215: {  	v41 =	vld.idx.msk [tilespmem:v49+s21+$0x0], $0xffff  }
0x216: {  	v50 =	vor.u32 s26, v35;
	_ =	sdelay $0x3  }
0x217: {  	[tilespmem:$0x146A0] =	vst v41  }
0x218: {  	v41 =	vld.idx.msk [tilespmem:v50+s21+$0x0], $0xffff;
	_ =	sdelay $0x4  }
0x219: {  	s28 =	simm.s32 $0x14680;
	s25 =	rddreg [dreg:$0xe];
	[tilespmem:$0x146B0] =	vst v41  }
0x21a: {  	[hbm4b:s25+s3] =	stream.linear.scatter [tilespmem:s28], [sflag:$0x13], $0x80, $0x38;
	[tilespmem:$0x14780] =	vst v63  }
0x21b: {  	_ =	swait.ge [sflag:s24], $0x2000  }
0x21c: {  	[sflag:s24] =	ssyncset.done $0x0  }
0x21d: {  	s25 =	simm.s32 $0x14;
	[sflag:s24] =	ssyncadd.s32 $0xFFFFE000  }
0x21e: {  	_ =	swait.ge [sflag:s25], $0x80  }
0x21f: {  	(v2sf) =	vpush v40, $0x9;
	_ =	sdelay $0xe  }
0x220: {  	s29 =	spop (v2sf)  }
0x221: {  	s26 =	sand.u32 $0x7F, s29  }
0x222: {  	v51 =	vor.u32 s26, v36;
	_ =	sdelay $0x2  }
0x223: {  	[sflag:s25] =	ssyncset.done $0x0  }
0x224: {  	[sflag:s25] =	ssyncadd.s32 $0xFFFFFF80  }
0x225: {  	v40 =	vld.idx.msk [tilespmem:v51+s21+$0x0], $0xffff  }
0x226: {  	v52 =	vor.u32 s26, v37;
	_ =	sdelay $0x3  }
0x227: {  	[tilespmem:$0x14700] =	vst v40  }
0x228: {  	v40 =	vld.idx.msk [tilespmem:v52+s21+$0x0], $0xffff  }
0x229: {  	v53 =	vor.u32 s26, v38;
	_ =	sdelay $0x3  }
0x22a: {  	[tilespmem:$0x14710] =	vst v40  }
0x22b: {  	v40 =	vld.idx.msk [tilespmem:v53+s21+$0x0], $0xffff  }
0x22c: {  	v54 =	vor.u32 s26, v39;
	_ =	sdelay $0x3  }
0x22d: {  	[tilespmem:$0x14720] =	vst v40  }
0x22e: {  	v40 =	vld.idx.msk [tilespmem:v54+s21+$0x0], $0xffff;
	_ =	sdelay $0x4  }
0x22f: {  	s28 =	simm.s32 $0x14700;
	s22 =	rddreg [dreg:$0xf];
	[tilespmem:$0x14730] =	vst v40  }
0x230: {  	[hbm4b:s22+s3] =	stream.linear.scatter [tilespmem:s28], [sflag:$0x14], $0x80, $0x38;
	[tilespmem:$0x14780] =	vst v63  }
0x231: {  	v55 =	vld [tilespmem:$0x1F0];
	_ =	sdelay $0x4  }
0x232: {  	(v2sf) =	vpush v55, $0xE;
	_ =	sdelay $0x3  }
0x233: {  	(v2sf) =	vpush v55, $0xF;
	_ =	sdelay $0xa  }
0x234: {  	s26 =	spop (v2sf)  }
0x235: {  	s28 =	sand.u32 $0xFFFFF80, s26  }
0x236: {  	s28 =	sadd.s32 s1, s28  }
0x237: {  	[tilespmem:s21], [sflag:$0x1] =	stream.strided.gather [hbm4b:s28+s19], $0x2000, s20, s19, $0x38;
	[tilespmem:$0x14780] =	vst v63  }
0x238: {  	s28 =	spop (v2sf)  }
0x239: {  	s29 =	sand.u32 $0xFFFFF80, s28  }
0x23a: {  	s22 =	simm.s32 $0x2280;
	s29 =	sadd.s32 s1, s29  }
0x23b: {  	[tilespmem:s22], [sflag:$0x2] =	stream.strided.gather [hbm4b:s29+s19], $0x2000, s20, s19, $0x38;
	[tilespmem:$0x14780] =	vst v63  }
0x23c: {  	s26 =	sand.u32 $0x7F, s26;
	_ =	swait.ge [sflag:s0], $0x2000  }
0x23d: {  	v56 =	vor.u32 s26, v0;
	[sflag:s0] =	ssyncset.done $0x0  }
0x23e: {  	[sflag:s0] =	ssyncadd.s32 $0xFFFFE000  }
0x23f: {  	_ =	swait.ge [sflag:s2], $0x80  }
0x240: {  	[sflag:s2] =	ssyncset.done $0x0  }
0x241: {  	[sflag:s2] =	ssyncadd.s32 $0xFFFFFF80  }
0x242: {  	v40 =	vld.idx.msk [tilespmem:v56+s21+$0x0], $0xffff  }
0x243: {  	v57 =	vor.u32 s26, v1;
	_ =	sdelay $0x3  }
0x244: {  	[tilespmem:$0x14280] =	vst v40  }
0x245: {  	v40 =	vld.idx.msk [tilespmem:v57+s21+$0x0], $0xffff  }
0x246: {  	v58 =	vor.u32 s26, v2;
	_ =	sdelay $0x3  }
0x247: {  	[tilespmem:$0x14290] =	vst v40  }
0x248: {  	v40 =	vld.idx.msk [tilespmem:v58+s21+$0x0], $0xffff  }
0x249: {  	v59 =	vor.u32 s26, v3;
	_ =	sdelay $0x3  }
0x24a: {  	[tilespmem:$0x142A0] =	vst v40  }
0x24b: {  	v40 =	vld.idx.msk [tilespmem:v59+s21+$0x0], $0xffff;
	_ =	sdelay $0x4  }
0x24c: {  	s29 =	rddreg [dreg:$0x10];
	[tilespmem:$0x142B0] =	vst v40  }
0x24d: {  	[hbm4b:s29+s3] =	stream.linear.scatter [tilespmem:s31], [sflag:$0xB], $0x80, $0x38;
	[tilespmem:$0x14780] =	vst v63  }
0x24e: {  	s22 =	sand.u32 $0x7F, s28;
	_ =	swait.ge [sflag:s4], $0x2000  }
0x24f: {  	v60 =	vor.u32 s22, v4;
	[sflag:s4] =	ssyncset.done $0x0  }
0x250: {  	[sflag:s4] =	ssyncadd.s32 $0xFFFFE000  }
0x251: {  	_ =	swait.ge [sflag:s5], $0x80  }
0x252: {  	[sflag:s5] =	ssyncset.done $0x0  }
0x253: {  	[sflag:s5] =	ssyncadd.s32 $0xFFFFFF80  }
0x254: {  	v40 =	vld.idx.msk [tilespmem:v60+s21+$0x0], $0xffff  }
0x255: {  	v61 =	vor.u32 s22, v5;
	_ =	sdelay $0x3  }
0x256: {  	[tilespmem:$0x14300] =	vst v40  }
0x257: {  	v40 =	vld.idx.msk [tilespmem:v61+s21+$0x0], $0xffff  }
0x258: {  	v62 =	vor.u32 s22, v6;
	_ =	sdelay $0x3  }
0x259: {  	[tilespmem:$0x14310] =	vst v40  }
0x25a: {  	v40 =	vld.idx.msk [tilespmem:v62+s21+$0x0], $0xffff  }
0x25b: {  	v63 =	vor.u32 s22, v7;
	_ =	sdelay $0x3  }
0x25c: {  	[tilespmem:$0x14320] =	vst v40  }
0x25d: {  	v40 =	vld.idx.msk [tilespmem:v63+s21+$0x0], $0xffff;
	_ =	sdelay $0x4  }
0x25e: {  	s29 =	simm.s32 $0x14300;
	s28 =	rddreg [dreg:$0x11];
	[tilespmem:$0x14330] =	vst v40  }
0x25f: {  	[hbm4b:s28+s3] =	stream.linear.scatter [tilespmem:s29], [sflag:$0xC], $0x80, $0x38;
	[tilespmem:$0x14780] =	vst v63  }
0x260: {  	_ =	swait.ge [sflag:s2], $0x80  }
0x261: {  	[sflag:s2] =	ssyncset.done $0x0  }
0x262: {  	[sflag:s2] =	ssyncadd.s32 $0xFFFFFF80  }
0x263: {  	_ =	swait.ge [sflag:s5], $0x80  }
0x264: {  	[sflag:s5] =	ssyncset.done $0x0  }
0x265: {  	[sflag:s5] =	ssyncadd.s32 $0xFFFFFF80  }
0x266: {  	_ =	swait.ge [sflag:s7], $0x80  }
0x267: {  	[sflag:s7] =	ssyncset.done $0x0  }
0x268: {  	[sflag:s7] =	ssyncadd.s32 $0xFFFFFF80  }
0x269: {  	_ =	swait.ge [sflag:s9], $0x80  }
0x26a: {  	[sflag:s9] =	ssyncset.done $0x0  }
0x26b: {  	[sflag:s9] =	ssyncadd.s32 $0xFFFFFF80  }
0x26c: {  	_ =	swait.ge [sflag:s11], $0x80  }
0x26d: {  	[sflag:s11] =	ssyncset.done $0x0  }
0x26e: {  	[sflag:s11] =	ssyncadd.s32 $0xFFFFFF80  }
0x26f: {  	_ =	swait.ge [sflag:s13], $0x80  }
0x270: {  	[sflag:s13] =	ssyncset.done $0x0  }
0x271: {  	[sflag:s13] =	ssyncadd.s32 $0xFFFFFF80  }
0x272: {  	_ =	swait.ge [sflag:s15], $0x80  }
0x273: {  	[sflag:s15] =	ssyncset.done $0x0  }
0x274: {  	[sflag:s15] =	ssyncadd.s32 $0xFFFFFF80  }
0x275: {  	_ =	swait.ge [sflag:s17], $0x80  }
0x276: {  	[sflag:s17] =	ssyncset.done $0x0  }
0x277: {  	[sflag:s17] =	ssyncadd.s32 $0xFFFFFF80  }
0x278: {  	_ =	swait.ge [sflag:s23], $0x80  }
0x279: {  	[sflag:s23] =	ssyncset.done $0x0  }
0x27a: {  	[sflag:s23] =	ssyncadd.s32 $0xFFFFFF80  }
0x27b: {  	_ =	swait.ge [sflag:s25], $0x80  }
0x27c: {  	s28 =	rddreg [dreg:$0x13]  }
0x27d: {  	s29 =	rddreg [dreg:$0x12];
	s15 =	sadd.s32 $0x1, s28  }
0x27e: {  	p0 =	sne.s32 s15, s29  }
.Ltmp1:
0x27f: {  	_ = 	snop;
	(pc) =	sbr.rel @p0 .LBB2_1-.Ltmp1, $4  }
0x280: {  	_ = 	snop  }
0x281: {  	s22 =	simm.s32 $0x4280;
	s2 =	simm.s32 $0xE280;
	s5 =	simm.s32 $0x10280  }
0x282: {  	s7 =	simm.s32 $0x6280;
	s9 =	simm.s32 $0x8280;
	[sflag:s25] =	ssyncset.done $0x0  }
0x283: {  	s11 =	simm.s32 $0xA280;
	s13 =	simm.s32 $0xC280;
	[sflag:s25] =	ssyncadd.s32 $0xFFFFFF80  }
0x284: {  	_ =	sfence.sel $0x180000  }
0x285: {  	[bflag:$0x0] =	sbarrier.arrive $0xFFFF  }
0x286: {  	_ =	strace $0x90000047  }
0x287: {  	s0 =	stileid.u32;
	[bflag:$0x2] =	sbarrier.arrive $0xFFFF  }
0x288: {  	p0 =	sne.s32 s0, $0x0;
	s0 =	rddreg [dreg:$0x3]  }
0x289: {  	s0 =	sadd.s32 @!p0 $0x100000, s0  }
0x28a: {  	[sflag:s0] =	ssyncadd.tile.s32 @!p0 $0x1;
	_ =	shalt  }
.Lfunc_end2:
_tile_overlayer_lowered:
.L_overlay_start_2:
0x28b: {  	(tag) =	ssettag $0x2  }
0x28c: {  	s0 =	rddreg [dreg:$0x0];
	s2 =	stileid.u32  }
0x28d: {  	s1 =	rddreg [dreg:$0x1];
	p0 =	sne.s32 s2, $0x0  }
0x28e: {  	s3 =	rddreg [dreg:$0x2];
	[bflag:$0x3] =	sbarrier.arrive $0xFFFF;
	s2 =	simm.s32 @!p0 $0x1C15  }
0x28f: {  	[timem:s3], [sflag:s2] =	dma.local @!p0 [hbm:s0], s1  }
0x290: {  	s0 =	simm.s32 @!p0 $0x15  }
0x291: {  	_ =	swait.ge @!p0 [sflag:s0], s1  }
0x292: {  	s1 =	ssub.s32 @!p0 $0x0, s1;
	[sflag:s0] =	ssyncset.done @!p0 $0x0  }
0x293: {  	[sflag:s0] =	ssyncadd.s32 @!p0 s1  }
0x294: {  	[bflag:$0x3] =	sbarrier.arrive $0xFFFF  }
0x295: {  	_ =	shalt  }

</sc_bundles>
